<compile_context>
chip_gen: v7x
topology: tpu7x:2x2x1
jax: 0.10.2.dev20260603
libtpu: 0.0.44.dev20260713+nightly
codegen_flags: <defaults>
</compile_context>

<pallas_src>
import functools

import jax
import jax.numpy as jnp
from jax import lax
from jax.experimental import pallas as pl
from jax.experimental.pallas import tpu as pltpu
from jax.experimental.pallas import tpu_sc as plsc

N = 1024
E = 16384
D = 16
LANES = 16
MAX_DEG = 512

def _half_bounds(base, half):
    bs = []
    p = base + 864
    for _ in range(3):
        bs.append(p)
        p += 864
    p = base + 3 * 864 + 432
    while p < base + half:
        bs.append(p)
        p += 432
    return bs


_BOUNDS = _half_bounds(0, E // 2) + [E // 2] + _half_bounds(E // 2, E // 2)


@functools.cache
def _make_densify():
    num_cores, num_subcores = 2, 16
    nw = num_cores * num_subcores
    rows_per_w = N // nw
    words_per_w = rows_per_w * N
    mesh = plsc.VectorSubcoreMesh(core_axis_name="c", subcore_axis_name="s")

    @functools.partial(
        pl.kernel,
        mesh=mesh,
        out_type=jax.ShapeDtypeStruct((N * N,), jnp.float32),
        scratch_types=[
            pltpu.VMEM((E,), jnp.int32),
            pltpu.VMEM((E,), jnp.int32),
            pltpu.VMEM((words_per_w,), jnp.float32),
        ],
        compiler_params=pltpu.CompilerParams(needs_layout_passes=False),
    )
    def densify(edge_hbm, a0_hbm, src_v, dst_v, acc_v):
        wid = lax.axis_index("c") * num_subcores + lax.axis_index("s")
        base_row = wid * rows_per_w

        zeros16 = jnp.zeros((LANES,), jnp.float32)
        ones16 = jnp.ones((LANES,), jnp.float32)

        def zero_body(i, carry):
            acc_v[pl.ds(i * LANES, LANES)] = zeros16
            return carry

        lax.fori_loop(0, words_per_w // LANES, zero_body, 0)

        pltpu.sync_copy(edge_hbm.at[0], src_v)
        pltpu.sync_copy(edge_hbm.at[1], dst_v)

        def edge_body(i, carry):
            s = src_v[pl.ds(i * LANES, LANES)]
            d = dst_v[pl.ds(i * LANES, LANES)]
            local = d - base_row
            mask = (local >= 0) & (local < rows_per_w)
            idx = jnp.where(mask, local * N + s, 0)
            plsc.addupdate_scatter(acc_v, [idx], ones16, mask=mask)
            return carry

        lax.fori_loop(0, E // LANES, edge_body, 0)

        pltpu.sync_copy(acc_v, a0_hbm.at[pl.ds(wid * words_per_w, words_per_w)])

    return densify


def _tc_scan_body(vert_ref, dis2r_ref, srcT_ref, nrmT_ref, newT_ref,
                  maxk_ref, permcol_ref, w1_ref, b1_ref, w2_ref, b2_ref,
                  w3_ref, b3_ref, wm1_ref, bm1_ref, wm2_ref, bm2_ref,
                  out_ref, v_ref):
    dis2r = dis2r_ref[...]
    maxk = maxk_ref[0, 0]
    tnar = maxk_ref[0, 1]
    permcol = permcol_ref[...]

    v_ref[...] = vert_ref[...]

    w1 = w1_ref[...]
    b1 = b1_ref[...]
    w2 = w2_ref[...]
    b2 = b2_ref[...]
    w3 = w3_ref[...]
    b3 = b3_ref[...]
    wm1 = wm1_ref[...]
    bm1 = bm1_ref[...]
    wm2 = wm2_ref[...]
    bm2 = bm2_ref[...]
    row_iota = lax.broadcasted_iota(jnp.int32, (N, 1), 0)

    def agg_exact(h):
        hT = h.T
        zero = hT * 0.0
        self_init = hT * dis2r

        def fold(j, acc, part, width):
            idx = lax.slice(srcT_ref[pl.ds(j, 1), :], (0, 0), (1, width))
            nrm = lax.slice(nrmT_ref[pl.ds(j, 1), :], (0, 0), (1, width))
            nw = lax.slice(newT_ref[pl.ds(j, 1), :], (0, 0), (1, width)) > 0.5
            g = acc * 0.0
            for c in range(N // 128):
                lidx = idx - (c * 128)
                inb = (lidx >= 0) & (lidx < 128)
                cl = jnp.clip(lidx, 0, 127)
                clb = jnp.broadcast_to(cl, (D, width))
                tbl = lax.slice(hT, (0, c * 128), (D, (c + 1) * 128))
                got = jnp.take_along_axis(tbl, clb, axis=1)
                g = g + got * inb.astype(jnp.float32)
            g = g * nrm
            acc2 = jnp.where(nw, acc + part, acc)
            part2 = jnp.where(nw, g, part + g)
            return acc2, part2

        def wide_body(j, carry):
            acc, part = carry
            return fold(j, acc, part, N)

        def nar_body(j, carry):
            acc, part = carry
            return fold(j, acc, part, 128)

        acc, part = lax.fori_loop(0, jnp.minimum(maxk, tnar), wide_body,
                                  (self_init, zero))
        acc128, part128 = lax.fori_loop(
            tnar, maxk, nar_body,
            (lax.slice(acc, (0, 0), (D, 128)), lax.slice(part, (0, 0), (D, 128))))
        acc = jnp.concatenate([acc128, lax.slice(acc, (0, 128), (D, N))], axis=1)
        part = jnp.concatenate([part128, lax.slice(part, (0, 128), (D, N))], axis=1)
        return (acc + part).T

    def layer(v, w, b):
        h = jnp.dot(v, w, preferred_element_type=jnp.float32) + b
        return jnp.tanh(agg_exact(h))

    def body(t, carry):
        v = v_ref[...]
        v = layer(v, w1, b1)
        v = layer(v, w2, b2)
        v = layer(v, w3, b3)
        v_ref[...] = v
        p1 = jnp.maximum(jnp.dot(v, wm1, preferred_element_type=jnp.float32) + bm1, 0.0)
        p = jnp.dot(p1, wm2, preferred_element_type=jnp.float32) + bm2
        m = jnp.max(p)
        idx0 = jnp.min(jnp.where(p >= m, permcol, N))
        pos = jnp.min(jnp.where((p >= m) & (permcol == idx0), row_iota, N))
        out_ref[pl.ds(t, 1), :] = v_ref[pl.ds(pos, 1), :]
        return carry

    lax.fori_loop(0, N, body, 0)


def kernel(vertices, edge_index, W1, b1, W2, b2, W3, b3, Wm1, bm1, Wm2, bm2):
    src = edge_index[0]
    dst = edge_index[1]

    a0 = _make_densify()(edge_index).reshape(N, N)
    deg = jnp.sum(a0, axis=1) + 1.0
    dis = lax.rsqrt(deg)

    order = jnp.argsort(dst, stable=True)
    src_s = src[order]
    dst_s = dst[order]
    norm_s = dis[src_s] * dis[dst_s]

    counts = jnp.sum(a0, axis=1).astype(jnp.int32)
    starts = jnp.cumsum(counts) - counts
    pos = jnp.arange(E, dtype=jnp.int32)
    slot = pos - starts[dst_s]

    bounds = jnp.asarray(_BOUNDS, dtype=jnp.int32)
    newflag = (jnp.isin(pos, bounds) & (slot > 0)).astype(jnp.float32)

    perm = jnp.argsort(-counts, stable=True)
    posof = jnp.zeros((N,), jnp.int32).at[perm].set(
        jnp.arange(N, dtype=jnp.int32))

    srcp_s = posof[src_s]
    dstp_s = posof[dst_s]
    srcT = jnp.zeros((MAX_DEG, N), jnp.int32).at[slot, dstp_s].set(srcp_s, mode="drop")
    nrmT = jnp.zeros((MAX_DEG, N), jnp.float32).at[slot, dstp_s].set(norm_s, mode="drop")
    newT = jnp.zeros((MAX_DEG, N), jnp.float32).at[slot, dstp_s].set(newflag, mode="drop")
    tnar = jnp.sort(counts)[N - 129]
    maxk = jnp.stack([jnp.max(counts), tnar]).reshape(1, 2)

    out = pl.pallas_call(
        _tc_scan_body,
        out_shape=jax.ShapeDtypeStruct((N, D), jnp.float32),
        scratch_shapes=[pltpu.VMEM((N, D), jnp.float32)],
    )(vertices[perm], (dis * dis)[perm].reshape(1, N),
      srcT, nrmT, newT, maxk, perm.reshape(N, 1),
      W1, b1.reshape(1, D), W2, b2.reshape(1, D), W3, b3.reshape(1, D),
      Wm1, bm1.reshape(1, D), Wm2, bm2.reshape(1, 1))
    return out

# --- scband reference (transcript-rebuilt; emitter-appended) ---
"""Pipeline reference for scband-deep-ham-13666585936224 (READ-ONLY COPY).

The authoritative reference and input builder live on the scoring server;
editing this copy changes nothing except your own understanding.
"""

import jax, jax.numpy as jnp
import numpy as np

N = 1024
E = 16384
D = 16


def _init_params(key):
    ks = jax.random.split(key, 5)
    s = 1.0 / np.sqrt(D)
    p = {}
    p['W1'] = jax.random.normal(ks[0], (D, D), dtype=jnp.float32) * s
    p['b1'] = jnp.zeros((D,), dtype=jnp.float32)
    p['W2'] = jax.random.normal(ks[1], (D, D), dtype=jnp.float32) * s
    p['b2'] = jnp.zeros((D,), dtype=jnp.float32)
    p['W3'] = jax.random.normal(ks[2], (D, D), dtype=jnp.float32) * s
    p['b3'] = jnp.zeros((D,), dtype=jnp.float32)
    p['Wm1'] = jax.random.normal(ks[3], (D, D), dtype=jnp.float32) * s
    p['bm1'] = jnp.zeros((D,), dtype=jnp.float32)
    p['Wm2'] = jax.random.normal(ks[4], (D, 1), dtype=jnp.float32) * s
    p['bm2'] = jnp.zeros((1,), dtype=jnp.float32)
    return p


def setup_inputs(seed: int = 0):
    key = jax.random.key(seed)
    k1, k2, kp = jax.random.split(key, 3)
    inp = {}
    inp['vertices'] = jax.random.normal(k1, (N, D), dtype=jnp.float32)
    inp['edge_index'] = jax.random.randint(k2, (2, E), 0, N, dtype=jnp.int32)
    inp.update(_init_params(kp))
    return inp


def _gcn(x, W, b, src, dst, dis):
    # GCNConv: x' = D^{-1/2} (A + I) D^{-1/2} (x W + b)
    h = x @ W + b
    norm = (dis[src] * dis[dst])[:, None]
    agg = jnp.zeros_like(h).at[dst].add(h[src] * norm)
    agg = agg + h * (dis * dis)[:, None]  # self-loop term
    return agg


def reference(vertices, edge_index, W1, b1, W2, b2, W3, b3, Wm1, bm1, Wm2, bm2):
    src = edge_index[0]
    dst = edge_index[1]
    deg = jnp.bincount(dst, length=N).astype(jnp.float32) + 1.0  # +1 for self loops
    dis = jax.lax.rsqrt(deg)

    def step(v, _):
        v = jnp.tanh(_gcn(v, W1, b1, src, dst, dis))
        v = jnp.tanh(_gcn(v, W2, b2, src, dst, dis))
        v = jnp.tanh(_gcn(v, W3, b3, src, dst, dis))
        v = v.astype(vertices.dtype)
        probs = jax.nn.relu(v @ Wm1 + bm1) @ Wm2 + bm2  # MLP -> [N, 1]
        idx = jnp.argmax(probs)  # flat argmax of [N,1] == row index
        chosen = v[idx]
        return v, chosen

    # loop runs len(original_vertices) == N times, collecting chosen vertices
    _, out = jax.lax.scan(step, vertices, None, length=N)
    return out  # [N, D] stacked list of chosen vertex embeddings

if __name__ == "__main__":
    import jax
    _d = setup_inputs()
    print(jax.jit(kernel)(*tuple(_d.values())))

</pallas_src>

<mosaic_0001>
#map = affine_map<(d0, d1) -> (0, 0)>
#map1 = affine_map<(d0, d1) -> (0)>
module attributes {stable_mosaic.version = 14 : i64} {
  func.func @densify(%arg0: i32, %arg1: i32, %arg2: memref<2x16384xi32, #tpu.memory_space<hbm>>, %arg3: memref<1048576xf32, #tpu.memory_space<hbm>>, %arg4: memref<16384xi32, #tpu.memory_space<vmem>>, %arg5: memref<16384xi32, #tpu.memory_space<vmem>>, %arg6: memref<32768xf32, #tpu.memory_space<vmem>>) attributes {dimension_semantics = [#tpu.dimension_semantics<core_parallel>, #tpu.dimension_semantics<subcore_parallel>], iteration_bounds = array<i64: 2, 16>, scalar_prefetch = 0 : i64, scratch_operands = 3 : i64, tpu.core_type = #tpu.core_type<sc_vector_subcore>, window_params = [{transform_indices = #map}, {transform_indices = #map1}]} {
    %mul3A = arith.constant 16 : i32
    %mul3A_0 = arith.muli %arg0, %mul3A : i32
    %add3A = arith.addi %mul3A_0, %arg1 : i32
    %mul3A_1 = arith.constant 32 : i32
    %mul3A_2 = arith.muli %add3A, %mul3A_1 : i32
    %broadcast_in_dim3A = arith.constant 0.000000e+00 : f32
    %broadcast_in_dim3A_3 = vector.broadcast %broadcast_in_dim3A : f32 to vector<16xf32>
    %broadcast_in_dim3A_4 = arith.constant 1.000000e+00 : f32
    %broadcast_in_dim3A_5 = vector.broadcast %broadcast_in_dim3A_4 : f32 to vector<16xf32>
    %scan3A = arith.constant 0 : i32
    %scan3A_6 = arith.constant 0 : i32
    %scan3A_7 = arith.constant 2048 : i32
    %scan3A_8 = arith.addi %scan3A_6, %scan3A_7 : i32
    %scan3A_9 = arith.constant 1 : i32
    scf.for %scan3A_20 = %scan3A_6 to %scan3A_8 step %scan3A_9  : i32 {
      %mul3A_21 = arith.constant 16 : i32
      %mul3A_22 = arith.muli %scan3A_20, %mul3A_21 : i32
      %swap3A = arith.index_cast %mul3A_22 : i32 to index
      %swap3A_23 = tpu.vector_load %arg6[%swap3A] {strides = array<i32>} : memref<32768xf32, #tpu.memory_space<vmem>>, vector<16xf32>,
      tpu.vector_store %arg6[%swap3A], %broadcast_in_dim3A_3 {strides = array<i32>} : memref<32768xf32, #tpu.memory_space<vmem>>, vector<16xf32>,
    }
    %scan3A_10 = arith.constant 2048 : i32
    %run_scoped3A = arith.constant 0 : i32
    "tpu.region"() ({
      %run_scoped3A_20 = tpu.sem_alloc : memref<!tpu.dma_semaphore, #tpu.memory_space<semaphore_mem>>
      %dma_start3A = arith.constant 0 : i32
      %dma_start3A_21 = tpu.memref_slice %arg2[%run_scoped3A, %dma_start3A] : memref<2x16384xi32, #tpu.memory_space<hbm>> -> memref<1x16384xi32, #tpu.memory_space<hbm>>
      %dma_start3A_22 = tpu.memref_squeeze %dma_start3A_21 : memref<1x16384xi32, #tpu.memory_space<hbm>> -> memref<16384xi32, #tpu.memory_space<hbm>>
      %dma_start3A_23 = arith.constant 0 : i32
      %dma_start3A_24 = tpu.memref_slice %arg2[%run_scoped3A, %dma_start3A_23] : memref<2x16384xi32, #tpu.memory_space<hbm>> -> memref<1x16384xi32, #tpu.memory_space<hbm>>
      %dma_start3A_25 = tpu.memref_squeeze %dma_start3A_24 : memref<1x16384xi32, #tpu.memory_space<hbm>> -> memref<16384xi32, #tpu.memory_space<hbm>>
      tpu.enqueue_dma source(%dma_start3A_25 : memref<16384xi32, #tpu.memory_space<hbm>>) target(%arg4 : memref<16384xi32, #tpu.memory_space<vmem>>) target_semaphore(%run_scoped3A_20 : memref<!tpu.dma_semaphore, #tpu.memory_space<semaphore_mem>>)
      %dma_wait3A = arith.constant 0 : i32
      %dma_wait3A_26 = tpu.memref_slice %arg2[%run_scoped3A, %dma_wait3A] : memref<2x16384xi32, #tpu.memory_space<hbm>> -> memref<1x16384xi32, #tpu.memory_space<hbm>>
      %dma_wait3A_27 = tpu.memref_squeeze %dma_wait3A_26 : memref<1x16384xi32, #tpu.memory_space<hbm>> -> memref<16384xi32, #tpu.memory_space<hbm>>
      %dma_wait3A_28 = arith.constant 0 : i32
      %dma_wait3A_29 = tpu.memref_slice %arg2[%run_scoped3A, %dma_wait3A_28] : memref<2x16384xi32, #tpu.memory_space<hbm>> -> memref<1x16384xi32, #tpu.memory_space<hbm>>
      %dma_wait3A_30 = tpu.memref_squeeze %dma_wait3A_29 : memref<1x16384xi32, #tpu.memory_space<hbm>> -> memref<16384xi32, #tpu.memory_space<hbm>>
      tpu.wait_dma2 semaphore(%run_scoped3A_20 : memref<!tpu.dma_semaphore, #tpu.memory_space<semaphore_mem>>) src(%dma_wait3A_30 : memref<16384xi32, #tpu.memory_space<hbm>>) dst(%arg4 : memref<16384xi32, #tpu.memory_space<vmem>>)
      tpu.yield
    }) : () -> ()
    %run_scoped3A_11 = arith.constant 1 : i32
    "tpu.region"() ({
      %run_scoped3A_20 = tpu.sem_alloc : memref<!tpu.dma_semaphore, #tpu.memory_space<semaphore_mem>>
      %dma_start3A = arith.constant 0 : i32
      %dma_start3A_21 = tpu.memref_slice %arg2[%run_scoped3A_11, %dma_start3A] : memref<2x16384xi32, #tpu.memory_space<hbm>> -> memref<1x16384xi32, #tpu.memory_space<hbm>>
      %dma_start3A_22 = tpu.memref_squeeze %dma_start3A_21 : memref<1x16384xi32, #tpu.memory_space<hbm>> -> memref<16384xi32, #tpu.memory_space<hbm>>
      %dma_start3A_23 = arith.constant 0 : i32
      %dma_start3A_24 = tpu.memref_slice %arg2[%run_scoped3A_11, %dma_start3A_23] : memref<2x16384xi32, #tpu.memory_space<hbm>> -> memref<1x16384xi32, #tpu.memory_space<hbm>>
      %dma_start3A_25 = tpu.memref_squeeze %dma_start3A_24 : memref<1x16384xi32, #tpu.memory_space<hbm>> -> memref<16384xi32, #tpu.memory_space<hbm>>
      tpu.enqueue_dma source(%dma_start3A_25 : memref<16384xi32, #tpu.memory_space<hbm>>) target(%arg5 : memref<16384xi32, #tpu.memory_space<vmem>>) target_semaphore(%run_scoped3A_20 : memref<!tpu.dma_semaphore, #tpu.memory_space<semaphore_mem>>)
      %dma_wait3A = arith.constant 0 : i32
      %dma_wait3A_26 = tpu.memref_slice %arg2[%run_scoped3A_11, %dma_wait3A] : memref<2x16384xi32, #tpu.memory_space<hbm>> -> memref<1x16384xi32, #tpu.memory_space<hbm>>
      %dma_wait3A_27 = tpu.memref_squeeze %dma_wait3A_26 : memref<1x16384xi32, #tpu.memory_space<hbm>> -> memref<16384xi32, #tpu.memory_space<hbm>>
      %dma_wait3A_28 = arith.constant 0 : i32
      %dma_wait3A_29 = tpu.memref_slice %arg2[%run_scoped3A_11, %dma_wait3A_28] : memref<2x16384xi32, #tpu.memory_space<hbm>> -> memref<1x16384xi32, #tpu.memory_space<hbm>>
      %dma_wait3A_30 = tpu.memref_squeeze %dma_wait3A_29 : memref<1x16384xi32, #tpu.memory_space<hbm>> -> memref<16384xi32, #tpu.memory_space<hbm>>
      tpu.wait_dma2 semaphore(%run_scoped3A_20 : memref<!tpu.dma_semaphore, #tpu.memory_space<semaphore_mem>>) src(%dma_wait3A_30 : memref<16384xi32, #tpu.memory_space<hbm>>) dst(%arg5 : memref<16384xi32, #tpu.memory_space<vmem>>)
      tpu.yield
    }) : () -> ()
    %scan3A_12 = arith.constant 0 : i32
    %scan3A_13 = arith.constant 0 : i32
    %scan3A_14 = arith.constant 1024 : i32
    %scan3A_15 = arith.addi %scan3A_13, %scan3A_14 : i32
    %scan3A_16 = arith.constant 1 : i32
    scf.for %scan3A_20 = %scan3A_13 to %scan3A_15 step %scan3A_16  : i32 {
      %mul3A_21 = arith.constant 16 : i32
      %mul3A_22 = arith.muli %scan3A_20, %mul3A_21 : i32
      %get3A = arith.index_cast %mul3A_22 : i32 to index
      %get3A_23 = tpu.vector_load %arg4[%get3A] {strides = array<i32>} : memref<16384xi32, #tpu.memory_space<vmem>>, vector<16xi32>,
      %mul3A_24 = arith.constant 16 : i32
      %mul3A_25 = arith.muli %scan3A_20, %mul3A_24 : i32
      %get3A_26 = arith.index_cast %mul3A_25 : i32 to index
      %get3A_27 = tpu.vector_load %arg5[%get3A_26] {strides = array<i32>} : memref<16384xi32, #tpu.memory_space<vmem>>, vector<16xi32>,
      %sub3A = vector.broadcast %mul3A_2 : i32 to vector<16xi32>
      %sub3A_28 = arith.subi %get3A_27, %sub3A : vector<16xi32>
      %ge3A = arith.constant 0 : i32
      %ge3A_29 = vector.broadcast %ge3A : i32 to vector<16xi32>
      %ge3A_30 = arith.cmpi sge, %sub3A_28, %ge3A_29 : vector<16xi32>
      %lt3A = arith.constant 32 : i32
      %lt3A_31 = vector.broadcast %lt3A : i32 to vector<16xi32>
      %lt3A_32 = arith.cmpi slt, %sub3A_28, %lt3A_31 : vector<16xi32>
      %and3A = arith.andi %ge3A_30, %lt3A_32 : vector<16xi1>
      %mul3A_33 = arith.constant 1024 : i32
      %mul3A_34 = vector.broadcast %mul3A_33 : i32 to vector<16xi32>
      %mul3A_35 = arith.muli %sub3A_28, %mul3A_34 : vector<16xi32>
      %add3A_36 = arith.addi %mul3A_35, %get3A_23 : vector<16xi32>
      %jit3A = arith.constant 0 : i32
      %broadcast_in_dim3A_37 = vector.broadcast %jit3A : i32 to vector<16xi32>
      %select_n3A = arith.select %and3A, %add3A_36, %broadcast_in_dim3A_37 : vector<16xi1>, vector<16xi32>
      tpu.vector_store_idx %arg6[%select_n3A], %broadcast_in_dim3A_5 masked %and3A {add = true} : memref<32768xf32, #tpu.memory_space<vmem>>[vector<16xi32>], vector<16xf32>, vector<16xi1>
    }
    %scan3A_17 = arith.constant 1024 : i32
    %mul3A_18 = arith.constant 32768 : i32
    %mul3A_19 = arith.muli %add3A, %mul3A_18 : i32
    "tpu.region"() ({
      %run_scoped3A_20 = tpu.sem_alloc : memref<!tpu.dma_semaphore, #tpu.memory_space<semaphore_mem>>
      %dma_start3A = tpu.memref_slice %arg3[%mul3A_19] : memref<1048576xf32, #tpu.memory_space<hbm>> -> memref<32768xf32, #tpu.memory_space<hbm>>
      %dma_start3A_21 = tpu.memref_slice %arg3[%mul3A_19] : memref<1048576xf32, #tpu.memory_space<hbm>> -> memref<32768xf32, #tpu.memory_space<hbm>>
      tpu.enqueue_dma source(%arg6 : memref<32768xf32, #tpu.memory_space<vmem>>) target(%dma_start3A_21 : memref<32768xf32, #tpu.memory_space<hbm>>) target_semaphore(%run_scoped3A_20 : memref<!tpu.dma_semaphore, #tpu.memory_space<semaphore_mem>>)
      %dma_wait3A = tpu.memref_slice %arg3[%mul3A_19] : memref<1048576xf32, #tpu.memory_space<hbm>> -> memref<32768xf32, #tpu.memory_space<hbm>>
      %dma_wait3A_22 = tpu.memref_slice %arg3[%mul3A_19] : memref<1048576xf32, #tpu.memory_space<hbm>> -> memref<32768xf32, #tpu.memory_space<hbm>>
      tpu.wait_dma2 semaphore(%run_scoped3A_20 : memref<!tpu.dma_semaphore, #tpu.memory_space<semaphore_mem>>) src(%arg6 : memref<32768xf32, #tpu.memory_space<vmem>>) dst(%dma_wait3A_22 : memref<32768xf32, #tpu.memory_space<hbm>>)
      tpu.yield
    }) : () -> ()
    return
  }
}

module attributes {stable_mosaic.version = 14 : i64} {
  func.func @_tc_scan_body(%arg0: memref<1024x16xf32, #tpu.memory_space<vmem>>, %arg1: memref<1x1024xf32, #tpu.memory_space<vmem>>, %arg2: memref<512x1024xi32, #tpu.memory_space<vmem>>, %arg3: memref<512x1024xf32, #tpu.memory_space<vmem>>, %arg4: memref<512x1024xf32, #tpu.memory_space<vmem>>, %arg5: memref<1x2xi32, #tpu.memory_space<vmem>>, %arg6: memref<1024x1xi32, #tpu.memory_space<vmem>>, %arg7: memref<16x16xf32, #tpu.memory_space<vmem>>, %arg8: memref<1x16xf32, #tpu.memory_space<vmem>>, %arg9: memref<16x16xf32, #tpu.memory_space<vmem>>, %arg10: memref<1x16xf32, #tpu.memory_space<vmem>>, %arg11: memref<16x16xf32, #tpu.memory_space<vmem>>, %arg12: memref<1x16xf32, #tpu.memory_space<vmem>>, %arg13: memref<16x16xf32, #tpu.memory_space<vmem>>, %arg14: memref<1x16xf32, #tpu.memory_space<vmem>>, %arg15: memref<16x1xf32, #tpu.memory_space<vmem>>, %arg16: memref<1x1xf32, #tpu.memory_space<vmem>>, %arg17: memref<1024x16xf32, #tpu.memory_space<vmem>>, %arg18: memref<1024x16xf32, #tpu.memory_space<vmem>>) attributes {dimension_semantics = [], scalar_prefetch = 0 : i64, scratch_operands = 1 : i64, tpu.core_type = #tpu.core_type<tc>} {
    %get3A = arith.constant 0 : index
    %get3A_0 = arith.constant 0 : index
    %get3A_1 = vector.load %arg1[%get3A, %get3A_0] : memref<1x1024xf32, #tpu.memory_space<vmem>>, vector<1x1024xf32>
    %get3A_2 = arith.constant 0 : index
    %get3A_3 = arith.constant 0 : index
    %get3A_4 = vector.load %arg5[%get3A_2, %get3A_3] : memref<1x2xi32, #tpu.memory_space<vmem>>, vector<1x1xi32>
    %get3A_5 = vector.extract %get3A_4[0, 0] : i32 from vector<1x1xi32>
    %get3A_6 = arith.constant 0 : index
    %get3A_7 = arith.constant 1 : index
    %get3A_8 = vector.load %arg5[%get3A_6, %get3A_7] : memref<1x2xi32, #tpu.memory_space<vmem>>, vector<1x1xi32>
    %get3A_9 = vector.extract %get3A_8[0, 0] : i32 from vector<1x1xi32>
    %get3A_10 = arith.constant 0 : index
    %get3A_11 = arith.constant 0 : index
    %get3A_12 = vector.load %arg6[%get3A_10, %get3A_11] : memref<1024x1xi32, #tpu.memory_space<vmem>>, vector<1024x1xi32>
    %get3A_13 = arith.constant 0 : index
    %get3A_14 = arith.constant 0 : index
    %get3A_15 = vector.load %arg0[%get3A_13, %get3A_14] : memref<1024x16xf32, #tpu.memory_space<vmem>>, vector<1024x16xf32>
    %swap3A = arith.constant 0 : index
    %swap3A_16 = arith.constant 0 : index
    %swap3A_17 = vector.load %arg18[%swap3A, %swap3A_16] : memref<1024x16xf32, #tpu.memory_space<vmem>>, vector<1024x16xf32>
    tpu.vector_store %arg18[%swap3A, %swap3A_16], %get3A_15 {strides = array<i32>} : memref<1024x16xf32, #tpu.memory_space<vmem>>, vector<1024x16xf32>,
    %get3A_18 = arith.constant 0 : index
    %get3A_19 = arith.constant 0 : index
    %get3A_20 = vector.load %arg7[%get3A_18, %get3A_19] : memref<16x16xf32, #tpu.memory_space<vmem>>, vector<16x16xf32>
    %get3A_21 = arith.constant 0 : index
    %get3A_22 = arith.constant 0 : index
    %get3A_23 = vector.load %arg8[%get3A_21, %get3A_22] : memref<1x16xf32, #tpu.memory_space<vmem>>, vector<1x16xf32>
    %get3A_24 = arith.constant 0 : index
    %get3A_25 = arith.constant 0 : index
    %get3A_26 = vector.load %arg9[%get3A_24, %get3A_25] : memref<16x16xf32, #tpu.memory_space<vmem>>, vector<16x16xf32>
    %get3A_27 = arith.constant 0 : index
    %get3A_28 = arith.constant 0 : index
    %get3A_29 = vector.load %arg10[%get3A_27, %get3A_28] : memref<1x16xf32, #tpu.memory_space<vmem>>, vector<1x16xf32>
    %get3A_30 = arith.constant 0 : index
    %get3A_31 = arith.constant 0 : index
    %get3A_32 = vector.load %arg11[%get3A_30, %get3A_31] : memref<16x16xf32, #tpu.memory_space<vmem>>, vector<16x16xf32>
    %get3A_33 = arith.constant 0 : index
    %get3A_34 = arith.constant 0 : index
    %get3A_35 = vector.load %arg12[%get3A_33, %get3A_34] : memref<1x16xf32, #tpu.memory_space<vmem>>, vector<1x16xf32>
    %get3A_36 = arith.constant 0 : index
    %get3A_37 = arith.constant 0 : index
    %get3A_38 = vector.load %arg13[%get3A_36, %get3A_37] : memref<16x16xf32, #tpu.memory_space<vmem>>, vector<16x16xf32>
    %get3A_39 = arith.constant 0 : index
    %get3A_40 = arith.constant 0 : index
    %get3A_41 = vector.load %arg14[%get3A_39, %get3A_40] : memref<1x16xf32, #tpu.memory_space<vmem>>, vector<1x16xf32>
    %get3A_42 = arith.constant 0 : index
    %get3A_43 = arith.constant 0 : index
    %get3A_44 = vector.load %arg15[%get3A_42, %get3A_43] : memref<16x1xf32, #tpu.memory_space<vmem>>, vector<16x1xf32>
    %get3A_45 = arith.constant 0 : index
    %get3A_46 = arith.constant 0 : index
    %get3A_47 = vector.load %arg16[%get3A_45, %get3A_46] : memref<1x1xf32, #tpu.memory_space<vmem>>, vector<1x1xf32>
    %iota3A = tpu.iota {dimensions = array<i32: 0>} : vector<1024x1xi32>
    %scan3A = arith.constant 0 : i32
    %scan3A_48 = arith.constant 1024 : i32
    %scan3A_49 = arith.addi %scan3A, %scan3A_48 : i32
    %scan3A_50 = arith.constant 1 : i32
    scf.for %scan3A_52 = %scan3A to %scan3A_49 step %scan3A_50  : i32 {
      %get3A_53 = arith.constant 0 : index
      %get3A_54 = arith.constant 0 : index
      %get3A_55 = vector.load %arg18[%get3A_53, %get3A_54] : memref<1024x16xf32, #tpu.memory_space<vmem>>, vector<1024x16xf32>
      %dot_general3A = arith.constant dense<0.000000e+00> : vector<1024x16xf32>
      %dot_general3A_56 = tpu.matmul %get3A_55, %get3A_20, %dot_general3A {dimension_numbers = #tpu.dot_dimension_numbers<[1], [0], [0], [1], [0, 0, 1, 1], [], []>, transpose_lhs_hint = false} : vector<1024x16xf32>, vector<16x16xf32>, vector<1024x16xf32> -> vector<1024x16xf32>
      %add3A = vector.broadcast %get3A_23 : vector<1x16xf32> to vector<1024x16xf32>
      %add3A_57 = arith.addf %dot_general3A_56, %add3A : vector<1024x16xf32>
      %transpose3A = tpu.transpose %add3A_57, [1, 0] : vector<1024x16xf32> -> vector<16x1024xf32>
      %mul3A = arith.constant 0.000000e+00 : f32
      %mul3A_58 = vector.broadcast %mul3A : f32 to vector<16x1024xf32>
      %mul3A_59 = arith.mulf %transpose3A, %mul3A_58 : vector<16x1024xf32>
      %mul3A_60 = vector.broadcast %get3A_1 : vector<1x1024xf32> to vector<16x1024xf32>
      %mul3A_61 = arith.mulf %transpose3A, %mul3A_60 : vector<16x1024xf32>
      %min3A = arith.minsi %get3A_5, %get3A_9 : i32
      %while3A = arith.constant 0 : i32
      %while3A_62 = arith.subi %min3A, %while3A : i32
      %while3A_63 = arith.addi %while3A, %while3A_62 : i32
      %while3A_64 = arith.constant 1 : i32
      %while3A_65 = arith.divsi %while3A_62, %while3A_64 : i32
      %while3A_66 = arith.muli %while3A_65, %while3A_64 : i32
      %while3A_67 = arith.addi %while3A, %while3A_66 : i32
      %while3A_68 = arith.constant 1 : i32
      %while3A_69:2 = scf.for %while3A_209 = %while3A to %while3A_67 step %while3A_68 iter_args(%while3A_210 = %mul3A_61, %while3A_211 = %mul3A_59) -> (vector<16x1024xf32>, vector<16x1024xf32>)  : i32 {
        %get3A_212 = arith.index_cast %while3A_209 : i32 to index
        %get3A_213 = arith.constant 0 : index
        %get3A_214 = vector.load %arg2[%get3A_212, %get3A_213] : memref<512x1024xi32, #tpu.memory_space<vmem>>, vector<1x1024xi32>
        %slice3A_215 = vector.extract_strided_slice %get3A_214 {offsets = [0, 0], sizes = [1, 1024], strides = [1, 1]} : vector<1x1024xi32> to vector<1x1024xi32>
        %get3A_216 = arith.index_cast %while3A_209 : i32 to index
        %get3A_217 = arith.constant 0 : index
        %get3A_218 = vector.load %arg3[%get3A_216, %get3A_217] : memref<512x1024xf32, #tpu.memory_space<vmem>>, vector<1x1024xf32>
        %slice3A_219 = vector.extract_strided_slice %get3A_218 {offsets = [0, 0], sizes = [1, 1024], strides = [1, 1]} : vector<1x1024xf32> to vector<1x1024xf32>
        %get3A_220 = arith.index_cast %while3A_209 : i32 to index
        %get3A_221 = arith.constant 0 : index
        %get3A_222 = vector.load %arg4[%get3A_220, %get3A_221] : memref<512x1024xf32, #tpu.memory_space<vmem>>, vector<1x1024xf32>
        %slice3A_223 = vector.extract_strided_slice %get3A_222 {offsets = [0, 0], sizes = [1, 1024], strides = [1, 1]} : vector<1x1024xf32> to vector<1x1024xf32>
        %gt3A = arith.constant 5.000000e-01 : f32
        %gt3A_224 = vector.broadcast %gt3A : f32 to vector<1x1024xf32>
        %gt3A_225 = arith.cmpf ogt, %slice3A_223, %gt3A_224 : vector<1x1024xf32>
        %mul3A_226 = arith.constant 0.000000e+00 : f32
        %mul3A_227 = vector.broadcast %mul3A_226 : f32 to vector<16x1024xf32>
        %mul3A_228 = arith.mulf %while3A_210, %mul3A_227 : vector<16x1024xf32>
        %sub3A = arith.constant 0 : i32
        %sub3A_229 = vector.broadcast %sub3A : i32 to vector<1x1024xi32>
        %sub3A_230 = arith.subi %slice3A_215, %sub3A_229 : vector<1x1024xi32>
        %ge3A_231 = arith.constant 0 : i32
        %ge3A_232 = vector.broadcast %ge3A_231 : i32 to vector<1x1024xi32>
        %ge3A_233 = arith.cmpi sge, %sub3A_230, %ge3A_232 : vector<1x1024xi32>
        %lt3A = arith.constant 128 : i32
        %lt3A_234 = vector.broadcast %lt3A : i32 to vector<1x1024xi32>
        %lt3A_235 = arith.cmpi slt, %sub3A_230, %lt3A_234 : vector<1x1024xi32>
        %and3A_236 = arith.andi %ge3A_233, %lt3A_235 : vector<1x1024xi1>
        %jit3A_237 = arith.constant 0 : i32
        %jit3A_238 = arith.constant 127 : i32
        %max3A_239 = vector.broadcast %jit3A_237 : i32 to vector<1x1024xi32>
        %max3A_240 = arith.maxsi %max3A_239, %sub3A_230 : vector<1x1024xi32>
        %min3A_241 = vector.broadcast %jit3A_238 : i32 to vector<1x1024xi32>
        %min3A_242 = arith.minsi %min3A_241, %max3A_240 : vector<1x1024xi32>
        %broadcast_in_dim3A_243 = vector.shape_cast %min3A_242 : vector<1x1024xi32> to vector<1x1024xi32>
        %broadcast_in_dim3A_244 = vector.broadcast %broadcast_in_dim3A_243 : vector<1x1024xi32> to vector<16x1024xi32>
        %slice3A_245 = vector.extract_strided_slice %transpose3A {offsets = [0, 0], sizes = [16, 128], strides = [1, 1]} : vector<16x1024xf32> to vector<16x128xf32>
        %lt3A_246 = arith.constant 0 : i32
        %lt3A_247 = vector.broadcast %lt3A_246 : i32 to vector<16x1024xi32>
        %lt3A_248 = arith.cmpi slt, %broadcast_in_dim3A_244, %lt3A_247 : vector<16x1024xi32>
        %add3A_249 = arith.constant 128 : i32
        %add3A_250 = vector.broadcast %add3A_249 : i32 to vector<16x1024xi32>
        %add3A_251 = arith.addi %broadcast_in_dim3A_244, %add3A_250 : vector<16x1024xi32>
        %select_n3A_252 = arith.select %lt3A_248, %add3A_251, %broadcast_in_dim3A_244 : vector<16x1024xi1>, vector<16x1024xi32>
        %reshape3A = vector.shape_cast %select_n3A_252 : vector<16x1024xi32> to vector<16x1024x1xi32>
        %gather3A = vector.shape_cast %reshape3A : vector<16x1024x1xi32> to vector<16x1024xi32>
        %gather3A_253 = tpu.dynamic_gather %slice3A_245[%gather3A] in [1] : vector<16x128xf32>, vector<16x1024xi32> -> vector<16x1024xf32>
        %convert_element_type3A = arith.extui %and3A_236 : vector<1x1024xi1> to vector<1x1024xi32>
        %convert_element_type3A_254 = arith.sitofp %convert_element_type3A : vector<1x1024xi32> to vector<1x1024xf32>
        %mul3A_255 = vector.broadcast %convert_element_type3A_254 : vector<1x1024xf32> to vector<16x1024xf32>
        %mul3A_256 = arith.mulf %gather3A_253, %mul3A_255 : vector<16x1024xf32>
        %add3A_257 = arith.addf %mul3A_228, %mul3A_256 : vector<16x1024xf32>
        %sub3A_258 = arith.constant 128 : i32
        %sub3A_259 = vector.broadcast %sub3A_258 : i32 to vector<1x1024xi32>
        %sub3A_260 = arith.subi %slice3A_215, %sub3A_259 : vector<1x1024xi32>
        %ge3A_261 = arith.constant 0 : i32
        %ge3A_262 = vector.broadcast %ge3A_261 : i32 to vector<1x1024xi32>
        %ge3A_263 = arith.cmpi sge, %sub3A_260, %ge3A_262 : vector<1x1024xi32>
        %lt3A_264 = arith.constant 128 : i32
        %lt3A_265 = vector.broadcast %lt3A_264 : i32 to vector<1x1024xi32>
        %lt3A_266 = arith.cmpi slt, %sub3A_260, %lt3A_265 : vector<1x1024xi32>
        %and3A_267 = arith.andi %ge3A_263, %lt3A_266 : vector<1x1024xi1>
        %jit3A_268 = arith.constant 0 : i32
        %jit3A_269 = arith.constant 127 : i32
        %max3A_270 = vector.broadcast %jit3A_268 : i32 to vector<1x1024xi32>
        %max3A_271 = arith.maxsi %max3A_270, %sub3A_260 : vector<1x1024xi32>
        %min3A_272 = vector.broadcast %jit3A_269 : i32 to vector<1x1024xi32>
        %min3A_273 = arith.minsi %min3A_272, %max3A_271 : vector<1x1024xi32>
        %broadcast_in_dim3A_274 = vector.shape_cast %min3A_273 : vector<1x1024xi32> to vector<1x1024xi32>
        %broadcast_in_dim3A_275 = vector.broadcast %broadcast_in_dim3A_274 : vector<1x1024xi32> to vector<16x1024xi32>
        %slice3A_276 = vector.extract_strided_slice %transpose3A {offsets = [0, 128], sizes = [16, 128], strides = [1, 1]} : vector<16x1024xf32> to vector<16x128xf32>
        %lt3A_277 = arith.constant 0 : i32
        %lt3A_278 = vector.broadcast %lt3A_277 : i32 to vector<16x1024xi32>
        %lt3A_279 = arith.cmpi slt, %broadcast_in_dim3A_275, %lt3A_278 : vector<16x1024xi32>
        %add3A_280 = arith.constant 128 : i32
        %add3A_281 = vector.broadcast %add3A_280 : i32 to vector<16x1024xi32>
        %add3A_282 = arith.addi %broadcast_in_dim3A_275, %add3A_281 : vector<16x1024xi32>
        %select_n3A_283 = arith.select %lt3A_279, %add3A_282, %broadcast_in_dim3A_275 : vector<16x1024xi1>, vector<16x1024xi32>
        %reshape3A_284 = vector.shape_cast %select_n3A_283 : vector<16x1024xi32> to vector<16x1024x1xi32>
        %gather3A_285 = vector.shape_cast %reshape3A_284 : vector<16x1024x1xi32> to vector<16x1024xi32>
        %gather3A_286 = tpu.dynamic_gather %slice3A_276[%gather3A_285] in [1] : vector<16x128xf32>, vector<16x1024xi32> -> vector<16x1024xf32>
        %convert_element_type3A_287 = arith.extui %and3A_267 : vector<1x1024xi1> to vector<1x1024xi32>
        %convert_element_type3A_288 = arith.sitofp %convert_element_type3A_287 : vector<1x1024xi32> to vector<1x1024xf32>
        %mul3A_289 = vector.broadcast %convert_element_type3A_288 : vector<1x1024xf32> to vector<16x1024xf32>
        %mul3A_290 = arith.mulf %gather3A_286, %mul3A_289 : vector<16x1024xf32>
        %add3A_291 = arith.addf %add3A_257, %mul3A_290 : vector<16x1024xf32>
        %sub3A_292 = arith.constant 256 : i32
        %sub3A_293 = vector.broadcast %sub3A_292 : i32 to vector<1x1024xi32>
        %sub3A_294 = arith.subi %slice3A_215, %sub3A_293 : vector<1x1024xi32>
        %ge3A_295 = arith.constant 0 : i32
        %ge3A_296 = vector.broadcast %ge3A_295 : i32 to vector<1x1024xi32>
        %ge3A_297 = arith.cmpi sge, %sub3A_294, %ge3A_296 : vector<1x1024xi32>
        %lt3A_298 = arith.constant 128 : i32
        %lt3A_299 = vector.broadcast %lt3A_298 : i32 to vector<1x1024xi32>
        %lt3A_300 = arith.cmpi slt, %sub3A_294, %lt3A_299 : vector<1x1024xi32>
        %and3A_301 = arith.andi %ge3A_297, %lt3A_300 : vector<1x1024xi1>
        %jit3A_302 = arith.constant 0 : i32
        %jit3A_303 = arith.constant 127 : i32
        %max3A_304 = vector.broadcast %jit3A_302 : i32 to vector<1x1024xi32>
        %max3A_305 = arith.maxsi %max3A_304, %sub3A_294 : vector<1x1024xi32>
        %min3A_306 = vector.broadcast %jit3A_303 : i32 to vector<1x1024xi32>
        %min3A_307 = arith.minsi %min3A_306, %max3A_305 : vector<1x1024xi32>
        %broadcast_in_dim3A_308 = vector.shape_cast %min3A_307 : vector<1x1024xi32> to vector<1x1024xi32>
        %broadcast_in_dim3A_309 = vector.broadcast %broadcast_in_dim3A_308 : vector<1x1024xi32> to vector<16x1024xi32>
        %slice3A_310 = vector.extract_strided_slice %transpose3A {offsets = [0, 256], sizes = [16, 128], strides = [1, 1]} : vector<16x1024xf32> to vector<16x128xf32>
        %lt3A_311 = arith.constant 0 : i32
        %lt3A_312 = vector.broadcast %lt3A_311 : i32 to vector<16x1024xi32>
        %lt3A_313 = arith.cmpi slt, %broadcast_in_dim3A_309, %lt3A_312 : vector<16x1024xi32>
        %add3A_314 = arith.constant 128 : i32
        %add3A_315 = vector.broadcast %add3A_314 : i32 to vector<16x1024xi32>
        %add3A_316 = arith.addi %broadcast_in_dim3A_309, %add3A_315 : vector<16x1024xi32>
        %select_n3A_317 = arith.select %lt3A_313, %add3A_316, %broadcast_in_dim3A_309 : vector<16x1024xi1>, vector<16x1024xi32>
        %reshape3A_318 = vector.shape_cast %select_n3A_317 : vector<16x1024xi32> to vector<16x1024x1xi32>
        %gather3A_319 = vector.shape_cast %reshape3A_318 : vector<16x1024x1xi32> to vector<16x1024xi32>
        %gather3A_320 = tpu.dynamic_gather %slice3A_310[%gather3A_319] in [1] : vector<16x128xf32>, vector<16x1024xi32> -> vector<16x1024xf32>
        %convert_element_type3A_321 = arith.extui %and3A_301 : vector<1x1024xi1> to vector<1x1024xi32>
        %convert_element_type3A_322 = arith.sitofp %convert_element_type3A_321 : vector<1x1024xi32> to vector<1x1024xf32>
        %mul3A_323 = vector.broadcast %convert_element_type3A_322 : vector<1x1024xf32> to vector<16x1024xf32>
        %mul3A_324 = arith.mulf %gather3A_320, %mul3A_323 : vector<16x1024xf32>
        %add3A_325 = arith.addf %add3A_291, %mul3A_324 : vector<16x1024xf32>
        %sub3A_326 = arith.constant 384 : i32
        %sub3A_327 = vector.broadcast %sub3A_326 : i32 to vector<1x1024xi32>
        %sub3A_328 = arith.subi %slice3A_215, %sub3A_327 : vector<1x1024xi32>
        %ge3A_329 = arith.constant 0 : i32
        %ge3A_330 = vector.broadcast %ge3A_329 : i32 to vector<1x1024xi32>
        %ge3A_331 = arith.cmpi sge, %sub3A_328, %ge3A_330 : vector<1x1024xi32>
        %lt3A_332 = arith.constant 128 : i32
        %lt3A_333 = vector.broadcast %lt3A_332 : i32 to vector<1x1024xi32>
        %lt3A_334 = arith.cmpi slt, %sub3A_328, %lt3A_333 : vector<1x1024xi32>
        %and3A_335 = arith.andi %ge3A_331, %lt3A_334 : vector<1x1024xi1>
        %jit3A_336 = arith.constant 0 : i32
        %jit3A_337 = arith.constant 127 : i32
        %max3A_338 = vector.broadcast %jit3A_336 : i32 to vector<1x1024xi32>
        %max3A_339 = arith.maxsi %max3A_338, %sub3A_328 : vector<1x1024xi32>
        %min3A_340 = vector.broadcast %jit3A_337 : i32 to vector<1x1024xi32>
        %min3A_341 = arith.minsi %min3A_340, %max3A_339 : vector<1x1024xi32>
        %broadcast_in_dim3A_342 = vector.shape_cast %min3A_341 : vector<1x1024xi32> to vector<1x1024xi32>
        %broadcast_in_dim3A_343 = vector.broadcast %broadcast_in_dim3A_342 : vector<1x1024xi32> to vector<16x1024xi32>
        %slice3A_344 = vector.extract_strided_slice %transpose3A {offsets = [0, 384], sizes = [16, 128], strides = [1, 1]} : vector<16x1024xf32> to vector<16x128xf32>
        %lt3A_345 = arith.constant 0 : i32
        %lt3A_346 = vector.broadcast %lt3A_345 : i32 to vector<16x1024xi32>
        %lt3A_347 = arith.cmpi slt, %broadcast_in_dim3A_343, %lt3A_346 : vector<16x1024xi32>
        %add3A_348 = arith.constant 128 : i32
        %add3A_349 = vector.broadcast %add3A_348 : i32 to vector<16x1024xi32>
        %add3A_350 = arith.addi %broadcast_in_dim3A_343, %add3A_349 : vector<16x1024xi32>
        %select_n3A_351 = arith.select %lt3A_347, %add3A_350, %broadcast_in_dim3A_343 : vector<16x1024xi1>, vector<16x1024xi32>
        %reshape3A_352 = vector.shape_cast %select_n3A_351 : vector<16x1024xi32> to vector<16x1024x1xi32>
        %gather3A_353 = vector.shape_cast %reshape3A_352 : vector<16x1024x1xi32> to vector<16x1024xi32>
        %gather3A_354 = tpu.dynamic_gather %slice3A_344[%gather3A_353] in [1] : vector<16x128xf32>, vector<16x1024xi32> -> vector<16x1024xf32>
        %convert_element_type3A_355 = arith.extui %and3A_335 : vector<1x1024xi1> to vector<1x1024xi32>
        %convert_element_type3A_356 = arith.sitofp %convert_element_type3A_355 : vector<1x1024xi32> to vector<1x1024xf32>
        %mul3A_357 = vector.broadcast %convert_element_type3A_356 : vector<1x1024xf32> to vector<16x1024xf32>
        %mul3A_358 = arith.mulf %gather3A_354, %mul3A_357 : vector<16x1024xf32>
        %add3A_359 = arith.addf %add3A_325, %mul3A_358 : vector<16x1024xf32>
        %sub3A_360 = arith.constant 512 : i32
        %sub3A_361 = vector.broadcast %sub3A_360 : i32 to vector<1x1024xi32>
        %sub3A_362 = arith.subi %slice3A_215, %sub3A_361 : vector<1x1024xi32>
        %ge3A_363 = arith.constant 0 : i32
        %ge3A_364 = vector.broadcast %ge3A_363 : i32 to vector<1x1024xi32>
        %ge3A_365 = arith.cmpi sge, %sub3A_362, %ge3A_364 : vector<1x1024xi32>
        %lt3A_366 = arith.constant 128 : i32
        %lt3A_367 = vector.broadcast %lt3A_366 : i32 to vector<1x1024xi32>
        %lt3A_368 = arith.cmpi slt, %sub3A_362, %lt3A_367 : vector<1x1024xi32>
        %and3A_369 = arith.andi %ge3A_365, %lt3A_368 : vector<1x1024xi1>
        %jit3A_370 = arith.constant 0 : i32
        %jit3A_371 = arith.constant 127 : i32
        %max3A_372 = vector.broadcast %jit3A_370 : i32 to vector<1x1024xi32>
        %max3A_373 = arith.maxsi %max3A_372, %sub3A_362 : vector<1x1024xi32>
        %min3A_374 = vector.broadcast %jit3A_371 : i32 to vector<1x1024xi32>
        %min3A_375 = arith.minsi %min3A_374, %max3A_373 : vector<1x1024xi32>
        %broadcast_in_dim3A_376 = vector.shape_cast %min3A_375 : vector<1x1024xi32> to vector<1x1024xi32>
        %broadcast_in_dim3A_377 = vector.broadcast %broadcast_in_dim3A_376 : vector<1x1024xi32> to vector<16x1024xi32>
        %slice3A_378 = vector.extract_strided_slice %transpose3A {offsets = [0, 512], sizes = [16, 128], strides = [1, 1]} : vector<16x1024xf32> to vector<16x128xf32>
        %lt3A_379 = arith.constant 0 : i32
        %lt3A_380 = vector.broadcast %lt3A_379 : i32 to vector<16x1024xi32>
        %lt3A_381 = arith.cmpi slt, %broadcast_in_dim3A_377, %lt3A_380 : vector<16x1024xi32>
        %add3A_382 = arith.constant 128 : i32
        %add3A_383 = vector.broadcast %add3A_382 : i32 to vector<16x1024xi32>
        %add3A_384 = arith.addi %broadcast_in_dim3A_377, %add3A_383 : vector<16x1024xi32>
        %select_n3A_385 = arith.select %lt3A_381, %add3A_384, %broadcast_in_dim3A_377 : vector<16x1024xi1>, vector<16x1024xi32>
        %reshape3A_386 = vector.shape_cast %select_n3A_385 : vector<16x1024xi32> to vector<16x1024x1xi32>
        %gather3A_387 = vector.shape_cast %reshape3A_386 : vector<16x1024x1xi32> to vector<16x1024xi32>
        %gather3A_388 = tpu.dynamic_gather %slice3A_378[%gather3A_387] in [1] : vector<16x128xf32>, vector<16x1024xi32> -> vector<16x1024xf32>
        %convert_element_type3A_389 = arith.extui %and3A_369 : vector<1x1024xi1> to vector<1x1024xi32>
        %convert_element_type3A_390 = arith.sitofp %convert_element_type3A_389 : vector<1x1024xi32> to vector<1x1024xf32>
        %mul3A_391 = vector.broadcast %convert_element_type3A_390 : vector<1x1024xf32> to vector<16x1024xf32>
        %mul3A_392 = arith.mulf %gather3A_388, %mul3A_391 : vector<16x1024xf32>
        %add3A_393 = arith.addf %add3A_359, %mul3A_392 : vector<16x1024xf32>
        %sub3A_394 = arith.constant 640 : i32
        %sub3A_395 = vector.broadcast %sub3A_394 : i32 to vector<1x1024xi32>
        %sub3A_396 = arith.subi %slice3A_215, %sub3A_395 : vector<1x1024xi32>
        %ge3A_397 = arith.constant 0 : i32
        %ge3A_398 = vector.broadcast %ge3A_397 : i32 to vector<1x1024xi32>
        %ge3A_399 = arith.cmpi sge, %sub3A_396, %ge3A_398 : vector<1x1024xi32>
        %lt3A_400 = arith.constant 128 : i32
        %lt3A_401 = vector.broadcast %lt3A_400 : i32 to vector<1x1024xi32>
        %lt3A_402 = arith.cmpi slt, %sub3A_396, %lt3A_401 : vector<1x1024xi32>
        %and3A_403 = arith.andi %ge3A_399, %lt3A_402 : vector<1x1024xi1>
        %jit3A_404 = arith.constant 0 : i32
        %jit3A_405 = arith.constant 127 : i32
        %max3A_406 = vector.broadcast %jit3A_404 : i32 to vector<1x1024xi32>
        %max3A_407 = arith.maxsi %max3A_406, %sub3A_396 : vector<1x1024xi32>
        %min3A_408 = vector.broadcast %jit3A_405 : i32 to vector<1x1024xi32>
        %min3A_409 = arith.minsi %min3A_408, %max3A_407 : vector<1x1024xi32>
        %broadcast_in_dim3A_410 = vector.shape_cast %min3A_409 : vector<1x1024xi32> to vector<1x1024xi32>
        %broadcast_in_dim3A_411 = vector.broadcast %broadcast_in_dim3A_410 : vector<1x1024xi32> to vector<16x1024xi32>
        %slice3A_412 = vector.extract_strided_slice %transpose3A {offsets = [0, 640], sizes = [16, 128], strides = [1, 1]} : vector<16x1024xf32> to vector<16x128xf32>
        %lt3A_413 = arith.constant 0 : i32
        %lt3A_414 = vector.broadcast %lt3A_413 : i32 to vector<16x1024xi32>
        %lt3A_415 = arith.cmpi slt, %broadcast_in_dim3A_411, %lt3A_414 : vector<16x1024xi32>
        %add3A_416 = arith.constant 128 : i32
        %add3A_417 = vector.broadcast %add3A_416 : i32 to vector<16x1024xi32>
        %add3A_418 = arith.addi %broadcast_in_dim3A_411, %add3A_417 : vector<16x1024xi32>
        %select_n3A_419 = arith.select %lt3A_415, %add3A_418, %broadcast_in_dim3A_411 : vector<16x1024xi1>, vector<16x1024xi32>
        %reshape3A_420 = vector.shape_cast %select_n3A_419 : vector<16x1024xi32> to vector<16x1024x1xi32>
        %gather3A_421 = vector.shape_cast %reshape3A_420 : vector<16x1024x1xi32> to vector<16x1024xi32>
        %gather3A_422 = tpu.dynamic_gather %slice3A_412[%gather3A_421] in [1] : vector<16x128xf32>, vector<16x1024xi32> -> vector<16x1024xf32>
        %convert_element_type3A_423 = arith.extui %and3A_403 : vector<1x1024xi1> to vector<1x1024xi32>
        %convert_element_type3A_424 = arith.sitofp %convert_element_type3A_423 : vector<1x1024xi32> to vector<1x1024xf32>
        %mul3A_425 = vector.broadcast %convert_element_type3A_424 : vector<1x1024xf32> to vector<16x1024xf32>
        %mul3A_426 = arith.mulf %gather3A_422, %mul3A_425 : vector<16x1024xf32>
        %add3A_427 = arith.addf %add3A_393, %mul3A_426 : vector<16x1024xf32>
        %sub3A_428 = arith.constant 768 : i32
        %sub3A_429 = vector.broadcast %sub3A_428 : i32 to vector<1x1024xi32>
        %sub3A_430 = arith.subi %slice3A_215, %sub3A_429 : vector<1x1024xi32>
        %ge3A_431 = arith.constant 0 : i32
        %ge3A_432 = vector.broadcast %ge3A_431 : i32 to vector<1x1024xi32>
        %ge3A_433 = arith.cmpi sge, %sub3A_430, %ge3A_432 : vector<1x1024xi32>
        %lt3A_434 = arith.constant 128 : i32
        %lt3A_435 = vector.broadcast %lt3A_434 : i32 to vector<1x1024xi32>
        %lt3A_436 = arith.cmpi slt, %sub3A_430, %lt3A_435 : vector<1x1024xi32>
        %and3A_437 = arith.andi %ge3A_433, %lt3A_436 : vector<1x1024xi1>
        %jit3A_438 = arith.constant 0 : i32
        %jit3A_439 = arith.constant 127 : i32
        %max3A_440 = vector.broadcast %jit3A_438 : i32 to vector<1x1024xi32>
        %max3A_441 = arith.maxsi %max3A_440, %sub3A_430 : vector<1x1024xi32>
        %min3A_442 = vector.broadcast %jit3A_439 : i32 to vector<1x1024xi32>
        %min3A_443 = arith.minsi %min3A_442, %max3A_441 : vector<1x1024xi32>
        %broadcast_in_dim3A_444 = vector.shape_cast %min3A_443 : vector<1x1024xi32> to vector<1x1024xi32>
        %broadcast_in_dim3A_445 = vector.broadcast %broadcast_in_dim3A_444 : vector<1x1024xi32> to vector<16x1024xi32>
        %slice3A_446 = vector.extract_strided_slice %transpose3A {offsets = [0, 768], sizes = [16, 128], strides = [1, 1]} : vector<16x1024xf32> to vector<16x128xf32>
        %lt3A_447 = arith.constant 0 : i32
        %lt3A_448 = vector.broadcast %lt3A_447 : i32 to vector<16x1024xi32>
        %lt3A_449 = arith.cmpi slt, %broadcast_in_dim3A_445, %lt3A_448 : vector<16x1024xi32>
        %add3A_450 = arith.constant 128 : i32
        %add3A_451 = vector.broadcast %add3A_450 : i32 to vector<16x1024xi32>
        %add3A_452 = arith.addi %broadcast_in_dim3A_445, %add3A_451 : vector<16x1024xi32>
        %select_n3A_453 = arith.select %lt3A_449, %add3A_452, %broadcast_in_dim3A_445 : vector<16x1024xi1>, vector<16x1024xi32>
        %reshape3A_454 = vector.shape_cast %select_n3A_453 : vector<16x1024xi32> to vector<16x1024x1xi32>
        %gather3A_455 = vector.shape_cast %reshape3A_454 : vector<16x1024x1xi32> to vector<16x1024xi32>
        %gather3A_456 = tpu.dynamic_gather %slice3A_446[%gather3A_455] in [1] : vector<16x128xf32>, vector<16x1024xi32> -> vector<16x1024xf32>
        %convert_element_type3A_457 = arith.extui %and3A_437 : vector<1x1024xi1> to vector<1x1024xi32>
        %convert_element_type3A_458 = arith.sitofp %convert_element_type3A_457 : vector<1x1024xi32> to vector<1x1024xf32>
        %mul3A_459 = vector.broadcast %convert_element_type3A_458 : vector<1x1024xf32> to vector<16x1024xf32>
        %mul3A_460 = arith.mulf %gather3A_456, %mul3A_459 : vector<16x1024xf32>
        %add3A_461 = arith.addf %add3A_427, %mul3A_460 : vector<16x1024xf32>
        %sub3A_462 = arith.constant 896 : i32
        %sub3A_463 = vector.broadcast %sub3A_462 : i32 to vector<1x1024xi32>
        %sub3A_464 = arith.subi %slice3A_215, %sub3A_463 : vector<1x1024xi32>
        %ge3A_465 = arith.constant 0 : i32
        %ge3A_466 = vector.broadcast %ge3A_465 : i32 to vector<1x1024xi32>
        %ge3A_467 = arith.cmpi sge, %sub3A_464, %ge3A_466 : vector<1x1024xi32>
        %lt3A_468 = arith.constant 128 : i32
        %lt3A_469 = vector.broadcast %lt3A_468 : i32 to vector<1x1024xi32>
        %lt3A_470 = arith.cmpi slt, %sub3A_464, %lt3A_469 : vector<1x1024xi32>
        %and3A_471 = arith.andi %ge3A_467, %lt3A_470 : vector<1x1024xi1>
        %jit3A_472 = arith.constant 0 : i32
        %jit3A_473 = arith.constant 127 : i32
        %max3A_474 = vector.broadcast %jit3A_472 : i32 to vector<1x1024xi32>
        %max3A_475 = arith.maxsi %max3A_474, %sub3A_464 : vector<1x1024xi32>
        %min3A_476 = vector.broadcast %jit3A_473 : i32 to vector<1x1024xi32>
        %min3A_477 = arith.minsi %min3A_476, %max3A_475 : vector<1x1024xi32>
        %broadcast_in_dim3A_478 = vector.shape_cast %min3A_477 : vector<1x1024xi32> to vector<1x1024xi32>
        %broadcast_in_dim3A_479 = vector.broadcast %broadcast_in_dim3A_478 : vector<1x1024xi32> to vector<16x1024xi32>
        %slice3A_480 = vector.extract_strided_slice %transpose3A {offsets = [0, 896], sizes = [16, 128], strides = [1, 1]} : vector<16x1024xf32> to vector<16x128xf32>
        %lt3A_481 = arith.constant 0 : i32
        %lt3A_482 = vector.broadcast %lt3A_481 : i32 to vector<16x1024xi32>
        %lt3A_483 = arith.cmpi slt, %broadcast_in_dim3A_479, %lt3A_482 : vector<16x1024xi32>
        %add3A_484 = arith.constant 128 : i32
        %add3A_485 = vector.broadcast %add3A_484 : i32 to vector<16x1024xi32>
        %add3A_486 = arith.addi %broadcast_in_dim3A_479, %add3A_485 : vector<16x1024xi32>
        %select_n3A_487 = arith.select %lt3A_483, %add3A_486, %broadcast_in_dim3A_479 : vector<16x1024xi1>, vector<16x1024xi32>
        %reshape3A_488 = vector.shape_cast %select_n3A_487 : vector<16x1024xi32> to vector<16x1024x1xi32>
        %gather3A_489 = vector.shape_cast %reshape3A_488 : vector<16x1024x1xi32> to vector<16x1024xi32>
        %gather3A_490 = tpu.dynamic_gather %slice3A_480[%gather3A_489] in [1] : vector<16x128xf32>, vector<16x1024xi32> -> vector<16x1024xf32>
        %convert_element_type3A_491 = arith.extui %and3A_471 : vector<1x1024xi1> to vector<1x1024xi32>
        %convert_element_type3A_492 = arith.sitofp %convert_element_type3A_491 : vector<1x1024xi32> to vector<1x1024xf32>
        %mul3A_493 = vector.broadcast %convert_element_type3A_492 : vector<1x1024xf32> to vector<16x1024xf32>
        %mul3A_494 = arith.mulf %gather3A_490, %mul3A_493 : vector<16x1024xf32>
        %add3A_495 = arith.addf %add3A_461, %mul3A_494 : vector<16x1024xf32>
        %mul3A_496 = vector.broadcast %slice3A_219 : vector<1x1024xf32> to vector<16x1024xf32>
        %mul3A_497 = arith.mulf %add3A_495, %mul3A_496 : vector<16x1024xf32>
        %add3A_498 = arith.addf %while3A_210, %while3A_211 : vector<16x1024xf32>
        %broadcast_in_dim3A_499 = vector.shape_cast %gt3A_225 : vector<1x1024xi1> to vector<1x1024xi1>
        %broadcast_in_dim3A_500 = vector.broadcast %broadcast_in_dim3A_499 : vector<1x1024xi1> to vector<16x1024xi1>
        %select_n3A_501 = arith.select %broadcast_in_dim3A_500, %add3A_498, %while3A_210 : vector<16x1024xi1>, vector<16x1024xf32>
        %add3A_502 = arith.addf %while3A_211, %mul3A_497 : vector<16x1024xf32>
        %broadcast_in_dim3A_503 = vector.shape_cast %gt3A_225 : vector<1x1024xi1> to vector<1x1024xi1>
        %broadcast_in_dim3A_504 = vector.broadcast %broadcast_in_dim3A_503 : vector<1x1024xi1> to vector<16x1024xi1>
        %select_n3A_505 = arith.select %broadcast_in_dim3A_504, %mul3A_497, %add3A_502 : vector<16x1024xi1>, vector<16x1024xf32>
        scf.yield %select_n3A_501, %select_n3A_505 : vector<16x1024xf32>, vector<16x1024xf32>
      }
      %while3A_70 = arith.constant 1 : i32
      %while3A_71:2 = scf.for %while3A_209 = %while3A_67 to %while3A_63 step %while3A_70 iter_args(%while3A_210 = %while3A_69#0, %while3A_211 = %while3A_69#1) -> (vector<16x1024xf32>, vector<16x1024xf32>)  : i32 {
        %get3A_212 = arith.index_cast %while3A_209 : i32 to index
        %get3A_213 = arith.constant 0 : index
        %get3A_214 = vector.load %arg2[%get3A_212, %get3A_213] : memref<512x1024xi32, #tpu.memory_space<vmem>>, vector<1x1024xi32>
        %slice3A_215 = vector.extract_strided_slice %get3A_214 {offsets = [0, 0], sizes = [1, 1024], strides = [1, 1]} : vector<1x1024xi32> to vector<1x1024xi32>
        %get3A_216 = arith.index_cast %while3A_209 : i32 to index
        %get3A_217 = arith.constant 0 : index
        %get3A_218 = vector.load %arg3[%get3A_216, %get3A_217] : memref<512x1024xf32, #tpu.memory_space<vmem>>, vector<1x1024xf32>
        %slice3A_219 = vector.extract_strided_slice %get3A_218 {offsets = [0, 0], sizes = [1, 1024], strides = [1, 1]} : vector<1x1024xf32> to vector<1x1024xf32>
        %get3A_220 = arith.index_cast %while3A_209 : i32 to index
        %get3A_221 = arith.constant 0 : index
        %get3A_222 = vector.load %arg4[%get3A_220, %get3A_221] : memref<512x1024xf32, #tpu.memory_space<vmem>>, vector<1x1024xf32>
        %slice3A_223 = vector.extract_strided_slice %get3A_222 {offsets = [0, 0], sizes = [1, 1024], strides = [1, 1]} : vector<1x1024xf32> to vector<1x1024xf32>
        %gt3A = arith.constant 5.000000e-01 : f32
        %gt3A_224 = vector.broadcast %gt3A : f32 to vector<1x1024xf32>
        %gt3A_225 = arith.cmpf ogt, %slice3A_223, %gt3A_224 : vector<1x1024xf32>
        %mul3A_226 = arith.constant 0.000000e+00 : f32
        %mul3A_227 = vector.broadcast %mul3A_226 : f32 to vector<16x1024xf32>
        %mul3A_228 = arith.mulf %while3A_210, %mul3A_227 : vector<16x1024xf32>
        %sub3A = arith.constant 0 : i32
        %sub3A_229 = vector.broadcast %sub3A : i32 to vector<1x1024xi32>
        %sub3A_230 = arith.subi %slice3A_215, %sub3A_229 : vector<1x1024xi32>
        %ge3A_231 = arith.constant 0 : i32
        %ge3A_232 = vector.broadcast %ge3A_231 : i32 to vector<1x1024xi32>
        %ge3A_233 = arith.cmpi sge, %sub3A_230, %ge3A_232 : vector<1x1024xi32>
        %lt3A = arith.constant 128 : i32
        %lt3A_234 = vector.broadcast %lt3A : i32 to vector<1x1024xi32>
        %lt3A_235 = arith.cmpi slt, %sub3A_230, %lt3A_234 : vector<1x1024xi32>
        %and3A_236 = arith.andi %ge3A_233, %lt3A_235 : vector<1x1024xi1>
        %jit3A_237 = arith.constant 0 : i32
        %jit3A_238 = arith.constant 127 : i32
        %max3A_239 = vector.broadcast %jit3A_237 : i32 to vector<1x1024xi32>
        %max3A_240 = arith.maxsi %max3A_239, %sub3A_230 : vector<1x1024xi32>
        %min3A_241 = vector.broadcast %jit3A_238 : i32 to vector<1x1024xi32>
        %min3A_242 = arith.minsi %min3A_241, %max3A_240 : vector<1x1024xi32>
        %broadcast_in_dim3A_243 = vector.shape_cast %min3A_242 : vector<1x1024xi32> to vector<1x1024xi32>
        %broadcast_in_dim3A_244 = vector.broadcast %broadcast_in_dim3A_243 : vector<1x1024xi32> to vector<16x1024xi32>
        %slice3A_245 = vector.extract_strided_slice %transpose3A {offsets = [0, 0], sizes = [16, 128], strides = [1, 1]} : vector<16x1024xf32> to vector<16x128xf32>
        %lt3A_246 = arith.constant 0 : i32
        %lt3A_247 = vector.broadcast %lt3A_246 : i32 to vector<16x1024xi32>
        %lt3A_248 = arith.cmpi slt, %broadcast_in_dim3A_244, %lt3A_247 : vector<16x1024xi32>
        %add3A_249 = arith.constant 128 : i32
        %add3A_250 = vector.broadcast %add3A_249 : i32 to vector<16x1024xi32>
        %add3A_251 = arith.addi %broadcast_in_dim3A_244, %add3A_250 : vector<16x1024xi32>
        %select_n3A_252 = arith.select %lt3A_248, %add3A_251, %broadcast_in_dim3A_244 : vector<16x1024xi1>, vector<16x1024xi32>
        %reshape3A = vector.shape_cast %select_n3A_252 : vector<16x1024xi32> to vector<16x1024x1xi32>
        %gather3A = vector.shape_cast %reshape3A : vector<16x1024x1xi32> to vector<16x1024xi32>
        %gather3A_253 = tpu.dynamic_gather %slice3A_245[%gather3A] in [1] : vector<16x128xf32>, vector<16x1024xi32> -> vector<16x1024xf32>
        %convert_element_type3A = arith.extui %and3A_236 : vector<1x1024xi1> to vector<1x1024xi32>
        %convert_element_type3A_254 = arith.sitofp %convert_element_type3A : vector<1x1024xi32> to vector<1x1024xf32>
        %mul3A_255 = vector.broadcast %convert_element_type3A_254 : vector<1x1024xf32> to vector<16x1024xf32>
        %mul3A_256 = arith.mulf %gather3A_253, %mul3A_255 : vector<16x1024xf32>
        %add3A_257 = arith.addf %mul3A_228, %mul3A_256 : vector<16x1024xf32>
        %sub3A_258 = arith.constant 128 : i32
        %sub3A_259 = vector.broadcast %sub3A_258 : i32 to vector<1x1024xi32>
        %sub3A_260 = arith.subi %slice3A_215, %sub3A_259 : vector<1x1024xi32>
        %ge3A_261 = arith.constant 0 : i32
        %ge3A_262 = vector.broadcast %ge3A_261 : i32 to vector<1x1024xi32>
        %ge3A_263 = arith.cmpi sge, %sub3A_260, %ge3A_262 : vector<1x1024xi32>
        %lt3A_264 = arith.constant 128 : i32
        %lt3A_265 = vector.broadcast %lt3A_264 : i32 to vector<1x1024xi32>
        %lt3A_266 = arith.cmpi slt, %sub3A_260, %lt3A_265 : vector<1x1024xi32>
        %and3A_267 = arith.andi %ge3A_263, %lt3A_266 : vector<1x1024xi1>
        %jit3A_268 = arith.constant 0 : i32
        %jit3A_269 = arith.constant 127 : i32
        %max3A_270 = vector.broadcast %jit3A_268 : i32 to vector<1x1024xi32>
        %max3A_271 = arith.maxsi %max3A_270, %sub3A_260 : vector<1x1024xi32>
        %min3A_272 = vector.broadcast %jit3A_269 : i32 to vector<1x1024xi32>
        %min3A_273 = arith.minsi %min3A_272, %max3A_271 : vector<1x1024xi32>
        %broadcast_in_dim3A_274 = vector.shape_cast %min3A_273 : vector<1x1024xi32> to vector<1x1024xi32>
        %broadcast_in_dim3A_275 = vector.broadcast %broadcast_in_dim3A_274 : vector<1x1024xi32> to vector<16x1024xi32>
        %slice3A_276 = vector.extract_strided_slice %transpose3A {offsets = [0, 128], sizes = [16, 128], strides = [1, 1]} : vector<16x1024xf32> to vector<16x128xf32>
        %lt3A_277 = arith.constant 0 : i32
        %lt3A_278 = vector.broadcast %lt3A_277 : i32 to vector<16x1024xi32>
        %lt3A_279 = arith.cmpi slt, %broadcast_in_dim3A_275, %lt3A_278 : vector<16x1024xi32>
        %add3A_280 = arith.constant 128 : i32
        %add3A_281 = vector.broadcast %add3A_280 : i32 to vector<16x1024xi32>
        %add3A_282 = arith.addi %broadcast_in_dim3A_275, %add3A_281 : vector<16x1024xi32>
        %select_n3A_283 = arith.select %lt3A_279, %add3A_282, %broadcast_in_dim3A_275 : vector<16x1024xi1>, vector<16x1024xi32>
        %reshape3A_284 = vector.shape_cast %select_n3A_283 : vector<16x1024xi32> to vector<16x1024x1xi32>
        %gather3A_285 = vector.shape_cast %reshape3A_284 : vector<16x1024x1xi32> to vector<16x1024xi32>
        %gather3A_286 = tpu.dynamic_gather %slice3A_276[%gather3A_285] in [1] : vector<16x128xf32>, vector<16x1024xi32> -> vector<16x1024xf32>
        %convert_element_type3A_287 = arith.extui %and3A_267 : vector<1x1024xi1> to vector<1x1024xi32>
        %convert_element_type3A_288 = arith.sitofp %convert_element_type3A_287 : vector<1x1024xi32> to vector<1x1024xf32>
        %mul3A_289 = vector.broadcast %convert_element_type3A_288 : vector<1x1024xf32> to vector<16x1024xf32>
        %mul3A_290 = arith.mulf %gather3A_286, %mul3A_289 : vector<16x1024xf32>
        %add3A_291 = arith.addf %add3A_257, %mul3A_290 : vector<16x1024xf32>
        %sub3A_292 = arith.constant 256 : i32
        %sub3A_293 = vector.broadcast %sub3A_292 : i32 to vector<1x1024xi32>
        %sub3A_294 = arith.subi %slice3A_215, %sub3A_293 : vector<1x1024xi32>
        %ge3A_295 = arith.constant 0 : i32
        %ge3A_296 = vector.broadcast %ge3A_295 : i32 to vector<1x1024xi32>
        %ge3A_297 = arith.cmpi sge, %sub3A_294, %ge3A_296 : vector<1x1024xi32>
        %lt3A_298 = arith.constant 128 : i32
        %lt3A_299 = vector.broadcast %lt3A_298 : i32 to vector<1x1024xi32>
        %lt3A_300 = arith.cmpi slt, %sub3A_294, %lt3A_299 : vector<1x1024xi32>
        %and3A_301 = arith.andi %ge3A_297, %lt3A_300 : vector<1x1024xi1>
        %jit3A_302 = arith.constant 0 : i32
        %jit3A_303 = arith.constant 127 : i32
        %max3A_304 = vector.broadcast %jit3A_302 : i32 to vector<1x1024xi32>
        %max3A_305 = arith.maxsi %max3A_304, %sub3A_294 : vector<1x1024xi32>
        %min3A_306 = vector.broadcast %jit3A_303 : i32 to vector<1x1024xi32>
        %min3A_307 = arith.minsi %min3A_306, %max3A_305 : vector<1x1024xi32>
        %broadcast_in_dim3A_308 = vector.shape_cast %min3A_307 : vector<1x1024xi32> to vector<1x1024xi32>
        %broadcast_in_dim3A_309 = vector.broadcast %broadcast_in_dim3A_308 : vector<1x1024xi32> to vector<16x1024xi32>
        %slice3A_310 = vector.extract_strided_slice %transpose3A {offsets = [0, 256], sizes = [16, 128], strides = [1, 1]} : vector<16x1024xf32> to vector<16x128xf32>
        %lt3A_311 = arith.constant 0 : i32
        %lt3A_312 = vector.broadcast %lt3A_311 : i32 to vector<16x1024xi32>
        %lt3A_313 = arith.cmpi slt, %broadcast_in_dim3A_309, %lt3A_312 : vector<16x1024xi32>
        %add3A_314 = arith.constant 128 : i32
        %add3A_315 = vector.broadcast %add3A_314 : i32 to vector<16x1024xi32>
        %add3A_316 = arith.addi %broadcast_in_dim3A_309, %add3A_315 : vector<16x1024xi32>
        %select_n3A_317 = arith.select %lt3A_313, %add3A_316, %broadcast_in_dim3A_309 : vector<16x1024xi1>, vector<16x1024xi32>
        %reshape3A_318 = vector.shape_cast %select_n3A_317 : vector<16x1024xi32> to vector<16x1024x1xi32>
        %gather3A_319 = vector.shape_cast %reshape3A_318 : vector<16x1024x1xi32> to vector<16x1024xi32>
        %gather3A_320 = tpu.dynamic_gather %slice3A_310[%gather3A_319] in [1] : vector<16x128xf32>, vector<16x1024xi32> -> vector<16x1024xf32>
        %convert_element_type3A_321 = arith.extui %and3A_301 : vector<1x1024xi1> to vector<1x1024xi32>
        %convert_element_type3A_322 = arith.sitofp %convert_element_type3A_321 : vector<1x1024xi32> to vector<1x1024xf32>
        %mul3A_323 = vector.broadcast %convert_element_type3A_322 : vector<1x1024xf32> to vector<16x1024xf32>
        %mul3A_324 = arith.mulf %gather3A_320, %mul3A_323 : vector<16x1024xf32>
        %add3A_325 = arith.addf %add3A_291, %mul3A_324 : vector<16x1024xf32>
        %sub3A_326 = arith.constant 384 : i32
        %sub3A_327 = vector.broadcast %sub3A_326 : i32 to vector<1x1024xi32>
        %sub3A_328 = arith.subi %slice3A_215, %sub3A_327 : vector<1x1024xi32>
        %ge3A_329 = arith.constant 0 : i32
        %ge3A_330 = vector.broadcast %ge3A_329 : i32 to vector<1x1024xi32>
        %ge3A_331 = arith.cmpi sge, %sub3A_328, %ge3A_330 : vector<1x1024xi32>
        %lt3A_332 = arith.constant 128 : i32
        %lt3A_333 = vector.broadcast %lt3A_332 : i32 to vector<1x1024xi32>
        %lt3A_334 = arith.cmpi slt, %sub3A_328, %lt3A_333 : vector<1x1024xi32>
        %and3A_335 = arith.andi %ge3A_331, %lt3A_334 : vector<1x1024xi1>
        %jit3A_336 = arith.constant 0 : i32
        %jit3A_337 = arith.constant 127 : i32
        %max3A_338 = vector.broadcast %jit3A_336 : i32 to vector<1x1024xi32>
        %max3A_339 = arith.maxsi %max3A_338, %sub3A_328 : vector<1x1024xi32>
        %min3A_340 = vector.broadcast %jit3A_337 : i32 to vector<1x1024xi32>
        %min3A_341 = arith.minsi %min3A_340, %max3A_339 : vector<1x1024xi32>
        %broadcast_in_dim3A_342 = vector.shape_cast %min3A_341 : vector<1x1024xi32> to vector<1x1024xi32>
        %broadcast_in_dim3A_343 = vector.broadcast %broadcast_in_dim3A_342 : vector<1x1024xi32> to vector<16x1024xi32>
        %slice3A_344 = vector.extract_strided_slice %transpose3A {offsets = [0, 384], sizes = [16, 128], strides = [1, 1]} : vector<16x1024xf32> to vector<16x128xf32>
        %lt3A_345 = arith.constant 0 : i32
        %lt3A_346 = vector.broadcast %lt3A_345 : i32 to vector<16x1024xi32>
        %lt3A_347 = arith.cmpi slt, %broadcast_in_dim3A_343, %lt3A_346 : vector<16x1024xi32>
        %add3A_348 = arith.constant 128 : i32
        %add3A_349 = vector.broadcast %add3A_348 : i32 to vector<16x1024xi32>
        %add3A_350 = arith.addi %broadcast_in_dim3A_343, %add3A_349 : vector<16x1024xi32>
        %select_n3A_351 = arith.select %lt3A_347, %add3A_350, %broadcast_in_dim3A_343 : vector<16x1024xi1>, vector<16x1024xi32>
        %reshape3A_352 = vector.shape_cast %select_n3A_351 : vector<16x1024xi32> to vector<16x1024x1xi32>
        %gather3A_353 = vector.shape_cast %reshape3A_352 : vector<16x1024x1xi32> to vector<16x1024xi32>
        %gather3A_354 = tpu.dynamic_gather %slice3A_344[%gather3A_353] in [1] : vector<16x128xf32>, vector<16x1024xi32> -> vector<16x1024xf32>
        %convert_element_type3A_355 = arith.extui %and3A_335 : vector<1x1024xi1> to vector<1x1024xi32>
        %convert_element_type3A_356 = arith.sitofp %convert_element_type3A_355 : vector<1x1024xi32> to vector<1x1024xf32>
        %mul3A_357 = vector.broadcast %convert_element_type3A_356 : vector<1x1024xf32> to vector<16x1024xf32>
        %mul3A_358 = arith.mulf %gather3A_354, %mul3A_357 : vector<16x1024xf32>
        %add3A_359 = arith.addf %add3A_325, %mul3A_358 : vector<16x1024xf32>
        %sub3A_360 = arith.constant 512 : i32
        %sub3A_361 = vector.broadcast %sub3A_360 : i32 to vector<1x1024xi32>
        %sub3A_362 = arith.subi %slice3A_215, %sub3A_361 : vector<1x1024xi32>
        %ge3A_363 = arith.constant 0 : i32
        %ge3A_364 = vector.broadcast %ge3A_363 : i32 to vector<1x1024xi32>
        %ge3A_365 = arith.cmpi sge, %sub3A_362, %ge3A_364 : vector<1x1024xi32>
        %lt3A_366 = arith.constant 128 : i32
        %lt3A_367 = vector.broadcast %lt3A_366 : i32 to vector<1x1024xi32>
        %lt3A_368 = arith.cmpi slt, %sub3A_362, %lt3A_367 : vector<1x1024xi32>
        %and3A_369 = arith.andi %ge3A_365, %lt3A_368 : vector<1x1024xi1>
        %jit3A_370 = arith.constant 0 : i32
        %jit3A_371 = arith.constant 127 : i32
        %max3A_372 = vector.broadcast %jit3A_370 : i32 to vector<1x1024xi32>
        %max3A_373 = arith.maxsi %max3A_372, %sub3A_362 : vector<1x1024xi32>
        %min3A_374 = vector.broadcast %jit3A_371 : i32 to vector<1x1024xi32>
        %min3A_375 = arith.minsi %min3A_374, %max3A_373 : vector<1x1024xi32>
        %broadcast_in_dim3A_376 = vector.shape_cast %min3A_375 : vector<1x1024xi32> to vector<1x1024xi32>
        %broadcast_in_dim3A_377 = vector.broadcast %broadcast_in_dim3A_376 : vector<1x1024xi32> to vector<16x1024xi32>
        %slice3A_378 = vector.extract_strided_slice %transpose3A {offsets = [0, 512], sizes = [16, 128], strides = [1, 1]} : vector<16x1024xf32> to vector<16x128xf32>
        %lt3A_379 = arith.constant 0 : i32
        %lt3A_380 = vector.broadcast %lt3A_379 : i32 to vector<16x1024xi32>
        %lt3A_381 = arith.cmpi slt, %broadcast_in_dim3A_377, %lt3A_380 : vector<16x1024xi32>
        %add3A_382 = arith.constant 128 : i32
        %add3A_383 = vector.broadcast %add3A_382 : i32 to vector<16x1024xi32>
        %add3A_384 = arith.addi %broadcast_in_dim3A_377, %add3A_383 : vector<16x1024xi32>
        %select_n3A_385 = arith.select %lt3A_381, %add3A_384, %broadcast_in_dim3A_377 : vector<16x1024xi1>, vector<16x1024xi32>
        %reshape3A_386 = vector.shape_cast %select_n3A_385 : vector<16x1024xi32> to vector<16x1024x1xi32>
        %gather3A_387 = vector.shape_cast %reshape3A_386 : vector<16x1024x1xi32> to vector<16x1024xi32>
        %gather3A_388 = tpu.dynamic_gather %slice3A_378[%gather3A_387] in [1] : vector<16x128xf32>, vector<16x1024xi32> -> vector<16x1024xf32>
        %convert_element_type3A_389 = arith.extui %and3A_369 : vector<1x1024xi1> to vector<1x1024xi32>
        %convert_element_type3A_390 = arith.sitofp %convert_element_type3A_389 : vector<1x1024xi32> to vector<1x1024xf32>
        %mul3A_391 = vector.broadcast %convert_element_type3A_390 : vector<1x1024xf32> to vector<16x1024xf32>
        %mul3A_392 = arith.mulf %gather3A_388, %mul3A_391 : vector<16x1024xf32>
        %add3A_393 = arith.addf %add3A_359, %mul3A_392 : vector<16x1024xf32>
        %sub3A_394 = arith.constant 640 : i32
        %sub3A_395 = vector.broadcast %sub3A_394 : i32 to vector<1x1024xi32>
        %sub3A_396 = arith.subi %slice3A_215, %sub3A_395 : vector<1x1024xi32>
        %ge3A_397 = arith.constant 0 : i32
        %ge3A_398 = vector.broadcast %ge3A_397 : i32 to vector<1x1024xi32>
        %ge3A_399 = arith.cmpi sge, %sub3A_396, %ge3A_398 : vector<1x1024xi32>
        %lt3A_400 = arith.constant 128 : i32
        %lt3A_401 = vector.broadcast %lt3A_400 : i32 to vector<1x1024xi32>
        %lt3A_402 = arith.cmpi slt, %sub3A_396, %lt3A_401 : vector<1x1024xi32>
        %and3A_403 = arith.andi %ge3A_399, %lt3A_402 : vector<1x1024xi1>
        %jit3A_404 = arith.constant 0 : i32
        %jit3A_405 = arith.constant 127 : i32
        %max3A_406 = vector.broadcast %jit3A_404 : i32 to vector<1x1024xi32>
        %max3A_407 = arith.maxsi %max3A_406, %sub3A_396 : vector<1x1024xi32>
        %min3A_408 = vector.broadcast %jit3A_405 : i32 to vector<1x1024xi32>
        %min3A_409 = arith.minsi %min3A_408, %max3A_407 : vector<1x1024xi32>
        %broadcast_in_dim3A_410 = vector.shape_cast %min3A_409 : vector<1x1024xi32> to vector<1x1024xi32>
        %broadcast_in_dim3A_411 = vector.broadcast %broadcast_in_dim3A_410 : vector<1x1024xi32> to vector<16x1024xi32>
        %slice3A_412 = vector.extract_strided_slice %transpose3A {offsets = [0, 640], sizes = [16, 128], strides = [1, 1]} : vector<16x1024xf32> to vector<16x128xf32>
        %lt3A_413 = arith.constant 0 : i32
        %lt3A_414 = vector.broadcast %lt3A_413 : i32 to vector<16x1024xi32>
        %lt3A_415 = arith.cmpi slt, %broadcast_in_dim3A_411, %lt3A_414 : vector<16x1024xi32>
        %add3A_416 = arith.constant 128 : i32
        %add3A_417 = vector.broadcast %add3A_416 : i32 to vector<16x1024xi32>
        %add3A_418 = arith.addi %broadcast_in_dim3A_411, %add3A_417 : vector<16x1024xi32>
        %select_n3A_419 = arith.select %lt3A_415, %add3A_418, %broadcast_in_dim3A_411 : vector<16x1024xi1>, vector<16x1024xi32>
        %reshape3A_420 = vector.shape_cast %select_n3A_419 : vector<16x1024xi32> to vector<16x1024x1xi32>
        %gather3A_421 = vector.shape_cast %reshape3A_420 : vector<16x1024x1xi32> to vector<16x1024xi32>
        %gather3A_422 = tpu.dynamic_gather %slice3A_412[%gather3A_421] in [1] : vector<16x128xf32>, vector<16x1024xi32> -> vector<16x1024xf32>
        %convert_element_type3A_423 = arith.extui %and3A_403 : vector<1x1024xi1> to vector<1x1024xi32>
        %convert_element_type3A_424 = arith.sitofp %convert_element_type3A_423 : vector<1x1024xi32> to vector<1x1024xf32>
        %mul3A_425 = vector.broadcast %convert_element_type3A_424 : vector<1x1024xf32> to vector<16x1024xf32>
        %mul3A_426 = arith.mulf %gather3A_422, %mul3A_425 : vector<16x1024xf32>
        %add3A_427 = arith.addf %add3A_393, %mul3A_426 : vector<16x1024xf32>
        %sub3A_428 = arith.constant 768 : i32
        %sub3A_429 = vector.broadcast %sub3A_428 : i32 to vector<1x1024xi32>
        %sub3A_430 = arith.subi %slice3A_215, %sub3A_429 : vector<1x1024xi32>
        %ge3A_431 = arith.constant 0 : i32
        %ge3A_432 = vector.broadcast %ge3A_431 : i32 to vector<1x1024xi32>
        %ge3A_433 = arith.cmpi sge, %sub3A_430, %ge3A_432 : vector<1x1024xi32>
        %lt3A_434 = arith.constant 128 : i32
        %lt3A_435 = vector.broadcast %lt3A_434 : i32 to vector<1x1024xi32>
        %lt3A_436 = arith.cmpi slt, %sub3A_430, %lt3A_435 : vector<1x1024xi32>
        %and3A_437 = arith.andi %ge3A_433, %lt3A_436 : vector<1x1024xi1>
        %jit3A_438 = arith.constant 0 : i32
        %jit3A_439 = arith.constant 127 : i32
        %max3A_440 = vector.broadcast %jit3A_438 : i32 to vector<1x1024xi32>
        %max3A_441 = arith.maxsi %max3A_440, %sub3A_430 : vector<1x1024xi32>
        %min3A_442 = vector.broadcast %jit3A_439 : i32 to vector<1x1024xi32>
        %min3A_443 = arith.minsi %min3A_442, %max3A_441 : vector<1x1024xi32>
        %broadcast_in_dim3A_444 = vector.shape_cast %min3A_443 : vector<1x1024xi32> to vector<1x1024xi32>
        %broadcast_in_dim3A_445 = vector.broadcast %broadcast_in_dim3A_444 : vector<1x1024xi32> to vector<16x1024xi32>
        %slice3A_446 = vector.extract_strided_slice %transpose3A {offsets = [0, 768], sizes = [16, 128], strides = [1, 1]} : vector<16x1024xf32> to vector<16x128xf32>
        %lt3A_447 = arith.constant 0 : i32
        %lt3A_448 = vector.broadcast %lt3A_447 : i32 to vector<16x1024xi32>
        %lt3A_449 = arith.cmpi slt, %broadcast_in_dim3A_445, %lt3A_448 : vector<16x1024xi32>
        %add3A_450 = arith.constant 128 : i32
        %add3A_451 = vector.broadcast %add3A_450 : i32 to vector<16x1024xi32>
        %add3A_452 = arith.addi %broadcast_in_dim3A_445, %add3A_451 : vector<16x1024xi32>
        %select_n3A_453 = arith.select %lt3A_449, %add3A_452, %broadcast_in_dim3A_445 : vector<16x1024xi1>, vector<16x1024xi32>
        %reshape3A_454 = vector.shape_cast %select_n3A_453 : vector<16x1024xi32> to vector<16x1024x1xi32>
        %gather3A_455 = vector.shape_cast %reshape3A_454 : vector<16x1024x1xi32> to vector<16x1024xi32>
        %gather3A_456 = tpu.dynamic_gather %slice3A_446[%gather3A_455] in [1] : vector<16x128xf32>, vector<16x1024xi32> -> vector<16x1024xf32>
        %convert_element_type3A_457 = arith.extui %and3A_437 : vector<1x1024xi1> to vector<1x1024xi32>
        %convert_element_type3A_458 = arith.sitofp %convert_element_type3A_457 : vector<1x1024xi32> to vector<1x1024xf32>
        %mul3A_459 = vector.broadcast %convert_element_type3A_458 : vector<1x1024xf32> to vector<16x1024xf32>
        %mul3A_460 = arith.mulf %gather3A_456, %mul3A_459 : vector<16x1024xf32>
        %add3A_461 = arith.addf %add3A_427, %mul3A_460 : vector<16x1024xf32>
        %sub3A_462 = arith.constant 896 : i32
        %sub3A_463 = vector.broadcast %sub3A_462 : i32 to vector<1x1024xi32>
        %sub3A_464 = arith.subi %slice3A_215, %sub3A_463 : vector<1x1024xi32>
        %ge3A_465 = arith.constant 0 : i32
        %ge3A_466 = vector.broadcast %ge3A_465 : i32 to vector<1x1024xi32>
        %ge3A_467 = arith.cmpi sge, %sub3A_464, %ge3A_466 : vector<1x1024xi32>
        %lt3A_468 = arith.constant 128 : i32
        %lt3A_469 = vector.broadcast %lt3A_468 : i32 to vector<1x1024xi32>
        %lt3A_470 = arith.cmpi slt, %sub3A_464, %lt3A_469 : vector<1x1024xi32>
        %and3A_471 = arith.andi %ge3A_467, %lt3A_470 : vector<1x1024xi1>
        %jit3A_472 = arith.constant 0 : i32
        %jit3A_473 = arith.constant 127 : i32
        %max3A_474 = vector.broadcast %jit3A_472 : i32 to vector<1x1024xi32>
        %max3A_475 = arith.maxsi %max3A_474, %sub3A_464 : vector<1x1024xi32>
        %min3A_476 = vector.broadcast %jit3A_473 : i32 to vector<1x1024xi32>
        %min3A_477 = arith.minsi %min3A_476, %max3A_475 : vector<1x1024xi32>
        %broadcast_in_dim3A_478 = vector.shape_cast %min3A_477 : vector<1x1024xi32> to vector<1x1024xi32>
        %broadcast_in_dim3A_479 = vector.broadcast %broadcast_in_dim3A_478 : vector<1x1024xi32> to vector<16x1024xi32>
        %slice3A_480 = vector.extract_strided_slice %transpose3A {offsets = [0, 896], sizes = [16, 128], strides = [1, 1]} : vector<16x1024xf32> to vector<16x128xf32>
        %lt3A_481 = arith.constant 0 : i32
        %lt3A_482 = vector.broadcast %lt3A_481 : i32 to vector<16x1024xi32>
        %lt3A_483 = arith.cmpi slt, %broadcast_in_dim3A_479, %lt3A_482 : vector<16x1024xi32>
        %add3A_484 = arith.constant 128 : i32
        %add3A_485 = vector.broadcast %add3A_484 : i32 to vector<16x1024xi32>
        %add3A_486 = arith.addi %broadcast_in_dim3A_479, %add3A_485 : vector<16x1024xi32>
        %select_n3A_487 = arith.select %lt3A_483, %add3A_486, %broadcast_in_dim3A_479 : vector<16x1024xi1>, vector<16x1024xi32>
        %reshape3A_488 = vector.shape_cast %select_n3A_487 : vector<16x1024xi32> to vector<16x1024x1xi32>
        %gather3A_489 = vector.shape_cast %reshape3A_488 : vector<16x1024x1xi32> to vector<16x1024xi32>
        %gather3A_490 = tpu.dynamic_gather %slice3A_480[%gather3A_489] in [1] : vector<16x128xf32>, vector<16x1024xi32> -> vector<16x1024xf32>
        %convert_element_type3A_491 = arith.extui %and3A_471 : vector<1x1024xi1> to vector<1x1024xi32>
        %convert_element_type3A_492 = arith.sitofp %convert_element_type3A_491 : vector<1x1024xi32> to vector<1x1024xf32>
        %mul3A_493 = vector.broadcast %convert_element_type3A_492 : vector<1x1024xf32> to vector<16x1024xf32>
        %mul3A_494 = arith.mulf %gather3A_490, %mul3A_493 : vector<16x1024xf32>
        %add3A_495 = arith.addf %add3A_461, %mul3A_494 : vector<16x1024xf32>
        %mul3A_496 = vector.broadcast %slice3A_219 : vector<1x1024xf32> to vector<16x1024xf32>
        %mul3A_497 = arith.mulf %add3A_495, %mul3A_496 : vector<16x1024xf32>
        %add3A_498 = arith.addf %while3A_210, %while3A_211 : vector<16x1024xf32>
        %broadcast_in_dim3A_499 = vector.shape_cast %gt3A_225 : vector<1x1024xi1> to vector<1x1024xi1>
        %broadcast_in_dim3A_500 = vector.broadcast %broadcast_in_dim3A_499 : vector<1x1024xi1> to vector<16x1024xi1>
        %select_n3A_501 = arith.select %broadcast_in_dim3A_500, %add3A_498, %while3A_210 : vector<16x1024xi1>, vector<16x1024xf32>
        %add3A_502 = arith.addf %while3A_211, %mul3A_497 : vector<16x1024xf32>
        %broadcast_in_dim3A_503 = vector.shape_cast %gt3A_225 : vector<1x1024xi1> to vector<1x1024xi1>
        %broadcast_in_dim3A_504 = vector.broadcast %broadcast_in_dim3A_503 : vector<1x1024xi1> to vector<16x1024xi1>
        %select_n3A_505 = arith.select %broadcast_in_dim3A_504, %mul3A_497, %add3A_502 : vector<16x1024xi1>, vector<16x1024xf32>
        scf.yield %select_n3A_501, %select_n3A_505 : vector<16x1024xf32>, vector<16x1024xf32>
      }
      %slice3A = vector.extract_strided_slice %while3A_71#0 {offsets = [0, 0], sizes = [16, 128], strides = [1, 1]} : vector<16x1024xf32> to vector<16x128xf32>
      %slice3A_72 = vector.extract_strided_slice %while3A_71#1 {offsets = [0, 0], sizes = [16, 128], strides = [1, 1]} : vector<16x1024xf32> to vector<16x128xf32>
      %while3A_73 = arith.subi %get3A_5, %get3A_9 : i32
      %while3A_74 = arith.addi %get3A_9, %while3A_73 : i32
      %while3A_75 = arith.constant 1 : i32
      %while3A_76 = arith.divsi %while3A_73, %while3A_75 : i32
      %while3A_77 = arith.muli %while3A_76, %while3A_75 : i32
      %while3A_78 = arith.addi %get3A_9, %while3A_77 : i32
      %while3A_79 = arith.constant 1 : i32
      %while3A_80:2 = scf.for %while3A_209 = %get3A_9 to %while3A_78 step %while3A_79 iter_args(%while3A_210 = %slice3A, %while3A_211 = %slice3A_72) -> (vector<16x128xf32>, vector<16x128xf32>)  : i32 {
        %get3A_212 = arith.index_cast %while3A_209 : i32 to index
        %get3A_213 = arith.constant 0 : index
        %get3A_214 = vector.load %arg2[%get3A_212, %get3A_213] : memref<512x1024xi32, #tpu.memory_space<vmem>>, vector<1x1024xi32>
        %slice3A_215 = vector.extract_strided_slice %get3A_214 {offsets = [0, 0], sizes = [1, 128], strides = [1, 1]} : vector<1x1024xi32> to vector<1x128xi32>
        %get3A_216 = arith.index_cast %while3A_209 : i32 to index
        %get3A_217 = arith.constant 0 : index
        %get3A_218 = vector.load %arg3[%get3A_216, %get3A_217] : memref<512x1024xf32, #tpu.memory_space<vmem>>, vector<1x1024xf32>
        %slice3A_219 = vector.extract_strided_slice %get3A_218 {offsets = [0, 0], sizes = [1, 128], strides = [1, 1]} : vector<1x1024xf32> to vector<1x128xf32>
        %get3A_220 = arith.index_cast %while3A_209 : i32 to index
        %get3A_221 = arith.constant 0 : index
        %get3A_222 = vector.load %arg4[%get3A_220, %get3A_221] : memref<512x1024xf32, #tpu.memory_space<vmem>>, vector<1x1024xf32>
        %slice3A_223 = vector.extract_strided_slice %get3A_222 {offsets = [0, 0], sizes = [1, 128], strides = [1, 1]} : vector<1x1024xf32> to vector<1x128xf32>
        %gt3A = arith.constant 5.000000e-01 : f32
        %gt3A_224 = vector.broadcast %gt3A : f32 to vector<1x128xf32>
        %gt3A_225 = arith.cmpf ogt, %slice3A_223, %gt3A_224 : vector<1x128xf32>
        %mul3A_226 = arith.constant 0.000000e+00 : f32
        %mul3A_227 = vector.broadcast %mul3A_226 : f32 to vector<16x128xf32>
        %mul3A_228 = arith.mulf %while3A_210, %mul3A_227 : vector<16x128xf32>
        %sub3A = arith.constant 0 : i32
        %sub3A_229 = vector.broadcast %sub3A : i32 to vector<1x128xi32>
        %sub3A_230 = arith.subi %slice3A_215, %sub3A_229 : vector<1x128xi32>
        %ge3A_231 = arith.constant 0 : i32
        %ge3A_232 = vector.broadcast %ge3A_231 : i32 to vector<1x128xi32>
        %ge3A_233 = arith.cmpi sge, %sub3A_230, %ge3A_232 : vector<1x128xi32>
        %lt3A = arith.constant 128 : i32
        %lt3A_234 = vector.broadcast %lt3A : i32 to vector<1x128xi32>
        %lt3A_235 = arith.cmpi slt, %sub3A_230, %lt3A_234 : vector<1x128xi32>
        %and3A_236 = arith.andi %ge3A_233, %lt3A_235 : vector<1x128xi1>
        %jit3A_237 = arith.constant 0 : i32
        %jit3A_238 = arith.constant 127 : i32
        %max3A_239 = vector.broadcast %jit3A_237 : i32 to vector<1x128xi32>
        %max3A_240 = arith.maxsi %max3A_239, %sub3A_230 : vector<1x128xi32>
        %min3A_241 = vector.broadcast %jit3A_238 : i32 to vector<1x128xi32>
        %min3A_242 = arith.minsi %min3A_241, %max3A_240 : vector<1x128xi32>
        %broadcast_in_dim3A_243 = vector.shape_cast %min3A_242 : vector<1x128xi32> to vector<1x128xi32>
        %broadcast_in_dim3A_244 = vector.broadcast %broadcast_in_dim3A_243 : vector<1x128xi32> to vector<16x128xi32>
        %slice3A_245 = vector.extract_strided_slice %transpose3A {offsets = [0, 0], sizes = [16, 128], strides = [1, 1]} : vector<16x1024xf32> to vector<16x128xf32>
        %lt3A_246 = arith.constant 0 : i32
        %lt3A_247 = vector.broadcast %lt3A_246 : i32 to vector<16x128xi32>
        %lt3A_248 = arith.cmpi slt, %broadcast_in_dim3A_244, %lt3A_247 : vector<16x128xi32>
        %add3A_249 = arith.constant 128 : i32
        %add3A_250 = vector.broadcast %add3A_249 : i32 to vector<16x128xi32>
        %add3A_251 = arith.addi %broadcast_in_dim3A_244, %add3A_250 : vector<16x128xi32>
        %select_n3A_252 = arith.select %lt3A_248, %add3A_251, %broadcast_in_dim3A_244 : vector<16x128xi1>, vector<16x128xi32>
        %reshape3A = vector.shape_cast %select_n3A_252 : vector<16x128xi32> to vector<16x128x1xi32>
        %gather3A = vector.shape_cast %reshape3A : vector<16x128x1xi32> to vector<16x128xi32>
        %gather3A_253 = tpu.dynamic_gather %slice3A_245[%gather3A] in [1] : vector<16x128xf32>, vector<16x128xi32> -> vector<16x128xf32>
        %convert_element_type3A = arith.extui %and3A_236 : vector<1x128xi1> to vector<1x128xi32>
        %convert_element_type3A_254 = arith.sitofp %convert_element_type3A : vector<1x128xi32> to vector<1x128xf32>
        %mul3A_255 = vector.broadcast %convert_element_type3A_254 : vector<1x128xf32> to vector<16x128xf32>
        %mul3A_256 = arith.mulf %gather3A_253, %mul3A_255 : vector<16x128xf32>
        %add3A_257 = arith.addf %mul3A_228, %mul3A_256 : vector<16x128xf32>
        %sub3A_258 = arith.constant 128 : i32
        %sub3A_259 = vector.broadcast %sub3A_258 : i32 to vector<1x128xi32>
        %sub3A_260 = arith.subi %slice3A_215, %sub3A_259 : vector<1x128xi32>
        %ge3A_261 = arith.constant 0 : i32
        %ge3A_262 = vector.broadcast %ge3A_261 : i32 to vector<1x128xi32>
        %ge3A_263 = arith.cmpi sge, %sub3A_260, %ge3A_262 : vector<1x128xi32>
        %lt3A_264 = arith.constant 128 : i32
        %lt3A_265 = vector.broadcast %lt3A_264 : i32 to vector<1x128xi32>
        %lt3A_266 = arith.cmpi slt, %sub3A_260, %lt3A_265 : vector<1x128xi32>
        %and3A_267 = arith.andi %ge3A_263, %lt3A_266 : vector<1x128xi1>
        %jit3A_268 = arith.constant 0 : i32
        %jit3A_269 = arith.constant 127 : i32
        %max3A_270 = vector.broadcast %jit3A_268 : i32 to vector<1x128xi32>
        %max3A_271 = arith.maxsi %max3A_270, %sub3A_260 : vector<1x128xi32>
        %min3A_272 = vector.broadcast %jit3A_269 : i32 to vector<1x128xi32>
        %min3A_273 = arith.minsi %min3A_272, %max3A_271 : vector<1x128xi32>
        %broadcast_in_dim3A_274 = vector.shape_cast %min3A_273 : vector<1x128xi32> to vector<1x128xi32>
        %broadcast_in_dim3A_275 = vector.broadcast %broadcast_in_dim3A_274 : vector<1x128xi32> to vector<16x128xi32>
        %slice3A_276 = vector.extract_strided_slice %transpose3A {offsets = [0, 128], sizes = [16, 128], strides = [1, 1]} : vector<16x1024xf32> to vector<16x128xf32>
        %lt3A_277 = arith.constant 0 : i32
        %lt3A_278 = vector.broadcast %lt3A_277 : i32 to vector<16x128xi32>
        %lt3A_279 = arith.cmpi slt, %broadcast_in_dim3A_275, %lt3A_278 : vector<16x128xi32>
        %add3A_280 = arith.constant 128 : i32
        %add3A_281 = vector.broadcast %add3A_280 : i32 to vector<16x128xi32>
        %add3A_282 = arith.addi %broadcast_in_dim3A_275, %add3A_281 : vector<16x128xi32>
        %select_n3A_283 = arith.select %lt3A_279, %add3A_282, %broadcast_in_dim3A_275 : vector<16x128xi1>, vector<16x128xi32>
        %reshape3A_284 = vector.shape_cast %select_n3A_283 : vector<16x128xi32> to vector<16x128x1xi32>
        %gather3A_285 = vector.shape_cast %reshape3A_284 : vector<16x128x1xi32> to vector<16x128xi32>
        %gather3A_286 = tpu.dynamic_gather %slice3A_276[%gather3A_285] in [1] : vector<16x128xf32>, vector<16x128xi32> -> vector<16x128xf32>
        %convert_element_type3A_287 = arith.extui %and3A_267 : vector<1x128xi1> to vector<1x128xi32>
        %convert_element_type3A_288 = arith.sitofp %convert_element_type3A_287 : vector<1x128xi32> to vector<1x128xf32>
        %mul3A_289 = vector.broadcast %convert_element_type3A_288 : vector<1x128xf32> to vector<16x128xf32>
        %mul3A_290 = arith.mulf %gather3A_286, %mul3A_289 : vector<16x128xf32>
        %add3A_291 = arith.addf %add3A_257, %mul3A_290 : vector<16x128xf32>
        %sub3A_292 = arith.constant 256 : i32
        %sub3A_293 = vector.broadcast %sub3A_292 : i32 to vector<1x128xi32>
        %sub3A_294 = arith.subi %slice3A_215, %sub3A_293 : vector<1x128xi32>
        %ge3A_295 = arith.constant 0 : i32
        %ge3A_296 = vector.broadcast %ge3A_295 : i32 to vector<1x128xi32>
        %ge3A_297 = arith.cmpi sge, %sub3A_294, %ge3A_296 : vector<1x128xi32>
        %lt3A_298 = arith.constant 128 : i32
        %lt3A_299 = vector.broadcast %lt3A_298 : i32 to vector<1x128xi32>
        %lt3A_300 = arith.cmpi slt, %sub3A_294, %lt3A_299 : vector<1x128xi32>
        %and3A_301 = arith.andi %ge3A_297, %lt3A_300 : vector<1x128xi1>
        %jit3A_302 = arith.constant 0 : i32
        %jit3A_303 = arith.constant 127 : i32
        %max3A_304 = vector.broadcast %jit3A_302 : i32 to vector<1x128xi32>
        %max3A_305 = arith.maxsi %max3A_304, %sub3A_294 : vector<1x128xi32>
        %min3A_306 = vector.broadcast %jit3A_303 : i32 to vector<1x128xi32>
        %min3A_307 = arith.minsi %min3A_306, %max3A_305 : vector<1x128xi32>
        %broadcast_in_dim3A_308 = vector.shape_cast %min3A_307 : vector<1x128xi32> to vector<1x128xi32>
        %broadcast_in_dim3A_309 = vector.broadcast %broadcast_in_dim3A_308 : vector<1x128xi32> to vector<16x128xi32>
        %slice3A_310 = vector.extract_strided_slice %transpose3A {offsets = [0, 256], sizes = [16, 128], strides = [1, 1]} : vector<16x1024xf32> to vector<16x128xf32>
        %lt3A_311 = arith.constant 0 : i32
        %lt3A_312 = vector.broadcast %lt3A_311 : i32 to vector<16x128xi32>
        %lt3A_313 = arith.cmpi slt, %broadcast_in_dim3A_309, %lt3A_312 : vector<16x128xi32>
        %add3A_314 = arith.constant 128 : i32
        %add3A_315 = vector.broadcast %add3A_314 : i32 to vector<16x128xi32>
        %add3A_316 = arith.addi %broadcast_in_dim3A_309, %add3A_315 : vector<16x128xi32>
        %select_n3A_317 = arith.select %lt3A_313, %add3A_316, %broadcast_in_dim3A_309 : vector<16x128xi1>, vector<16x128xi32>
        %reshape3A_318 = vector.shape_cast %select_n3A_317 : vector<16x128xi32> to vector<16x128x1xi32>
        %gather3A_319 = vector.shape_cast %reshape3A_318 : vector<16x128x1xi32> to vector<16x128xi32>
        %gather3A_320 = tpu.dynamic_gather %slice3A_310[%gather3A_319] in [1] : vector<16x128xf32>, vector<16x128xi32> -> vector<16x128xf32>
        %convert_element_type3A_321 = arith.extui %and3A_301 : vector<1x128xi1> to vector<1x128xi32>
        %convert_element_type3A_322 = arith.sitofp %convert_element_type3A_321 : vector<1x128xi32> to vector<1x128xf32>
        %mul3A_323 = vector.broadcast %convert_element_type3A_322 : vector<1x128xf32> to vector<16x128xf32>
        %mul3A_324 = arith.mulf %gather3A_320, %mul3A_323 : vector<16x128xf32>
        %add3A_325 = arith.addf %add3A_291, %mul3A_324 : vector<16x128xf32>
        %sub3A_326 = arith.constant 384 : i32
        %sub3A_327 = vector.broadcast %sub3A_326 : i32 to vector<1x128xi32>
        %sub3A_328 = arith.subi %slice3A_215, %sub3A_327 : vector<1x128xi32>
        %ge3A_329 = arith.constant 0 : i32
        %ge3A_330 = vector.broadcast %ge3A_329 : i32 to vector<1x128xi32>
        %ge3A_331 = arith.cmpi sge, %sub3A_328, %ge3A_330 : vector<1x128xi32>
        %lt3A_332 = arith.constant 128 : i32
        %lt3A_333 = vector.broadcast %lt3A_332 : i32 to vector<1x128xi32>
        %lt3A_334 = arith.cmpi slt, %sub3A_328, %lt3A_333 : vector<1x128xi32>
        %and3A_335 = arith.andi %ge3A_331, %lt3A_334 : vector<1x128xi1>
        %jit3A_336 = arith.constant 0 : i32
        %jit3A_337 = arith.constant 127 : i32
        %max3A_338 = vector.broadcast %jit3A_336 : i32 to vector<1x128xi32>
        %max3A_339 = arith.maxsi %max3A_338, %sub3A_328 : vector<1x128xi32>
        %min3A_340 = vector.broadcast %jit3A_337 : i32 to vector<1x128xi32>
        %min3A_341 = arith.minsi %min3A_340, %max3A_339 : vector<1x128xi32>
        %broadcast_in_dim3A_342 = vector.shape_cast %min3A_341 : vector<1x128xi32> to vector<1x128xi32>
        %broadcast_in_dim3A_343 = vector.broadcast %broadcast_in_dim3A_342 : vector<1x128xi32> to vector<16x128xi32>
        %slice3A_344 = vector.extract_strided_slice %transpose3A {offsets = [0, 384], sizes = [16, 128], strides = [1, 1]} : vector<16x1024xf32> to vector<16x128xf32>
        %lt3A_345 = arith.constant 0 : i32
        %lt3A_346 = vector.broadcast %lt3A_345 : i32 to vector<16x128xi32>
        %lt3A_347 = arith.cmpi slt, %broadcast_in_dim3A_343, %lt3A_346 : vector<16x128xi32>
        %add3A_348 = arith.constant 128 : i32
        %add3A_349 = vector.broadcast %add3A_348 : i32 to vector<16x128xi32>
        %add3A_350 = arith.addi %broadcast_in_dim3A_343, %add3A_349 : vector<16x128xi32>
        %select_n3A_351 = arith.select %lt3A_347, %add3A_350, %broadcast_in_dim3A_343 : vector<16x128xi1>, vector<16x128xi32>
        %reshape3A_352 = vector.shape_cast %select_n3A_351 : vector<16x128xi32> to vector<16x128x1xi32>
        %gather3A_353 = vector.shape_cast %reshape3A_352 : vector<16x128x1xi32> to vector<16x128xi32>
        %gather3A_354 = tpu.dynamic_gather %slice3A_344[%gather3A_353] in [1] : vector<16x128xf32>, vector<16x128xi32> -> vector<16x128xf32>
        %convert_element_type3A_355 = arith.extui %and3A_335 : vector<1x128xi1> to vector<1x128xi32>
        %convert_element_type3A_356 = arith.sitofp %convert_element_type3A_355 : vector<1x128xi32> to vector<1x128xf32>
        %mul3A_357 = vector.broadcast %convert_element_type3A_356 : vector<1x128xf32> to vector<16x128xf32>
        %mul3A_358 = arith.mulf %gather3A_354, %mul3A_357 : vector<16x128xf32>
        %add3A_359 = arith.addf %add3A_325, %mul3A_358 : vector<16x128xf32>
        %sub3A_360 = arith.constant 512 : i32
        %sub3A_361 = vector.broadcast %sub3A_360 : i32 to vector<1x128xi32>
        %sub3A_362 = arith.subi %slice3A_215, %sub3A_361 : vector<1x128xi32>
        %ge3A_363 = arith.constant 0 : i32
        %ge3A_364 = vector.broadcast %ge3A_363 : i32 to vector<1x128xi32>
        %ge3A_365 = arith.cmpi sge, %sub3A_362, %ge3A_364 : vector<1x128xi32>
        %lt3A_366 = arith.constant 128 : i32
        %lt3A_367 = vector.broadcast %lt3A_366 : i32 to vector<1x128xi32>
        %lt3A_368 = arith.cmpi slt, %sub3A_362, %lt3A_367 : vector<1x128xi32>
        %and3A_369 = arith.andi %ge3A_365, %lt3A_368 : vector<1x128xi1>
        %jit3A_370 = arith.constant 0 : i32
        %jit3A_371 = arith.constant 127 : i32
        %max3A_372 = vector.broadcast %jit3A_370 : i32 to vector<1x128xi32>
        %max3A_373 = arith.maxsi %max3A_372, %sub3A_362 : vector<1x128xi32>
        %min3A_374 = vector.broadcast %jit3A_371 : i32 to vector<1x128xi32>
        %min3A_375 = arith.minsi %min3A_374, %max3A_373 : vector<1x128xi32>
        %broadcast_in_dim3A_376 = vector.shape_cast %min3A_375 : vector<1x128xi32> to vector<1x128xi32>
        %broadcast_in_dim3A_377 = vector.broadcast %broadcast_in_dim3A_376 : vector<1x128xi32> to vector<16x128xi32>
        %slice3A_378 = vector.extract_strided_slice %transpose3A {offsets = [0, 512], sizes = [16, 128], strides = [1, 1]} : vector<16x1024xf32> to vector<16x128xf32>
        %lt3A_379 = arith.constant 0 : i32
        %lt3A_380 = vector.broadcast %lt3A_379 : i32 to vector<16x128xi32>
        %lt3A_381 = arith.cmpi slt, %broadcast_in_dim3A_377, %lt3A_380 : vector<16x128xi32>
        %add3A_382 = arith.constant 128 : i32
        %add3A_383 = vector.broadcast %add3A_382 : i32 to vector<16x128xi32>
        %add3A_384 = arith.addi %broadcast_in_dim3A_377, %add3A_383 : vector<16x128xi32>
        %select_n3A_385 = arith.select %lt3A_381, %add3A_384, %broadcast_in_dim3A_377 : vector<16x128xi1>, vector<16x128xi32>
        %reshape3A_386 = vector.shape_cast %select_n3A_385 : vector<16x128xi32> to vector<16x128x1xi32>
        %gather3A_387 = vector.shape_cast %reshape3A_386 : vector<16x128x1xi32> to vector<16x128xi32>
        %gather3A_388 = tpu.dynamic_gather %slice3A_378[%gather3A_387] in [1] : vector<16x128xf32>, vector<16x128xi32> -> vector<16x128xf32>
        %convert_element_type3A_389 = arith.extui %and3A_369 : vector<1x128xi1> to vector<1x128xi32>
        %convert_element_type3A_390 = arith.sitofp %convert_element_type3A_389 : vector<1x128xi32> to vector<1x128xf32>
        %mul3A_391 = vector.broadcast %convert_element_type3A_390 : vector<1x128xf32> to vector<16x128xf32>
        %mul3A_392 = arith.mulf %gather3A_388, %mul3A_391 : vector<16x128xf32>
        %add3A_393 = arith.addf %add3A_359, %mul3A_392 : vector<16x128xf32>
        %sub3A_394 = arith.constant 640 : i32
        %sub3A_395 = vector.broadcast %sub3A_394 : i32 to vector<1x128xi32>
        %sub3A_396 = arith.subi %slice3A_215, %sub3A_395 : vector<1x128xi32>
        %ge3A_397 = arith.constant 0 : i32
        %ge3A_398 = vector.broadcast %ge3A_397 : i32 to vector<1x128xi32>
        %ge3A_399 = arith.cmpi sge, %sub3A_396, %ge3A_398 : vector<1x128xi32>
        %lt3A_400 = arith.constant 128 : i32
        %lt3A_401 = vector.broadcast %lt3A_400 : i32 to vector<1x128xi32>
        %lt3A_402 = arith.cmpi slt, %sub3A_396, %lt3A_401 : vector<1x128xi32>
        %and3A_403 = arith.andi %ge3A_399, %lt3A_402 : vector<1x128xi1>
        %jit3A_404 = arith.constant 0 : i32
        %jit3A_405 = arith.constant 127 : i32
        %max3A_406 = vector.broadcast %jit3A_404 : i32 to vector<1x128xi32>
        %max3A_407 = arith.maxsi %max3A_406, %sub3A_396 : vector<1x128xi32>
        %min3A_408 = vector.broadcast %jit3A_405 : i32 to vector<1x128xi32>
        %min3A_409 = arith.minsi %min3A_408, %max3A_407 : vector<1x128xi32>
        %broadcast_in_dim3A_410 = vector.shape_cast %min3A_409 : vector<1x128xi32> to vector<1x128xi32>
        %broadcast_in_dim3A_411 = vector.broadcast %broadcast_in_dim3A_410 : vector<1x128xi32> to vector<16x128xi32>
        %slice3A_412 = vector.extract_strided_slice %transpose3A {offsets = [0, 640], sizes = [16, 128], strides = [1, 1]} : vector<16x1024xf32> to vector<16x128xf32>
        %lt3A_413 = arith.constant 0 : i32
        %lt3A_414 = vector.broadcast %lt3A_413 : i32 to vector<16x128xi32>
        %lt3A_415 = arith.cmpi slt, %broadcast_in_dim3A_411, %lt3A_414 : vector<16x128xi32>
        %add3A_416 = arith.constant 128 : i32
        %add3A_417 = vector.broadcast %add3A_416 : i32 to vector<16x128xi32>
        %add3A_418 = arith.addi %broadcast_in_dim3A_411, %add3A_417 : vector<16x128xi32>
        %select_n3A_419 = arith.select %lt3A_415, %add3A_418, %broadcast_in_dim3A_411 : vector<16x128xi1>, vector<16x128xi32>
        %reshape3A_420 = vector.shape_cast %select_n3A_419 : vector<16x128xi32> to vector<16x128x1xi32>
        %gather3A_421 = vector.shape_cast %reshape3A_420 : vector<16x128x1xi32> to vector<16x128xi32>
        %gather3A_422 = tpu.dynamic_gather %slice3A_412[%gather3A_421] in [1] : vector<16x128xf32>, vector<16x128xi32> -> vector<16x128xf32>
        %convert_element_type3A_423 = arith.extui %and3A_403 : vector<1x128xi1> to vector<1x128xi32>
        %convert_element_type3A_424 = arith.sitofp %convert_element_type3A_423 : vector<1x128xi32> to vector<1x128xf32>
        %mul3A_425 = vector.broadcast %convert_element_type3A_424 : vector<1x128xf32> to vector<16x128xf32>
        %mul3A_426 = arith.mulf %gather3A_422, %mul3A_425 : vector<16x128xf32>
        %add3A_427 = arith.addf %add3A_393, %mul3A_426 : vector<16x128xf32>
        %sub3A_428 = arith.constant 768 : i32
        %sub3A_429 = vector.broadcast %sub3A_428 : i32 to vector<1x128xi32>
        %sub3A_430 = arith.subi %slice3A_215, %sub3A_429 : vector<1x128xi32>
        %ge3A_431 = arith.constant 0 : i32
        %ge3A_432 = vector.broadcast %ge3A_431 : i32 to vector<1x128xi32>
        %ge3A_433 = arith.cmpi sge, %sub3A_430, %ge3A_432 : vector<1x128xi32>
        %lt3A_434 = arith.constant 128 : i32
        %lt3A_435 = vector.broadcast %lt3A_434 : i32 to vector<1x128xi32>
        %lt3A_436 = arith.cmpi slt, %sub3A_430, %lt3A_435 : vector<1x128xi32>
        %and3A_437 = arith.andi %ge3A_433, %lt3A_436 : vector<1x128xi1>
        %jit3A_438 = arith.constant 0 : i32
        %jit3A_439 = arith.constant 127 : i32
        %max3A_440 = vector.broadcast %jit3A_438 : i32 to vector<1x128xi32>
        %max3A_441 = arith.maxsi %max3A_440, %sub3A_430 : vector<1x128xi32>
        %min3A_442 = vector.broadcast %jit3A_439 : i32 to vector<1x128xi32>
        %min3A_443 = arith.minsi %min3A_442, %max3A_441 : vector<1x128xi32>
        %broadcast_in_dim3A_444 = vector.shape_cast %min3A_443 : vector<1x128xi32> to vector<1x128xi32>
        %broadcast_in_dim3A_445 = vector.broadcast %broadcast_in_dim3A_444 : vector<1x128xi32> to vector<16x128xi32>
        %slice3A_446 = vector.extract_strided_slice %transpose3A {offsets = [0, 768], sizes = [16, 128], strides = [1, 1]} : vector<16x1024xf32> to vector<16x128xf32>
        %lt3A_447 = arith.constant 0 : i32
        %lt3A_448 = vector.broadcast %lt3A_447 : i32 to vector<16x128xi32>
        %lt3A_449 = arith.cmpi slt, %broadcast_in_dim3A_445, %lt3A_448 : vector<16x128xi32>
        %add3A_450 = arith.constant 128 : i32
        %add3A_451 = vector.broadcast %add3A_450 : i32 to vector<16x128xi32>
        %add3A_452 = arith.addi %broadcast_in_dim3A_445, %add3A_451 : vector<16x128xi32>
        %select_n3A_453 = arith.select %lt3A_449, %add3A_452, %broadcast_in_dim3A_445 : vector<16x128xi1>, vector<16x128xi32>
        %reshape3A_454 = vector.shape_cast %select_n3A_453 : vector<16x128xi32> to vector<16x128x1xi32>
        %gather3A_455 = vector.shape_cast %reshape3A_454 : vector<16x128x1xi32> to vector<16x128xi32>
        %gather3A_456 = tpu.dynamic_gather %slice3A_446[%gather3A_455] in [1] : vector<16x128xf32>, vector<16x128xi32> -> vector<16x128xf32>
        %convert_element_type3A_457 = arith.extui %and3A_437 : vector<1x128xi1> to vector<1x128xi32>
        %convert_element_type3A_458 = arith.sitofp %convert_element_type3A_457 : vector<1x128xi32> to vector<1x128xf32>
        %mul3A_459 = vector.broadcast %convert_element_type3A_458 : vector<1x128xf32> to vector<16x128xf32>
        %mul3A_460 = arith.mulf %gather3A_456, %mul3A_459 : vector<16x128xf32>
        %add3A_461 = arith.addf %add3A_427, %mul3A_460 : vector<16x128xf32>
        %sub3A_462 = arith.constant 896 : i32
        %sub3A_463 = vector.broadcast %sub3A_462 : i32 to vector<1x128xi32>
        %sub3A_464 = arith.subi %slice3A_215, %sub3A_463 : vector<1x128xi32>
        %ge3A_465 = arith.constant 0 : i32
        %ge3A_466 = vector.broadcast %ge3A_465 : i32 to vector<1x128xi32>
        %ge3A_467 = arith.cmpi sge, %sub3A_464, %ge3A_466 : vector<1x128xi32>
        %lt3A_468 = arith.constant 128 : i32
        %lt3A_469 = vector.broadcast %lt3A_468 : i32 to vector<1x128xi32>
        %lt3A_470 = arith.cmpi slt, %sub3A_464, %lt3A_469 : vector<1x128xi32>
        %and3A_471 = arith.andi %ge3A_467, %lt3A_470 : vector<1x128xi1>
        %jit3A_472 = arith.constant 0 : i32
        %jit3A_473 = arith.constant 127 : i32
        %max3A_474 = vector.broadcast %jit3A_472 : i32 to vector<1x128xi32>
        %max3A_475 = arith.maxsi %max3A_474, %sub3A_464 : vector<1x128xi32>
        %min3A_476 = vector.broadcast %jit3A_473 : i32 to vector<1x128xi32>
        %min3A_477 = arith.minsi %min3A_476, %max3A_475 : vector<1x128xi32>
        %broadcast_in_dim3A_478 = vector.shape_cast %min3A_477 : vector<1x128xi32> to vector<1x128xi32>
        %broadcast_in_dim3A_479 = vector.broadcast %broadcast_in_dim3A_478 : vector<1x128xi32> to vector<16x128xi32>
        %slice3A_480 = vector.extract_strided_slice %transpose3A {offsets = [0, 896], sizes = [16, 128], strides = [1, 1]} : vector<16x1024xf32> to vector<16x128xf32>
        %lt3A_481 = arith.constant 0 : i32
        %lt3A_482 = vector.broadcast %lt3A_481 : i32 to vector<16x128xi32>
        %lt3A_483 = arith.cmpi slt, %broadcast_in_dim3A_479, %lt3A_482 : vector<16x128xi32>
        %add3A_484 = arith.constant 128 : i32
        %add3A_485 = vector.broadcast %add3A_484 : i32 to vector<16x128xi32>
        %add3A_486 = arith.addi %broadcast_in_dim3A_479, %add3A_485 : vector<16x128xi32>
        %select_n3A_487 = arith.select %lt3A_483, %add3A_486, %broadcast_in_dim3A_479 : vector<16x128xi1>, vector<16x128xi32>
        %reshape3A_488 = vector.shape_cast %select_n3A_487 : vector<16x128xi32> to vector<16x128x1xi32>
        %gather3A_489 = vector.shape_cast %reshape3A_488 : vector<16x128x1xi32> to vector<16x128xi32>
        %gather3A_490 = tpu.dynamic_gather %slice3A_480[%gather3A_489] in [1] : vector<16x128xf32>, vector<16x128xi32> -> vector<16x128xf32>
        %convert_element_type3A_491 = arith.extui %and3A_471 : vector<1x128xi1> to vector<1x128xi32>
        %convert_element_type3A_492 = arith.sitofp %convert_element_type3A_491 : vector<1x128xi32> to vector<1x128xf32>
        %mul3A_493 = vector.broadcast %convert_element_type3A_492 : vector<1x128xf32> to vector<16x128xf32>
        %mul3A_494 = arith.mulf %gather3A_490, %mul3A_493 : vector<16x128xf32>
        %add3A_495 = arith.addf %add3A_461, %mul3A_494 : vector<16x128xf32>
        %mul3A_496 = vector.broadcast %slice3A_219 : vector<1x128xf32> to vector<16x128xf32>
        %mul3A_497 = arith.mulf %add3A_495, %mul3A_496 : vector<16x128xf32>
        %add3A_498 = arith.addf %while3A_210, %while3A_211 : vector<16x128xf32>
        %broadcast_in_dim3A_499 = vector.shape_cast %gt3A_225 : vector<1x128xi1> to vector<1x128xi1>
        %broadcast_in_dim3A_500 = vector.broadcast %broadcast_in_dim3A_499 : vector<1x128xi1> to vector<16x128xi1>
        %select_n3A_501 = arith.select %broadcast_in_dim3A_500, %add3A_498, %while3A_210 : vector<16x128xi1>, vector<16x128xf32>
        %add3A_502 = arith.addf %while3A_211, %mul3A_497 : vector<16x128xf32>
        %broadcast_in_dim3A_503 = vector.shape_cast %gt3A_225 : vector<1x128xi1> to vector<1x128xi1>
        %broadcast_in_dim3A_504 = vector.broadcast %broadcast_in_dim3A_503 : vector<1x128xi1> to vector<16x128xi1>
        %select_n3A_505 = arith.select %broadcast_in_dim3A_504, %mul3A_497, %add3A_502 : vector<16x128xi1>, vector<16x128xf32>
        scf.yield %select_n3A_501, %select_n3A_505 : vector<16x128xf32>, vector<16x128xf32>
      }
      %while3A_81 = arith.constant 1 : i32
      %while3A_82:2 = scf.for %while3A_209 = %while3A_78 to %while3A_74 step %while3A_81 iter_args(%while3A_210 = %while3A_80#0, %while3A_211 = %while3A_80#1) -> (vector<16x128xf32>, vector<16x128xf32>)  : i32 {
        %get3A_212 = arith.index_cast %while3A_209 : i32 to index
        %get3A_213 = arith.constant 0 : index
        %get3A_214 = vector.load %arg2[%get3A_212, %get3A_213] : memref<512x1024xi32, #tpu.memory_space<vmem>>, vector<1x1024xi32>
        %slice3A_215 = vector.extract_strided_slice %get3A_214 {offsets = [0, 0], sizes = [1, 128], strides = [1, 1]} : vector<1x1024xi32> to vector<1x128xi32>
        %get3A_216 = arith.index_cast %while3A_209 : i32 to index
        %get3A_217 = arith.constant 0 : index
        %get3A_218 = vector.load %arg3[%get3A_216, %get3A_217] : memref<512x1024xf32, #tpu.memory_space<vmem>>, vector<1x1024xf32>
        %slice3A_219 = vector.extract_strided_slice %get3A_218 {offsets = [0, 0], sizes = [1, 128], strides = [1, 1]} : vector<1x1024xf32> to vector<1x128xf32>
        %get3A_220 = arith.index_cast %while3A_209 : i32 to index
        %get3A_221 = arith.constant 0 : index
        %get3A_222 = vector.load %arg4[%get3A_220, %get3A_221] : memref<512x1024xf32, #tpu.memory_space<vmem>>, vector<1x1024xf32>
        %slice3A_223 = vector.extract_strided_slice %get3A_222 {offsets = [0, 0], sizes = [1, 128], strides = [1, 1]} : vector<1x1024xf32> to vector<1x128xf32>
        %gt3A = arith.constant 5.000000e-01 : f32
        %gt3A_224 = vector.broadcast %gt3A : f32 to vector<1x128xf32>
        %gt3A_225 = arith.cmpf ogt, %slice3A_223, %gt3A_224 : vector<1x128xf32>
        %mul3A_226 = arith.constant 0.000000e+00 : f32
        %mul3A_227 = vector.broadcast %mul3A_226 : f32 to vector<16x128xf32>
        %mul3A_228 = arith.mulf %while3A_210, %mul3A_227 : vector<16x128xf32>
        %sub3A = arith.constant 0 : i32
        %sub3A_229 = vector.broadcast %sub3A : i32 to vector<1x128xi32>
        %sub3A_230 = arith.subi %slice3A_215, %sub3A_229 : vector<1x128xi32>
        %ge3A_231 = arith.constant 0 : i32
        %ge3A_232 = vector.broadcast %ge3A_231 : i32 to vector<1x128xi32>
        %ge3A_233 = arith.cmpi sge, %sub3A_230, %ge3A_232 : vector<1x128xi32>
        %lt3A = arith.constant 128 : i32
        %lt3A_234 = vector.broadcast %lt3A : i32 to vector<1x128xi32>
        %lt3A_235 = arith.cmpi slt, %sub3A_230, %lt3A_234 : vector<1x128xi32>
        %and3A_236 = arith.andi %ge3A_233, %lt3A_235 : vector<1x128xi1>
        %jit3A_237 = arith.constant 0 : i32
        %jit3A_238 = arith.constant 127 : i32
        %max3A_239 = vector.broadcast %jit3A_237 : i32 to vector<1x128xi32>
        %max3A_240 = arith.maxsi %max3A_239, %sub3A_230 : vector<1x128xi32>
        %min3A_241 = vector.broadcast %jit3A_238 : i32 to vector<1x128xi32>
        %min3A_242 = arith.minsi %min3A_241, %max3A_240 : vector<1x128xi32>
        %broadcast_in_dim3A_243 = vector.shape_cast %min3A_242 : vector<1x128xi32> to vector<1x128xi32>
        %broadcast_in_dim3A_244 = vector.broadcast %broadcast_in_dim3A_243 : vector<1x128xi32> to vector<16x128xi32>
        %slice3A_245 = vector.extract_strided_slice %transpose3A {offsets = [0, 0], sizes = [16, 128], strides = [1, 1]} : vector<16x1024xf32> to vector<16x128xf32>
        %lt3A_246 = arith.constant 0 : i32
        %lt3A_247 = vector.broadcast %lt3A_246 : i32 to vector<16x128xi32>
        %lt3A_248 = arith.cmpi slt, %broadcast_in_dim3A_244, %lt3A_247 : vector<16x128xi32>
        %add3A_249 = arith.constant 128 : i32
        %add3A_250 = vector.broadcast %add3A_249 : i32 to vector<16x128xi32>
        %add3A_251 = arith.addi %broadcast_in_dim3A_244, %add3A_250 : vector<16x128xi32>
        %select_n3A_252 = arith.select %lt3A_248, %add3A_251, %broadcast_in_dim3A_244 : vector<16x128xi1>, vector<16x128xi32>
        %reshape3A = vector.shape_cast %select_n3A_252 : vector<16x128xi32> to vector<16x128x1xi32>
        %gather3A = vector.shape_cast %reshape3A : vector<16x128x1xi32> to vector<16x128xi32>
        %gather3A_253 = tpu.dynamic_gather %slice3A_245[%gather3A] in [1] : vector<16x128xf32>, vector<16x128xi32> -> vector<16x128xf32>
        %convert_element_type3A = arith.extui %and3A_236 : vector<1x128xi1> to vector<1x128xi32>
        %convert_element_type3A_254 = arith.sitofp %convert_element_type3A : vector<1x128xi32> to vector<1x128xf32>
        %mul3A_255 = vector.broadcast %convert_element_type3A_254 : vector<1x128xf32> to vector<16x128xf32>
        %mul3A_256 = arith.mulf %gather3A_253, %mul3A_255 : vector<16x128xf32>
        %add3A_257 = arith.addf %mul3A_228, %mul3A_256 : vector<16x128xf32>
        %sub3A_258 = arith.constant 128 : i32
        %sub3A_259 = vector.broadcast %sub3A_258 : i32 to vector<1x128xi32>
        %sub3A_260 = arith.subi %slice3A_215, %sub3A_259 : vector<1x128xi32>
        %ge3A_261 = arith.constant 0 : i32
        %ge3A_262 = vector.broadcast %ge3A_261 : i32 to vector<1x128xi32>
        %ge3A_263 = arith.cmpi sge, %sub3A_260, %ge3A_262 : vector<1x128xi32>
        %lt3A_264 = arith.constant 128 : i32
        %lt3A_265 = vector.broadcast %lt3A_264 : i32 to vector<1x128xi32>
        %lt3A_266 = arith.cmpi slt, %sub3A_260, %lt3A_265 : vector<1x128xi32>
        %and3A_267 = arith.andi %ge3A_263, %lt3A_266 : vector<1x128xi1>
        %jit3A_268 = arith.constant 0 : i32
        %jit3A_269 = arith.constant 127 : i32
        %max3A_270 = vector.broadcast %jit3A_268 : i32 to vector<1x128xi32>
        %max3A_271 = arith.maxsi %max3A_270, %sub3A_260 : vector<1x128xi32>
        %min3A_272 = vector.broadcast %jit3A_269 : i32 to vector<1x128xi32>
        %min3A_273 = arith.minsi %min3A_272, %max3A_271 : vector<1x128xi32>
        %broadcast_in_dim3A_274 = vector.shape_cast %min3A_273 : vector<1x128xi32> to vector<1x128xi32>
        %broadcast_in_dim3A_275 = vector.broadcast %broadcast_in_dim3A_274 : vector<1x128xi32> to vector<16x128xi32>
        %slice3A_276 = vector.extract_strided_slice %transpose3A {offsets = [0, 128], sizes = [16, 128], strides = [1, 1]} : vector<16x1024xf32> to vector<16x128xf32>
        %lt3A_277 = arith.constant 0 : i32
        %lt3A_278 = vector.broadcast %lt3A_277 : i32 to vector<16x128xi32>
        %lt3A_279 = arith.cmpi slt, %broadcast_in_dim3A_275, %lt3A_278 : vector<16x128xi32>
        %add3A_280 = arith.constant 128 : i32
        %add3A_281 = vector.broadcast %add3A_280 : i32 to vector<16x128xi32>
        %add3A_282 = arith.addi %broadcast_in_dim3A_275, %add3A_281 : vector<16x128xi32>
        %select_n3A_283 = arith.select %lt3A_279, %add3A_282, %broadcast_in_dim3A_275 : vector<16x128xi1>, vector<16x128xi32>
        %reshape3A_284 = vector.shape_cast %select_n3A_283 : vector<16x128xi32> to vector<16x128x1xi32>
        %gather3A_285 = vector.shape_cast %reshape3A_284 : vector<16x128x1xi32> to vector<16x128xi32>
        %gather3A_286 = tpu.dynamic_gather %slice3A_276[%gather3A_285] in [1] : vector<16x128xf32>, vector<16x128xi32> -> vector<16x128xf32>
        %convert_element_type3A_287 = arith.extui %and3A_267 : vector<1x128xi1> to vector<1x128xi32>
        %convert_element_type3A_288 = arith.sitofp %convert_element_type3A_287 : vector<1x128xi32> to vector<1x128xf32>
        %mul3A_289 = vector.broadcast %convert_element_type3A_288 : vector<1x128xf32> to vector<16x128xf32>
        %mul3A_290 = arith.mulf %gather3A_286, %mul3A_289 : vector<16x128xf32>
        %add3A_291 = arith.addf %add3A_257, %mul3A_290 : vector<16x128xf32>
        %sub3A_292 = arith.constant 256 : i32
        %sub3A_293 = vector.broadcast %sub3A_292 : i32 to vector<1x128xi32>
        %sub3A_294 = arith.subi %slice3A_215, %sub3A_293 : vector<1x128xi32>
        %ge3A_295 = arith.constant 0 : i32
        %ge3A_296 = vector.broadcast %ge3A_295 : i32 to vector<1x128xi32>
        %ge3A_297 = arith.cmpi sge, %sub3A_294, %ge3A_296 : vector<1x128xi32>
        %lt3A_298 = arith.constant 128 : i32
        %lt3A_299 = vector.broadcast %lt3A_298 : i32 to vector<1x128xi32>
        %lt3A_300 = arith.cmpi slt, %sub3A_294, %lt3A_299 : vector<1x128xi32>
        %and3A_301 = arith.andi %ge3A_297, %lt3A_300 : vector<1x128xi1>
        %jit3A_302 = arith.constant 0 : i32
        %jit3A_303 = arith.constant 127 : i32
        %max3A_304 = vector.broadcast %jit3A_302 : i32 to vector<1x128xi32>
        %max3A_305 = arith.maxsi %max3A_304, %sub3A_294 : vector<1x128xi32>
        %min3A_306 = vector.broadcast %jit3A_303 : i32 to vector<1x128xi32>
        %min3A_307 = arith.minsi %min3A_306, %max3A_305 : vector<1x128xi32>
        %broadcast_in_dim3A_308 = vector.shape_cast %min3A_307 : vector<1x128xi32> to vector<1x128xi32>
        %broadcast_in_dim3A_309 = vector.broadcast %broadcast_in_dim3A_308 : vector<1x128xi32> to vector<16x128xi32>
        %slice3A_310 = vector.extract_strided_slice %transpose3A {offsets = [0, 256], sizes = [16, 128], strides = [1, 1]} : vector<16x1024xf32> to vector<16x128xf32>
        %lt3A_311 = arith.constant 0 : i32
        %lt3A_312 = vector.broadcast %lt3A_311 : i32 to vector<16x128xi32>
        %lt3A_313 = arith.cmpi slt, %broadcast_in_dim3A_309, %lt3A_312 : vector<16x128xi32>
        %add3A_314 = arith.constant 128 : i32
        %add3A_315 = vector.broadcast %add3A_314 : i32 to vector<16x128xi32>
        %add3A_316 = arith.addi %broadcast_in_dim3A_309, %add3A_315 : vector<16x128xi32>
        %select_n3A_317 = arith.select %lt3A_313, %add3A_316, %broadcast_in_dim3A_309 : vector<16x128xi1>, vector<16x128xi32>
        %reshape3A_318 = vector.shape_cast %select_n3A_317 : vector<16x128xi32> to vector<16x128x1xi32>
        %gather3A_319 = vector.shape_cast %reshape3A_318 : vector<16x128x1xi32> to vector<16x128xi32>
        %gather3A_320 = tpu.dynamic_gather %slice3A_310[%gather3A_319] in [1] : vector<16x128xf32>, vector<16x128xi32> -> vector<16x128xf32>
        %convert_element_type3A_321 = arith.extui %and3A_301 : vector<1x128xi1> to vector<1x128xi32>
        %convert_element_type3A_322 = arith.sitofp %convert_element_type3A_321 : vector<1x128xi32> to vector<1x128xf32>
        %mul3A_323 = vector.broadcast %convert_element_type3A_322 : vector<1x128xf32> to vector<16x128xf32>
        %mul3A_324 = arith.mulf %gather3A_320, %mul3A_323 : vector<16x128xf32>
        %add3A_325 = arith.addf %add3A_291, %mul3A_324 : vector<16x128xf32>
        %sub3A_326 = arith.constant 384 : i32
        %sub3A_327 = vector.broadcast %sub3A_326 : i32 to vector<1x128xi32>
        %sub3A_328 = arith.subi %slice3A_215, %sub3A_327 : vector<1x128xi32>
        %ge3A_329 = arith.constant 0 : i32
        %ge3A_330 = vector.broadcast %ge3A_329 : i32 to vector<1x128xi32>
        %ge3A_331 = arith.cmpi sge, %sub3A_328, %ge3A_330 : vector<1x128xi32>
        %lt3A_332 = arith.constant 128 : i32
        %lt3A_333 = vector.broadcast %lt3A_332 : i32 to vector<1x128xi32>
        %lt3A_334 = arith.cmpi slt, %sub3A_328, %lt3A_333 : vector<1x128xi32>
        %and3A_335 = arith.andi %ge3A_331, %lt3A_334 : vector<1x128xi1>
        %jit3A_336 = arith.constant 0 : i32
        %jit3A_337 = arith.constant 127 : i32
        %max3A_338 = vector.broadcast %jit3A_336 : i32 to vector<1x128xi32>
        %max3A_339 = arith.maxsi %max3A_338, %sub3A_328 : vector<1x128xi32>
        %min3A_340 = vector.broadcast %jit3A_337 : i32 to vector<1x128xi32>
        %min3A_341 = arith.minsi %min3A_340, %max3A_339 : vector<1x128xi32>
        %broadcast_in_dim3A_342 = vector.shape_cast %min3A_341 : vector<1x128xi32> to vector<1x128xi32>
        %broadcast_in_dim3A_343 = vector.broadcast %broadcast_in_dim3A_342 : vector<1x128xi32> to vector<16x128xi32>
        %slice3A_344 = vector.extract_strided_slice %transpose3A {offsets = [0, 384], sizes = [16, 128], strides = [1, 1]} : vector<16x1024xf32> to vector<16x128xf32>
        %lt3A_345 = arith.constant 0 : i32
        %lt3A_346 = vector.broadcast %lt3A_345 : i32 to vector<16x128xi32>
        %lt3A_347 = arith.cmpi slt, %broadcast_in_dim3A_343, %lt3A_346 : vector<16x128xi32>
        %add3A_348 = arith.constant 128 : i32
        %add3A_349 = vector.broadcast %add3A_348 : i32 to vector<16x128xi32>
        %add3A_350 = arith.addi %broadcast_in_dim3A_343, %add3A_349 : vector<16x128xi32>
        %select_n3A_351 = arith.select %lt3A_347, %add3A_350, %broadcast_in_dim3A_343 : vector<16x128xi1>, vector<16x128xi32>
        %reshape3A_352 = vector.shape_cast %select_n3A_351 : vector<16x128xi32> to vector<16x128x1xi32>
        %gather3A_353 = vector.shape_cast %reshape3A_352 : vector<16x128x1xi32> to vector<16x128xi32>
        %gather3A_354 = tpu.dynamic_gather %slice3A_344[%gather3A_353] in [1] : vector<16x128xf32>, vector<16x128xi32> -> vector<16x128xf32>
        %convert_element_type3A_355 = arith.extui %and3A_335 : vector<1x128xi1> to vector<1x128xi32>
        %convert_element_type3A_356 = arith.sitofp %convert_element_type3A_355 : vector<1x128xi32> to vector<1x128xf32>
        %mul3A_357 = vector.broadcast %convert_element_type3A_356 : vector<1x128xf32> to vector<16x128xf32>
        %mul3A_358 = arith.mulf %gather3A_354, %mul3A_357 : vector<16x128xf32>
        %add3A_359 = arith.addf %add3A_325, %mul3A_358 : vector<16x128xf32>
        %sub3A_360 = arith.constant 512 : i32
        %sub3A_361 = vector.broadcast %sub3A_360 : i32 to vector<1x128xi32>
        %sub3A_362 = arith.subi %slice3A_215, %sub3A_361 : vector<1x128xi32>
        %ge3A_363 = arith.constant 0 : i32
        %ge3A_364 = vector.broadcast %ge3A_363 : i32 to vector<1x128xi32>
        %ge3A_365 = arith.cmpi sge, %sub3A_362, %ge3A_364 : vector<1x128xi32>
        %lt3A_366 = arith.constant 128 : i32
        %lt3A_367 = vector.broadcast %lt3A_366 : i32 to vector<1x128xi32>
        %lt3A_368 = arith.cmpi slt, %sub3A_362, %lt3A_367 : vector<1x128xi32>
        %and3A_369 = arith.andi %ge3A_365, %lt3A_368 : vector<1x128xi1>
        %jit3A_370 = arith.constant 0 : i32
        %jit3A_371 = arith.constant 127 : i32
        %max3A_372 = vector.broadcast %jit3A_370 : i32 to vector<1x128xi32>
        %max3A_373 = arith.maxsi %max3A_372, %sub3A_362 : vector<1x128xi32>
        %min3A_374 = vector.broadcast %jit3A_371 : i32 to vector<1x128xi32>
        %min3A_375 = arith.minsi %min3A_374, %max3A_373 : vector<1x128xi32>
        %broadcast_in_dim3A_376 = vector.shape_cast %min3A_375 : vector<1x128xi32> to vector<1x128xi32>
        %broadcast_in_dim3A_377 = vector.broadcast %broadcast_in_dim3A_376 : vector<1x128xi32> to vector<16x128xi32>
        %slice3A_378 = vector.extract_strided_slice %transpose3A {offsets = [0, 512], sizes = [16, 128], strides = [1, 1]} : vector<16x1024xf32> to vector<16x128xf32>
        %lt3A_379 = arith.constant 0 : i32
        %lt3A_380 = vector.broadcast %lt3A_379 : i32 to vector<16x128xi32>
        %lt3A_381 = arith.cmpi slt, %broadcast_in_dim3A_377, %lt3A_380 : vector<16x128xi32>
        %add3A_382 = arith.constant 128 : i32
        %add3A_383 = vector.broadcast %add3A_382 : i32 to vector<16x128xi32>
        %add3A_384 = arith.addi %broadcast_in_dim3A_377, %add3A_383 : vector<16x128xi32>
        %select_n3A_385 = arith.select %lt3A_381, %add3A_384, %broadcast_in_dim3A_377 : vector<16x128xi1>, vector<16x128xi32>
        %reshape3A_386 = vector.shape_cast %select_n3A_385 : vector<16x128xi32> to vector<16x128x1xi32>
        %gather3A_387 = vector.shape_cast %reshape3A_386 : vector<16x128x1xi32> to vector<16x128xi32>
        %gather3A_388 = tpu.dynamic_gather %slice3A_378[%gather3A_387] in [1] : vector<16x128xf32>, vector<16x128xi32> -> vector<16x128xf32>
        %convert_element_type3A_389 = arith.extui %and3A_369 : vector<1x128xi1> to vector<1x128xi32>
        %convert_element_type3A_390 = arith.sitofp %convert_element_type3A_389 : vector<1x128xi32> to vector<1x128xf32>
        %mul3A_391 = vector.broadcast %convert_element_type3A_390 : vector<1x128xf32> to vector<16x128xf32>
        %mul3A_392 = arith.mulf %gather3A_388, %mul3A_391 : vector<16x128xf32>
        %add3A_393 = arith.addf %add3A_359, %mul3A_392 : vector<16x128xf32>
        %sub3A_394 = arith.constant 640 : i32
        %sub3A_395 = vector.broadcast %sub3A_394 : i32 to vector<1x128xi32>
        %sub3A_396 = arith.subi %slice3A_215, %sub3A_395 : vector<1x128xi32>
        %ge3A_397 = arith.constant 0 : i32
        %ge3A_398 = vector.broadcast %ge3A_397 : i32 to vector<1x128xi32>
        %ge3A_399 = arith.cmpi sge, %sub3A_396, %ge3A_398 : vector<1x128xi32>
        %lt3A_400 = arith.constant 128 : i32
        %lt3A_401 = vector.broadcast %lt3A_400 : i32 to vector<1x128xi32>
        %lt3A_402 = arith.cmpi slt, %sub3A_396, %lt3A_401 : vector<1x128xi32>
        %and3A_403 = arith.andi %ge3A_399, %lt3A_402 : vector<1x128xi1>
        %jit3A_404 = arith.constant 0 : i32
        %jit3A_405 = arith.constant 127 : i32
        %max3A_406 = vector.broadcast %jit3A_404 : i32 to vector<1x128xi32>
        %max3A_407 = arith.maxsi %max3A_406, %sub3A_396 : vector<1x128xi32>
        %min3A_408 = vector.broadcast %jit3A_405 : i32 to vector<1x128xi32>
        %min3A_409 = arith.minsi %min3A_408, %max3A_407 : vector<1x128xi32>
        %broadcast_in_dim3A_410 = vector.shape_cast %min3A_409 : vector<1x128xi32> to vector<1x128xi32>
        %broadcast_in_dim3A_411 = vector.broadcast %broadcast_in_dim3A_410 : vector<1x128xi32> to vector<16x128xi32>
        %slice3A_412 = vector.extract_strided_slice %transpose3A {offsets = [0, 640], sizes = [16, 128], strides = [1, 1]} : vector<16x1024xf32> to vector<16x128xf32>
        %lt3A_413 = arith.constant 0 : i32
        %lt3A_414 = vector.broadcast %lt3A_413 : i32 to vector<16x128xi32>
        %lt3A_415 = arith.cmpi slt, %broadcast_in_dim3A_411, %lt3A_414 : vector<16x128xi32>
        %add3A_416 = arith.constant 128 : i32
        %add3A_417 = vector.broadcast %add3A_416 : i32 to vector<16x128xi32>
        %add3A_418 = arith.addi %broadcast_in_dim3A_411, %add3A_417 : vector<16x128xi32>
        %select_n3A_419 = arith.select %lt3A_415, %add3A_418, %broadcast_in_dim3A_411 : vector<16x128xi1>, vector<16x128xi32>
        %reshape3A_420 = vector.shape_cast %select_n3A_419 : vector<16x128xi32> to vector<16x128x1xi32>
        %gather3A_421 = vector.shape_cast %reshape3A_420 : vector<16x128x1xi32> to vector<16x128xi32>
        %gather3A_422 = tpu.dynamic_gather %slice3A_412[%gather3A_421] in [1] : vector<16x128xf32>, vector<16x128xi32> -> vector<16x128xf32>
        %convert_element_type3A_423 = arith.extui %and3A_403 : vector<1x128xi1> to vector<1x128xi32>
        %convert_element_type3A_424 = arith.sitofp %convert_element_type3A_423 : vector<1x128xi32> to vector<1x128xf32>
        %mul3A_425 = vector.broadcast %convert_element_type3A_424 : vector<1x128xf32> to vector<16x128xf32>
        %mul3A_426 = arith.mulf %gather3A_422, %mul3A_425 : vector<16x128xf32>
        %add3A_427 = arith.addf %add3A_393, %mul3A_426 : vector<16x128xf32>
        %sub3A_428 = arith.constant 768 : i32
        %sub3A_429 = vector.broadcast %sub3A_428 : i32 to vector<1x128xi32>
        %sub3A_430 = arith.subi %slice3A_215, %sub3A_429 : vector<1x128xi32>
        %ge3A_431 = arith.constant 0 : i32
        %ge3A_432 = vector.broadcast %ge3A_431 : i32 to vector<1x128xi32>
        %ge3A_433 = arith.cmpi sge, %sub3A_430, %ge3A_432 : vector<1x128xi32>
        %lt3A_434 = arith.constant 128 : i32
        %lt3A_435 = vector.broadcast %lt3A_434 : i32 to vector<1x128xi32>
        %lt3A_436 = arith.cmpi slt, %sub3A_430, %lt3A_435 : vector<1x128xi32>
        %and3A_437 = arith.andi %ge3A_433, %lt3A_436 : vector<1x128xi1>
        %jit3A_438 = arith.constant 0 : i32
        %jit3A_439 = arith.constant 127 : i32
        %max3A_440 = vector.broadcast %jit3A_438 : i32 to vector<1x128xi32>
        %max3A_441 = arith.maxsi %max3A_440, %sub3A_430 : vector<1x128xi32>
        %min3A_442 = vector.broadcast %jit3A_439 : i32 to vector<1x128xi32>
        %min3A_443 = arith.minsi %min3A_442, %max3A_441 : vector<1x128xi32>
        %broadcast_in_dim3A_444 = vector.shape_cast %min3A_443 : vector<1x128xi32> to vector<1x128xi32>
        %broadcast_in_dim3A_445 = vector.broadcast %broadcast_in_dim3A_444 : vector<1x128xi32> to vector<16x128xi32>
        %slice3A_446 = vector.extract_strided_slice %transpose3A {offsets = [0, 768], sizes = [16, 128], strides = [1, 1]} : vector<16x1024xf32> to vector<16x128xf32>
        %lt3A_447 = arith.constant 0 : i32
        %lt3A_448 = vector.broadcast %lt3A_447 : i32 to vector<16x128xi32>
        %lt3A_449 = arith.cmpi slt, %broadcast_in_dim3A_445, %lt3A_448 : vector<16x128xi32>
        %add3A_450 = arith.constant 128 : i32
        %add3A_451 = vector.broadcast %add3A_450 : i32 to vector<16x128xi32>
        %add3A_452 = arith.addi %broadcast_in_dim3A_445, %add3A_451 : vector<16x128xi32>
        %select_n3A_453 = arith.select %lt3A_449, %add3A_452, %broadcast_in_dim3A_445 : vector<16x128xi1>, vector<16x128xi32>
        %reshape3A_454 = vector.shape_cast %select_n3A_453 : vector<16x128xi32> to vector<16x128x1xi32>
        %gather3A_455 = vector.shape_cast %reshape3A_454 : vector<16x128x1xi32> to vector<16x128xi32>
        %gather3A_456 = tpu.dynamic_gather %slice3A_446[%gather3A_455] in [1] : vector<16x128xf32>, vector<16x128xi32> -> vector<16x128xf32>
        %convert_element_type3A_457 = arith.extui %and3A_437 : vector<1x128xi1> to vector<1x128xi32>
        %convert_element_type3A_458 = arith.sitofp %convert_element_type3A_457 : vector<1x128xi32> to vector<1x128xf32>
        %mul3A_459 = vector.broadcast %convert_element_type3A_458 : vector<1x128xf32> to vector<16x128xf32>
        %mul3A_460 = arith.mulf %gather3A_456, %mul3A_459 : vector<16x128xf32>
        %add3A_461 = arith.addf %add3A_427, %mul3A_460 : vector<16x128xf32>
        %sub3A_462 = arith.constant 896 : i32
        %sub3A_463 = vector.broadcast %sub3A_462 : i32 to vector<1x128xi32>
        %sub3A_464 = arith.subi %slice3A_215, %sub3A_463 : vector<1x128xi32>
        %ge3A_465 = arith.constant 0 : i32
        %ge3A_466 = vector.broadcast %ge3A_465 : i32 to vector<1x128xi32>
        %ge3A_467 = arith.cmpi sge, %sub3A_464, %ge3A_466 : vector<1x128xi32>
        %lt3A_468 = arith.constant 128 : i32
        %lt3A_469 = vector.broadcast %lt3A_468 : i32 to vector<1x128xi32>
        %lt3A_470 = arith.cmpi slt, %sub3A_464, %lt3A_469 : vector<1x128xi32>
        %and3A_471 = arith.andi %ge3A_467, %lt3A_470 : vector<1x128xi1>
        %jit3A_472 = arith.constant 0 : i32
        %jit3A_473 = arith.constant 127 : i32
        %max3A_474 = vector.broadcast %jit3A_472 : i32 to vector<1x128xi32>
        %max3A_475 = arith.maxsi %max3A_474, %sub3A_464 : vector<1x128xi32>
        %min3A_476 = vector.broadcast %jit3A_473 : i32 to vector<1x128xi32>
        %min3A_477 = arith.minsi %min3A_476, %max3A_475 : vector<1x128xi32>
        %broadcast_in_dim3A_478 = vector.shape_cast %min3A_477 : vector<1x128xi32> to vector<1x128xi32>
        %broadcast_in_dim3A_479 = vector.broadcast %broadcast_in_dim3A_478 : vector<1x128xi32> to vector<16x128xi32>
        %slice3A_480 = vector.extract_strided_slice %transpose3A {offsets = [0, 896], sizes = [16, 128], strides = [1, 1]} : vector<16x1024xf32> to vector<16x128xf32>
        %lt3A_481 = arith.constant 0 : i32
        %lt3A_482 = vector.broadcast %lt3A_481 : i32 to vector<16x128xi32>
        %lt3A_483 = arith.cmpi slt, %broadcast_in_dim3A_479, %lt3A_482 : vector<16x128xi32>
        %add3A_484 = arith.constant 128 : i32
        %add3A_485 = vector.broadcast %add3A_484 : i32 to vector<16x128xi32>
        %add3A_486 = arith.addi %broadcast_in_dim3A_479, %add3A_485 : vector<16x128xi32>
        %select_n3A_487 = arith.select %lt3A_483, %add3A_486, %broadcast_in_dim3A_479 : vector<16x128xi1>, vector<16x128xi32>
        %reshape3A_488 = vector.shape_cast %select_n3A_487 : vector<16x128xi32> to vector<16x128x1xi32>
        %gather3A_489 = vector.shape_cast %reshape3A_488 : vector<16x128x1xi32> to vector<16x128xi32>
        %gather3A_490 = tpu.dynamic_gather %slice3A_480[%gather3A_489] in [1] : vector<16x128xf32>, vector<16x128xi32> -> vector<16x128xf32>
        %convert_element_type3A_491 = arith.extui %and3A_471 : vector<1x128xi1> to vector<1x128xi32>
        %convert_element_type3A_492 = arith.sitofp %convert_element_type3A_491 : vector<1x128xi32> to vector<1x128xf32>
        %mul3A_493 = vector.broadcast %convert_element_type3A_492 : vector<1x128xf32> to vector<16x128xf32>
        %mul3A_494 = arith.mulf %gather3A_490, %mul3A_493 : vector<16x128xf32>
        %add3A_495 = arith.addf %add3A_461, %mul3A_494 : vector<16x128xf32>
        %mul3A_496 = vector.broadcast %slice3A_219 : vector<1x128xf32> to vector<16x128xf32>
        %mul3A_497 = arith.mulf %add3A_495, %mul3A_496 : vector<16x128xf32>
        %add3A_498 = arith.addf %while3A_210, %while3A_211 : vector<16x128xf32>
        %broadcast_in_dim3A_499 = vector.shape_cast %gt3A_225 : vector<1x128xi1> to vector<1x128xi1>
        %broadcast_in_dim3A_500 = vector.broadcast %broadcast_in_dim3A_499 : vector<1x128xi1> to vector<16x128xi1>
        %select_n3A_501 = arith.select %broadcast_in_dim3A_500, %add3A_498, %while3A_210 : vector<16x128xi1>, vector<16x128xf32>
        %add3A_502 = arith.addf %while3A_211, %mul3A_497 : vector<16x128xf32>
        %broadcast_in_dim3A_503 = vector.shape_cast %gt3A_225 : vector<1x128xi1> to vector<1x128xi1>
        %broadcast_in_dim3A_504 = vector.broadcast %broadcast_in_dim3A_503 : vector<1x128xi1> to vector<16x128xi1>
        %select_n3A_505 = arith.select %broadcast_in_dim3A_504, %mul3A_497, %add3A_502 : vector<16x128xi1>, vector<16x128xf32>
        scf.yield %select_n3A_501, %select_n3A_505 : vector<16x128xf32>, vector<16x128xf32>
      }
      %slice3A_83 = vector.extract_strided_slice %while3A_71#0 {offsets = [0, 128], sizes = [16, 896], strides = [1, 1]} : vector<16x1024xf32> to vector<16x896xf32>
      %concatenate3A = tpu.concatenate %while3A_82#0, %slice3A_83 in 1 : vector<16x128xf32>, vector<16x896xf32> -> vector<16x1024xf32>
      %slice3A_84 = vector.extract_strided_slice %while3A_71#1 {offsets = [0, 128], sizes = [16, 896], strides = [1, 1]} : vector<16x1024xf32> to vector<16x896xf32>
      %concatenate3A_85 = tpu.concatenate %while3A_82#1, %slice3A_84 in 1 : vector<16x128xf32>, vector<16x896xf32> -> vector<16x1024xf32>
      %add3A_86 = arith.addf %concatenate3A, %concatenate3A_85 : vector<16x1024xf32>
      %transpose3A_87 = tpu.transpose %add3A_86, [1, 0] : vector<16x1024xf32> -> vector<1024x16xf32>
      %tanh3A = math.tanh %transpose3A_87 : vector<1024x16xf32>
      %dot_general3A_88 = arith.constant dense<0.000000e+00> : vector<1024x16xf32>
      %dot_general3A_89 = tpu.matmul %tanh3A, %get3A_26, %dot_general3A_88 {dimension_numbers = #tpu.dot_dimension_numbers<[1], [0], [0], [1], [0, 0, 1, 1], [], []>, transpose_lhs_hint = false} : vector<1024x16xf32>, vector<16x16xf32>, vector<1024x16xf32> -> vector<1024x16xf32>
      %add3A_90 = vector.broadcast %get3A_29 : vector<1x16xf32> to vector<1024x16xf32>
      %add3A_91 = arith.addf %dot_general3A_89, %add3A_90 : vector<1024x16xf32>
      %transpose3A_92 = tpu.transpose %add3A_91, [1, 0] : vector<1024x16xf32> -> vector<16x1024xf32>
      %mul3A_93 = arith.constant 0.000000e+00 : f32
      %mul3A_94 = vector.broadcast %mul3A_93 : f32 to vector<16x1024xf32>
      %mul3A_95 = arith.mulf %transpose3A_92, %mul3A_94 : vector<16x1024xf32>
      %mul3A_96 = vector.broadcast %get3A_1 : vector<1x1024xf32> to vector<16x1024xf32>
      %mul3A_97 = arith.mulf %transpose3A_92, %mul3A_96 : vector<16x1024xf32>
      %min3A_98 = arith.minsi %get3A_5, %get3A_9 : i32
      %while3A_99 = arith.constant 0 : i32
      %while3A_100 = arith.subi %min3A_98, %while3A_99 : i32
      %while3A_101 = arith.addi %while3A_99, %while3A_100 : i32
      %while3A_102 = arith.constant 1 : i32
      %while3A_103 = arith.divsi %while3A_100, %while3A_102 : i32
      %while3A_104 = arith.muli %while3A_103, %while3A_102 : i32
      %while3A_105 = arith.addi %while3A_99, %while3A_104 : i32
      %while3A_106 = arith.constant 1 : i32
      %while3A_107:2 = scf.for %while3A_209 = %while3A_99 to %while3A_105 step %while3A_106 iter_args(%while3A_210 = %mul3A_97, %while3A_211 = %mul3A_95) -> (vector<16x1024xf32>, vector<16x1024xf32>)  : i32 {
        %get3A_212 = arith.index_cast %while3A_209 : i32 to index
        %get3A_213 = arith.constant 0 : index
        %get3A_214 = vector.load %arg2[%get3A_212, %get3A_213] : memref<512x1024xi32, #tpu.memory_space<vmem>>, vector<1x1024xi32>
        %slice3A_215 = vector.extract_strided_slice %get3A_214 {offsets = [0, 0], sizes = [1, 1024], strides = [1, 1]} : vector<1x1024xi32> to vector<1x1024xi32>
        %get3A_216 = arith.index_cast %while3A_209 : i32 to index
        %get3A_217 = arith.constant 0 : index
        %get3A_218 = vector.load %arg3[%get3A_216, %get3A_217] : memref<512x1024xf32, #tpu.memory_space<vmem>>, vector<1x1024xf32>
        %slice3A_219 = vector.extract_strided_slice %get3A_218 {offsets = [0, 0], sizes = [1, 1024], strides = [1, 1]} : vector<1x1024xf32> to vector<1x1024xf32>
        %get3A_220 = arith.index_cast %while3A_209 : i32 to index
        %get3A_221 = arith.constant 0 : index
        %get3A_222 = vector.load %arg4[%get3A_220, %get3A_221] : memref<512x1024xf32, #tpu.memory_space<vmem>>, vector<1x1024xf32>
        %slice3A_223 = vector.extract_strided_slice %get3A_222 {offsets = [0, 0], sizes = [1, 1024], strides = [1, 1]} : vector<1x1024xf32> to vector<1x1024xf32>
        %gt3A = arith.constant 5.000000e-01 : f32
        %gt3A_224 = vector.broadcast %gt3A : f32 to vector<1x1024xf32>
        %gt3A_225 = arith.cmpf ogt, %slice3A_223, %gt3A_224 : vector<1x1024xf32>
        %mul3A_226 = arith.constant 0.000000e+00 : f32
        %mul3A_227 = vector.broadcast %mul3A_226 : f32 to vector<16x1024xf32>
        %mul3A_228 = arith.mulf %while3A_210, %mul3A_227 : vector<16x1024xf32>
        %sub3A = arith.constant 0 : i32
        %sub3A_229 = vector.broadcast %sub3A : i32 to vector<1x1024xi32>
        %sub3A_230 = arith.subi %slice3A_215, %sub3A_229 : vector<1x1024xi32>
        %ge3A_231 = arith.constant 0 : i32
        %ge3A_232 = vector.broadcast %ge3A_231 : i32 to vector<1x1024xi32>
        %ge3A_233 = arith.cmpi sge, %sub3A_230, %ge3A_232 : vector<1x1024xi32>
        %lt3A = arith.constant 128 : i32
        %lt3A_234 = vector.broadcast %lt3A : i32 to vector<1x1024xi32>
        %lt3A_235 = arith.cmpi slt, %sub3A_230, %lt3A_234 : vector<1x1024xi32>
        %and3A_236 = arith.andi %ge3A_233, %lt3A_235 : vector<1x1024xi1>
        %jit3A_237 = arith.constant 0 : i32
        %jit3A_238 = arith.constant 127 : i32
        %max3A_239 = vector.broadcast %jit3A_237 : i32 to vector<1x1024xi32>
        %max3A_240 = arith.maxsi %max3A_239, %sub3A_230 : vector<1x1024xi32>
        %min3A_241 = vector.broadcast %jit3A_238 : i32 to vector<1x1024xi32>
        %min3A_242 = arith.minsi %min3A_241, %max3A_240 : vector<1x1024xi32>
        %broadcast_in_dim3A_243 = vector.shape_cast %min3A_242 : vector<1x1024xi32> to vector<1x1024xi32>
        %broadcast_in_dim3A_244 = vector.broadcast %broadcast_in_dim3A_243 : vector<1x1024xi32> to vector<16x1024xi32>
        %slice3A_245 = vector.extract_strided_slice %transpose3A_92 {offsets = [0, 0], sizes = [16, 128], strides = [1, 1]} : vector<16x1024xf32> to vector<16x128xf32>
        %lt3A_246 = arith.constant 0 : i32
        %lt3A_247 = vector.broadcast %lt3A_246 : i32 to vector<16x1024xi32>
        %lt3A_248 = arith.cmpi slt, %broadcast_in_dim3A_244, %lt3A_247 : vector<16x1024xi32>
        %add3A_249 = arith.constant 128 : i32
        %add3A_250 = vector.broadcast %add3A_249 : i32 to vector<16x1024xi32>
        %add3A_251 = arith.addi %broadcast_in_dim3A_244, %add3A_250 : vector<16x1024xi32>
        %select_n3A_252 = arith.select %lt3A_248, %add3A_251, %broadcast_in_dim3A_244 : vector<16x1024xi1>, vector<16x1024xi32>
        %reshape3A = vector.shape_cast %select_n3A_252 : vector<16x1024xi32> to vector<16x1024x1xi32>
        %gather3A = vector.shape_cast %reshape3A : vector<16x1024x1xi32> to vector<16x1024xi32>
        %gather3A_253 = tpu.dynamic_gather %slice3A_245[%gather3A] in [1] : vector<16x128xf32>, vector<16x1024xi32> -> vector<16x1024xf32>
        %convert_element_type3A = arith.extui %and3A_236 : vector<1x1024xi1> to vector<1x1024xi32>
        %convert_element_type3A_254 = arith.sitofp %convert_element_type3A : vector<1x1024xi32> to vector<1x1024xf32>
        %mul3A_255 = vector.broadcast %convert_element_type3A_254 : vector<1x1024xf32> to vector<16x1024xf32>
        %mul3A_256 = arith.mulf %gather3A_253, %mul3A_255 : vector<16x1024xf32>
        %add3A_257 = arith.addf %mul3A_228, %mul3A_256 : vector<16x1024xf32>
        %sub3A_258 = arith.constant 128 : i32
        %sub3A_259 = vector.broadcast %sub3A_258 : i32 to vector<1x1024xi32>
        %sub3A_260 = arith.subi %slice3A_215, %sub3A_259 : vector<1x1024xi32>
        %ge3A_261 = arith.constant 0 : i32
        %ge3A_262 = vector.broadcast %ge3A_261 : i32 to vector<1x1024xi32>
        %ge3A_263 = arith.cmpi sge, %sub3A_260, %ge3A_262 : vector<1x1024xi32>
        %lt3A_264 = arith.constant 128 : i32
        %lt3A_265 = vector.broadcast %lt3A_264 : i32 to vector<1x1024xi32>
        %lt3A_266 = arith.cmpi slt, %sub3A_260, %lt3A_265 : vector<1x1024xi32>
        %and3A_267 = arith.andi %ge3A_263, %lt3A_266 : vector<1x1024xi1>
        %jit3A_268 = arith.constant 0 : i32
        %jit3A_269 = arith.constant 127 : i32
        %max3A_270 = vector.broadcast %jit3A_268 : i32 to vector<1x1024xi32>
        %max3A_271 = arith.maxsi %max3A_270, %sub3A_260 : vector<1x1024xi32>
        %min3A_272 = vector.broadcast %jit3A_269 : i32 to vector<1x1024xi32>
        %min3A_273 = arith.minsi %min3A_272, %max3A_271 : vector<1x1024xi32>
        %broadcast_in_dim3A_274 = vector.shape_cast %min3A_273 : vector<1x1024xi32> to vector<1x1024xi32>
        %broadcast_in_dim3A_275 = vector.broadcast %broadcast_in_dim3A_274 : vector<1x1024xi32> to vector<16x1024xi32>
        %slice3A_276 = vector.extract_strided_slice %transpose3A_92 {offsets = [0, 128], sizes = [16, 128], strides = [1, 1]} : vector<16x1024xf32> to vector<16x128xf32>
        %lt3A_277 = arith.constant 0 : i32
        %lt3A_278 = vector.broadcast %lt3A_277 : i32 to vector<16x1024xi32>
        %lt3A_279 = arith.cmpi slt, %broadcast_in_dim3A_275, %lt3A_278 : vector<16x1024xi32>
        %add3A_280 = arith.constant 128 : i32
        %add3A_281 = vector.broadcast %add3A_280 : i32 to vector<16x1024xi32>
        %add3A_282 = arith.addi %broadcast_in_dim3A_275, %add3A_281 : vector<16x1024xi32>
        %select_n3A_283 = arith.select %lt3A_279, %add3A_282, %broadcast_in_dim3A_275 : vector<16x1024xi1>, vector<16x1024xi32>
        %reshape3A_284 = vector.shape_cast %select_n3A_283 : vector<16x1024xi32> to vector<16x1024x1xi32>
        %gather3A_285 = vector.shape_cast %reshape3A_284 : vector<16x1024x1xi32> to vector<16x1024xi32>
        %gather3A_286 = tpu.dynamic_gather %slice3A_276[%gather3A_285] in [1] : vector<16x128xf32>, vector<16x1024xi32> -> vector<16x1024xf32>
        %convert_element_type3A_287 = arith.extui %and3A_267 : vector<1x1024xi1> to vector<1x1024xi32>
        %convert_element_type3A_288 = arith.sitofp %convert_element_type3A_287 : vector<1x1024xi32> to vector<1x1024xf32>
        %mul3A_289 = vector.broadcast %convert_element_type3A_288 : vector<1x1024xf32> to vector<16x1024xf32>
        %mul3A_290 = arith.mulf %gather3A_286, %mul3A_289 : vector<16x1024xf32>
        %add3A_291 = arith.addf %add3A_257, %mul3A_290 : vector<16x1024xf32>
        %sub3A_292 = arith.constant 256 : i32
        %sub3A_293 = vector.broadcast %sub3A_292 : i32 to vector<1x1024xi32>
        %sub3A_294 = arith.subi %slice3A_215, %sub3A_293 : vector<1x1024xi32>
        %ge3A_295 = arith.constant 0 : i32
        %ge3A_296 = vector.broadcast %ge3A_295 : i32 to vector<1x1024xi32>
        %ge3A_297 = arith.cmpi sge, %sub3A_294, %ge3A_296 : vector<1x1024xi32>
        %lt3A_298 = arith.constant 128 : i32
        %lt3A_299 = vector.broadcast %lt3A_298 : i32 to vector<1x1024xi32>
        %lt3A_300 = arith.cmpi slt, %sub3A_294, %lt3A_299 : vector<1x1024xi32>
        %and3A_301 = arith.andi %ge3A_297, %lt3A_300 : vector<1x1024xi1>
        %jit3A_302 = arith.constant 0 : i32
        %jit3A_303 = arith.constant 127 : i32
        %max3A_304 = vector.broadcast %jit3A_302 : i32 to vector<1x1024xi32>
        %max3A_305 = arith.maxsi %max3A_304, %sub3A_294 : vector<1x1024xi32>
        %min3A_306 = vector.broadcast %jit3A_303 : i32 to vector<1x1024xi32>
        %min3A_307 = arith.minsi %min3A_306, %max3A_305 : vector<1x1024xi32>
        %broadcast_in_dim3A_308 = vector.shape_cast %min3A_307 : vector<1x1024xi32> to vector<1x1024xi32>
        %broadcast_in_dim3A_309 = vector.broadcast %broadcast_in_dim3A_308 : vector<1x1024xi32> to vector<16x1024xi32>
        %slice3A_310 = vector.extract_strided_slice %transpose3A_92 {offsets = [0, 256], sizes = [16, 128], strides = [1, 1]} : vector<16x1024xf32> to vector<16x128xf32>
        %lt3A_311 = arith.constant 0 : i32
        %lt3A_312 = vector.broadcast %lt3A_311 : i32 to vector<16x1024xi32>
        %lt3A_313 = arith.cmpi slt, %broadcast_in_dim3A_309, %lt3A_312 : vector<16x1024xi32>
        %add3A_314 = arith.constant 128 : i32
        %add3A_315 = vector.broadcast %add3A_314 : i32 to vector<16x1024xi32>
        %add3A_316 = arith.addi %broadcast_in_dim3A_309, %add3A_315 : vector<16x1024xi32>
        %select_n3A_317 = arith.select %lt3A_313, %add3A_316, %broadcast_in_dim3A_309 : vector<16x1024xi1>, vector<16x1024xi32>
        %reshape3A_318 = vector.shape_cast %select_n3A_317 : vector<16x1024xi32> to vector<16x1024x1xi32>
        %gather3A_319 = vector.shape_cast %reshape3A_318 : vector<16x1024x1xi32> to vector<16x1024xi32>
        %gather3A_320 = tpu.dynamic_gather %slice3A_310[%gather3A_319] in [1] : vector<16x128xf32>, vector<16x1024xi32> -> vector<16x1024xf32>
        %convert_element_type3A_321 = arith.extui %and3A_301 : vector<1x1024xi1> to vector<1x1024xi32>
        %convert_element_type3A_322 = arith.sitofp %convert_element_type3A_321 : vector<1x1024xi32> to vector<1x1024xf32>
        %mul3A_323 = vector.broadcast %convert_element_type3A_322 : vector<1x1024xf32> to vector<16x1024xf32>
        %mul3A_324 = arith.mulf %gather3A_320, %mul3A_323 : vector<16x1024xf32>
        %add3A_325 = arith.addf %add3A_291, %mul3A_324 : vector<16x1024xf32>
        %sub3A_326 = arith.constant 384 : i32
        %sub3A_327 = vector.broadcast %sub3A_326 : i32 to vector<1x1024xi32>
        %sub3A_328 = arith.subi %slice3A_215, %sub3A_327 : vector<1x1024xi32>
        %ge3A_329 = arith.constant 0 : i32
        %ge3A_330 = vector.broadcast %ge3A_329 : i32 to vector<1x1024xi32>
        %ge3A_331 = arith.cmpi sge, %sub3A_328, %ge3A_330 : vector<1x1024xi32>
        %lt3A_332 = arith.constant 128 : i32
        %lt3A_333 = vector.broadcast %lt3A_332 : i32 to vector<1x1024xi32>
        %lt3A_334 = arith.cmpi slt, %sub3A_328, %lt3A_333 : vector<1x1024xi32>
        %and3A_335 = arith.andi %ge3A_331, %lt3A_334 : vector<1x1024xi1>
        %jit3A_336 = arith.constant 0 : i32
        %jit3A_337 = arith.constant 127 : i32
        %max3A_338 = vector.broadcast %jit3A_336 : i32 to vector<1x1024xi32>
        %max3A_339 = arith.maxsi %max3A_338, %sub3A_328 : vector<1x1024xi32>
        %min3A_340 = vector.broadcast %jit3A_337 : i32 to vector<1x1024xi32>
        %min3A_341 = arith.minsi %min3A_340, %max3A_339 : vector<1x1024xi32>
        %broadcast_in_dim3A_342 = vector.shape_cast %min3A_341 : vector<1x1024xi32> to vector<1x1024xi32>
        %broadcast_in_dim3A_343 = vector.broadcast %broadcast_in_dim3A_342 : vector<1x1024xi32> to vector<16x1024xi32>
        %slice3A_344 = vector.extract_strided_slice %transpose3A_92 {offsets = [0, 384], sizes = [16, 128], strides = [1, 1]} : vector<16x1024xf32> to vector<16x128xf32>
        %lt3A_345 = arith.constant 0 : i32
        %lt3A_346 = vector.broadcast %lt3A_345 : i32 to vector<16x1024xi32>
        %lt3A_347 = arith.cmpi slt, %broadcast_in_dim3A_343, %lt3A_346 : vector<16x1024xi32>
        %add3A_348 = arith.constant 128 : i32
        %add3A_349 = vector.broadcast %add3A_348 : i32 to vector<16x1024xi32>
        %add3A_350 = arith.addi %broadcast_in_dim3A_343, %add3A_349 : vector<16x1024xi32>
        %select_n3A_351 = arith.select %lt3A_347, %add3A_350, %broadcast_in_dim3A_343 : vector<16x1024xi1>, vector<16x1024xi32>
        %reshape3A_352 = vector.shape_cast %select_n3A_351 : vector<16x1024xi32> to vector<16x1024x1xi32>
        %gather3A_353 = vector.shape_cast %reshape3A_352 : vector<16x1024x1xi32> to vector<16x1024xi32>
        %gather3A_354 = tpu.dynamic_gather %slice3A_344[%gather3A_353] in [1] : vector<16x128xf32>, vector<16x1024xi32> -> vector<16x1024xf32>
        %convert_element_type3A_355 = arith.extui %and3A_335 : vector<1x1024xi1> to vector<1x1024xi32>
        %convert_element_type3A_356 = arith.sitofp %convert_element_type3A_355 : vector<1x1024xi32> to vector<1x1024xf32>
        %mul3A_357 = vector.broadcast %convert_element_type3A_356 : vector<1x1024xf32> to vector<16x1024xf32>
        %mul3A_358 = arith.mulf %gather3A_354, %mul3A_357 : vector<16x1024xf32>
        %add3A_359 = arith.addf %add3A_325, %mul3A_358 : vector<16x1024xf32>
        %sub3A_360 = arith.constant 512 : i32
        %sub3A_361 = vector.broadcast %sub3A_360 : i32 to vector<1x1024xi32>
        %sub3A_362 = arith.subi %slice3A_215, %sub3A_361 : vector<1x1024xi32>
        %ge3A_363 = arith.constant 0 : i32
        %ge3A_364 = vector.broadcast %ge3A_363 : i32 to vector<1x1024xi32>
        %ge3A_365 = arith.cmpi sge, %sub3A_362, %ge3A_364 : vector<1x1024xi32>
        %lt3A_366 = arith.constant 128 : i32
        %lt3A_367 = vector.broadcast %lt3A_366 : i32 to vector<1x1024xi32>
        %lt3A_368 = arith.cmpi slt, %sub3A_362, %lt3A_367 : vector<1x1024xi32>
        %and3A_369 = arith.andi %ge3A_365, %lt3A_368 : vector<1x1024xi1>
        %jit3A_370 = arith.constant 0 : i32
        %jit3A_371 = arith.constant 127 : i32
        %max3A_372 = vector.broadcast %jit3A_370 : i32 to vector<1x1024xi32>
        %max3A_373 = arith.maxsi %max3A_372, %sub3A_362 : vector<1x1024xi32>
        %min3A_374 = vector.broadcast %jit3A_371 : i32 to vector<1x1024xi32>
        %min3A_375 = arith.minsi %min3A_374, %max3A_373 : vector<1x1024xi32>
        %broadcast_in_dim3A_376 = vector.shape_cast %min3A_375 : vector<1x1024xi32> to vector<1x1024xi32>
        %broadcast_in_dim3A_377 = vector.broadcast %broadcast_in_dim3A_376 : vector<1x1024xi32> to vector<16x1024xi32>
        %slice3A_378 = vector.extract_strided_slice %transpose3A_92 {offsets = [0, 512], sizes = [16, 128], strides = [1, 1]} : vector<16x1024xf32> to vector<16x128xf32>
        %lt3A_379 = arith.constant 0 : i32
        %lt3A_380 = vector.broadcast %lt3A_379 : i32 to vector<16x1024xi32>
        %lt3A_381 = arith.cmpi slt, %broadcast_in_dim3A_377, %lt3A_380 : vector<16x1024xi32>
        %add3A_382 = arith.constant 128 : i32
        %add3A_383 = vector.broadcast %add3A_382 : i32 to vector<16x1024xi32>
        %add3A_384 = arith.addi %broadcast_in_dim3A_377, %add3A_383 : vector<16x1024xi32>
        %select_n3A_385 = arith.select %lt3A_381, %add3A_384, %broadcast_in_dim3A_377 : vector<16x1024xi1>, vector<16x1024xi32>
        %reshape3A_386 = vector.shape_cast %select_n3A_385 : vector<16x1024xi32> to vector<16x1024x1xi32>
        %gather3A_387 = vector.shape_cast %reshape3A_386 : vector<16x1024x1xi32> to vector<16x1024xi32>
        %gather3A_388 = tpu.dynamic_gather %slice3A_378[%gather3A_387] in [1] : vector<16x128xf32>, vector<16x1024xi32> -> vector<16x1024xf32>
        %convert_element_type3A_389 = arith.extui %and3A_369 : vector<1x1024xi1> to vector<1x1024xi32>
        %convert_element_type3A_390 = arith.sitofp %convert_element_type3A_389 : vector<1x1024xi32> to vector<1x1024xf32>
        %mul3A_391 = vector.broadcast %convert_element_type3A_390 : vector<1x1024xf32> to vector<16x1024xf32>
        %mul3A_392 = arith.mulf %gather3A_388, %mul3A_391 : vector<16x1024xf32>
        %add3A_393 = arith.addf %add3A_359, %mul3A_392 : vector<16x1024xf32>
        %sub3A_394 = arith.constant 640 : i32
        %sub3A_395 = vector.broadcast %sub3A_394 : i32 to vector<1x1024xi32>
        %sub3A_396 = arith.subi %slice3A_215, %sub3A_395 : vector<1x1024xi32>
        %ge3A_397 = arith.constant 0 : i32
        %ge3A_398 = vector.broadcast %ge3A_397 : i32 to vector<1x1024xi32>
        %ge3A_399 = arith.cmpi sge, %sub3A_396, %ge3A_398 : vector<1x1024xi32>
        %lt3A_400 = arith.constant 128 : i32
        %lt3A_401 = vector.broadcast %lt3A_400 : i32 to vector<1x1024xi32>
        %lt3A_402 = arith.cmpi slt, %sub3A_396, %lt3A_401 : vector<1x1024xi32>
        %and3A_403 = arith.andi %ge3A_399, %lt3A_402 : vector<1x1024xi1>
        %jit3A_404 = arith.constant 0 : i32
        %jit3A_405 = arith.constant 127 : i32
        %max3A_406 = vector.broadcast %jit3A_404 : i32 to vector<1x1024xi32>
        %max3A_407 = arith.maxsi %max3A_406, %sub3A_396 : vector<1x1024xi32>
        %min3A_408 = vector.broadcast %jit3A_405 : i32 to vector<1x1024xi32>
        %min3A_409 = arith.minsi %min3A_408, %max3A_407 : vector<1x1024xi32>
        %broadcast_in_dim3A_410 = vector.shape_cast %min3A_409 : vector<1x1024xi32> to vector<1x1024xi32>
        %broadcast_in_dim3A_411 = vector.broadcast %broadcast_in_dim3A_410 : vector<1x1024xi32> to vector<16x1024xi32>
        %slice3A_412 = vector.extract_strided_slice %transpose3A_92 {offsets = [0, 640], sizes = [16, 128], strides = [1, 1]} : vector<16x1024xf32> to vector<16x128xf32>
        %lt3A_413 = arith.constant 0 : i32
        %lt3A_414 = vector.broadcast %lt3A_413 : i32 to vector<16x1024xi32>
        %lt3A_415 = arith.cmpi slt, %broadcast_in_dim3A_411, %lt3A_414 : vector<16x1024xi32>
        %add3A_416 = arith.constant 128 : i32
        %add3A_417 = vector.broadcast %add3A_416 : i32 to vector<16x1024xi32>
        %add3A_418 = arith.addi %broadcast_in_dim3A_411, %add3A_417 : vector<16x1024xi32>
        %select_n3A_419 = arith.select %lt3A_415, %add3A_418, %broadcast_in_dim3A_411 : vector<16x1024xi1>, vector<16x1024xi32>
        %reshape3A_420 = vector.shape_cast %select_n3A_419 : vector<16x1024xi32> to vector<16x1024x1xi32>
        %gather3A_421 = vector.shape_cast %reshape3A_420 : vector<16x1024x1xi32> to vector<16x1024xi32>
        %gather3A_422 = tpu.dynamic_gather %slice3A_412[%gather3A_421] in [1] : vector<16x128xf32>, vector<16x1024xi32> -> vector<16x1024xf32>
        %convert_element_type3A_423 = arith.extui %and3A_403 : vector<1x1024xi1> to vector<1x1024xi32>
        %convert_element_type3A_424 = arith.sitofp %convert_element_type3A_423 : vector<1x1024xi32> to vector<1x1024xf32>
        %mul3A_425 = vector.broadcast %convert_element_type3A_424 : vector<1x1024xf32> to vector<16x1024xf32>
        %mul3A_426 = arith.mulf %gather3A_422, %mul3A_425 : vector<16x1024xf32>
        %add3A_427 = arith.addf %add3A_393, %mul3A_426 : vector<16x1024xf32>
        %sub3A_428 = arith.constant 768 : i32
        %sub3A_429 = vector.broadcast %sub3A_428 : i32 to vector<1x1024xi32>
        %sub3A_430 = arith.subi %slice3A_215, %sub3A_429 : vector<1x1024xi32>
        %ge3A_431 = arith.constant 0 : i32
        %ge3A_432 = vector.broadcast %ge3A_431 : i32 to vector<1x1024xi32>
        %ge3A_433 = arith.cmpi sge, %sub3A_430, %ge3A_432 : vector<1x1024xi32>
        %lt3A_434 = arith.constant 128 : i32
        %lt3A_435 = vector.broadcast %lt3A_434 : i32 to vector<1x1024xi32>
        %lt3A_436 = arith.cmpi slt, %sub3A_430, %lt3A_435 : vector<1x1024xi32>
        %and3A_437 = arith.andi %ge3A_433, %lt3A_436 : vector<1x1024xi1>
        %jit3A_438 = arith.constant 0 : i32
        %jit3A_439 = arith.constant 127 : i32
        %max3A_440 = vector.broadcast %jit3A_438 : i32 to vector<1x1024xi32>
        %max3A_441 = arith.maxsi %max3A_440, %sub3A_430 : vector<1x1024xi32>
        %min3A_442 = vector.broadcast %jit3A_439 : i32 to vector<1x1024xi32>
        %min3A_443 = arith.minsi %min3A_442, %max3A_441 : vector<1x1024xi32>
        %broadcast_in_dim3A_444 = vector.shape_cast %min3A_443 : vector<1x1024xi32> to vector<1x1024xi32>
        %broadcast_in_dim3A_445 = vector.broadcast %broadcast_in_dim3A_444 : vector<1x1024xi32> to vector<16x1024xi32>
        %slice3A_446 = vector.extract_strided_slice %transpose3A_92 {offsets = [0, 768], sizes = [16, 128], strides = [1, 1]} : vector<16x1024xf32> to vector<16x128xf32>
        %lt3A_447 = arith.constant 0 : i32
        %lt3A_448 = vector.broadcast %lt3A_447 : i32 to vector<16x1024xi32>
        %lt3A_449 = arith.cmpi slt, %broadcast_in_dim3A_445, %lt3A_448 : vector<16x1024xi32>
        %add3A_450 = arith.constant 128 : i32
        %add3A_451 = vector.broadcast %add3A_450 : i32 to vector<16x1024xi32>
        %add3A_452 = arith.addi %broadcast_in_dim3A_445, %add3A_451 : vector<16x1024xi32>
        %select_n3A_453 = arith.select %lt3A_449, %add3A_452, %broadcast_in_dim3A_445 : vector<16x1024xi1>, vector<16x1024xi32>
        %reshape3A_454 = vector.shape_cast %select_n3A_453 : vector<16x1024xi32> to vector<16x1024x1xi32>
        %gather3A_455 = vector.shape_cast %reshape3A_454 : vector<16x1024x1xi32> to vector<16x1024xi32>
        %gather3A_456 = tpu.dynamic_gather %slice3A_446[%gather3A_455] in [1] : vector<16x128xf32>, vector<16x1024xi32> -> vector<16x1024xf32>
        %convert_element_type3A_457 = arith.extui %and3A_437 : vector<1x1024xi1> to vector<1x1024xi32>
        %convert_element_type3A_458 = arith.sitofp %convert_element_type3A_457 : vector<1x1024xi32> to vector<1x1024xf32>
        %mul3A_459 = vector.broadcast %convert_element_type3A_458 : vector<1x1024xf32> to vector<16x1024xf32>
        %mul3A_460 = arith.mulf %gather3A_456, %mul3A_459 : vector<16x1024xf32>
        %add3A_461 = arith.addf %add3A_427, %mul3A_460 : vector<16x1024xf32>
        %sub3A_462 = arith.constant 896 : i32
        %sub3A_463 = vector.broadcast %sub3A_462 : i32 to vector<1x1024xi32>
        %sub3A_464 = arith.subi %slice3A_215, %sub3A_463 : vector<1x1024xi32>
        %ge3A_465 = arith.constant 0 : i32
        %ge3A_466 = vector.broadcast %ge3A_465 : i32 to vector<1x1024xi32>
        %ge3A_467 = arith.cmpi sge, %sub3A_464, %ge3A_466 : vector<1x1024xi32>
        %lt3A_468 = arith.constant 128 : i32
        %lt3A_469 = vector.broadcast %lt3A_468 : i32 to vector<1x1024xi32>
        %lt3A_470 = arith.cmpi slt, %sub3A_464, %lt3A_469 : vector<1x1024xi32>
        %and3A_471 = arith.andi %ge3A_467, %lt3A_470 : vector<1x1024xi1>
        %jit3A_472 = arith.constant 0 : i32
        %jit3A_473 = arith.constant 127 : i32
        %max3A_474 = vector.broadcast %jit3A_472 : i32 to vector<1x1024xi32>
        %max3A_475 = arith.maxsi %max3A_474, %sub3A_464 : vector<1x1024xi32>
        %min3A_476 = vector.broadcast %jit3A_473 : i32 to vector<1x1024xi32>
        %min3A_477 = arith.minsi %min3A_476, %max3A_475 : vector<1x1024xi32>
        %broadcast_in_dim3A_478 = vector.shape_cast %min3A_477 : vector<1x1024xi32> to vector<1x1024xi32>
        %broadcast_in_dim3A_479 = vector.broadcast %broadcast_in_dim3A_478 : vector<1x1024xi32> to vector<16x1024xi32>
        %slice3A_480 = vector.extract_strided_slice %transpose3A_92 {offsets = [0, 896], sizes = [16, 128], strides = [1, 1]} : vector<16x1024xf32> to vector<16x128xf32>
        %lt3A_481 = arith.constant 0 : i32
        %lt3A_482 = vector.broadcast %lt3A_481 : i32 to vector<16x1024xi32>
        %lt3A_483 = arith.cmpi slt, %broadcast_in_dim3A_479, %lt3A_482 : vector<16x1024xi32>
        %add3A_484 = arith.constant 128 : i32
        %add3A_485 = vector.broadcast %add3A_484 : i32 to vector<16x1024xi32>
        %add3A_486 = arith.addi %broadcast_in_dim3A_479, %add3A_485 : vector<16x1024xi32>
        %select_n3A_487 = arith.select %lt3A_483, %add3A_486, %broadcast_in_dim3A_479 : vector<16x1024xi1>, vector<16x1024xi32>
        %reshape3A_488 = vector.shape_cast %select_n3A_487 : vector<16x1024xi32> to vector<16x1024x1xi32>
        %gather3A_489 = vector.shape_cast %reshape3A_488 : vector<16x1024x1xi32> to vector<16x1024xi32>
        %gather3A_490 = tpu.dynamic_gather %slice3A_480[%gather3A_489] in [1] : vector<16x128xf32>, vector<16x1024xi32> -> vector<16x1024xf32>
        %convert_element_type3A_491 = arith.extui %and3A_471 : vector<1x1024xi1> to vector<1x1024xi32>
        %convert_element_type3A_492 = arith.sitofp %convert_element_type3A_491 : vector<1x1024xi32> to vector<1x1024xf32>
        %mul3A_493 = vector.broadcast %convert_element_type3A_492 : vector<1x1024xf32> to vector<16x1024xf32>
        %mul3A_494 = arith.mulf %gather3A_490, %mul3A_493 : vector<16x1024xf32>
        %add3A_495 = arith.addf %add3A_461, %mul3A_494 : vector<16x1024xf32>
        %mul3A_496 = vector.broadcast %slice3A_219 : vector<1x1024xf32> to vector<16x1024xf32>
        %mul3A_497 = arith.mulf %add3A_495, %mul3A_496 : vector<16x1024xf32>
        %add3A_498 = arith.addf %while3A_210, %while3A_211 : vector<16x1024xf32>
        %broadcast_in_dim3A_499 = vector.shape_cast %gt3A_225 : vector<1x1024xi1> to vector<1x1024xi1>
        %broadcast_in_dim3A_500 = vector.broadcast %broadcast_in_dim3A_499 : vector<1x1024xi1> to vector<16x1024xi1>
        %select_n3A_501 = arith.select %broadcast_in_dim3A_500, %add3A_498, %while3A_210 : vector<16x1024xi1>, vector<16x1024xf32>
        %add3A_502 = arith.addf %while3A_211, %mul3A_497 : vector<16x1024xf32>
        %broadcast_in_dim3A_503 = vector.shape_cast %gt3A_225 : vector<1x1024xi1> to vector<1x1024xi1>
        %broadcast_in_dim3A_504 = vector.broadcast %broadcast_in_dim3A_503 : vector<1x1024xi1> to vector<16x1024xi1>
        %select_n3A_505 = arith.select %broadcast_in_dim3A_504, %mul3A_497, %add3A_502 : vector<16x1024xi1>, vector<16x1024xf32>
        scf.yield %select_n3A_501, %select_n3A_505 : vector<16x1024xf32>, vector<16x1024xf32>
      }
      %while3A_108 = arith.constant 1 : i32
      %while3A_109:2 = scf.for %while3A_209 = %while3A_105 to %while3A_101 step %while3A_108 iter_args(%while3A_210 = %while3A_107#0, %while3A_211 = %while3A_107#1) -> (vector<16x1024xf32>, vector<16x1024xf32>)  : i32 {
        %get3A_212 = arith.index_cast %while3A_209 : i32 to index
        %get3A_213 = arith.constant 0 : index
        %get3A_214 = vector.load %arg2[%get3A_212, %get3A_213] : memref<512x1024xi32, #tpu.memory_space<vmem>>, vector<1x1024xi32>
        %slice3A_215 = vector.extract_strided_slice %get3A_214 {offsets = [0, 0], sizes = [1, 1024], strides = [1, 1]} : vector<1x1024xi32> to vector<1x1024xi32>
        %get3A_216 = arith.index_cast %while3A_209 : i32 to index
        %get3A_217 = arith.constant 0 : index
        %get3A_218 = vector.load %arg3[%get3A_216, %get3A_217] : memref<512x1024xf32, #tpu.memory_space<vmem>>, vector<1x1024xf32>
        %slice3A_219 = vector.extract_strided_slice %get3A_218 {offsets = [0, 0], sizes = [1, 1024], strides = [1, 1]} : vector<1x1024xf32> to vector<1x1024xf32>
        %get3A_220 = arith.index_cast %while3A_209 : i32 to index
        %get3A_221 = arith.constant 0 : index
        %get3A_222 = vector.load %arg4[%get3A_220, %get3A_221] : memref<512x1024xf32, #tpu.memory_space<vmem>>, vector<1x1024xf32>
        %slice3A_223 = vector.extract_strided_slice %get3A_222 {offsets = [0, 0], sizes = [1, 1024], strides = [1, 1]} : vector<1x1024xf32> to vector<1x1024xf32>
        %gt3A = arith.constant 5.000000e-01 : f32
        %gt3A_224 = vector.broadcast %gt3A : f32 to vector<1x1024xf32>
        %gt3A_225 = arith.cmpf ogt, %slice3A_223, %gt3A_224 : vector<1x1024xf32>
        %mul3A_226 = arith.constant 0.000000e+00 : f32
        %mul3A_227 = vector.broadcast %mul3A_226 : f32 to vector<16x1024xf32>
        %mul3A_228 = arith.mulf %while3A_210, %mul3A_227 : vector<16x1024xf32>
        %sub3A = arith.constant 0 : i32
        %sub3A_229 = vector.broadcast %sub3A : i32 to vector<1x1024xi32>
        %sub3A_230 = arith.subi %slice3A_215, %sub3A_229 : vector<1x1024xi32>
        %ge3A_231 = arith.constant 0 : i32
        %ge3A_232 = vector.broadcast %ge3A_231 : i32 to vector<1x1024xi32>
        %ge3A_233 = arith.cmpi sge, %sub3A_230, %ge3A_232 : vector<1x1024xi32>
        %lt3A = arith.constant 128 : i32
        %lt3A_234 = vector.broadcast %lt3A : i32 to vector<1x1024xi32>
        %lt3A_235 = arith.cmpi slt, %sub3A_230, %lt3A_234 : vector<1x1024xi32>
        %and3A_236 = arith.andi %ge3A_233, %lt3A_235 : vector<1x1024xi1>
        %jit3A_237 = arith.constant 0 : i32
        %jit3A_238 = arith.constant 127 : i32
        %max3A_239 = vector.broadcast %jit3A_237 : i32 to vector<1x1024xi32>
        %max3A_240 = arith.maxsi %max3A_239, %sub3A_230 : vector<1x1024xi32>
        %min3A_241 = vector.broadcast %jit3A_238 : i32 to vector<1x1024xi32>
        %min3A_242 = arith.minsi %min3A_241, %max3A_240 : vector<1x1024xi32>
        %broadcast_in_dim3A_243 = vector.shape_cast %min3A_242 : vector<1x1024xi32> to vector<1x1024xi32>
        %broadcast_in_dim3A_244 = vector.broadcast %broadcast_in_dim3A_243 : vector<1x1024xi32> to vector<16x1024xi32>
        %slice3A_245 = vector.extract_strided_slice %transpose3A_92 {offsets = [0, 0], sizes = [16, 128], strides = [1, 1]} : vector<16x1024xf32> to vector<16x128xf32>
        %lt3A_246 = arith.constant 0 : i32
        %lt3A_247 = vector.broadcast %lt3A_246 : i32 to vector<16x1024xi32>
        %lt3A_248 = arith.cmpi slt, %broadcast_in_dim3A_244, %lt3A_247 : vector<16x1024xi32>
        %add3A_249 = arith.constant 128 : i32
        %add3A_250 = vector.broadcast %add3A_249 : i32 to vector<16x1024xi32>
        %add3A_251 = arith.addi %broadcast_in_dim3A_244, %add3A_250 : vector<16x1024xi32>
        %select_n3A_252 = arith.select %lt3A_248, %add3A_251, %broadcast_in_dim3A_244 : vector<16x1024xi1>, vector<16x1024xi32>
        %reshape3A = vector.shape_cast %select_n3A_252 : vector<16x1024xi32> to vector<16x1024x1xi32>
        %gather3A = vector.shape_cast %reshape3A : vector<16x1024x1xi32> to vector<16x1024xi32>
        %gather3A_253 = tpu.dynamic_gather %slice3A_245[%gather3A] in [1] : vector<16x128xf32>, vector<16x1024xi32> -> vector<16x1024xf32>
        %convert_element_type3A = arith.extui %and3A_236 : vector<1x1024xi1> to vector<1x1024xi32>
        %convert_element_type3A_254 = arith.sitofp %convert_element_type3A : vector<1x1024xi32> to vector<1x1024xf32>
        %mul3A_255 = vector.broadcast %convert_element_type3A_254 : vector<1x1024xf32> to vector<16x1024xf32>
        %mul3A_256 = arith.mulf %gather3A_253, %mul3A_255 : vector<16x1024xf32>
        %add3A_257 = arith.addf %mul3A_228, %mul3A_256 : vector<16x1024xf32>
        %sub3A_258 = arith.constant 128 : i32
        %sub3A_259 = vector.broadcast %sub3A_258 : i32 to vector<1x1024xi32>
        %sub3A_260 = arith.subi %slice3A_215, %sub3A_259 : vector<1x1024xi32>
        %ge3A_261 = arith.constant 0 : i32
        %ge3A_262 = vector.broadcast %ge3A_261 : i32 to vector<1x1024xi32>
        %ge3A_263 = arith.cmpi sge, %sub3A_260, %ge3A_262 : vector<1x1024xi32>
        %lt3A_264 = arith.constant 128 : i32
        %lt3A_265 = vector.broadcast %lt3A_264 : i32 to vector<1x1024xi32>
        %lt3A_266 = arith.cmpi slt, %sub3A_260, %lt3A_265 : vector<1x1024xi32>
        %and3A_267 = arith.andi %ge3A_263, %lt3A_266 : vector<1x1024xi1>
        %jit3A_268 = arith.constant 0 : i32
        %jit3A_269 = arith.constant 127 : i32
        %max3A_270 = vector.broadcast %jit3A_268 : i32 to vector<1x1024xi32>
        %max3A_271 = arith.maxsi %max3A_270, %sub3A_260 : vector<1x1024xi32>
        %min3A_272 = vector.broadcast %jit3A_269 : i32 to vector<1x1024xi32>
        %min3A_273 = arith.minsi %min3A_272, %max3A_271 : vector<1x1024xi32>
        %broadcast_in_dim3A_274 = vector.shape_cast %min3A_273 : vector<1x1024xi32> to vector<1x1024xi32>
        %broadcast_in_dim3A_275 = vector.broadcast %broadcast_in_dim3A_274 : vector<1x1024xi32> to vector<16x1024xi32>
        %slice3A_276 = vector.extract_strided_slice %transpose3A_92 {offsets = [0, 128], sizes = [16, 128], strides = [1, 1]} : vector<16x1024xf32> to vector<16x128xf32>
        %lt3A_277 = arith.constant 0 : i32
        %lt3A_278 = vector.broadcast %lt3A_277 : i32 to vector<16x1024xi32>
        %lt3A_279 = arith.cmpi slt, %broadcast_in_dim3A_275, %lt3A_278 : vector<16x1024xi32>
        %add3A_280 = arith.constant 128 : i32
        %add3A_281 = vector.broadcast %add3A_280 : i32 to vector<16x1024xi32>
        %add3A_282 = arith.addi %broadcast_in_dim3A_275, %add3A_281 : vector<16x1024xi32>
        %select_n3A_283 = arith.select %lt3A_279, %add3A_282, %broadcast_in_dim3A_275 : vector<16x1024xi1>, vector<16x1024xi32>
        %reshape3A_284 = vector.shape_cast %select_n3A_283 : vector<16x1024xi32> to vector<16x1024x1xi32>
        %gather3A_285 = vector.shape_cast %reshape3A_284 : vector<16x1024x1xi32> to vector<16x1024xi32>
        %gather3A_286 = tpu.dynamic_gather %slice3A_276[%gather3A_285] in [1] : vector<16x128xf32>, vector<16x1024xi32> -> vector<16x1024xf32>
        %convert_element_type3A_287 = arith.extui %and3A_267 : vector<1x1024xi1> to vector<1x1024xi32>
        %convert_element_type3A_288 = arith.sitofp %convert_element_type3A_287 : vector<1x1024xi32> to vector<1x1024xf32>
        %mul3A_289 = vector.broadcast %convert_element_type3A_288 : vector<1x1024xf32> to vector<16x1024xf32>
        %mul3A_290 = arith.mulf %gather3A_286, %mul3A_289 : vector<16x1024xf32>
        %add3A_291 = arith.addf %add3A_257, %mul3A_290 : vector<16x1024xf32>
        %sub3A_292 = arith.constant 256 : i32
        %sub3A_293 = vector.broadcast %sub3A_292 : i32 to vector<1x1024xi32>
        %sub3A_294 = arith.subi %slice3A_215, %sub3A_293 : vector<1x1024xi32>
        %ge3A_295 = arith.constant 0 : i32
        %ge3A_296 = vector.broadcast %ge3A_295 : i32 to vector<1x1024xi32>
        %ge3A_297 = arith.cmpi sge, %sub3A_294, %ge3A_296 : vector<1x1024xi32>
        %lt3A_298 = arith.constant 128 : i32
        %lt3A_299 = vector.broadcast %lt3A_298 : i32 to vector<1x1024xi32>
        %lt3A_300 = arith.cmpi slt, %sub3A_294, %lt3A_299 : vector<1x1024xi32>
        %and3A_301 = arith.andi %ge3A_297, %lt3A_300 : vector<1x1024xi1>
        %jit3A_302 = arith.constant 0 : i32
        %jit3A_303 = arith.constant 127 : i32
        %max3A_304 = vector.broadcast %jit3A_302 : i32 to vector<1x1024xi32>
        %max3A_305 = arith.maxsi %max3A_304, %sub3A_294 : vector<1x1024xi32>
        %min3A_306 = vector.broadcast %jit3A_303 : i32 to vector<1x1024xi32>
        %min3A_307 = arith.minsi %min3A_306, %max3A_305 : vector<1x1024xi32>
        %broadcast_in_dim3A_308 = vector.shape_cast %min3A_307 : vector<1x1024xi32> to vector<1x1024xi32>
        %broadcast_in_dim3A_309 = vector.broadcast %broadcast_in_dim3A_308 : vector<1x1024xi32> to vector<16x1024xi32>
        %slice3A_310 = vector.extract_strided_slice %transpose3A_92 {offsets = [0, 256], sizes = [16, 128], strides = [1, 1]} : vector<16x1024xf32> to vector<16x128xf32>
        %lt3A_311 = arith.constant 0 : i32
        %lt3A_312 = vector.broadcast %lt3A_311 : i32 to vector<16x1024xi32>
        %lt3A_313 = arith.cmpi slt, %broadcast_in_dim3A_309, %lt3A_312 : vector<16x1024xi32>
        %add3A_314 = arith.constant 128 : i32
        %add3A_315 = vector.broadcast %add3A_314 : i32 to vector<16x1024xi32>
        %add3A_316 = arith.addi %broadcast_in_dim3A_309, %add3A_315 : vector<16x1024xi32>
        %select_n3A_317 = arith.select %lt3A_313, %add3A_316, %broadcast_in_dim3A_309 : vector<16x1024xi1>, vector<16x1024xi32>
        %reshape3A_318 = vector.shape_cast %select_n3A_317 : vector<16x1024xi32> to vector<16x1024x1xi32>
        %gather3A_319 = vector.shape_cast %reshape3A_318 : vector<16x1024x1xi32> to vector<16x1024xi32>
        %gather3A_320 = tpu.dynamic_gather %slice3A_310[%gather3A_319] in [1] : vector<16x128xf32>, vector<16x1024xi32> -> vector<16x1024xf32>
        %convert_element_type3A_321 = arith.extui %and3A_301 : vector<1x1024xi1> to vector<1x1024xi32>
        %convert_element_type3A_322 = arith.sitofp %convert_element_type3A_321 : vector<1x1024xi32> to vector<1x1024xf32>
        %mul3A_323 = vector.broadcast %convert_element_type3A_322 : vector<1x1024xf32> to vector<16x1024xf32>
        %mul3A_324 = arith.mulf %gather3A_320, %mul3A_323 : vector<16x1024xf32>
        %add3A_325 = arith.addf %add3A_291, %mul3A_324 : vector<16x1024xf32>
        %sub3A_326 = arith.constant 384 : i32
        %sub3A_327 = vector.broadcast %sub3A_326 : i32 to vector<1x1024xi32>
        %sub3A_328 = arith.subi %slice3A_215, %sub3A_327 : vector<1x1024xi32>
        %ge3A_329 = arith.constant 0 : i32
        %ge3A_330 = vector.broadcast %ge3A_329 : i32 to vector<1x1024xi32>
        %ge3A_331 = arith.cmpi sge, %sub3A_328, %ge3A_330 : vector<1x1024xi32>
        %lt3A_332 = arith.constant 128 : i32
        %lt3A_333 = vector.broadcast %lt3A_332 : i32 to vector<1x1024xi32>
        %lt3A_334 = arith.cmpi slt, %sub3A_328, %lt3A_333 : vector<1x1024xi32>
        %and3A_335 = arith.andi %ge3A_331, %lt3A_334 : vector<1x1024xi1>
        %jit3A_336 = arith.constant 0 : i32
        %jit3A_337 = arith.constant 127 : i32
        %max3A_338 = vector.broadcast %jit3A_336 : i32 to vector<1x1024xi32>
        %max3A_339 = arith.maxsi %max3A_338, %sub3A_328 : vector<1x1024xi32>
        %min3A_340 = vector.broadcast %jit3A_337 : i32 to vector<1x1024xi32>
        %min3A_341 = arith.minsi %min3A_340, %max3A_339 : vector<1x1024xi32>
        %broadcast_in_dim3A_342 = vector.shape_cast %min3A_341 : vector<1x1024xi32> to vector<1x1024xi32>
        %broadcast_in_dim3A_343 = vector.broadcast %broadcast_in_dim3A_342 : vector<1x1024xi32> to vector<16x1024xi32>
        %slice3A_344 = vector.extract_strided_slice %transpose3A_92 {offsets = [0, 384], sizes = [16, 128], strides = [1, 1]} : vector<16x1024xf32> to vector<16x128xf32>
        %lt3A_345 = arith.constant 0 : i32
        %lt3A_346 = vector.broadcast %lt3A_345 : i32 to vector<16x1024xi32>
        %lt3A_347 = arith.cmpi slt, %broadcast_in_dim3A_343, %lt3A_346 : vector<16x1024xi32>
        %add3A_348 = arith.constant 128 : i32
        %add3A_349 = vector.broadcast %add3A_348 : i32 to vector<16x1024xi32>
        %add3A_350 = arith.addi %broadcast_in_dim3A_343, %add3A_349 : vector<16x1024xi32>
        %select_n3A_351 = arith.select %lt3A_347, %add3A_350, %broadcast_in_dim3A_343 : vector<16x1024xi1>, vector<16x1024xi32>
        %reshape3A_352 = vector.shape_cast %select_n3A_351 : vector<16x1024xi32> to vector<16x1024x1xi32>
        %gather3A_353 = vector.shape_cast %reshape3A_352 : vector<16x1024x1xi32> to vector<16x1024xi32>
        %gather3A_354 = tpu.dynamic_gather %slice3A_344[%gather3A_353] in [1] : vector<16x128xf32>, vector<16x1024xi32> -> vector<16x1024xf32>
        %convert_element_type3A_355 = arith.extui %and3A_335 : vector<1x1024xi1> to vector<1x1024xi32>
        %convert_element_type3A_356 = arith.sitofp %convert_element_type3A_355 : vector<1x1024xi32> to vector<1x1024xf32>
        %mul3A_357 = vector.broadcast %convert_element_type3A_356 : vector<1x1024xf32> to vector<16x1024xf32>
        %mul3A_358 = arith.mulf %gather3A_354, %mul3A_357 : vector<16x1024xf32>
        %add3A_359 = arith.addf %add3A_325, %mul3A_358 : vector<16x1024xf32>
        %sub3A_360 = arith.constant 512 : i32
        %sub3A_361 = vector.broadcast %sub3A_360 : i32 to vector<1x1024xi32>
        %sub3A_362 = arith.subi %slice3A_215, %sub3A_361 : vector<1x1024xi32>
        %ge3A_363 = arith.constant 0 : i32
        %ge3A_364 = vector.broadcast %ge3A_363 : i32 to vector<1x1024xi32>
        %ge3A_365 = arith.cmpi sge, %sub3A_362, %ge3A_364 : vector<1x1024xi32>
        %lt3A_366 = arith.constant 128 : i32
        %lt3A_367 = vector.broadcast %lt3A_366 : i32 to vector<1x1024xi32>
        %lt3A_368 = arith.cmpi slt, %sub3A_362, %lt3A_367 : vector<1x1024xi32>
        %and3A_369 = arith.andi %ge3A_365, %lt3A_368 : vector<1x1024xi1>
        %jit3A_370 = arith.constant 0 : i32
        %jit3A_371 = arith.constant 127 : i32
        %max3A_372 = vector.broadcast %jit3A_370 : i32 to vector<1x1024xi32>
        %max3A_373 = arith.maxsi %max3A_372, %sub3A_362 : vector<1x1024xi32>
        %min3A_374 = vector.broadcast %jit3A_371 : i32 to vector<1x1024xi32>
        %min3A_375 = arith.minsi %min3A_374, %max3A_373 : vector<1x1024xi32>
        %broadcast_in_dim3A_376 = vector.shape_cast %min3A_375 : vector<1x1024xi32> to vector<1x1024xi32>
        %broadcast_in_dim3A_377 = vector.broadcast %broadcast_in_dim3A_376 : vector<1x1024xi32> to vector<16x1024xi32>
        %slice3A_378 = vector.extract_strided_slice %transpose3A_92 {offsets = [0, 512], sizes = [16, 128], strides = [1, 1]} : vector<16x1024xf32> to vector<16x128xf32>
        %lt3A_379 = arith.constant 0 : i32
        %lt3A_380 = vector.broadcast %lt3A_379 : i32 to vector<16x1024xi32>
        %lt3A_381 = arith.cmpi slt, %broadcast_in_dim3A_377, %lt3A_380 : vector<16x1024xi32>
        %add3A_382 = arith.constant 128 : i32
        %add3A_383 = vector.broadcast %add3A_382 : i32 to vector<16x1024xi32>
        %add3A_384 = arith.addi %broadcast_in_dim3A_377, %add3A_383 : vector<16x1024xi32>
        %select_n3A_385 = arith.select %lt3A_381, %add3A_384, %broadcast_in_dim3A_377 : vector<16x1024xi1>, vector<16x1024xi32>
        %reshape3A_386 = vector.shape_cast %select_n3A_385 : vector<16x1024xi32> to vector<16x1024x1xi32>
        %gather3A_387 = vector.shape_cast %reshape3A_386 : vector<16x1024x1xi32> to vector<16x1024xi32>
        %gather3A_388 = tpu.dynamic_gather %slice3A_378[%gather3A_387] in [1] : vector<16x128xf32>, vector<16x1024xi32> -> vector<16x1024xf32>
        %convert_element_type3A_389 = arith.extui %and3A_369 : vector<1x1024xi1> to vector<1x1024xi32>
        %convert_element_type3A_390 = arith.sitofp %convert_element_type3A_389 : vector<1x1024xi32> to vector<1x1024xf32>
        %mul3A_391 = vector.broadcast %convert_element_type3A_390 : vector<1x1024xf32> to vector<16x1024xf32>
        %mul3A_392 = arith.mulf %gather3A_388, %mul3A_391 : vector<16x1024xf32>
        %add3A_393 = arith.addf %add3A_359, %mul3A_392 : vector<16x1024xf32>
        %sub3A_394 = arith.constant 640 : i32
        %sub3A_395 = vector.broadcast %sub3A_394 : i32 to vector<1x1024xi32>
        %sub3A_396 = arith.subi %slice3A_215, %sub3A_395 : vector<1x1024xi32>
        %ge3A_397 = arith.constant 0 : i32
        %ge3A_398 = vector.broadcast %ge3A_397 : i32 to vector<1x1024xi32>
        %ge3A_399 = arith.cmpi sge, %sub3A_396, %ge3A_398 : vector<1x1024xi32>
        %lt3A_400 = arith.constant 128 : i32
        %lt3A_401 = vector.broadcast %lt3A_400 : i32 to vector<1x1024xi32>
        %lt3A_402 = arith.cmpi slt, %sub3A_396, %lt3A_401 : vector<1x1024xi32>
        %and3A_403 = arith.andi %ge3A_399, %lt3A_402 : vector<1x1024xi1>
        %jit3A_404 = arith.constant 0 : i32
        %jit3A_405 = arith.constant 127 : i32
        %max3A_406 = vector.broadcast %jit3A_404 : i32 to vector<1x1024xi32>
        %max3A_407 = arith.maxsi %max3A_406, %sub3A_396 : vector<1x1024xi32>
        %min3A_408 = vector.broadcast %jit3A_405 : i32 to vector<1x1024xi32>
        %min3A_409 = arith.minsi %min3A_408, %max3A_407 : vector<1x1024xi32>
        %broadcast_in_dim3A_410 = vector.shape_cast %min3A_409 : vector<1x1024xi32> to vector<1x1024xi32>
        %broadcast_in_dim3A_411 = vector.broadcast %broadcast_in_dim3A_410 : vector<1x1024xi32> to vector<16x1024xi32>
        %slice3A_412 = vector.extract_strided_slice %transpose3A_92 {offsets = [0, 640], sizes = [16, 128], strides = [1, 1]} : vector<16x1024xf32> to vector<16x128xf32>
        %lt3A_413 = arith.constant 0 : i32
        %lt3A_414 = vector.broadcast %lt3A_413 : i32 to vector<16x1024xi32>
        %lt3A_415 = arith.cmpi slt, %broadcast_in_dim3A_411, %lt3A_414 : vector<16x1024xi32>
        %add3A_416 = arith.constant 128 : i32
        %add3A_417 = vector.broadcast %add3A_416 : i32 to vector<16x1024xi32>
        %add3A_418 = arith.addi %broadcast_in_dim3A_411, %add3A_417 : vector<16x1024xi32>
        %select_n3A_419 = arith.select %lt3A_415, %add3A_418, %broadcast_in_dim3A_411 : vector<16x1024xi1>, vector<16x1024xi32>
        %reshape3A_420 = vector.shape_cast %select_n3A_419 : vector<16x1024xi32> to vector<16x1024x1xi32>
        %gather3A_421 = vector.shape_cast %reshape3A_420 : vector<16x1024x1xi32> to vector<16x1024xi32>
        %gather3A_422 = tpu.dynamic_gather %slice3A_412[%gather3A_421] in [1] : vector<16x128xf32>, vector<16x1024xi32> -> vector<16x1024xf32>
        %convert_element_type3A_423 = arith.extui %and3A_403 : vector<1x1024xi1> to vector<1x1024xi32>
        %convert_element_type3A_424 = arith.sitofp %convert_element_type3A_423 : vector<1x1024xi32> to vector<1x1024xf32>
        %mul3A_425 = vector.broadcast %convert_element_type3A_424 : vector<1x1024xf32> to vector<16x1024xf32>
        %mul3A_426 = arith.mulf %gather3A_422, %mul3A_425 : vector<16x1024xf32>
        %add3A_427 = arith.addf %add3A_393, %mul3A_426 : vector<16x1024xf32>
        %sub3A_428 = arith.constant 768 : i32
        %sub3A_429 = vector.broadcast %sub3A_428 : i32 to vector<1x1024xi32>
        %sub3A_430 = arith.subi %slice3A_215, %sub3A_429 : vector<1x1024xi32>
        %ge3A_431 = arith.constant 0 : i32
        %ge3A_432 = vector.broadcast %ge3A_431 : i32 to vector<1x1024xi32>
        %ge3A_433 = arith.cmpi sge, %sub3A_430, %ge3A_432 : vector<1x1024xi32>
        %lt3A_434 = arith.constant 128 : i32
        %lt3A_435 = vector.broadcast %lt3A_434 : i32 to vector<1x1024xi32>
        %lt3A_436 = arith.cmpi slt, %sub3A_430, %lt3A_435 : vector<1x1024xi32>
        %and3A_437 = arith.andi %ge3A_433, %lt3A_436 : vector<1x1024xi1>
        %jit3A_438 = arith.constant 0 : i32
        %jit3A_439 = arith.constant 127 : i32
        %max3A_440 = vector.broadcast %jit3A_438 : i32 to vector<1x1024xi32>
        %max3A_441 = arith.maxsi %max3A_440, %sub3A_430 : vector<1x1024xi32>
        %min3A_442 = vector.broadcast %jit3A_439 : i32 to vector<1x1024xi32>
        %min3A_443 = arith.minsi %min3A_442, %max3A_441 : vector<1x1024xi32>
        %broadcast_in_dim3A_444 = vector.shape_cast %min3A_443 : vector<1x1024xi32> to vector<1x1024xi32>
        %broadcast_in_dim3A_445 = vector.broadcast %broadcast_in_dim3A_444 : vector<1x1024xi32> to vector<16x1024xi32>
        %slice3A_446 = vector.extract_strided_slice %transpose3A_92 {offsets = [0, 768], sizes = [16, 128], strides = [1, 1]} : vector<16x1024xf32> to vector<16x128xf32>
        %lt3A_447 = arith.constant 0 : i32
        %lt3A_448 = vector.broadcast %lt3A_447 : i32 to vector<16x1024xi32>
        %lt3A_449 = arith.cmpi slt, %broadcast_in_dim3A_445, %lt3A_448 : vector<16x1024xi32>
        %add3A_450 = arith.constant 128 : i32
        %add3A_451 = vector.broadcast %add3A_450 : i32 to vector<16x1024xi32>
        %add3A_452 = arith.addi %broadcast_in_dim3A_445, %add3A_451 : vector<16x1024xi32>
        %select_n3A_453 = arith.select %lt3A_449, %add3A_452, %broadcast_in_dim3A_445 : vector<16x1024xi1>, vector<16x1024xi32>
        %reshape3A_454 = vector.shape_cast %select_n3A_453 : vector<16x1024xi32> to vector<16x1024x1xi32>
        %gather3A_455 = vector.shape_cast %reshape3A_454 : vector<16x1024x1xi32> to vector<16x1024xi32>
        %gather3A_456 = tpu.dynamic_gather %slice3A_446[%gather3A_455] in [1] : vector<16x128xf32>, vector<16x1024xi32> -> vector<16x1024xf32>
        %convert_element_type3A_457 = arith.extui %and3A_437 : vector<1x1024xi1> to vector<1x1024xi32>
        %convert_element_type3A_458 = arith.sitofp %convert_element_type3A_457 : vector<1x1024xi32> to vector<1x1024xf32>
        %mul3A_459 = vector.broadcast %convert_element_type3A_458 : vector<1x1024xf32> to vector<16x1024xf32>
        %mul3A_460 = arith.mulf %gather3A_456, %mul3A_459 : vector<16x1024xf32>
        %add3A_461 = arith.addf %add3A_427, %mul3A_460 : vector<16x1024xf32>
        %sub3A_462 = arith.constant 896 : i32
        %sub3A_463 = vector.broadcast %sub3A_462 : i32 to vector<1x1024xi32>
        %sub3A_464 = arith.subi %slice3A_215, %sub3A_463 : vector<1x1024xi32>
        %ge3A_465 = arith.constant 0 : i32
        %ge3A_466 = vector.broadcast %ge3A_465 : i32 to vector<1x1024xi32>
        %ge3A_467 = arith.cmpi sge, %sub3A_464, %ge3A_466 : vector<1x1024xi32>
        %lt3A_468 = arith.constant 128 : i32
        %lt3A_469 = vector.broadcast %lt3A_468 : i32 to vector<1x1024xi32>
        %lt3A_470 = arith.cmpi slt, %sub3A_464, %lt3A_469 : vector<1x1024xi32>
        %and3A_471 = arith.andi %ge3A_467, %lt3A_470 : vector<1x1024xi1>
        %jit3A_472 = arith.constant 0 : i32
        %jit3A_473 = arith.constant 127 : i32
        %max3A_474 = vector.broadcast %jit3A_472 : i32 to vector<1x1024xi32>
        %max3A_475 = arith.maxsi %max3A_474, %sub3A_464 : vector<1x1024xi32>
        %min3A_476 = vector.broadcast %jit3A_473 : i32 to vector<1x1024xi32>
        %min3A_477 = arith.minsi %min3A_476, %max3A_475 : vector<1x1024xi32>
        %broadcast_in_dim3A_478 = vector.shape_cast %min3A_477 : vector<1x1024xi32> to vector<1x1024xi32>
        %broadcast_in_dim3A_479 = vector.broadcast %broadcast_in_dim3A_478 : vector<1x1024xi32> to vector<16x1024xi32>
        %slice3A_480 = vector.extract_strided_slice %transpose3A_92 {offsets = [0, 896], sizes = [16, 128], strides = [1, 1]} : vector<16x1024xf32> to vector<16x128xf32>
        %lt3A_481 = arith.constant 0 : i32
        %lt3A_482 = vector.broadcast %lt3A_481 : i32 to vector<16x1024xi32>
        %lt3A_483 = arith.cmpi slt, %broadcast_in_dim3A_479, %lt3A_482 : vector<16x1024xi32>
        %add3A_484 = arith.constant 128 : i32
        %add3A_485 = vector.broadcast %add3A_484 : i32 to vector<16x1024xi32>
        %add3A_486 = arith.addi %broadcast_in_dim3A_479, %add3A_485 : vector<16x1024xi32>
        %select_n3A_487 = arith.select %lt3A_483, %add3A_486, %broadcast_in_dim3A_479 : vector<16x1024xi1>, vector<16x1024xi32>
        %reshape3A_488 = vector.shape_cast %select_n3A_487 : vector<16x1024xi32> to vector<16x1024x1xi32>
        %gather3A_489 = vector.shape_cast %reshape3A_488 : vector<16x1024x1xi32> to vector<16x1024xi32>
        %gather3A_490 = tpu.dynamic_gather %slice3A_480[%gather3A_489] in [1] : vector<16x128xf32>, vector<16x1024xi32> -> vector<16x1024xf32>
        %convert_element_type3A_491 = arith.extui %and3A_471 : vector<1x1024xi1> to vector<1x1024xi32>
        %convert_element_type3A_492 = arith.sitofp %convert_element_type3A_491 : vector<1x1024xi32> to vector<1x1024xf32>
        %mul3A_493 = vector.broadcast %convert_element_type3A_492 : vector<1x1024xf32> to vector<16x1024xf32>
        %mul3A_494 = arith.mulf %gather3A_490, %mul3A_493 : vector<16x1024xf32>
        %add3A_495 = arith.addf %add3A_461, %mul3A_494 : vector<16x1024xf32>
        %mul3A_496 = vector.broadcast %slice3A_219 : vector<1x1024xf32> to vector<16x1024xf32>
        %mul3A_497 = arith.mulf %add3A_495, %mul3A_496 : vector<16x1024xf32>
        %add3A_498 = arith.addf %while3A_210, %while3A_211 : vector<16x1024xf32>
        %broadcast_in_dim3A_499 = vector.shape_cast %gt3A_225 : vector<1x1024xi1> to vector<1x1024xi1>
        %broadcast_in_dim3A_500 = vector.broadcast %broadcast_in_dim3A_499 : vector<1x1024xi1> to vector<16x1024xi1>
        %select_n3A_501 = arith.select %broadcast_in_dim3A_500, %add3A_498, %while3A_210 : vector<16x1024xi1>, vector<16x1024xf32>
        %add3A_502 = arith.addf %while3A_211, %mul3A_497 : vector<16x1024xf32>
        %broadcast_in_dim3A_503 = vector.shape_cast %gt3A_225 : vector<1x1024xi1> to vector<1x1024xi1>
        %broadcast_in_dim3A_504 = vector.broadcast %broadcast_in_dim3A_503 : vector<1x1024xi1> to vector<16x1024xi1>
        %select_n3A_505 = arith.select %broadcast_in_dim3A_504, %mul3A_497, %add3A_502 : vector<16x1024xi1>, vector<16x1024xf32>
        scf.yield %select_n3A_501, %select_n3A_505 : vector<16x1024xf32>, vector<16x1024xf32>
      }
      %slice3A_110 = vector.extract_strided_slice %while3A_109#0 {offsets = [0, 0], sizes = [16, 128], strides = [1, 1]} : vector<16x1024xf32> to vector<16x128xf32>
      %slice3A_111 = vector.extract_strided_slice %while3A_109#1 {offsets = [0, 0], sizes = [16, 128], strides = [1, 1]} : vector<16x1024xf32> to vector<16x128xf32>
      %while3A_112 = arith.subi %get3A_5, %get3A_9 : i32
      %while3A_113 = arith.addi %get3A_9, %while3A_112 : i32
      %while3A_114 = arith.constant 1 : i32
      %while3A_115 = arith.divsi %while3A_112, %while3A_114 : i32
      %while3A_116 = arith.muli %while3A_115, %while3A_114 : i32
      %while3A_117 = arith.addi %get3A_9, %while3A_116 : i32
      %while3A_118 = arith.constant 1 : i32
      %while3A_119:2 = scf.for %while3A_209 = %get3A_9 to %while3A_117 step %while3A_118 iter_args(%while3A_210 = %slice3A_110, %while3A_211 = %slice3A_111) -> (vector<16x128xf32>, vector<16x128xf32>)  : i32 {
        %get3A_212 = arith.index_cast %while3A_209 : i32 to index
        %get3A_213 = arith.constant 0 : index
        %get3A_214 = vector.load %arg2[%get3A_212, %get3A_213] : memref<512x1024xi32, #tpu.memory_space<vmem>>, vector<1x1024xi32>
        %slice3A_215 = vector.extract_strided_slice %get3A_214 {offsets = [0, 0], sizes = [1, 128], strides = [1, 1]} : vector<1x1024xi32> to vector<1x128xi32>
        %get3A_216 = arith.index_cast %while3A_209 : i32 to index
        %get3A_217 = arith.constant 0 : index
        %get3A_218 = vector.load %arg3[%get3A_216, %get3A_217] : memref<512x1024xf32, #tpu.memory_space<vmem>>, vector<1x1024xf32>
        %slice3A_219 = vector.extract_strided_slice %get3A_218 {offsets = [0, 0], sizes = [1, 128], strides = [1, 1]} : vector<1x1024xf32> to vector<1x128xf32>
        %get3A_220 = arith.index_cast %while3A_209 : i32 to index
        %get3A_221 = arith.constant 0 : index
        %get3A_222 = vector.load %arg4[%get3A_220, %get3A_221] : memref<512x1024xf32, #tpu.memory_space<vmem>>, vector<1x1024xf32>
        %slice3A_223 = vector.extract_strided_slice %get3A_222 {offsets = [0, 0], sizes = [1, 128], strides = [1, 1]} : vector<1x1024xf32> to vector<1x128xf32>
        %gt3A = arith.constant 5.000000e-01 : f32
        %gt3A_224 = vector.broadcast %gt3A : f32 to vector<1x128xf32>
        %gt3A_225 = arith.cmpf ogt, %slice3A_223, %gt3A_224 : vector<1x128xf32>
        %mul3A_226 = arith.constant 0.000000e+00 : f32
        %mul3A_227 = vector.broadcast %mul3A_226 : f32 to vector<16x128xf32>
        %mul3A_228 = arith.mulf %while3A_210, %mul3A_227 : vector<16x128xf32>
        %sub3A = arith.constant 0 : i32
        %sub3A_229 = vector.broadcast %sub3A : i32 to vector<1x128xi32>
        %sub3A_230 = arith.subi %slice3A_215, %sub3A_229 : vector<1x128xi32>
        %ge3A_231 = arith.constant 0 : i32
        %ge3A_232 = vector.broadcast %ge3A_231 : i32 to vector<1x128xi32>
        %ge3A_233 = arith.cmpi sge, %sub3A_230, %ge3A_232 : vector<1x128xi32>
        %lt3A = arith.constant 128 : i32
        %lt3A_234 = vector.broadcast %lt3A : i32 to vector<1x128xi32>
        %lt3A_235 = arith.cmpi slt, %sub3A_230, %lt3A_234 : vector<1x128xi32>
        %and3A_236 = arith.andi %ge3A_233, %lt3A_235 : vector<1x128xi1>
        %jit3A_237 = arith.constant 0 : i32
        %jit3A_238 = arith.constant 127 : i32
        %max3A_239 = vector.broadcast %jit3A_237 : i32 to vector<1x128xi32>
        %max3A_240 = arith.maxsi %max3A_239, %sub3A_230 : vector<1x128xi32>
        %min3A_241 = vector.broadcast %jit3A_238 : i32 to vector<1x128xi32>
        %min3A_242 = arith.minsi %min3A_241, %max3A_240 : vector<1x128xi32>
        %broadcast_in_dim3A_243 = vector.shape_cast %min3A_242 : vector<1x128xi32> to vector<1x128xi32>
        %broadcast_in_dim3A_244 = vector.broadcast %broadcast_in_dim3A_243 : vector<1x128xi32> to vector<16x128xi32>
        %slice3A_245 = vector.extract_strided_slice %transpose3A_92 {offsets = [0, 0], sizes = [16, 128], strides = [1, 1]} : vector<16x1024xf32> to vector<16x128xf32>
        %lt3A_246 = arith.constant 0 : i32
        %lt3A_247 = vector.broadcast %lt3A_246 : i32 to vector<16x128xi32>
        %lt3A_248 = arith.cmpi slt, %broadcast_in_dim3A_244, %lt3A_247 : vector<16x128xi32>
        %add3A_249 = arith.constant 128 : i32
        %add3A_250 = vector.broadcast %add3A_249 : i32 to vector<16x128xi32>
        %add3A_251 = arith.addi %broadcast_in_dim3A_244, %add3A_250 : vector<16x128xi32>
        %select_n3A_252 = arith.select %lt3A_248, %add3A_251, %broadcast_in_dim3A_244 : vector<16x128xi1>, vector<16x128xi32>
        %reshape3A = vector.shape_cast %select_n3A_252 : vector<16x128xi32> to vector<16x128x1xi32>
        %gather3A = vector.shape_cast %reshape3A : vector<16x128x1xi32> to vector<16x128xi32>
        %gather3A_253 = tpu.dynamic_gather %slice3A_245[%gather3A] in [1] : vector<16x128xf32>, vector<16x128xi32> -> vector<16x128xf32>
        %convert_element_type3A = arith.extui %and3A_236 : vector<1x128xi1> to vector<1x128xi32>
        %convert_element_type3A_254 = arith.sitofp %convert_element_type3A : vector<1x128xi32> to vector<1x128xf32>
        %mul3A_255 = vector.broadcast %convert_element_type3A_254 : vector<1x128xf32> to vector<16x128xf32>
        %mul3A_256 = arith.mulf %gather3A_253, %mul3A_255 : vector<16x128xf32>
        %add3A_257 = arith.addf %mul3A_228, %mul3A_256 : vector<16x128xf32>
        %sub3A_258 = arith.constant 128 : i32
        %sub3A_259 = vector.broadcast %sub3A_258 : i32 to vector<1x128xi32>
        %sub3A_260 = arith.subi %slice3A_215, %sub3A_259 : vector<1x128xi32>
        %ge3A_261 = arith.constant 0 : i32
        %ge3A_262 = vector.broadcast %ge3A_261 : i32 to vector<1x128xi32>
        %ge3A_263 = arith.cmpi sge, %sub3A_260, %ge3A_262 : vector<1x128xi32>
        %lt3A_264 = arith.constant 128 : i32
        %lt3A_265 = vector.broadcast %lt3A_264 : i32 to vector<1x128xi32>
        %lt3A_266 = arith.cmpi slt, %sub3A_260, %lt3A_265 : vector<1x128xi32>
        %and3A_267 = arith.andi %ge3A_263, %lt3A_266 : vector<1x128xi1>
        %jit3A_268 = arith.constant 0 : i32
        %jit3A_269 = arith.constant 127 : i32
        %max3A_270 = vector.broadcast %jit3A_268 : i32 to vector<1x128xi32>
        %max3A_271 = arith.maxsi %max3A_270, %sub3A_260 : vector<1x128xi32>
        %min3A_272 = vector.broadcast %jit3A_269 : i32 to vector<1x128xi32>
        %min3A_273 = arith.minsi %min3A_272, %max3A_271 : vector<1x128xi32>
        %broadcast_in_dim3A_274 = vector.shape_cast %min3A_273 : vector<1x128xi32> to vector<1x128xi32>
        %broadcast_in_dim3A_275 = vector.broadcast %broadcast_in_dim3A_274 : vector<1x128xi32> to vector<16x128xi32>
        %slice3A_276 = vector.extract_strided_slice %transpose3A_92 {offsets = [0, 128], sizes = [16, 128], strides = [1, 1]} : vector<16x1024xf32> to vector<16x128xf32>
        %lt3A_277 = arith.constant 0 : i32
        %lt3A_278 = vector.broadcast %lt3A_277 : i32 to vector<16x128xi32>
        %lt3A_279 = arith.cmpi slt, %broadcast_in_dim3A_275, %lt3A_278 : vector<16x128xi32>
        %add3A_280 = arith.constant 128 : i32
        %add3A_281 = vector.broadcast %add3A_280 : i32 to vector<16x128xi32>
        %add3A_282 = arith.addi %broadcast_in_dim3A_275, %add3A_281 : vector<16x128xi32>
        %select_n3A_283 = arith.select %lt3A_279, %add3A_282, %broadcast_in_dim3A_275 : vector<16x128xi1>, vector<16x128xi32>
        %reshape3A_284 = vector.shape_cast %select_n3A_283 : vector<16x128xi32> to vector<16x128x1xi32>
        %gather3A_285 = vector.shape_cast %reshape3A_284 : vector<16x128x1xi32> to vector<16x128xi32>
        %gather3A_286 = tpu.dynamic_gather %slice3A_276[%gather3A_285] in [1] : vector<16x128xf32>, vector<16x128xi32> -> vector<16x128xf32>
        %convert_element_type3A_287 = arith.extui %and3A_267 : vector<1x128xi1> to vector<1x128xi32>
        %convert_element_type3A_288 = arith.sitofp %convert_element_type3A_287 : vector<1x128xi32> to vector<1x128xf32>
        %mul3A_289 = vector.broadcast %convert_element_type3A_288 : vector<1x128xf32> to vector<16x128xf32>
        %mul3A_290 = arith.mulf %gather3A_286, %mul3A_289 : vector<16x128xf32>
        %add3A_291 = arith.addf %add3A_257, %mul3A_290 : vector<16x128xf32>
        %sub3A_292 = arith.constant 256 : i32
        %sub3A_293 = vector.broadcast %sub3A_292 : i32 to vector<1x128xi32>
        %sub3A_294 = arith.subi %slice3A_215, %sub3A_293 : vector<1x128xi32>
        %ge3A_295 = arith.constant 0 : i32
        %ge3A_296 = vector.broadcast %ge3A_295 : i32 to vector<1x128xi32>
        %ge3A_297 = arith.cmpi sge, %sub3A_294, %ge3A_296 : vector<1x128xi32>
        %lt3A_298 = arith.constant 128 : i32
        %lt3A_299 = vector.broadcast %lt3A_298 : i32 to vector<1x128xi32>
        %lt3A_300 = arith.cmpi slt, %sub3A_294, %lt3A_299 : vector<1x128xi32>
        %and3A_301 = arith.andi %ge3A_297, %lt3A_300 : vector<1x128xi1>
        %jit3A_302 = arith.constant 0 : i32
        %jit3A_303 = arith.constant 127 : i32
        %max3A_304 = vector.broadcast %jit3A_302 : i32 to vector<1x128xi32>
        %max3A_305 = arith.maxsi %max3A_304, %sub3A_294 : vector<1x128xi32>
        %min3A_306 = vector.broadcast %jit3A_303 : i32 to vector<1x128xi32>
        %min3A_307 = arith.minsi %min3A_306, %max3A_305 : vector<1x128xi32>
        %broadcast_in_dim3A_308 = vector.shape_cast %min3A_307 : vector<1x128xi32> to vector<1x128xi32>
        %broadcast_in_dim3A_309 = vector.broadcast %broadcast_in_dim3A_308 : vector<1x128xi32> to vector<16x128xi32>
        %slice3A_310 = vector.extract_strided_slice %transpose3A_92 {offsets = [0, 256], sizes = [16, 128], strides = [1, 1]} : vector<16x1024xf32> to vector<16x128xf32>
        %lt3A_311 = arith.constant 0 : i32
        %lt3A_312 = vector.broadcast %lt3A_311 : i32 to vector<16x128xi32>
        %lt3A_313 = arith.cmpi slt, %broadcast_in_dim3A_309, %lt3A_312 : vector<16x128xi32>
        %add3A_314 = arith.constant 128 : i32
        %add3A_315 = vector.broadcast %add3A_314 : i32 to vector<16x128xi32>
        %add3A_316 = arith.addi %broadcast_in_dim3A_309, %add3A_315 : vector<16x128xi32>
        %select_n3A_317 = arith.select %lt3A_313, %add3A_316, %broadcast_in_dim3A_309 : vector<16x128xi1>, vector<16x128xi32>
        %reshape3A_318 = vector.shape_cast %select_n3A_317 : vector<16x128xi32> to vector<16x128x1xi32>
        %gather3A_319 = vector.shape_cast %reshape3A_318 : vector<16x128x1xi32> to vector<16x128xi32>
        %gather3A_320 = tpu.dynamic_gather %slice3A_310[%gather3A_319] in [1] : vector<16x128xf32>, vector<16x128xi32> -> vector<16x128xf32>
        %convert_element_type3A_321 = arith.extui %and3A_301 : vector<1x128xi1> to vector<1x128xi32>
        %convert_element_type3A_322 = arith.sitofp %convert_element_type3A_321 : vector<1x128xi32> to vector<1x128xf32>
        %mul3A_323 = vector.broadcast %convert_element_type3A_322 : vector<1x128xf32> to vector<16x128xf32>
        %mul3A_324 = arith.mulf %gather3A_320, %mul3A_323 : vector<16x128xf32>
        %add3A_325 = arith.addf %add3A_291, %mul3A_324 : vector<16x128xf32>
        %sub3A_326 = arith.constant 384 : i32
        %sub3A_327 = vector.broadcast %sub3A_326 : i32 to vector<1x128xi32>
        %sub3A_328 = arith.subi %slice3A_215, %sub3A_327 : vector<1x128xi32>
        %ge3A_329 = arith.constant 0 : i32
        %ge3A_330 = vector.broadcast %ge3A_329 : i32 to vector<1x128xi32>
        %ge3A_331 = arith.cmpi sge, %sub3A_328, %ge3A_330 : vector<1x128xi32>
        %lt3A_332 = arith.constant 128 : i32
        %lt3A_333 = vector.broadcast %lt3A_332 : i32 to vector<1x128xi32>
        %lt3A_334 = arith.cmpi slt, %sub3A_328, %lt3A_333 : vector<1x128xi32>
        %and3A_335 = arith.andi %ge3A_331, %lt3A_334 : vector<1x128xi1>
        %jit3A_336 = arith.constant 0 : i32
        %jit3A_337 = arith.constant 127 : i32
        %max3A_338 = vector.broadcast %jit3A_336 : i32 to vector<1x128xi32>
        %max3A_339 = arith.maxsi %max3A_338, %sub3A_328 : vector<1x128xi32>
        %min3A_340 = vector.broadcast %jit3A_337 : i32 to vector<1x128xi32>
        %min3A_341 = arith.minsi %min3A_340, %max3A_339 : vector<1x128xi32>
        %broadcast_in_dim3A_342 = vector.shape_cast %min3A_341 : vector<1x128xi32> to vector<1x128xi32>
        %broadcast_in_dim3A_343 = vector.broadcast %broadcast_in_dim3A_342 : vector<1x128xi32> to vector<16x128xi32>
        %slice3A_344 = vector.extract_strided_slice %transpose3A_92 {offsets = [0, 384], sizes = [16, 128], strides = [1, 1]} : vector<16x1024xf32> to vector<16x128xf32>
        %lt3A_345 = arith.constant 0 : i32
        %lt3A_346 = vector.broadcast %lt3A_345 : i32 to vector<16x128xi32>
        %lt3A_347 = arith.cmpi slt, %broadcast_in_dim3A_343, %lt3A_346 : vector<16x128xi32>
        %add3A_348 = arith.constant 128 : i32
        %add3A_349 = vector.broadcast %add3A_348 : i32 to vector<16x128xi32>
        %add3A_350 = arith.addi %broadcast_in_dim3A_343, %add3A_349 : vector<16x128xi32>
        %select_n3A_351 = arith.select %lt3A_347, %add3A_350, %broadcast_in_dim3A_343 : vector<16x128xi1>, vector<16x128xi32>
        %reshape3A_352 = vector.shape_cast %select_n3A_351 : vector<16x128xi32> to vector<16x128x1xi32>
        %gather3A_353 = vector.shape_cast %reshape3A_352 : vector<16x128x1xi32> to vector<16x128xi32>
        %gather3A_354 = tpu.dynamic_gather %slice3A_344[%gather3A_353] in [1] : vector<16x128xf32>, vector<16x128xi32> -> vector<16x128xf32>
        %convert_element_type3A_355 = arith.extui %and3A_335 : vector<1x128xi1> to vector<1x128xi32>
        %convert_element_type3A_356 = arith.sitofp %convert_element_type3A_355 : vector<1x128xi32> to vector<1x128xf32>
        %mul3A_357 = vector.broadcast %convert_element_type3A_356 : vector<1x128xf32> to vector<16x128xf32>
        %mul3A_358 = arith.mulf %gather3A_354, %mul3A_357 : vector<16x128xf32>
        %add3A_359 = arith.addf %add3A_325, %mul3A_358 : vector<16x128xf32>
        %sub3A_360 = arith.constant 512 : i32
        %sub3A_361 = vector.broadcast %sub3A_360 : i32 to vector<1x128xi32>
        %sub3A_362 = arith.subi %slice3A_215, %sub3A_361 : vector<1x128xi32>
        %ge3A_363 = arith.constant 0 : i32
        %ge3A_364 = vector.broadcast %ge3A_363 : i32 to vector<1x128xi32>
        %ge3A_365 = arith.cmpi sge, %sub3A_362, %ge3A_364 : vector<1x128xi32>
        %lt3A_366 = arith.constant 128 : i32
        %lt3A_367 = vector.broadcast %lt3A_366 : i32 to vector<1x128xi32>
        %lt3A_368 = arith.cmpi slt, %sub3A_362, %lt3A_367 : vector<1x128xi32>
        %and3A_369 = arith.andi %ge3A_365, %lt3A_368 : vector<1x128xi1>
        %jit3A_370 = arith.constant 0 : i32
        %jit3A_371 = arith.constant 127 : i32
        %max3A_372 = vector.broadcast %jit3A_370 : i32 to vector<1x128xi32>
        %max3A_373 = arith.maxsi %max3A_372, %sub3A_362 : vector<1x128xi32>
        %min3A_374 = vector.broadcast %jit3A_371 : i32 to vector<1x128xi32>
        %min3A_375 = arith.minsi %min3A_374, %max3A_373 : vector<1x128xi32>
        %broadcast_in_dim3A_376 = vector.shape_cast %min3A_375 : vector<1x128xi32> to vector<1x128xi32>
        %broadcast_in_dim3A_377 = vector.broadcast %broadcast_in_dim3A_376 : vector<1x128xi32> to vector<16x128xi32>
        %slice3A_378 = vector.extract_strided_slice %transpose3A_92 {offsets = [0, 512], sizes = [16, 128], strides = [1, 1]} : vector<16x1024xf32> to vector<16x128xf32>
        %lt3A_379 = arith.constant 0 : i32
        %lt3A_380 = vector.broadcast %lt3A_379 : i32 to vector<16x128xi32>
        %lt3A_381 = arith.cmpi slt, %broadcast_in_dim3A_377, %lt3A_380 : vector<16x128xi32>
        %add3A_382 = arith.constant 128 : i32
        %add3A_383 = vector.broadcast %add3A_382 : i32 to vector<16x128xi32>
        %add3A_384 = arith.addi %broadcast_in_dim3A_377, %add3A_383 : vector<16x128xi32>
        %select_n3A_385 = arith.select %lt3A_381, %add3A_384, %broadcast_in_dim3A_377 : vector<16x128xi1>, vector<16x128xi32>
        %reshape3A_386 = vector.shape_cast %select_n3A_385 : vector<16x128xi32> to vector<16x128x1xi32>
        %gather3A_387 = vector.shape_cast %reshape3A_386 : vector<16x128x1xi32> to vector<16x128xi32>
        %gather3A_388 = tpu.dynamic_gather %slice3A_378[%gather3A_387] in [1] : vector<16x128xf32>, vector<16x128xi32> -> vector<16x128xf32>
        %convert_element_type3A_389 = arith.extui %and3A_369 : vector<1x128xi1> to vector<1x128xi32>
        %convert_element_type3A_390 = arith.sitofp %convert_element_type3A_389 : vector<1x128xi32> to vector<1x128xf32>
        %mul3A_391 = vector.broadcast %convert_element_type3A_390 : vector<1x128xf32> to vector<16x128xf32>
        %mul3A_392 = arith.mulf %gather3A_388, %mul3A_391 : vector<16x128xf32>
        %add3A_393 = arith.addf %add3A_359, %mul3A_392 : vector<16x128xf32>
        %sub3A_394 = arith.constant 640 : i32
        %sub3A_395 = vector.broadcast %sub3A_394 : i32 to vector<1x128xi32>
        %sub3A_396 = arith.subi %slice3A_215, %sub3A_395 : vector<1x128xi32>
        %ge3A_397 = arith.constant 0 : i32
        %ge3A_398 = vector.broadcast %ge3A_397 : i32 to vector<1x128xi32>
        %ge3A_399 = arith.cmpi sge, %sub3A_396, %ge3A_398 : vector<1x128xi32>
        %lt3A_400 = arith.constant 128 : i32
        %lt3A_401 = vector.broadcast %lt3A_400 : i32 to vector<1x128xi32>
        %lt3A_402 = arith.cmpi slt, %sub3A_396, %lt3A_401 : vector<1x128xi32>
        %and3A_403 = arith.andi %ge3A_399, %lt3A_402 : vector<1x128xi1>
        %jit3A_404 = arith.constant 0 : i32
        %jit3A_405 = arith.constant 127 : i32
        %max3A_406 = vector.broadcast %jit3A_404 : i32 to vector<1x128xi32>
        %max3A_407 = arith.maxsi %max3A_406, %sub3A_396 : vector<1x128xi32>
        %min3A_408 = vector.broadcast %jit3A_405 : i32 to vector<1x128xi32>
        %min3A_409 = arith.minsi %min3A_408, %max3A_407 : vector<1x128xi32>
        %broadcast_in_dim3A_410 = vector.shape_cast %min3A_409 : vector<1x128xi32> to vector<1x128xi32>
        %broadcast_in_dim3A_411 = vector.broadcast %broadcast_in_dim3A_410 : vector<1x128xi32> to vector<16x128xi32>
        %slice3A_412 = vector.extract_strided_slice %transpose3A_92 {offsets = [0, 640], sizes = [16, 128], strides = [1, 1]} : vector<16x1024xf32> to vector<16x128xf32>
        %lt3A_413 = arith.constant 0 : i32
        %lt3A_414 = vector.broadcast %lt3A_413 : i32 to vector<16x128xi32>
        %lt3A_415 = arith.cmpi slt, %broadcast_in_dim3A_411, %lt3A_414 : vector<16x128xi32>
        %add3A_416 = arith.constant 128 : i32
        %add3A_417 = vector.broadcast %add3A_416 : i32 to vector<16x128xi32>
        %add3A_418 = arith.addi %broadcast_in_dim3A_411, %add3A_417 : vector<16x128xi32>
        %select_n3A_419 = arith.select %lt3A_415, %add3A_418, %broadcast_in_dim3A_411 : vector<16x128xi1>, vector<16x128xi32>
        %reshape3A_420 = vector.shape_cast %select_n3A_419 : vector<16x128xi32> to vector<16x128x1xi32>
        %gather3A_421 = vector.shape_cast %reshape3A_420 : vector<16x128x1xi32> to vector<16x128xi32>
        %gather3A_422 = tpu.dynamic_gather %slice3A_412[%gather3A_421] in [1] : vector<16x128xf32>, vector<16x128xi32> -> vector<16x128xf32>
        %convert_element_type3A_423 = arith.extui %and3A_403 : vector<1x128xi1> to vector<1x128xi32>
        %convert_element_type3A_424 = arith.sitofp %convert_element_type3A_423 : vector<1x128xi32> to vector<1x128xf32>
        %mul3A_425 = vector.broadcast %convert_element_type3A_424 : vector<1x128xf32> to vector<16x128xf32>
        %mul3A_426 = arith.mulf %gather3A_422, %mul3A_425 : vector<16x128xf32>
        %add3A_427 = arith.addf %add3A_393, %mul3A_426 : vector<16x128xf32>
        %sub3A_428 = arith.constant 768 : i32
        %sub3A_429 = vector.broadcast %sub3A_428 : i32 to vector<1x128xi32>
        %sub3A_430 = arith.subi %slice3A_215, %sub3A_429 : vector<1x128xi32>
        %ge3A_431 = arith.constant 0 : i32
        %ge3A_432 = vector.broadcast %ge3A_431 : i32 to vector<1x128xi32>
        %ge3A_433 = arith.cmpi sge, %sub3A_430, %ge3A_432 : vector<1x128xi32>
        %lt3A_434 = arith.constant 128 : i32
        %lt3A_435 = vector.broadcast %lt3A_434 : i32 to vector<1x128xi32>
        %lt3A_436 = arith.cmpi slt, %sub3A_430, %lt3A_435 : vector<1x128xi32>
        %and3A_437 = arith.andi %ge3A_433, %lt3A_436 : vector<1x128xi1>
        %jit3A_438 = arith.constant 0 : i32
        %jit3A_439 = arith.constant 127 : i32
        %max3A_440 = vector.broadcast %jit3A_438 : i32 to vector<1x128xi32>
        %max3A_441 = arith.maxsi %max3A_440, %sub3A_430 : vector<1x128xi32>
        %min3A_442 = vector.broadcast %jit3A_439 : i32 to vector<1x128xi32>
        %min3A_443 = arith.minsi %min3A_442, %max3A_441 : vector<1x128xi32>
        %broadcast_in_dim3A_444 = vector.shape_cast %min3A_443 : vector<1x128xi32> to vector<1x128xi32>
        %broadcast_in_dim3A_445 = vector.broadcast %broadcast_in_dim3A_444 : vector<1x128xi32> to vector<16x128xi32>
        %slice3A_446 = vector.extract_strided_slice %transpose3A_92 {offsets = [0, 768], sizes = [16, 128], strides = [1, 1]} : vector<16x1024xf32> to vector<16x128xf32>
        %lt3A_447 = arith.constant 0 : i32
        %lt3A_448 = vector.broadcast %lt3A_447 : i32 to vector<16x128xi32>
        %lt3A_449 = arith.cmpi slt, %broadcast_in_dim3A_445, %lt3A_448 : vector<16x128xi32>
        %add3A_450 = arith.constant 128 : i32
        %add3A_451 = vector.broadcast %add3A_450 : i32 to vector<16x128xi32>
        %add3A_452 = arith.addi %broadcast_in_dim3A_445, %add3A_451 : vector<16x128xi32>
        %select_n3A_453 = arith.select %lt3A_449, %add3A_452, %broadcast_in_dim3A_445 : vector<16x128xi1>, vector<16x128xi32>
        %reshape3A_454 = vector.shape_cast %select_n3A_453 : vector<16x128xi32> to vector<16x128x1xi32>
        %gather3A_455 = vector.shape_cast %reshape3A_454 : vector<16x128x1xi32> to vector<16x128xi32>
        %gather3A_456 = tpu.dynamic_gather %slice3A_446[%gather3A_455] in [1] : vector<16x128xf32>, vector<16x128xi32> -> vector<16x128xf32>
        %convert_element_type3A_457 = arith.extui %and3A_437 : vector<1x128xi1> to vector<1x128xi32>
        %convert_element_type3A_458 = arith.sitofp %convert_element_type3A_457 : vector<1x128xi32> to vector<1x128xf32>
        %mul3A_459 = vector.broadcast %convert_element_type3A_458 : vector<1x128xf32> to vector<16x128xf32>
        %mul3A_460 = arith.mulf %gather3A_456, %mul3A_459 : vector<16x128xf32>
        %add3A_461 = arith.addf %add3A_427, %mul3A_460 : vector<16x128xf32>
        %sub3A_462 = arith.constant 896 : i32
        %sub3A_463 = vector.broadcast %sub3A_462 : i32 to vector<1x128xi32>
        %sub3A_464 = arith.subi %slice3A_215, %sub3A_463 : vector<1x128xi32>
        %ge3A_465 = arith.constant 0 : i32
        %ge3A_466 = vector.broadcast %ge3A_465 : i32 to vector<1x128xi32>
        %ge3A_467 = arith.cmpi sge, %sub3A_464, %ge3A_466 : vector<1x128xi32>
        %lt3A_468 = arith.constant 128 : i32
        %lt3A_469 = vector.broadcast %lt3A_468 : i32 to vector<1x128xi32>
        %lt3A_470 = arith.cmpi slt, %sub3A_464, %lt3A_469 : vector<1x128xi32>
        %and3A_471 = arith.andi %ge3A_467, %lt3A_470 : vector<1x128xi1>
        %jit3A_472 = arith.constant 0 : i32
        %jit3A_473 = arith.constant 127 : i32
        %max3A_474 = vector.broadcast %jit3A_472 : i32 to vector<1x128xi32>
        %max3A_475 = arith.maxsi %max3A_474, %sub3A_464 : vector<1x128xi32>
        %min3A_476 = vector.broadcast %jit3A_473 : i32 to vector<1x128xi32>
        %min3A_477 = arith.minsi %min3A_476, %max3A_475 : vector<1x128xi32>
        %broadcast_in_dim3A_478 = vector.shape_cast %min3A_477 : vector<1x128xi32> to vector<1x128xi32>
        %broadcast_in_dim3A_479 = vector.broadcast %broadcast_in_dim3A_478 : vector<1x128xi32> to vector<16x128xi32>
        %slice3A_480 = vector.extract_strided_slice %transpose3A_92 {offsets = [0, 896], sizes = [16, 128], strides = [1, 1]} : vector<16x1024xf32> to vector<16x128xf32>
        %lt3A_481 = arith.constant 0 : i32
        %lt3A_482 = vector.broadcast %lt3A_481 : i32 to vector<16x128xi32>
        %lt3A_483 = arith.cmpi slt, %broadcast_in_dim3A_479, %lt3A_482 : vector<16x128xi32>
        %add3A_484 = arith.constant 128 : i32
        %add3A_485 = vector.broadcast %add3A_484 : i32 to vector<16x128xi32>
        %add3A_486 = arith.addi %broadcast_in_dim3A_479, %add3A_485 : vector<16x128xi32>
        %select_n3A_487 = arith.select %lt3A_483, %add3A_486, %broadcast_in_dim3A_479 : vector<16x128xi1>, vector<16x128xi32>
        %reshape3A_488 = vector.shape_cast %select_n3A_487 : vector<16x128xi32> to vector<16x128x1xi32>
        %gather3A_489 = vector.shape_cast %reshape3A_488 : vector<16x128x1xi32> to vector<16x128xi32>
        %gather3A_490 = tpu.dynamic_gather %slice3A_480[%gather3A_489] in [1] : vector<16x128xf32>, vector<16x128xi32> -> vector<16x128xf32>
        %convert_element_type3A_491 = arith.extui %and3A_471 : vector<1x128xi1> to vector<1x128xi32>
        %convert_element_type3A_492 = arith.sitofp %convert_element_type3A_491 : vector<1x128xi32> to vector<1x128xf32>
        %mul3A_493 = vector.broadcast %convert_element_type3A_492 : vector<1x128xf32> to vector<16x128xf32>
        %mul3A_494 = arith.mulf %gather3A_490, %mul3A_493 : vector<16x128xf32>
        %add3A_495 = arith.addf %add3A_461, %mul3A_494 : vector<16x128xf32>
        %mul3A_496 = vector.broadcast %slice3A_219 : vector<1x128xf32> to vector<16x128xf32>
        %mul3A_497 = arith.mulf %add3A_495, %mul3A_496 : vector<16x128xf32>
        %add3A_498 = arith.addf %while3A_210, %while3A_211 : vector<16x128xf32>
        %broadcast_in_dim3A_499 = vector.shape_cast %gt3A_225 : vector<1x128xi1> to vector<1x128xi1>
        %broadcast_in_dim3A_500 = vector.broadcast %broadcast_in_dim3A_499 : vector<1x128xi1> to vector<16x128xi1>
        %select_n3A_501 = arith.select %broadcast_in_dim3A_500, %add3A_498, %while3A_210 : vector<16x128xi1>, vector<16x128xf32>
        %add3A_502 = arith.addf %while3A_211, %mul3A_497 : vector<16x128xf32>
        %broadcast_in_dim3A_503 = vector.shape_cast %gt3A_225 : vector<1x128xi1> to vector<1x128xi1>
        %broadcast_in_dim3A_504 = vector.broadcast %broadcast_in_dim3A_503 : vector<1x128xi1> to vector<16x128xi1>
        %select_n3A_505 = arith.select %broadcast_in_dim3A_504, %mul3A_497, %add3A_502 : vector<16x128xi1>, vector<16x128xf32>
        scf.yield %select_n3A_501, %select_n3A_505 : vector<16x128xf32>, vector<16x128xf32>
      }
      %while3A_120 = arith.constant 1 : i32
      %while3A_121:2 = scf.for %while3A_209 = %while3A_117 to %while3A_113 step %while3A_120 iter_args(%while3A_210 = %while3A_119#0, %while3A_211 = %while3A_119#1) -> (vector<16x128xf32>, vector<16x128xf32>)  : i32 {
        %get3A_212 = arith.index_cast %while3A_209 : i32 to index
        %get3A_213 = arith.constant 0 : index
        %get3A_214 = vector.load %arg2[%get3A_212, %get3A_213] : memref<512x1024xi32, #tpu.memory_space<vmem>>, vector<1x1024xi32>
        %slice3A_215 = vector.extract_strided_slice %get3A_214 {offsets = [0, 0], sizes = [1, 128], strides = [1, 1]} : vector<1x1024xi32> to vector<1x128xi32>
        %get3A_216 = arith.index_cast %while3A_209 : i32 to index
        %get3A_217 = arith.constant 0 : index
        %get3A_218 = vector.load %arg3[%get3A_216, %get3A_217] : memref<512x1024xf32, #tpu.memory_space<vmem>>, vector<1x1024xf32>
        %slice3A_219 = vector.extract_strided_slice %get3A_218 {offsets = [0, 0], sizes = [1, 128], strides = [1, 1]} : vector<1x1024xf32> to vector<1x128xf32>
        %get3A_220 = arith.index_cast %while3A_209 : i32 to index
        %get3A_221 = arith.constant 0 : index
        %get3A_222 = vector.load %arg4[%get3A_220, %get3A_221] : memref<512x1024xf32, #tpu.memory_space<vmem>>, vector<1x1024xf32>
        %slice3A_223 = vector.extract_strided_slice %get3A_222 {offsets = [0, 0], sizes = [1, 128], strides = [1, 1]} : vector<1x1024xf32> to vector<1x128xf32>
        %gt3A = arith.constant 5.000000e-01 : f32
        %gt3A_224 = vector.broadcast %gt3A : f32 to vector<1x128xf32>
        %gt3A_225 = arith.cmpf ogt, %slice3A_223, %gt3A_224 : vector<1x128xf32>
        %mul3A_226 = arith.constant 0.000000e+00 : f32
        %mul3A_227 = vector.broadcast %mul3A_226 : f32 to vector<16x128xf32>
        %mul3A_228 = arith.mulf %while3A_210, %mul3A_227 : vector<16x128xf32>
        %sub3A = arith.constant 0 : i32
        %sub3A_229 = vector.broadcast %sub3A : i32 to vector<1x128xi32>
        %sub3A_230 = arith.subi %slice3A_215, %sub3A_229 : vector<1x128xi32>
        %ge3A_231 = arith.constant 0 : i32
        %ge3A_232 = vector.broadcast %ge3A_231 : i32 to vector<1x128xi32>
        %ge3A_233 = arith.cmpi sge, %sub3A_230, %ge3A_232 : vector<1x128xi32>
        %lt3A = arith.constant 128 : i32
        %lt3A_234 = vector.broadcast %lt3A : i32 to vector<1x128xi32>
        %lt3A_235 = arith.cmpi slt, %sub3A_230, %lt3A_234 : vector<1x128xi32>
        %and3A_236 = arith.andi %ge3A_233, %lt3A_235 : vector<1x128xi1>
        %jit3A_237 = arith.constant 0 : i32
        %jit3A_238 = arith.constant 127 : i32
        %max3A_239 = vector.broadcast %jit3A_237 : i32 to vector<1x128xi32>
        %max3A_240 = arith.maxsi %max3A_239, %sub3A_230 : vector<1x128xi32>
        %min3A_241 = vector.broadcast %jit3A_238 : i32 to vector<1x128xi32>
        %min3A_242 = arith.minsi %min3A_241, %max3A_240 : vector<1x128xi32>
        %broadcast_in_dim3A_243 = vector.shape_cast %min3A_242 : vector<1x128xi32> to vector<1x128xi32>
        %broadcast_in_dim3A_244 = vector.broadcast %broadcast_in_dim3A_243 : vector<1x128xi32> to vector<16x128xi32>
        %slice3A_245 = vector.extract_strided_slice %transpose3A_92 {offsets = [0, 0], sizes = [16, 128], strides = [1, 1]} : vector<16x1024xf32> to vector<16x128xf32>
        %lt3A_246 = arith.constant 0 : i32
        %lt3A_247 = vector.broadcast %lt3A_246 : i32 to vector<16x128xi32>
        %lt3A_248 = arith.cmpi slt, %broadcast_in_dim3A_244, %lt3A_247 : vector<16x128xi32>
        %add3A_249 = arith.constant 128 : i32
        %add3A_250 = vector.broadcast %add3A_249 : i32 to vector<16x128xi32>
        %add3A_251 = arith.addi %broadcast_in_dim3A_244, %add3A_250 : vector<16x128xi32>
        %select_n3A_252 = arith.select %lt3A_248, %add3A_251, %broadcast_in_dim3A_244 : vector<16x128xi1>, vector<16x128xi32>
        %reshape3A = vector.shape_cast %select_n3A_252 : vector<16x128xi32> to vector<16x128x1xi32>
        %gather3A = vector.shape_cast %reshape3A : vector<16x128x1xi32> to vector<16x128xi32>
        %gather3A_253 = tpu.dynamic_gather %slice3A_245[%gather3A] in [1] : vector<16x128xf32>, vector<16x128xi32> -> vector<16x128xf32>
        %convert_element_type3A = arith.extui %and3A_236 : vector<1x128xi1> to vector<1x128xi32>
        %convert_element_type3A_254 = arith.sitofp %convert_element_type3A : vector<1x128xi32> to vector<1x128xf32>
        %mul3A_255 = vector.broadcast %convert_element_type3A_254 : vector<1x128xf32> to vector<16x128xf32>
        %mul3A_256 = arith.mulf %gather3A_253, %mul3A_255 : vector<16x128xf32>
        %add3A_257 = arith.addf %mul3A_228, %mul3A_256 : vector<16x128xf32>
        %sub3A_258 = arith.constant 128 : i32
        %sub3A_259 = vector.broadcast %sub3A_258 : i32 to vector<1x128xi32>
        %sub3A_260 = arith.subi %slice3A_215, %sub3A_259 : vector<1x128xi32>
        %ge3A_261 = arith.constant 0 : i32
        %ge3A_262 = vector.broadcast %ge3A_261 : i32 to vector<1x128xi32>
        %ge3A_263 = arith.cmpi sge, %sub3A_260, %ge3A_262 : vector<1x128xi32>
        %lt3A_264 = arith.constant 128 : i32
        %lt3A_265 = vector.broadcast %lt3A_264 : i32 to vector<1x128xi32>
        %lt3A_266 = arith.cmpi slt, %sub3A_260, %lt3A_265 : vector<1x128xi32>
        %and3A_267 = arith.andi %ge3A_263, %lt3A_266 : vector<1x128xi1>
        %jit3A_268 = arith.constant 0 : i32
        %jit3A_269 = arith.constant 127 : i32
        %max3A_270 = vector.broadcast %jit3A_268 : i32 to vector<1x128xi32>
        %max3A_271 = arith.maxsi %max3A_270, %sub3A_260 : vector<1x128xi32>
        %min3A_272 = vector.broadcast %jit3A_269 : i32 to vector<1x128xi32>
        %min3A_273 = arith.minsi %min3A_272, %max3A_271 : vector<1x128xi32>
        %broadcast_in_dim3A_274 = vector.shape_cast %min3A_273 : vector<1x128xi32> to vector<1x128xi32>
        %broadcast_in_dim3A_275 = vector.broadcast %broadcast_in_dim3A_274 : vector<1x128xi32> to vector<16x128xi32>
        %slice3A_276 = vector.extract_strided_slice %transpose3A_92 {offsets = [0, 128], sizes = [16, 128], strides = [1, 1]} : vector<16x1024xf32> to vector<16x128xf32>
        %lt3A_277 = arith.constant 0 : i32
        %lt3A_278 = vector.broadcast %lt3A_277 : i32 to vector<16x128xi32>
        %lt3A_279 = arith.cmpi slt, %broadcast_in_dim3A_275, %lt3A_278 : vector<16x128xi32>
        %add3A_280 = arith.constant 128 : i32
        %add3A_281 = vector.broadcast %add3A_280 : i32 to vector<16x128xi32>
        %add3A_282 = arith.addi %broadcast_in_dim3A_275, %add3A_281 : vector<16x128xi32>
        %select_n3A_283 = arith.select %lt3A_279, %add3A_282, %broadcast_in_dim3A_275 : vector<16x128xi1>, vector<16x128xi32>
        %reshape3A_284 = vector.shape_cast %select_n3A_283 : vector<16x128xi32> to vector<16x128x1xi32>
        %gather3A_285 = vector.shape_cast %reshape3A_284 : vector<16x128x1xi32> to vector<16x128xi32>
        %gather3A_286 = tpu.dynamic_gather %slice3A_276[%gather3A_285] in [1] : vector<16x128xf32>, vector<16x128xi32> -> vector<16x128xf32>
        %convert_element_type3A_287 = arith.extui %and3A_267 : vector<1x128xi1> to vector<1x128xi32>
        %convert_element_type3A_288 = arith.sitofp %convert_element_type3A_287 : vector<1x128xi32> to vector<1x128xf32>
        %mul3A_289 = vector.broadcast %convert_element_type3A_288 : vector<1x128xf32> to vector<16x128xf32>
        %mul3A_290 = arith.mulf %gather3A_286, %mul3A_289 : vector<16x128xf32>
        %add3A_291 = arith.addf %add3A_257, %mul3A_290 : vector<16x128xf32>
        %sub3A_292 = arith.constant 256 : i32
        %sub3A_293 = vector.broadcast %sub3A_292 : i32 to vector<1x128xi32>
        %sub3A_294 = arith.subi %slice3A_215, %sub3A_293 : vector<1x128xi32>
        %ge3A_295 = arith.constant 0 : i32
        %ge3A_296 = vector.broadcast %ge3A_295 : i32 to vector<1x128xi32>
        %ge3A_297 = arith.cmpi sge, %sub3A_294, %ge3A_296 : vector<1x128xi32>
        %lt3A_298 = arith.constant 128 : i32
        %lt3A_299 = vector.broadcast %lt3A_298 : i32 to vector<1x128xi32>
        %lt3A_300 = arith.cmpi slt, %sub3A_294, %lt3A_299 : vector<1x128xi32>
        %and3A_301 = arith.andi %ge3A_297, %lt3A_300 : vector<1x128xi1>
        %jit3A_302 = arith.constant 0 : i32
        %jit3A_303 = arith.constant 127 : i32
        %max3A_304 = vector.broadcast %jit3A_302 : i32 to vector<1x128xi32>
        %max3A_305 = arith.maxsi %max3A_304, %sub3A_294 : vector<1x128xi32>
        %min3A_306 = vector.broadcast %jit3A_303 : i32 to vector<1x128xi32>
        %min3A_307 = arith.minsi %min3A_306, %max3A_305 : vector<1x128xi32>
        %broadcast_in_dim3A_308 = vector.shape_cast %min3A_307 : vector<1x128xi32> to vector<1x128xi32>
        %broadcast_in_dim3A_309 = vector.broadcast %broadcast_in_dim3A_308 : vector<1x128xi32> to vector<16x128xi32>
        %slice3A_310 = vector.extract_strided_slice %transpose3A_92 {offsets = [0, 256], sizes = [16, 128], strides = [1, 1]} : vector<16x1024xf32> to vector<16x128xf32>
        %lt3A_311 = arith.constant 0 : i32
        %lt3A_312 = vector.broadcast %lt3A_311 : i32 to vector<16x128xi32>
        %lt3A_313 = arith.cmpi slt, %broadcast_in_dim3A_309, %lt3A_312 : vector<16x128xi32>
        %add3A_314 = arith.constant 128 : i32
        %add3A_315 = vector.broadcast %add3A_314 : i32 to vector<16x128xi32>
        %add3A_316 = arith.addi %broadcast_in_dim3A_309, %add3A_315 : vector<16x128xi32>
        %select_n3A_317 = arith.select %lt3A_313, %add3A_316, %broadcast_in_dim3A_309 : vector<16x128xi1>, vector<16x128xi32>
        %reshape3A_318 = vector.shape_cast %select_n3A_317 : vector<16x128xi32> to vector<16x128x1xi32>
        %gather3A_319 = vector.shape_cast %reshape3A_318 : vector<16x128x1xi32> to vector<16x128xi32>
        %gather3A_320 = tpu.dynamic_gather %slice3A_310[%gather3A_319] in [1] : vector<16x128xf32>, vector<16x128xi32> -> vector<16x128xf32>
        %convert_element_type3A_321 = arith.extui %and3A_301 : vector<1x128xi1> to vector<1x128xi32>
        %convert_element_type3A_322 = arith.sitofp %convert_element_type3A_321 : vector<1x128xi32> to vector<1x128xf32>
        %mul3A_323 = vector.broadcast %convert_element_type3A_322 : vector<1x128xf32> to vector<16x128xf32>
        %mul3A_324 = arith.mulf %gather3A_320, %mul3A_323 : vector<16x128xf32>
        %add3A_325 = arith.addf %add3A_291, %mul3A_324 : vector<16x128xf32>
        %sub3A_326 = arith.constant 384 : i32
        %sub3A_327 = vector.broadcast %sub3A_326 : i32 to vector<1x128xi32>
        %sub3A_328 = arith.subi %slice3A_215, %sub3A_327 : vector<1x128xi32>
        %ge3A_329 = arith.constant 0 : i32
        %ge3A_330 = vector.broadcast %ge3A_329 : i32 to vector<1x128xi32>
        %ge3A_331 = arith.cmpi sge, %sub3A_328, %ge3A_330 : vector<1x128xi32>
        %lt3A_332 = arith.constant 128 : i32
        %lt3A_333 = vector.broadcast %lt3A_332 : i32 to vector<1x128xi32>
        %lt3A_334 = arith.cmpi slt, %sub3A_328, %lt3A_333 : vector<1x128xi32>
        %and3A_335 = arith.andi %ge3A_331, %lt3A_334 : vector<1x128xi1>
        %jit3A_336 = arith.constant 0 : i32
        %jit3A_337 = arith.constant 127 : i32
        %max3A_338 = vector.broadcast %jit3A_336 : i32 to vector<1x128xi32>
        %max3A_339 = arith.maxsi %max3A_338, %sub3A_328 : vector<1x128xi32>
        %min3A_340 = vector.broadcast %jit3A_337 : i32 to vector<1x128xi32>
        %min3A_341 = arith.minsi %min3A_340, %max3A_339 : vector<1x128xi32>
        %broadcast_in_dim3A_342 = vector.shape_cast %min3A_341 : vector<1x128xi32> to vector<1x128xi32>
        %broadcast_in_dim3A_343 = vector.broadcast %broadcast_in_dim3A_342 : vector<1x128xi32> to vector<16x128xi32>
        %slice3A_344 = vector.extract_strided_slice %transpose3A_92 {offsets = [0, 384], sizes = [16, 128], strides = [1, 1]} : vector<16x1024xf32> to vector<16x128xf32>
        %lt3A_345 = arith.constant 0 : i32
        %lt3A_346 = vector.broadcast %lt3A_345 : i32 to vector<16x128xi32>
        %lt3A_347 = arith.cmpi slt, %broadcast_in_dim3A_343, %lt3A_346 : vector<16x128xi32>
        %add3A_348 = arith.constant 128 : i32
        %add3A_349 = vector.broadcast %add3A_348 : i32 to vector<16x128xi32>
        %add3A_350 = arith.addi %broadcast_in_dim3A_343, %add3A_349 : vector<16x128xi32>
        %select_n3A_351 = arith.select %lt3A_347, %add3A_350, %broadcast_in_dim3A_343 : vector<16x128xi1>, vector<16x128xi32>
        %reshape3A_352 = vector.shape_cast %select_n3A_351 : vector<16x128xi32> to vector<16x128x1xi32>
        %gather3A_353 = vector.shape_cast %reshape3A_352 : vector<16x128x1xi32> to vector<16x128xi32>
        %gather3A_354 = tpu.dynamic_gather %slice3A_344[%gather3A_353] in [1] : vector<16x128xf32>, vector<16x128xi32> -> vector<16x128xf32>
        %convert_element_type3A_355 = arith.extui %and3A_335 : vector<1x128xi1> to vector<1x128xi32>
        %convert_element_type3A_356 = arith.sitofp %convert_element_type3A_355 : vector<1x128xi32> to vector<1x128xf32>
        %mul3A_357 = vector.broadcast %convert_element_type3A_356 : vector<1x128xf32> to vector<16x128xf32>
        %mul3A_358 = arith.mulf %gather3A_354, %mul3A_357 : vector<16x128xf32>
        %add3A_359 = arith.addf %add3A_325, %mul3A_358 : vector<16x128xf32>
        %sub3A_360 = arith.constant 512 : i32
        %sub3A_361 = vector.broadcast %sub3A_360 : i32 to vector<1x128xi32>
        %sub3A_362 = arith.subi %slice3A_215, %sub3A_361 : vector<1x128xi32>
        %ge3A_363 = arith.constant 0 : i32
        %ge3A_364 = vector.broadcast %ge3A_363 : i32 to vector<1x128xi32>
        %ge3A_365 = arith.cmpi sge, %sub3A_362, %ge3A_364 : vector<1x128xi32>
        %lt3A_366 = arith.constant 128 : i32
        %lt3A_367 = vector.broadcast %lt3A_366 : i32 to vector<1x128xi32>
        %lt3A_368 = arith.cmpi slt, %sub3A_362, %lt3A_367 : vector<1x128xi32>
        %and3A_369 = arith.andi %ge3A_365, %lt3A_368 : vector<1x128xi1>
        %jit3A_370 = arith.constant 0 : i32
        %jit3A_371 = arith.constant 127 : i32
        %max3A_372 = vector.broadcast %jit3A_370 : i32 to vector<1x128xi32>
        %max3A_373 = arith.maxsi %max3A_372, %sub3A_362 : vector<1x128xi32>
        %min3A_374 = vector.broadcast %jit3A_371 : i32 to vector<1x128xi32>
        %min3A_375 = arith.minsi %min3A_374, %max3A_373 : vector<1x128xi32>
        %broadcast_in_dim3A_376 = vector.shape_cast %min3A_375 : vector<1x128xi32> to vector<1x128xi32>
        %broadcast_in_dim3A_377 = vector.broadcast %broadcast_in_dim3A_376 : vector<1x128xi32> to vector<16x128xi32>
        %slice3A_378 = vector.extract_strided_slice %transpose3A_92 {offsets = [0, 512], sizes = [16, 128], strides = [1, 1]} : vector<16x1024xf32> to vector<16x128xf32>
        %lt3A_379 = arith.constant 0 : i32
        %lt3A_380 = vector.broadcast %lt3A_379 : i32 to vector<16x128xi32>
        %lt3A_381 = arith.cmpi slt, %broadcast_in_dim3A_377, %lt3A_380 : vector<16x128xi32>
        %add3A_382 = arith.constant 128 : i32
        %add3A_383 = vector.broadcast %add3A_382 : i32 to vector<16x128xi32>
        %add3A_384 = arith.addi %broadcast_in_dim3A_377, %add3A_383 : vector<16x128xi32>
        %select_n3A_385 = arith.select %lt3A_381, %add3A_384, %broadcast_in_dim3A_377 : vector<16x128xi1>, vector<16x128xi32>
        %reshape3A_386 = vector.shape_cast %select_n3A_385 : vector<16x128xi32> to vector<16x128x1xi32>
        %gather3A_387 = vector.shape_cast %reshape3A_386 : vector<16x128x1xi32> to vector<16x128xi32>
        %gather3A_388 = tpu.dynamic_gather %slice3A_378[%gather3A_387] in [1] : vector<16x128xf32>, vector<16x128xi32> -> vector<16x128xf32>
        %convert_element_type3A_389 = arith.extui %and3A_369 : vector<1x128xi1> to vector<1x128xi32>
        %convert_element_type3A_390 = arith.sitofp %convert_element_type3A_389 : vector<1x128xi32> to vector<1x128xf32>
        %mul3A_391 = vector.broadcast %convert_element_type3A_390 : vector<1x128xf32> to vector<16x128xf32>
        %mul3A_392 = arith.mulf %gather3A_388, %mul3A_391 : vector<16x128xf32>
        %add3A_393 = arith.addf %add3A_359, %mul3A_392 : vector<16x128xf32>
        %sub3A_394 = arith.constant 640 : i32
        %sub3A_395 = vector.broadcast %sub3A_394 : i32 to vector<1x128xi32>
        %sub3A_396 = arith.subi %slice3A_215, %sub3A_395 : vector<1x128xi32>
        %ge3A_397 = arith.constant 0 : i32
        %ge3A_398 = vector.broadcast %ge3A_397 : i32 to vector<1x128xi32>
        %ge3A_399 = arith.cmpi sge, %sub3A_396, %ge3A_398 : vector<1x128xi32>
        %lt3A_400 = arith.constant 128 : i32
        %lt3A_401 = vector.broadcast %lt3A_400 : i32 to vector<1x128xi32>
        %lt3A_402 = arith.cmpi slt, %sub3A_396, %lt3A_401 : vector<1x128xi32>
        %and3A_403 = arith.andi %ge3A_399, %lt3A_402 : vector<1x128xi1>
        %jit3A_404 = arith.constant 0 : i32
        %jit3A_405 = arith.constant 127 : i32
        %max3A_406 = vector.broadcast %jit3A_404 : i32 to vector<1x128xi32>
        %max3A_407 = arith.maxsi %max3A_406, %sub3A_396 : vector<1x128xi32>
        %min3A_408 = vector.broadcast %jit3A_405 : i32 to vector<1x128xi32>
        %min3A_409 = arith.minsi %min3A_408, %max3A_407 : vector<1x128xi32>
        %broadcast_in_dim3A_410 = vector.shape_cast %min3A_409 : vector<1x128xi32> to vector<1x128xi32>
        %broadcast_in_dim3A_411 = vector.broadcast %broadcast_in_dim3A_410 : vector<1x128xi32> to vector<16x128xi32>
        %slice3A_412 = vector.extract_strided_slice %transpose3A_92 {offsets = [0, 640], sizes = [16, 128], strides = [1, 1]} : vector<16x1024xf32> to vector<16x128xf32>
        %lt3A_413 = arith.constant 0 : i32
        %lt3A_414 = vector.broadcast %lt3A_413 : i32 to vector<16x128xi32>
        %lt3A_415 = arith.cmpi slt, %broadcast_in_dim3A_411, %lt3A_414 : vector<16x128xi32>
        %add3A_416 = arith.constant 128 : i32
        %add3A_417 = vector.broadcast %add3A_416 : i32 to vector<16x128xi32>
        %add3A_418 = arith.addi %broadcast_in_dim3A_411, %add3A_417 : vector<16x128xi32>
        %select_n3A_419 = arith.select %lt3A_415, %add3A_418, %broadcast_in_dim3A_411 : vector<16x128xi1>, vector<16x128xi32>
        %reshape3A_420 = vector.shape_cast %select_n3A_419 : vector<16x128xi32> to vector<16x128x1xi32>
        %gather3A_421 = vector.shape_cast %reshape3A_420 : vector<16x128x1xi32> to vector<16x128xi32>
        %gather3A_422 = tpu.dynamic_gather %slice3A_412[%gather3A_421] in [1] : vector<16x128xf32>, vector<16x128xi32> -> vector<16x128xf32>
        %convert_element_type3A_423 = arith.extui %and3A_403 : vector<1x128xi1> to vector<1x128xi32>
        %convert_element_type3A_424 = arith.sitofp %convert_element_type3A_423 : vector<1x128xi32> to vector<1x128xf32>
        %mul3A_425 = vector.broadcast %convert_element_type3A_424 : vector<1x128xf32> to vector<16x128xf32>
        %mul3A_426 = arith.mulf %gather3A_422, %mul3A_425 : vector<16x128xf32>
        %add3A_427 = arith.addf %add3A_393, %mul3A_426 : vector<16x128xf32>
        %sub3A_428 = arith.constant 768 : i32
        %sub3A_429 = vector.broadcast %sub3A_428 : i32 to vector<1x128xi32>
        %sub3A_430 = arith.subi %slice3A_215, %sub3A_429 : vector<1x128xi32>
        %ge3A_431 = arith.constant 0 : i32
        %ge3A_432 = vector.broadcast %ge3A_431 : i32 to vector<1x128xi32>
        %ge3A_433 = arith.cmpi sge, %sub3A_430, %ge3A_432 : vector<1x128xi32>
        %lt3A_434 = arith.constant 128 : i32
        %lt3A_435 = vector.broadcast %lt3A_434 : i32 to vector<1x128xi32>
        %lt3A_436 = arith.cmpi slt, %sub3A_430, %lt3A_435 : vector<1x128xi32>
        %and3A_437 = arith.andi %ge3A_433, %lt3A_436 : vector<1x128xi1>
        %jit3A_438 = arith.constant 0 : i32
        %jit3A_439 = arith.constant 127 : i32
        %max3A_440 = vector.broadcast %jit3A_438 : i32 to vector<1x128xi32>
        %max3A_441 = arith.maxsi %max3A_440, %sub3A_430 : vector<1x128xi32>
        %min3A_442 = vector.broadcast %jit3A_439 : i32 to vector<1x128xi32>
        %min3A_443 = arith.minsi %min3A_442, %max3A_441 : vector<1x128xi32>
        %broadcast_in_dim3A_444 = vector.shape_cast %min3A_443 : vector<1x128xi32> to vector<1x128xi32>
        %broadcast_in_dim3A_445 = vector.broadcast %broadcast_in_dim3A_444 : vector<1x128xi32> to vector<16x128xi32>
        %slice3A_446 = vector.extract_strided_slice %transpose3A_92 {offsets = [0, 768], sizes = [16, 128], strides = [1, 1]} : vector<16x1024xf32> to vector<16x128xf32>
        %lt3A_447 = arith.constant 0 : i32
        %lt3A_448 = vector.broadcast %lt3A_447 : i32 to vector<16x128xi32>
        %lt3A_449 = arith.cmpi slt, %broadcast_in_dim3A_445, %lt3A_448 : vector<16x128xi32>
        %add3A_450 = arith.constant 128 : i32
        %add3A_451 = vector.broadcast %add3A_450 : i32 to vector<16x128xi32>
        %add3A_452 = arith.addi %broadcast_in_dim3A_445, %add3A_451 : vector<16x128xi32>
        %select_n3A_453 = arith.select %lt3A_449, %add3A_452, %broadcast_in_dim3A_445 : vector<16x128xi1>, vector<16x128xi32>
        %reshape3A_454 = vector.shape_cast %select_n3A_453 : vector<16x128xi32> to vector<16x128x1xi32>
        %gather3A_455 = vector.shape_cast %reshape3A_454 : vector<16x128x1xi32> to vector<16x128xi32>
        %gather3A_456 = tpu.dynamic_gather %slice3A_446[%gather3A_455] in [1] : vector<16x128xf32>, vector<16x128xi32> -> vector<16x128xf32>
        %convert_element_type3A_457 = arith.extui %and3A_437 : vector<1x128xi1> to vector<1x128xi32>
        %convert_element_type3A_458 = arith.sitofp %convert_element_type3A_457 : vector<1x128xi32> to vector<1x128xf32>
        %mul3A_459 = vector.broadcast %convert_element_type3A_458 : vector<1x128xf32> to vector<16x128xf32>
        %mul3A_460 = arith.mulf %gather3A_456, %mul3A_459 : vector<16x128xf32>
        %add3A_461 = arith.addf %add3A_427, %mul3A_460 : vector<16x128xf32>
        %sub3A_462 = arith.constant 896 : i32
        %sub3A_463 = vector.broadcast %sub3A_462 : i32 to vector<1x128xi32>
        %sub3A_464 = arith.subi %slice3A_215, %sub3A_463 : vector<1x128xi32>
        %ge3A_465 = arith.constant 0 : i32
        %ge3A_466 = vector.broadcast %ge3A_465 : i32 to vector<1x128xi32>
        %ge3A_467 = arith.cmpi sge, %sub3A_464, %ge3A_466 : vector<1x128xi32>
        %lt3A_468 = arith.constant 128 : i32
        %lt3A_469 = vector.broadcast %lt3A_468 : i32 to vector<1x128xi32>
        %lt3A_470 = arith.cmpi slt, %sub3A_464, %lt3A_469 : vector<1x128xi32>
        %and3A_471 = arith.andi %ge3A_467, %lt3A_470 : vector<1x128xi1>
        %jit3A_472 = arith.constant 0 : i32
        %jit3A_473 = arith.constant 127 : i32
        %max3A_474 = vector.broadcast %jit3A_472 : i32 to vector<1x128xi32>
        %max3A_475 = arith.maxsi %max3A_474, %sub3A_464 : vector<1x128xi32>
        %min3A_476 = vector.broadcast %jit3A_473 : i32 to vector<1x128xi32>
        %min3A_477 = arith.minsi %min3A_476, %max3A_475 : vector<1x128xi32>
        %broadcast_in_dim3A_478 = vector.shape_cast %min3A_477 : vector<1x128xi32> to vector<1x128xi32>
        %broadcast_in_dim3A_479 = vector.broadcast %broadcast_in_dim3A_478 : vector<1x128xi32> to vector<16x128xi32>
        %slice3A_480 = vector.extract_strided_slice %transpose3A_92 {offsets = [0, 896], sizes = [16, 128], strides = [1, 1]} : vector<16x1024xf32> to vector<16x128xf32>
        %lt3A_481 = arith.constant 0 : i32
        %lt3A_482 = vector.broadcast %lt3A_481 : i32 to vector<16x128xi32>
        %lt3A_483 = arith.cmpi slt, %broadcast_in_dim3A_479, %lt3A_482 : vector<16x128xi32>
        %add3A_484 = arith.constant 128 : i32
        %add3A_485 = vector.broadcast %add3A_484 : i32 to vector<16x128xi32>
        %add3A_486 = arith.addi %broadcast_in_dim3A_479, %add3A_485 : vector<16x128xi32>
        %select_n3A_487 = arith.select %lt3A_483, %add3A_486, %broadcast_in_dim3A_479 : vector<16x128xi1>, vector<16x128xi32>
        %reshape3A_488 = vector.shape_cast %select_n3A_487 : vector<16x128xi32> to vector<16x128x1xi32>
        %gather3A_489 = vector.shape_cast %reshape3A_488 : vector<16x128x1xi32> to vector<16x128xi32>
        %gather3A_490 = tpu.dynamic_gather %slice3A_480[%gather3A_489] in [1] : vector<16x128xf32>, vector<16x128xi32> -> vector<16x128xf32>
        %convert_element_type3A_491 = arith.extui %and3A_471 : vector<1x128xi1> to vector<1x128xi32>
        %convert_element_type3A_492 = arith.sitofp %convert_element_type3A_491 : vector<1x128xi32> to vector<1x128xf32>
        %mul3A_493 = vector.broadcast %convert_element_type3A_492 : vector<1x128xf32> to vector<16x128xf32>
        %mul3A_494 = arith.mulf %gather3A_490, %mul3A_493 : vector<16x128xf32>
        %add3A_495 = arith.addf %add3A_461, %mul3A_494 : vector<16x128xf32>
        %mul3A_496 = vector.broadcast %slice3A_219 : vector<1x128xf32> to vector<16x128xf32>
        %mul3A_497 = arith.mulf %add3A_495, %mul3A_496 : vector<16x128xf32>
        %add3A_498 = arith.addf %while3A_210, %while3A_211 : vector<16x128xf32>
        %broadcast_in_dim3A_499 = vector.shape_cast %gt3A_225 : vector<1x128xi1> to vector<1x128xi1>
        %broadcast_in_dim3A_500 = vector.broadcast %broadcast_in_dim3A_499 : vector<1x128xi1> to vector<16x128xi1>
        %select_n3A_501 = arith.select %broadcast_in_dim3A_500, %add3A_498, %while3A_210 : vector<16x128xi1>, vector<16x128xf32>
        %add3A_502 = arith.addf %while3A_211, %mul3A_497 : vector<16x128xf32>
        %broadcast_in_dim3A_503 = vector.shape_cast %gt3A_225 : vector<1x128xi1> to vector<1x128xi1>
        %broadcast_in_dim3A_504 = vector.broadcast %broadcast_in_dim3A_503 : vector<1x128xi1> to vector<16x128xi1>
        %select_n3A_505 = arith.select %broadcast_in_dim3A_504, %mul3A_497, %add3A_502 : vector<16x128xi1>, vector<16x128xf32>
        scf.yield %select_n3A_501, %select_n3A_505 : vector<16x128xf32>, vector<16x128xf32>
      }
      %slice3A_122 = vector.extract_strided_slice %while3A_109#0 {offsets = [0, 128], sizes = [16, 896], strides = [1, 1]} : vector<16x1024xf32> to vector<16x896xf32>
      %concatenate3A_123 = tpu.concatenate %while3A_121#0, %slice3A_122 in 1 : vector<16x128xf32>, vector<16x896xf32> -> vector<16x1024xf32>
      %slice3A_124 = vector.extract_strided_slice %while3A_109#1 {offsets = [0, 128], sizes = [16, 896], strides = [1, 1]} : vector<16x1024xf32> to vector<16x896xf32>
      %concatenate3A_125 = tpu.concatenate %while3A_121#1, %slice3A_124 in 1 : vector<16x128xf32>, vector<16x896xf32> -> vector<16x1024xf32>
      %add3A_126 = arith.addf %concatenate3A_123, %concatenate3A_125 : vector<16x1024xf32>
      %transpose3A_127 = tpu.transpose %add3A_126, [1, 0] : vector<16x1024xf32> -> vector<1024x16xf32>
      %tanh3A_128 = math.tanh %transpose3A_127 : vector<1024x16xf32>
      %dot_general3A_129 = arith.constant dense<0.000000e+00> : vector<1024x16xf32>
      %dot_general3A_130 = tpu.matmul %tanh3A_128, %get3A_32, %dot_general3A_129 {dimension_numbers = #tpu.dot_dimension_numbers<[1], [0], [0], [1], [0, 0, 1, 1], [], []>, transpose_lhs_hint = false} : vector<1024x16xf32>, vector<16x16xf32>, vector<1024x16xf32> -> vector<1024x16xf32>
      %add3A_131 = vector.broadcast %get3A_35 : vector<1x16xf32> to vector<1024x16xf32>
      %add3A_132 = arith.addf %dot_general3A_130, %add3A_131 : vector<1024x16xf32>
      %transpose3A_133 = tpu.transpose %add3A_132, [1, 0] : vector<1024x16xf32> -> vector<16x1024xf32>
      %mul3A_134 = arith.constant 0.000000e+00 : f32
      %mul3A_135 = vector.broadcast %mul3A_134 : f32 to vector<16x1024xf32>
      %mul3A_136 = arith.mulf %transpose3A_133, %mul3A_135 : vector<16x1024xf32>
      %mul3A_137 = vector.broadcast %get3A_1 : vector<1x1024xf32> to vector<16x1024xf32>
      %mul3A_138 = arith.mulf %transpose3A_133, %mul3A_137 : vector<16x1024xf32>
      %min3A_139 = arith.minsi %get3A_5, %get3A_9 : i32
      %while3A_140 = arith.constant 0 : i32
      %while3A_141 = arith.subi %min3A_139, %while3A_140 : i32
      %while3A_142 = arith.addi %while3A_140, %while3A_141 : i32
      %while3A_143 = arith.constant 1 : i32
      %while3A_144 = arith.divsi %while3A_141, %while3A_143 : i32
      %while3A_145 = arith.muli %while3A_144, %while3A_143 : i32
      %while3A_146 = arith.addi %while3A_140, %while3A_145 : i32
      %while3A_147 = arith.constant 1 : i32
      %while3A_148:2 = scf.for %while3A_209 = %while3A_140 to %while3A_146 step %while3A_147 iter_args(%while3A_210 = %mul3A_138, %while3A_211 = %mul3A_136) -> (vector<16x1024xf32>, vector<16x1024xf32>)  : i32 {
        %get3A_212 = arith.index_cast %while3A_209 : i32 to index
        %get3A_213 = arith.constant 0 : index
        %get3A_214 = vector.load %arg2[%get3A_212, %get3A_213] : memref<512x1024xi32, #tpu.memory_space<vmem>>, vector<1x1024xi32>
        %slice3A_215 = vector.extract_strided_slice %get3A_214 {offsets = [0, 0], sizes = [1, 1024], strides = [1, 1]} : vector<1x1024xi32> to vector<1x1024xi32>
        %get3A_216 = arith.index_cast %while3A_209 : i32 to index
        %get3A_217 = arith.constant 0 : index
        %get3A_218 = vector.load %arg3[%get3A_216, %get3A_217] : memref<512x1024xf32, #tpu.memory_space<vmem>>, vector<1x1024xf32>
        %slice3A_219 = vector.extract_strided_slice %get3A_218 {offsets = [0, 0], sizes = [1, 1024], strides = [1, 1]} : vector<1x1024xf32> to vector<1x1024xf32>
        %get3A_220 = arith.index_cast %while3A_209 : i32 to index
        %get3A_221 = arith.constant 0 : index
        %get3A_222 = vector.load %arg4[%get3A_220, %get3A_221] : memref<512x1024xf32, #tpu.memory_space<vmem>>, vector<1x1024xf32>
        %slice3A_223 = vector.extract_strided_slice %get3A_222 {offsets = [0, 0], sizes = [1, 1024], strides = [1, 1]} : vector<1x1024xf32> to vector<1x1024xf32>
        %gt3A = arith.constant 5.000000e-01 : f32
        %gt3A_224 = vector.broadcast %gt3A : f32 to vector<1x1024xf32>
        %gt3A_225 = arith.cmpf ogt, %slice3A_223, %gt3A_224 : vector<1x1024xf32>
        %mul3A_226 = arith.constant 0.000000e+00 : f32
        %mul3A_227 = vector.broadcast %mul3A_226 : f32 to vector<16x1024xf32>
        %mul3A_228 = arith.mulf %while3A_210, %mul3A_227 : vector<16x1024xf32>
        %sub3A = arith.constant 0 : i32
        %sub3A_229 = vector.broadcast %sub3A : i32 to vector<1x1024xi32>
        %sub3A_230 = arith.subi %slice3A_215, %sub3A_229 : vector<1x1024xi32>
        %ge3A_231 = arith.constant 0 : i32
        %ge3A_232 = vector.broadcast %ge3A_231 : i32 to vector<1x1024xi32>
        %ge3A_233 = arith.cmpi sge, %sub3A_230, %ge3A_232 : vector<1x1024xi32>
        %lt3A = arith.constant 128 : i32
        %lt3A_234 = vector.broadcast %lt3A : i32 to vector<1x1024xi32>
        %lt3A_235 = arith.cmpi slt, %sub3A_230, %lt3A_234 : vector<1x1024xi32>
        %and3A_236 = arith.andi %ge3A_233, %lt3A_235 : vector<1x1024xi1>
        %jit3A_237 = arith.constant 0 : i32
        %jit3A_238 = arith.constant 127 : i32
        %max3A_239 = vector.broadcast %jit3A_237 : i32 to vector<1x1024xi32>
        %max3A_240 = arith.maxsi %max3A_239, %sub3A_230 : vector<1x1024xi32>
        %min3A_241 = vector.broadcast %jit3A_238 : i32 to vector<1x1024xi32>
        %min3A_242 = arith.minsi %min3A_241, %max3A_240 : vector<1x1024xi32>
        %broadcast_in_dim3A_243 = vector.shape_cast %min3A_242 : vector<1x1024xi32> to vector<1x1024xi32>
        %broadcast_in_dim3A_244 = vector.broadcast %broadcast_in_dim3A_243 : vector<1x1024xi32> to vector<16x1024xi32>
        %slice3A_245 = vector.extract_strided_slice %transpose3A_133 {offsets = [0, 0], sizes = [16, 128], strides = [1, 1]} : vector<16x1024xf32> to vector<16x128xf32>
        %lt3A_246 = arith.constant 0 : i32
        %lt3A_247 = vector.broadcast %lt3A_246 : i32 to vector<16x1024xi32>
        %lt3A_248 = arith.cmpi slt, %broadcast_in_dim3A_244, %lt3A_247 : vector<16x1024xi32>
        %add3A_249 = arith.constant 128 : i32
        %add3A_250 = vector.broadcast %add3A_249 : i32 to vector<16x1024xi32>
        %add3A_251 = arith.addi %broadcast_in_dim3A_244, %add3A_250 : vector<16x1024xi32>
        %select_n3A_252 = arith.select %lt3A_248, %add3A_251, %broadcast_in_dim3A_244 : vector<16x1024xi1>, vector<16x1024xi32>
        %reshape3A = vector.shape_cast %select_n3A_252 : vector<16x1024xi32> to vector<16x1024x1xi32>
        %gather3A = vector.shape_cast %reshape3A : vector<16x1024x1xi32> to vector<16x1024xi32>
        %gather3A_253 = tpu.dynamic_gather %slice3A_245[%gather3A] in [1] : vector<16x128xf32>, vector<16x1024xi32> -> vector<16x1024xf32>
        %convert_element_type3A = arith.extui %and3A_236 : vector<1x1024xi1> to vector<1x1024xi32>
        %convert_element_type3A_254 = arith.sitofp %convert_element_type3A : vector<1x1024xi32> to vector<1x1024xf32>
        %mul3A_255 = vector.broadcast %convert_element_type3A_254 : vector<1x1024xf32> to vector<16x1024xf32>
        %mul3A_256 = arith.mulf %gather3A_253, %mul3A_255 : vector<16x1024xf32>
        %add3A_257 = arith.addf %mul3A_228, %mul3A_256 : vector<16x1024xf32>
        %sub3A_258 = arith.constant 128 : i32
        %sub3A_259 = vector.broadcast %sub3A_258 : i32 to vector<1x1024xi32>
        %sub3A_260 = arith.subi %slice3A_215, %sub3A_259 : vector<1x1024xi32>
        %ge3A_261 = arith.constant 0 : i32
        %ge3A_262 = vector.broadcast %ge3A_261 : i32 to vector<1x1024xi32>
        %ge3A_263 = arith.cmpi sge, %sub3A_260, %ge3A_262 : vector<1x1024xi32>
        %lt3A_264 = arith.constant 128 : i32
        %lt3A_265 = vector.broadcast %lt3A_264 : i32 to vector<1x1024xi32>
        %lt3A_266 = arith.cmpi slt, %sub3A_260, %lt3A_265 : vector<1x1024xi32>
        %and3A_267 = arith.andi %ge3A_263, %lt3A_266 : vector<1x1024xi1>
        %jit3A_268 = arith.constant 0 : i32
        %jit3A_269 = arith.constant 127 : i32
        %max3A_270 = vector.broadcast %jit3A_268 : i32 to vector<1x1024xi32>
        %max3A_271 = arith.maxsi %max3A_270, %sub3A_260 : vector<1x1024xi32>
        %min3A_272 = vector.broadcast %jit3A_269 : i32 to vector<1x1024xi32>
        %min3A_273 = arith.minsi %min3A_272, %max3A_271 : vector<1x1024xi32>
        %broadcast_in_dim3A_274 = vector.shape_cast %min3A_273 : vector<1x1024xi32> to vector<1x1024xi32>
        %broadcast_in_dim3A_275 = vector.broadcast %broadcast_in_dim3A_274 : vector<1x1024xi32> to vector<16x1024xi32>
        %slice3A_276 = vector.extract_strided_slice %transpose3A_133 {offsets = [0, 128], sizes = [16, 128], strides = [1, 1]} : vector<16x1024xf32> to vector<16x128xf32>
        %lt3A_277 = arith.constant 0 : i32
        %lt3A_278 = vector.broadcast %lt3A_277 : i32 to vector<16x1024xi32>
        %lt3A_279 = arith.cmpi slt, %broadcast_in_dim3A_275, %lt3A_278 : vector<16x1024xi32>
        %add3A_280 = arith.constant 128 : i32
        %add3A_281 = vector.broadcast %add3A_280 : i32 to vector<16x1024xi32>
        %add3A_282 = arith.addi %broadcast_in_dim3A_275, %add3A_281 : vector<16x1024xi32>
        %select_n3A_283 = arith.select %lt3A_279, %add3A_282, %broadcast_in_dim3A_275 : vector<16x1024xi1>, vector<16x1024xi32>
        %reshape3A_284 = vector.shape_cast %select_n3A_283 : vector<16x1024xi32> to vector<16x1024x1xi32>
        %gather3A_285 = vector.shape_cast %reshape3A_284 : vector<16x1024x1xi32> to vector<16x1024xi32>
        %gather3A_286 = tpu.dynamic_gather %slice3A_276[%gather3A_285] in [1] : vector<16x128xf32>, vector<16x1024xi32> -> vector<16x1024xf32>
        %convert_element_type3A_287 = arith.extui %and3A_267 : vector<1x1024xi1> to vector<1x1024xi32>
        %convert_element_type3A_288 = arith.sitofp %convert_element_type3A_287 : vector<1x1024xi32> to vector<1x1024xf32>
        %mul3A_289 = vector.broadcast %convert_element_type3A_288 : vector<1x1024xf32> to vector<16x1024xf32>
        %mul3A_290 = arith.mulf %gather3A_286, %mul3A_289 : vector<16x1024xf32>
        %add3A_291 = arith.addf %add3A_257, %mul3A_290 : vector<16x1024xf32>
        %sub3A_292 = arith.constant 256 : i32
        %sub3A_293 = vector.broadcast %sub3A_292 : i32 to vector<1x1024xi32>
        %sub3A_294 = arith.subi %slice3A_215, %sub3A_293 : vector<1x1024xi32>
        %ge3A_295 = arith.constant 0 : i32
        %ge3A_296 = vector.broadcast %ge3A_295 : i32 to vector<1x1024xi32>
        %ge3A_297 = arith.cmpi sge, %sub3A_294, %ge3A_296 : vector<1x1024xi32>
        %lt3A_298 = arith.constant 128 : i32
        %lt3A_299 = vector.broadcast %lt3A_298 : i32 to vector<1x1024xi32>
        %lt3A_300 = arith.cmpi slt, %sub3A_294, %lt3A_299 : vector<1x1024xi32>
        %and3A_301 = arith.andi %ge3A_297, %lt3A_300 : vector<1x1024xi1>
        %jit3A_302 = arith.constant 0 : i32
        %jit3A_303 = arith.constant 127 : i32
        %max3A_304 = vector.broadcast %jit3A_302 : i32 to vector<1x1024xi32>
        %max3A_305 = arith.maxsi %max3A_304, %sub3A_294 : vector<1x1024xi32>
        %min3A_306 = vector.broadcast %jit3A_303 : i32 to vector<1x1024xi32>
        %min3A_307 = arith.minsi %min3A_306, %max3A_305 : vector<1x1024xi32>
        %broadcast_in_dim3A_308 = vector.shape_cast %min3A_307 : vector<1x1024xi32> to vector<1x1024xi32>
        %broadcast_in_dim3A_309 = vector.broadcast %broadcast_in_dim3A_308 : vector<1x1024xi32> to vector<16x1024xi32>
        %slice3A_310 = vector.extract_strided_slice %transpose3A_133 {offsets = [0, 256], sizes = [16, 128], strides = [1, 1]} : vector<16x1024xf32> to vector<16x128xf32>
        %lt3A_311 = arith.constant 0 : i32
        %lt3A_312 = vector.broadcast %lt3A_311 : i32 to vector<16x1024xi32>
        %lt3A_313 = arith.cmpi slt, %broadcast_in_dim3A_309, %lt3A_312 : vector<16x1024xi32>
        %add3A_314 = arith.constant 128 : i32
        %add3A_315 = vector.broadcast %add3A_314 : i32 to vector<16x1024xi32>
        %add3A_316 = arith.addi %broadcast_in_dim3A_309, %add3A_315 : vector<16x1024xi32>
        %select_n3A_317 = arith.select %lt3A_313, %add3A_316, %broadcast_in_dim3A_309 : vector<16x1024xi1>, vector<16x1024xi32>
        %reshape3A_318 = vector.shape_cast %select_n3A_317 : vector<16x1024xi32> to vector<16x1024x1xi32>
        %gather3A_319 = vector.shape_cast %reshape3A_318 : vector<16x1024x1xi32> to vector<16x1024xi32>
        %gather3A_320 = tpu.dynamic_gather %slice3A_310[%gather3A_319] in [1] : vector<16x128xf32>, vector<16x1024xi32> -> vector<16x1024xf32>
        %convert_element_type3A_321 = arith.extui %and3A_301 : vector<1x1024xi1> to vector<1x1024xi32>
        %convert_element_type3A_322 = arith.sitofp %convert_element_type3A_321 : vector<1x1024xi32> to vector<1x1024xf32>
        %mul3A_323 = vector.broadcast %convert_element_type3A_322 : vector<1x1024xf32> to vector<16x1024xf32>
        %mul3A_324 = arith.mulf %gather3A_320, %mul3A_323 : vector<16x1024xf32>
        %add3A_325 = arith.addf %add3A_291, %mul3A_324 : vector<16x1024xf32>
        %sub3A_326 = arith.constant 384 : i32
        %sub3A_327 = vector.broadcast %sub3A_326 : i32 to vector<1x1024xi32>
        %sub3A_328 = arith.subi %slice3A_215, %sub3A_327 : vector<1x1024xi32>
        %ge3A_329 = arith.constant 0 : i32
        %ge3A_330 = vector.broadcast %ge3A_329 : i32 to vector<1x1024xi32>
        %ge3A_331 = arith.cmpi sge, %sub3A_328, %ge3A_330 : vector<1x1024xi32>
        %lt3A_332 = arith.constant 128 : i32
        %lt3A_333 = vector.broadcast %lt3A_332 : i32 to vector<1x1024xi32>
        %lt3A_334 = arith.cmpi slt, %sub3A_328, %lt3A_333 : vector<1x1024xi32>
        %and3A_335 = arith.andi %ge3A_331, %lt3A_334 : vector<1x1024xi1>
        %jit3A_336 = arith.constant 0 : i32
        %jit3A_337 = arith.constant 127 : i32
        %max3A_338 = vector.broadcast %jit3A_336 : i32 to vector<1x1024xi32>
        %max3A_339 = arith.maxsi %max3A_338, %sub3A_328 : vector<1x1024xi32>
        %min3A_340 = vector.broadcast %jit3A_337 : i32 to vector<1x1024xi32>
        %min3A_341 = arith.minsi %min3A_340, %max3A_339 : vector<1x1024xi32>
        %broadcast_in_dim3A_342 = vector.shape_cast %min3A_341 : vector<1x1024xi32> to vector<1x1024xi32>
        %broadcast_in_dim3A_343 = vector.broadcast %broadcast_in_dim3A_342 : vector<1x1024xi32> to vector<16x1024xi32>
        %slice3A_344 = vector.extract_strided_slice %transpose3A_133 {offsets = [0, 384], sizes = [16, 128], strides = [1, 1]} : vector<16x1024xf32> to vector<16x128xf32>
        %lt3A_345 = arith.constant 0 : i32
        %lt3A_346 = vector.broadcast %lt3A_345 : i32 to vector<16x1024xi32>
        %lt3A_347 = arith.cmpi slt, %broadcast_in_dim3A_343, %lt3A_346 : vector<16x1024xi32>
        %add3A_348 = arith.constant 128 : i32
        %add3A_349 = vector.broadcast %add3A_348 : i32 to vector<16x1024xi32>
        %add3A_350 = arith.addi %broadcast_in_dim3A_343, %add3A_349 : vector<16x1024xi32>
        %select_n3A_351 = arith.select %lt3A_347, %add3A_350, %broadcast_in_dim3A_343 : vector<16x1024xi1>, vector<16x1024xi32>
        %reshape3A_352 = vector.shape_cast %select_n3A_351 : vector<16x1024xi32> to vector<16x1024x1xi32>
        %gather3A_353 = vector.shape_cast %reshape3A_352 : vector<16x1024x1xi32> to vector<16x1024xi32>
        %gather3A_354 = tpu.dynamic_gather %slice3A_344[%gather3A_353] in [1] : vector<16x128xf32>, vector<16x1024xi32> -> vector<16x1024xf32>
        %convert_element_type3A_355 = arith.extui %and3A_335 : vector<1x1024xi1> to vector<1x1024xi32>
        %convert_element_type3A_356 = arith.sitofp %convert_element_type3A_355 : vector<1x1024xi32> to vector<1x1024xf32>
        %mul3A_357 = vector.broadcast %convert_element_type3A_356 : vector<1x1024xf32> to vector<16x1024xf32>
        %mul3A_358 = arith.mulf %gather3A_354, %mul3A_357 : vector<16x1024xf32>
        %add3A_359 = arith.addf %add3A_325, %mul3A_358 : vector<16x1024xf32>
        %sub3A_360 = arith.constant 512 : i32
        %sub3A_361 = vector.broadcast %sub3A_360 : i32 to vector<1x1024xi32>
        %sub3A_362 = arith.subi %slice3A_215, %sub3A_361 : vector<1x1024xi32>
        %ge3A_363 = arith.constant 0 : i32
        %ge3A_364 = vector.broadcast %ge3A_363 : i32 to vector<1x1024xi32>
        %ge3A_365 = arith.cmpi sge, %sub3A_362, %ge3A_364 : vector<1x1024xi32>
        %lt3A_366 = arith.constant 128 : i32
        %lt3A_367 = vector.broadcast %lt3A_366 : i32 to vector<1x1024xi32>
        %lt3A_368 = arith.cmpi slt, %sub3A_362, %lt3A_367 : vector<1x1024xi32>
        %and3A_369 = arith.andi %ge3A_365, %lt3A_368 : vector<1x1024xi1>
        %jit3A_370 = arith.constant 0 : i32
        %jit3A_371 = arith.constant 127 : i32
        %max3A_372 = vector.broadcast %jit3A_370 : i32 to vector<1x1024xi32>
        %max3A_373 = arith.maxsi %max3A_372, %sub3A_362 : vector<1x1024xi32>
        %min3A_374 = vector.broadcast %jit3A_371 : i32 to vector<1x1024xi32>
        %min3A_375 = arith.minsi %min3A_374, %max3A_373 : vector<1x1024xi32>
        %broadcast_in_dim3A_376 = vector.shape_cast %min3A_375 : vector<1x1024xi32> to vector<1x1024xi32>
        %broadcast_in_dim3A_377 = vector.broadcast %broadcast_in_dim3A_376 : vector<1x1024xi32> to vector<16x1024xi32>
        %slice3A_378 = vector.extract_strided_slice %transpose3A_133 {offsets = [0, 512], sizes = [16, 128], strides = [1, 1]} : vector<16x1024xf32> to vector<16x128xf32>
        %lt3A_379 = arith.constant 0 : i32
        %lt3A_380 = vector.broadcast %lt3A_379 : i32 to vector<16x1024xi32>
        %lt3A_381 = arith.cmpi slt, %broadcast_in_dim3A_377, %lt3A_380 : vector<16x1024xi32>
        %add3A_382 = arith.constant 128 : i32
        %add3A_383 = vector.broadcast %add3A_382 : i32 to vector<16x1024xi32>
        %add3A_384 = arith.addi %broadcast_in_dim3A_377, %add3A_383 : vector<16x1024xi32>
        %select_n3A_385 = arith.select %lt3A_381, %add3A_384, %broadcast_in_dim3A_377 : vector<16x1024xi1>, vector<16x1024xi32>
        %reshape3A_386 = vector.shape_cast %select_n3A_385 : vector<16x1024xi32> to vector<16x1024x1xi32>
        %gather3A_387 = vector.shape_cast %reshape3A_386 : vector<16x1024x1xi32> to vector<16x1024xi32>
        %gather3A_388 = tpu.dynamic_gather %slice3A_378[%gather3A_387] in [1] : vector<16x128xf32>, vector<16x1024xi32> -> vector<16x1024xf32>
        %convert_element_type3A_389 = arith.extui %and3A_369 : vector<1x1024xi1> to vector<1x1024xi32>
        %convert_element_type3A_390 = arith.sitofp %convert_element_type3A_389 : vector<1x1024xi32> to vector<1x1024xf32>
        %mul3A_391 = vector.broadcast %convert_element_type3A_390 : vector<1x1024xf32> to vector<16x1024xf32>
        %mul3A_392 = arith.mulf %gather3A_388, %mul3A_391 : vector<16x1024xf32>
        %add3A_393 = arith.addf %add3A_359, %mul3A_392 : vector<16x1024xf32>
        %sub3A_394 = arith.constant 640 : i32
        %sub3A_395 = vector.broadcast %sub3A_394 : i32 to vector<1x1024xi32>
        %sub3A_396 = arith.subi %slice3A_215, %sub3A_395 : vector<1x1024xi32>
        %ge3A_397 = arith.constant 0 : i32
        %ge3A_398 = vector.broadcast %ge3A_397 : i32 to vector<1x1024xi32>
        %ge3A_399 = arith.cmpi sge, %sub3A_396, %ge3A_398 : vector<1x1024xi32>
        %lt3A_400 = arith.constant 128 : i32
        %lt3A_401 = vector.broadcast %lt3A_400 : i32 to vector<1x1024xi32>
        %lt3A_402 = arith.cmpi slt, %sub3A_396, %lt3A_401 : vector<1x1024xi32>
        %and3A_403 = arith.andi %ge3A_399, %lt3A_402 : vector<1x1024xi1>
        %jit3A_404 = arith.constant 0 : i32
        %jit3A_405 = arith.constant 127 : i32
        %max3A_406 = vector.broadcast %jit3A_404 : i32 to vector<1x1024xi32>
        %max3A_407 = arith.maxsi %max3A_406, %sub3A_396 : vector<1x1024xi32>
        %min3A_408 = vector.broadcast %jit3A_405 : i32 to vector<1x1024xi32>
        %min3A_409 = arith.minsi %min3A_408, %max3A_407 : vector<1x1024xi32>
        %broadcast_in_dim3A_410 = vector.shape_cast %min3A_409 : vector<1x1024xi32> to vector<1x1024xi32>
        %broadcast_in_dim3A_411 = vector.broadcast %broadcast_in_dim3A_410 : vector<1x1024xi32> to vector<16x1024xi32>
        %slice3A_412 = vector.extract_strided_slice %transpose3A_133 {offsets = [0, 640], sizes = [16, 128], strides = [1, 1]} : vector<16x1024xf32> to vector<16x128xf32>
        %lt3A_413 = arith.constant 0 : i32
        %lt3A_414 = vector.broadcast %lt3A_413 : i32 to vector<16x1024xi32>
        %lt3A_415 = arith.cmpi slt, %broadcast_in_dim3A_411, %lt3A_414 : vector<16x1024xi32>
        %add3A_416 = arith.constant 128 : i32
        %add3A_417 = vector.broadcast %add3A_416 : i32 to vector<16x1024xi32>
        %add3A_418 = arith.addi %broadcast_in_dim3A_411, %add3A_417 : vector<16x1024xi32>
        %select_n3A_419 = arith.select %lt3A_415, %add3A_418, %broadcast_in_dim3A_411 : vector<16x1024xi1>, vector<16x1024xi32>
        %reshape3A_420 = vector.shape_cast %select_n3A_419 : vector<16x1024xi32> to vector<16x1024x1xi32>
        %gather3A_421 = vector.shape_cast %reshape3A_420 : vector<16x1024x1xi32> to vector<16x1024xi32>
        %gather3A_422 = tpu.dynamic_gather %slice3A_412[%gather3A_421] in [1] : vector<16x128xf32>, vector<16x1024xi32> -> vector<16x1024xf32>
        %convert_element_type3A_423 = arith.extui %and3A_403 : vector<1x1024xi1> to vector<1x1024xi32>
        %convert_element_type3A_424 = arith.sitofp %convert_element_type3A_423 : vector<1x1024xi32> to vector<1x1024xf32>
        %mul3A_425 = vector.broadcast %convert_element_type3A_424 : vector<1x1024xf32> to vector<16x1024xf32>
        %mul3A_426 = arith.mulf %gather3A_422, %mul3A_425 : vector<16x1024xf32>
        %add3A_427 = arith.addf %add3A_393, %mul3A_426 : vector<16x1024xf32>
        %sub3A_428 = arith.constant 768 : i32
        %sub3A_429 = vector.broadcast %sub3A_428 : i32 to vector<1x1024xi32>
        %sub3A_430 = arith.subi %slice3A_215, %sub3A_429 : vector<1x1024xi32>
        %ge3A_431 = arith.constant 0 : i32
        %ge3A_432 = vector.broadcast %ge3A_431 : i32 to vector<1x1024xi32>
        %ge3A_433 = arith.cmpi sge, %sub3A_430, %ge3A_432 : vector<1x1024xi32>
        %lt3A_434 = arith.constant 128 : i32
        %lt3A_435 = vector.broadcast %lt3A_434 : i32 to vector<1x1024xi32>
        %lt3A_436 = arith.cmpi slt, %sub3A_430, %lt3A_435 : vector<1x1024xi32>
        %and3A_437 = arith.andi %ge3A_433, %lt3A_436 : vector<1x1024xi1>
        %jit3A_438 = arith.constant 0 : i32
        %jit3A_439 = arith.constant 127 : i32
        %max3A_440 = vector.broadcast %jit3A_438 : i32 to vector<1x1024xi32>
        %max3A_441 = arith.maxsi %max3A_440, %sub3A_430 : vector<1x1024xi32>
        %min3A_442 = vector.broadcast %jit3A_439 : i32 to vector<1x1024xi32>
        %min3A_443 = arith.minsi %min3A_442, %max3A_441 : vector<1x1024xi32>
        %broadcast_in_dim3A_444 = vector.shape_cast %min3A_443 : vector<1x1024xi32> to vector<1x1024xi32>
        %broadcast_in_dim3A_445 = vector.broadcast %broadcast_in_dim3A_444 : vector<1x1024xi32> to vector<16x1024xi32>
        %slice3A_446 = vector.extract_strided_slice %transpose3A_133 {offsets = [0, 768], sizes = [16, 128], strides = [1, 1]} : vector<16x1024xf32> to vector<16x128xf32>
        %lt3A_447 = arith.constant 0 : i32
        %lt3A_448 = vector.broadcast %lt3A_447 : i32 to vector<16x1024xi32>
        %lt3A_449 = arith.cmpi slt, %broadcast_in_dim3A_445, %lt3A_448 : vector<16x1024xi32>
        %add3A_450 = arith.constant 128 : i32
        %add3A_451 = vector.broadcast %add3A_450 : i32 to vector<16x1024xi32>
        %add3A_452 = arith.addi %broadcast_in_dim3A_445, %add3A_451 : vector<16x1024xi32>
        %select_n3A_453 = arith.select %lt3A_449, %add3A_452, %broadcast_in_dim3A_445 : vector<16x1024xi1>, vector<16x1024xi32>
        %reshape3A_454 = vector.shape_cast %select_n3A_453 : vector<16x1024xi32> to vector<16x1024x1xi32>
        %gather3A_455 = vector.shape_cast %reshape3A_454 : vector<16x1024x1xi32> to vector<16x1024xi32>
        %gather3A_456 = tpu.dynamic_gather %slice3A_446[%gather3A_455] in [1] : vector<16x128xf32>, vector<16x1024xi32> -> vector<16x1024xf32>
        %convert_element_type3A_457 = arith.extui %and3A_437 : vector<1x1024xi1> to vector<1x1024xi32>
        %convert_element_type3A_458 = arith.sitofp %convert_element_type3A_457 : vector<1x1024xi32> to vector<1x1024xf32>
        %mul3A_459 = vector.broadcast %convert_element_type3A_458 : vector<1x1024xf32> to vector<16x1024xf32>
        %mul3A_460 = arith.mulf %gather3A_456, %mul3A_459 : vector<16x1024xf32>
        %add3A_461 = arith.addf %add3A_427, %mul3A_460 : vector<16x1024xf32>
        %sub3A_462 = arith.constant 896 : i32
        %sub3A_463 = vector.broadcast %sub3A_462 : i32 to vector<1x1024xi32>
        %sub3A_464 = arith.subi %slice3A_215, %sub3A_463 : vector<1x1024xi32>
        %ge3A_465 = arith.constant 0 : i32
        %ge3A_466 = vector.broadcast %ge3A_465 : i32 to vector<1x1024xi32>
        %ge3A_467 = arith.cmpi sge, %sub3A_464, %ge3A_466 : vector<1x1024xi32>
        %lt3A_468 = arith.constant 128 : i32
        %lt3A_469 = vector.broadcast %lt3A_468 : i32 to vector<1x1024xi32>
        %lt3A_470 = arith.cmpi slt, %sub3A_464, %lt3A_469 : vector<1x1024xi32>
        %and3A_471 = arith.andi %ge3A_467, %lt3A_470 : vector<1x1024xi1>
        %jit3A_472 = arith.constant 0 : i32
        %jit3A_473 = arith.constant 127 : i32
        %max3A_474 = vector.broadcast %jit3A_472 : i32 to vector<1x1024xi32>
        %max3A_475 = arith.maxsi %max3A_474, %sub3A_464 : vector<1x1024xi32>
        %min3A_476 = vector.broadcast %jit3A_473 : i32 to vector<1x1024xi32>
        %min3A_477 = arith.minsi %min3A_476, %max3A_475 : vector<1x1024xi32>
        %broadcast_in_dim3A_478 = vector.shape_cast %min3A_477 : vector<1x1024xi32> to vector<1x1024xi32>
        %broadcast_in_dim3A_479 = vector.broadcast %broadcast_in_dim3A_478 : vector<1x1024xi32> to vector<16x1024xi32>
        %slice3A_480 = vector.extract_strided_slice %transpose3A_133 {offsets = [0, 896], sizes = [16, 128], strides = [1, 1]} : vector<16x1024xf32> to vector<16x128xf32>
        %lt3A_481 = arith.constant 0 : i32
        %lt3A_482 = vector.broadcast %lt3A_481 : i32 to vector<16x1024xi32>
        %lt3A_483 = arith.cmpi slt, %broadcast_in_dim3A_479, %lt3A_482 : vector<16x1024xi32>
        %add3A_484 = arith.constant 128 : i32
        %add3A_485 = vector.broadcast %add3A_484 : i32 to vector<16x1024xi32>
        %add3A_486 = arith.addi %broadcast_in_dim3A_479, %add3A_485 : vector<16x1024xi32>
        %select_n3A_487 = arith.select %lt3A_483, %add3A_486, %broadcast_in_dim3A_479 : vector<16x1024xi1>, vector<16x1024xi32>
        %reshape3A_488 = vector.shape_cast %select_n3A_487 : vector<16x1024xi32> to vector<16x1024x1xi32>
        %gather3A_489 = vector.shape_cast %reshape3A_488 : vector<16x1024x1xi32> to vector<16x1024xi32>
        %gather3A_490 = tpu.dynamic_gather %slice3A_480[%gather3A_489] in [1] : vector<16x128xf32>, vector<16x1024xi32> -> vector<16x1024xf32>
        %convert_element_type3A_491 = arith.extui %and3A_471 : vector<1x1024xi1> to vector<1x1024xi32>
        %convert_element_type3A_492 = arith.sitofp %convert_element_type3A_491 : vector<1x1024xi32> to vector<1x1024xf32>
        %mul3A_493 = vector.broadcast %convert_element_type3A_492 : vector<1x1024xf32> to vector<16x1024xf32>
        %mul3A_494 = arith.mulf %gather3A_490, %mul3A_493 : vector<16x1024xf32>
        %add3A_495 = arith.addf %add3A_461, %mul3A_494 : vector<16x1024xf32>
        %mul3A_496 = vector.broadcast %slice3A_219 : vector<1x1024xf32> to vector<16x1024xf32>
        %mul3A_497 = arith.mulf %add3A_495, %mul3A_496 : vector<16x1024xf32>
        %add3A_498 = arith.addf %while3A_210, %while3A_211 : vector<16x1024xf32>
        %broadcast_in_dim3A_499 = vector.shape_cast %gt3A_225 : vector<1x1024xi1> to vector<1x1024xi1>
        %broadcast_in_dim3A_500 = vector.broadcast %broadcast_in_dim3A_499 : vector<1x1024xi1> to vector<16x1024xi1>
        %select_n3A_501 = arith.select %broadcast_in_dim3A_500, %add3A_498, %while3A_210 : vector<16x1024xi1>, vector<16x1024xf32>
        %add3A_502 = arith.addf %while3A_211, %mul3A_497 : vector<16x1024xf32>
        %broadcast_in_dim3A_503 = vector.shape_cast %gt3A_225 : vector<1x1024xi1> to vector<1x1024xi1>
        %broadcast_in_dim3A_504 = vector.broadcast %broadcast_in_dim3A_503 : vector<1x1024xi1> to vector<16x1024xi1>
        %select_n3A_505 = arith.select %broadcast_in_dim3A_504, %mul3A_497, %add3A_502 : vector<16x1024xi1>, vector<16x1024xf32>
        scf.yield %select_n3A_501, %select_n3A_505 : vector<16x1024xf32>, vector<16x1024xf32>
      }
      %while3A_149 = arith.constant 1 : i32
      %while3A_150:2 = scf.for %while3A_209 = %while3A_146 to %while3A_142 step %while3A_149 iter_args(%while3A_210 = %while3A_148#0, %while3A_211 = %while3A_148#1) -> (vector<16x1024xf32>, vector<16x1024xf32>)  : i32 {
        %get3A_212 = arith.index_cast %while3A_209 : i32 to index
        %get3A_213 = arith.constant 0 : index
        %get3A_214 = vector.load %arg2[%get3A_212, %get3A_213] : memref<512x1024xi32, #tpu.memory_space<vmem>>, vector<1x1024xi32>
        %slice3A_215 = vector.extract_strided_slice %get3A_214 {offsets = [0, 0], sizes = [1, 1024], strides = [1, 1]} : vector<1x1024xi32> to vector<1x1024xi32>
        %get3A_216 = arith.index_cast %while3A_209 : i32 to index
        %get3A_217 = arith.constant 0 : index
        %get3A_218 = vector.load %arg3[%get3A_216, %get3A_217] : memref<512x1024xf32, #tpu.memory_space<vmem>>, vector<1x1024xf32>
        %slice3A_219 = vector.extract_strided_slice %get3A_218 {offsets = [0, 0], sizes = [1, 1024], strides = [1, 1]} : vector<1x1024xf32> to vector<1x1024xf32>
        %get3A_220 = arith.index_cast %while3A_209 : i32 to index
        %get3A_221 = arith.constant 0 : index
        %get3A_222 = vector.load %arg4[%get3A_220, %get3A_221] : memref<512x1024xf32, #tpu.memory_space<vmem>>, vector<1x1024xf32>
        %slice3A_223 = vector.extract_strided_slice %get3A_222 {offsets = [0, 0], sizes = [1, 1024], strides = [1, 1]} : vector<1x1024xf32> to vector<1x1024xf32>
        %gt3A = arith.constant 5.000000e-01 : f32
        %gt3A_224 = vector.broadcast %gt3A : f32 to vector<1x1024xf32>
        %gt3A_225 = arith.cmpf ogt, %slice3A_223, %gt3A_224 : vector<1x1024xf32>
        %mul3A_226 = arith.constant 0.000000e+00 : f32
        %mul3A_227 = vector.broadcast %mul3A_226 : f32 to vector<16x1024xf32>
        %mul3A_228 = arith.mulf %while3A_210, %mul3A_227 : vector<16x1024xf32>
        %sub3A = arith.constant 0 : i32
        %sub3A_229 = vector.broadcast %sub3A : i32 to vector<1x1024xi32>
        %sub3A_230 = arith.subi %slice3A_215, %sub3A_229 : vector<1x1024xi32>
        %ge3A_231 = arith.constant 0 : i32
        %ge3A_232 = vector.broadcast %ge3A_231 : i32 to vector<1x1024xi32>
        %ge3A_233 = arith.cmpi sge, %sub3A_230, %ge3A_232 : vector<1x1024xi32>
        %lt3A = arith.constant 128 : i32
        %lt3A_234 = vector.broadcast %lt3A : i32 to vector<1x1024xi32>
        %lt3A_235 = arith.cmpi slt, %sub3A_230, %lt3A_234 : vector<1x1024xi32>
        %and3A_236 = arith.andi %ge3A_233, %lt3A_235 : vector<1x1024xi1>
        %jit3A_237 = arith.constant 0 : i32
        %jit3A_238 = arith.constant 127 : i32
        %max3A_239 = vector.broadcast %jit3A_237 : i32 to vector<1x1024xi32>
        %max3A_240 = arith.maxsi %max3A_239, %sub3A_230 : vector<1x1024xi32>
        %min3A_241 = vector.broadcast %jit3A_238 : i32 to vector<1x1024xi32>
        %min3A_242 = arith.minsi %min3A_241, %max3A_240 : vector<1x1024xi32>
        %broadcast_in_dim3A_243 = vector.shape_cast %min3A_242 : vector<1x1024xi32> to vector<1x1024xi32>
        %broadcast_in_dim3A_244 = vector.broadcast %broadcast_in_dim3A_243 : vector<1x1024xi32> to vector<16x1024xi32>
        %slice3A_245 = vector.extract_strided_slice %transpose3A_133 {offsets = [0, 0], sizes = [16, 128], strides = [1, 1]} : vector<16x1024xf32> to vector<16x128xf32>
        %lt3A_246 = arith.constant 0 : i32
        %lt3A_247 = vector.broadcast %lt3A_246 : i32 to vector<16x1024xi32>
        %lt3A_248 = arith.cmpi slt, %broadcast_in_dim3A_244, %lt3A_247 : vector<16x1024xi32>
        %add3A_249 = arith.constant 128 : i32
        %add3A_250 = vector.broadcast %add3A_249 : i32 to vector<16x1024xi32>
        %add3A_251 = arith.addi %broadcast_in_dim3A_244, %add3A_250 : vector<16x1024xi32>
        %select_n3A_252 = arith.select %lt3A_248, %add3A_251, %broadcast_in_dim3A_244 : vector<16x1024xi1>, vector<16x1024xi32>
        %reshape3A = vector.shape_cast %select_n3A_252 : vector<16x1024xi32> to vector<16x1024x1xi32>
        %gather3A = vector.shape_cast %reshape3A : vector<16x1024x1xi32> to vector<16x1024xi32>
        %gather3A_253 = tpu.dynamic_gather %slice3A_245[%gather3A] in [1] : vector<16x128xf32>, vector<16x1024xi32> -> vector<16x1024xf32>
        %convert_element_type3A = arith.extui %and3A_236 : vector<1x1024xi1> to vector<1x1024xi32>
        %convert_element_type3A_254 = arith.sitofp %convert_element_type3A : vector<1x1024xi32> to vector<1x1024xf32>
        %mul3A_255 = vector.broadcast %convert_element_type3A_254 : vector<1x1024xf32> to vector<16x1024xf32>
        %mul3A_256 = arith.mulf %gather3A_253, %mul3A_255 : vector<16x1024xf32>
        %add3A_257 = arith.addf %mul3A_228, %mul3A_256 : vector<16x1024xf32>
        %sub3A_258 = arith.constant 128 : i32
        %sub3A_259 = vector.broadcast %sub3A_258 : i32 to vector<1x1024xi32>
        %sub3A_260 = arith.subi %slice3A_215, %sub3A_259 : vector<1x1024xi32>
        %ge3A_261 = arith.constant 0 : i32
        %ge3A_262 = vector.broadcast %ge3A_261 : i32 to vector<1x1024xi32>
        %ge3A_263 = arith.cmpi sge, %sub3A_260, %ge3A_262 : vector<1x1024xi32>
        %lt3A_264 = arith.constant 128 : i32
        %lt3A_265 = vector.broadcast %lt3A_264 : i32 to vector<1x1024xi32>
        %lt3A_266 = arith.cmpi slt, %sub3A_260, %lt3A_265 : vector<1x1024xi32>
        %and3A_267 = arith.andi %ge3A_263, %lt3A_266 : vector<1x1024xi1>
        %jit3A_268 = arith.constant 0 : i32
        %jit3A_269 = arith.constant 127 : i32
        %max3A_270 = vector.broadcast %jit3A_268 : i32 to vector<1x1024xi32>
        %max3A_271 = arith.maxsi %max3A_270, %sub3A_260 : vector<1x1024xi32>
        %min3A_272 = vector.broadcast %jit3A_269 : i32 to vector<1x1024xi32>
        %min3A_273 = arith.minsi %min3A_272, %max3A_271 : vector<1x1024xi32>
        %broadcast_in_dim3A_274 = vector.shape_cast %min3A_273 : vector<1x1024xi32> to vector<1x1024xi32>
        %broadcast_in_dim3A_275 = vector.broadcast %broadcast_in_dim3A_274 : vector<1x1024xi32> to vector<16x1024xi32>
        %slice3A_276 = vector.extract_strided_slice %transpose3A_133 {offsets = [0, 128], sizes = [16, 128], strides = [1, 1]} : vector<16x1024xf32> to vector<16x128xf32>
        %lt3A_277 = arith.constant 0 : i32
        %lt3A_278 = vector.broadcast %lt3A_277 : i32 to vector<16x1024xi32>
        %lt3A_279 = arith.cmpi slt, %broadcast_in_dim3A_275, %lt3A_278 : vector<16x1024xi32>
        %add3A_280 = arith.constant 128 : i32
        %add3A_281 = vector.broadcast %add3A_280 : i32 to vector<16x1024xi32>
        %add3A_282 = arith.addi %broadcast_in_dim3A_275, %add3A_281 : vector<16x1024xi32>
        %select_n3A_283 = arith.select %lt3A_279, %add3A_282, %broadcast_in_dim3A_275 : vector<16x1024xi1>, vector<16x1024xi32>
        %reshape3A_284 = vector.shape_cast %select_n3A_283 : vector<16x1024xi32> to vector<16x1024x1xi32>
        %gather3A_285 = vector.shape_cast %reshape3A_284 : vector<16x1024x1xi32> to vector<16x1024xi32>
        %gather3A_286 = tpu.dynamic_gather %slice3A_276[%gather3A_285] in [1] : vector<16x128xf32>, vector<16x1024xi32> -> vector<16x1024xf32>
        %convert_element_type3A_287 = arith.extui %and3A_267 : vector<1x1024xi1> to vector<1x1024xi32>
        %convert_element_type3A_288 = arith.sitofp %convert_element_type3A_287 : vector<1x1024xi32> to vector<1x1024xf32>
        %mul3A_289 = vector.broadcast %convert_element_type3A_288 : vector<1x1024xf32> to vector<16x1024xf32>
        %mul3A_290 = arith.mulf %gather3A_286, %mul3A_289 : vector<16x1024xf32>
        %add3A_291 = arith.addf %add3A_257, %mul3A_290 : vector<16x1024xf32>
        %sub3A_292 = arith.constant 256 : i32
        %sub3A_293 = vector.broadcast %sub3A_292 : i32 to vector<1x1024xi32>
        %sub3A_294 = arith.subi %slice3A_215, %sub3A_293 : vector<1x1024xi32>
        %ge3A_295 = arith.constant 0 : i32
        %ge3A_296 = vector.broadcast %ge3A_295 : i32 to vector<1x1024xi32>
        %ge3A_297 = arith.cmpi sge, %sub3A_294, %ge3A_296 : vector<1x1024xi32>
        %lt3A_298 = arith.constant 128 : i32
        %lt3A_299 = vector.broadcast %lt3A_298 : i32 to vector<1x1024xi32>
        %lt3A_300 = arith.cmpi slt, %sub3A_294, %lt3A_299 : vector<1x1024xi32>
        %and3A_301 = arith.andi %ge3A_297, %lt3A_300 : vector<1x1024xi1>
        %jit3A_302 = arith.constant 0 : i32
        %jit3A_303 = arith.constant 127 : i32
        %max3A_304 = vector.broadcast %jit3A_302 : i32 to vector<1x1024xi32>
        %max3A_305 = arith.maxsi %max3A_304, %sub3A_294 : vector<1x1024xi32>
        %min3A_306 = vector.broadcast %jit3A_303 : i32 to vector<1x1024xi32>
        %min3A_307 = arith.minsi %min3A_306, %max3A_305 : vector<1x1024xi32>
        %broadcast_in_dim3A_308 = vector.shape_cast %min3A_307 : vector<1x1024xi32> to vector<1x1024xi32>
        %broadcast_in_dim3A_309 = vector.broadcast %broadcast_in_dim3A_308 : vector<1x1024xi32> to vector<16x1024xi32>
        %slice3A_310 = vector.extract_strided_slice %transpose3A_133 {offsets = [0, 256], sizes = [16, 128], strides = [1, 1]} : vector<16x1024xf32> to vector<16x128xf32>
        %lt3A_311 = arith.constant 0 : i32
        %lt3A_312 = vector.broadcast %lt3A_311 : i32 to vector<16x1024xi32>
        %lt3A_313 = arith.cmpi slt, %broadcast_in_dim3A_309, %lt3A_312 : vector<16x1024xi32>
        %add3A_314 = arith.constant 128 : i32
        %add3A_315 = vector.broadcast %add3A_314 : i32 to vector<16x1024xi32>
        %add3A_316 = arith.addi %broadcast_in_dim3A_309, %add3A_315 : vector<16x1024xi32>
        %select_n3A_317 = arith.select %lt3A_313, %add3A_316, %broadcast_in_dim3A_309 : vector<16x1024xi1>, vector<16x1024xi32>
        %reshape3A_318 = vector.shape_cast %select_n3A_317 : vector<16x1024xi32> to vector<16x1024x1xi32>
        %gather3A_319 = vector.shape_cast %reshape3A_318 : vector<16x1024x1xi32> to vector<16x1024xi32>
        %gather3A_320 = tpu.dynamic_gather %slice3A_310[%gather3A_319] in [1] : vector<16x128xf32>, vector<16x1024xi32> -> vector<16x1024xf32>
        %convert_element_type3A_321 = arith.extui %and3A_301 : vector<1x1024xi1> to vector<1x1024xi32>
        %convert_element_type3A_322 = arith.sitofp %convert_element_type3A_321 : vector<1x1024xi32> to vector<1x1024xf32>
        %mul3A_323 = vector.broadcast %convert_element_type3A_322 : vector<1x1024xf32> to vector<16x1024xf32>
        %mul3A_324 = arith.mulf %gather3A_320, %mul3A_323 : vector<16x1024xf32>
        %add3A_325 = arith.addf %add3A_291, %mul3A_324 : vector<16x1024xf32>
        %sub3A_326 = arith.constant 384 : i32
        %sub3A_327 = vector.broadcast %sub3A_326 : i32 to vector<1x1024xi32>
        %sub3A_328 = arith.subi %slice3A_215, %sub3A_327 : vector<1x1024xi32>
        %ge3A_329 = arith.constant 0 : i32
        %ge3A_330 = vector.broadcast %ge3A_329 : i32 to vector<1x1024xi32>
        %ge3A_331 = arith.cmpi sge, %sub3A_328, %ge3A_330 : vector<1x1024xi32>
        %lt3A_332 = arith.constant 128 : i32
        %lt3A_333 = vector.broadcast %lt3A_332 : i32 to vector<1x1024xi32>
        %lt3A_334 = arith.cmpi slt, %sub3A_328, %lt3A_333 : vector<1x1024xi32>
        %and3A_335 = arith.andi %ge3A_331, %lt3A_334 : vector<1x1024xi1>
        %jit3A_336 = arith.constant 0 : i32
        %jit3A_337 = arith.constant 127 : i32
        %max3A_338 = vector.broadcast %jit3A_336 : i32 to vector<1x1024xi32>
        %max3A_339 = arith.maxsi %max3A_338, %sub3A_328 : vector<1x1024xi32>
        %min3A_340 = vector.broadcast %jit3A_337 : i32 to vector<1x1024xi32>
        %min3A_341 = arith.minsi %min3A_340, %max3A_339 : vector<1x1024xi32>
        %broadcast_in_dim3A_342 = vector.shape_cast %min3A_341 : vector<1x1024xi32> to vector<1x1024xi32>
        %broadcast_in_dim3A_343 = vector.broadcast %broadcast_in_dim3A_342 : vector<1x1024xi32> to vector<16x1024xi32>
        %slice3A_344 = vector.extract_strided_slice %transpose3A_133 {offsets = [0, 384], sizes = [16, 128], strides = [1, 1]} : vector<16x1024xf32> to vector<16x128xf32>
        %lt3A_345 = arith.constant 0 : i32
        %lt3A_346 = vector.broadcast %lt3A_345 : i32 to vector<16x1024xi32>
        %lt3A_347 = arith.cmpi slt, %broadcast_in_dim3A_343, %lt3A_346 : vector<16x1024xi32>
        %add3A_348 = arith.constant 128 : i32
        %add3A_349 = vector.broadcast %add3A_348 : i32 to vector<16x1024xi32>
        %add3A_350 = arith.addi %broadcast_in_dim3A_343, %add3A_349 : vector<16x1024xi32>
        %select_n3A_351 = arith.select %lt3A_347, %add3A_350, %broadcast_in_dim3A_343 : vector<16x1024xi1>, vector<16x1024xi32>
        %reshape3A_352 = vector.shape_cast %select_n3A_351 : vector<16x1024xi32> to vector<16x1024x1xi32>
        %gather3A_353 = vector.shape_cast %reshape3A_352 : vector<16x1024x1xi32> to vector<16x1024xi32>
        %gather3A_354 = tpu.dynamic_gather %slice3A_344[%gather3A_353] in [1] : vector<16x128xf32>, vector<16x1024xi32> -> vector<16x1024xf32>
        %convert_element_type3A_355 = arith.extui %and3A_335 : vector<1x1024xi1> to vector<1x1024xi32>
        %convert_element_type3A_356 = arith.sitofp %convert_element_type3A_355 : vector<1x1024xi32> to vector<1x1024xf32>
        %mul3A_357 = vector.broadcast %convert_element_type3A_356 : vector<1x1024xf32> to vector<16x1024xf32>
        %mul3A_358 = arith.mulf %gather3A_354, %mul3A_357 : vector<16x1024xf32>
        %add3A_359 = arith.addf %add3A_325, %mul3A_358 : vector<16x1024xf32>
        %sub3A_360 = arith.constant 512 : i32
        %sub3A_361 = vector.broadcast %sub3A_360 : i32 to vector<1x1024xi32>
        %sub3A_362 = arith.subi %slice3A_215, %sub3A_361 : vector<1x1024xi32>
        %ge3A_363 = arith.constant 0 : i32
        %ge3A_364 = vector.broadcast %ge3A_363 : i32 to vector<1x1024xi32>
        %ge3A_365 = arith.cmpi sge, %sub3A_362, %ge3A_364 : vector<1x1024xi32>
        %lt3A_366 = arith.constant 128 : i32
        %lt3A_367 = vector.broadcast %lt3A_366 : i32 to vector<1x1024xi32>
        %lt3A_368 = arith.cmpi slt, %sub3A_362, %lt3A_367 : vector<1x1024xi32>
        %and3A_369 = arith.andi %ge3A_365, %lt3A_368 : vector<1x1024xi1>
        %jit3A_370 = arith.constant 0 : i32
        %jit3A_371 = arith.constant 127 : i32
        %max3A_372 = vector.broadcast %jit3A_370 : i32 to vector<1x1024xi32>
        %max3A_373 = arith.maxsi %max3A_372, %sub3A_362 : vector<1x1024xi32>
        %min3A_374 = vector.broadcast %jit3A_371 : i32 to vector<1x1024xi32>
        %min3A_375 = arith.minsi %min3A_374, %max3A_373 : vector<1x1024xi32>
        %broadcast_in_dim3A_376 = vector.shape_cast %min3A_375 : vector<1x1024xi32> to vector<1x1024xi32>
        %broadcast_in_dim3A_377 = vector.broadcast %broadcast_in_dim3A_376 : vector<1x1024xi32> to vector<16x1024xi32>
        %slice3A_378 = vector.extract_strided_slice %transpose3A_133 {offsets = [0, 512], sizes = [16, 128], strides = [1, 1]} : vector<16x1024xf32> to vector<16x128xf32>
        %lt3A_379 = arith.constant 0 : i32
        %lt3A_380 = vector.broadcast %lt3A_379 : i32 to vector<16x1024xi32>
        %lt3A_381 = arith.cmpi slt, %broadcast_in_dim3A_377, %lt3A_380 : vector<16x1024xi32>
        %add3A_382 = arith.constant 128 : i32
        %add3A_383 = vector.broadcast %add3A_382 : i32 to vector<16x1024xi32>
        %add3A_384 = arith.addi %broadcast_in_dim3A_377, %add3A_383 : vector<16x1024xi32>
        %select_n3A_385 = arith.select %lt3A_381, %add3A_384, %broadcast_in_dim3A_377 : vector<16x1024xi1>, vector<16x1024xi32>
        %reshape3A_386 = vector.shape_cast %select_n3A_385 : vector<16x1024xi32> to vector<16x1024x1xi32>
        %gather3A_387 = vector.shape_cast %reshape3A_386 : vector<16x1024x1xi32> to vector<16x1024xi32>
        %gather3A_388 = tpu.dynamic_gather %slice3A_378[%gather3A_387] in [1] : vector<16x128xf32>, vector<16x1024xi32> -> vector<16x1024xf32>
        %convert_element_type3A_389 = arith.extui %and3A_369 : vector<1x1024xi1> to vector<1x1024xi32>
        %convert_element_type3A_390 = arith.sitofp %convert_element_type3A_389 : vector<1x1024xi32> to vector<1x1024xf32>
        %mul3A_391 = vector.broadcast %convert_element_type3A_390 : vector<1x1024xf32> to vector<16x1024xf32>
        %mul3A_392 = arith.mulf %gather3A_388, %mul3A_391 : vector<16x1024xf32>
        %add3A_393 = arith.addf %add3A_359, %mul3A_392 : vector<16x1024xf32>
        %sub3A_394 = arith.constant 640 : i32
        %sub3A_395 = vector.broadcast %sub3A_394 : i32 to vector<1x1024xi32>
        %sub3A_396 = arith.subi %slice3A_215, %sub3A_395 : vector<1x1024xi32>
        %ge3A_397 = arith.constant 0 : i32
        %ge3A_398 = vector.broadcast %ge3A_397 : i32 to vector<1x1024xi32>
        %ge3A_399 = arith.cmpi sge, %sub3A_396, %ge3A_398 : vector<1x1024xi32>
        %lt3A_400 = arith.constant 128 : i32
        %lt3A_401 = vector.broadcast %lt3A_400 : i32 to vector<1x1024xi32>
        %lt3A_402 = arith.cmpi slt, %sub3A_396, %lt3A_401 : vector<1x1024xi32>
        %and3A_403 = arith.andi %ge3A_399, %lt3A_402 : vector<1x1024xi1>
        %jit3A_404 = arith.constant 0 : i32
        %jit3A_405 = arith.constant 127 : i32
        %max3A_406 = vector.broadcast %jit3A_404 : i32 to vector<1x1024xi32>
        %max3A_407 = arith.maxsi %max3A_406, %sub3A_396 : vector<1x1024xi32>
        %min3A_408 = vector.broadcast %jit3A_405 : i32 to vector<1x1024xi32>
        %min3A_409 = arith.minsi %min3A_408, %max3A_407 : vector<1x1024xi32>
        %broadcast_in_dim3A_410 = vector.shape_cast %min3A_409 : vector<1x1024xi32> to vector<1x1024xi32>
        %broadcast_in_dim3A_411 = vector.broadcast %broadcast_in_dim3A_410 : vector<1x1024xi32> to vector<16x1024xi32>
        %slice3A_412 = vector.extract_strided_slice %transpose3A_133 {offsets = [0, 640], sizes = [16, 128], strides = [1, 1]} : vector<16x1024xf32> to vector<16x128xf32>
        %lt3A_413 = arith.constant 0 : i32
        %lt3A_414 = vector.broadcast %lt3A_413 : i32 to vector<16x1024xi32>
        %lt3A_415 = arith.cmpi slt, %broadcast_in_dim3A_411, %lt3A_414 : vector<16x1024xi32>
        %add3A_416 = arith.constant 128 : i32
        %add3A_417 = vector.broadcast %add3A_416 : i32 to vector<16x1024xi32>
        %add3A_418 = arith.addi %broadcast_in_dim3A_411, %add3A_417 : vector<16x1024xi32>
        %select_n3A_419 = arith.select %lt3A_415, %add3A_418, %broadcast_in_dim3A_411 : vector<16x1024xi1>, vector<16x1024xi32>
        %reshape3A_420 = vector.shape_cast %select_n3A_419 : vector<16x1024xi32> to vector<16x1024x1xi32>
        %gather3A_421 = vector.shape_cast %reshape3A_420 : vector<16x1024x1xi32> to vector<16x1024xi32>
        %gather3A_422 = tpu.dynamic_gather %slice3A_412[%gather3A_421] in [1] : vector<16x128xf32>, vector<16x1024xi32> -> vector<16x1024xf32>
        %convert_element_type3A_423 = arith.extui %and3A_403 : vector<1x1024xi1> to vector<1x1024xi32>
        %convert_element_type3A_424 = arith.sitofp %convert_element_type3A_423 : vector<1x1024xi32> to vector<1x1024xf32>
        %mul3A_425 = vector.broadcast %convert_element_type3A_424 : vector<1x1024xf32> to vector<16x1024xf32>
        %mul3A_426 = arith.mulf %gather3A_422, %mul3A_425 : vector<16x1024xf32>
        %add3A_427 = arith.addf %add3A_393, %mul3A_426 : vector<16x1024xf32>
        %sub3A_428 = arith.constant 768 : i32
        %sub3A_429 = vector.broadcast %sub3A_428 : i32 to vector<1x1024xi32>
        %sub3A_430 = arith.subi %slice3A_215, %sub3A_429 : vector<1x1024xi32>
        %ge3A_431 = arith.constant 0 : i32
        %ge3A_432 = vector.broadcast %ge3A_431 : i32 to vector<1x1024xi32>
        %ge3A_433 = arith.cmpi sge, %sub3A_430, %ge3A_432 : vector<1x1024xi32>
        %lt3A_434 = arith.constant 128 : i32
        %lt3A_435 = vector.broadcast %lt3A_434 : i32 to vector<1x1024xi32>
        %lt3A_436 = arith.cmpi slt, %sub3A_430, %lt3A_435 : vector<1x1024xi32>
        %and3A_437 = arith.andi %ge3A_433, %lt3A_436 : vector<1x1024xi1>
        %jit3A_438 = arith.constant 0 : i32
        %jit3A_439 = arith.constant 127 : i32
        %max3A_440 = vector.broadcast %jit3A_438 : i32 to vector<1x1024xi32>
        %max3A_441 = arith.maxsi %max3A_440, %sub3A_430 : vector<1x1024xi32>
        %min3A_442 = vector.broadcast %jit3A_439 : i32 to vector<1x1024xi32>
        %min3A_443 = arith.minsi %min3A_442, %max3A_441 : vector<1x1024xi32>
        %broadcast_in_dim3A_444 = vector.shape_cast %min3A_443 : vector<1x1024xi32> to vector<1x1024xi32>
        %broadcast_in_dim3A_445 = vector.broadcast %broadcast_in_dim3A_444 : vector<1x1024xi32> to vector<16x1024xi32>
        %slice3A_446 = vector.extract_strided_slice %transpose3A_133 {offsets = [0, 768], sizes = [16, 128], strides = [1, 1]} : vector<16x1024xf32> to vector<16x128xf32>
        %lt3A_447 = arith.constant 0 : i32
        %lt3A_448 = vector.broadcast %lt3A_447 : i32 to vector<16x1024xi32>
        %lt3A_449 = arith.cmpi slt, %broadcast_in_dim3A_445, %lt3A_448 : vector<16x1024xi32>
        %add3A_450 = arith.constant 128 : i32
        %add3A_451 = vector.broadcast %add3A_450 : i32 to vector<16x1024xi32>
        %add3A_452 = arith.addi %broadcast_in_dim3A_445, %add3A_451 : vector<16x1024xi32>
        %select_n3A_453 = arith.select %lt3A_449, %add3A_452, %broadcast_in_dim3A_445 : vector<16x1024xi1>, vector<16x1024xi32>
        %reshape3A_454 = vector.shape_cast %select_n3A_453 : vector<16x1024xi32> to vector<16x1024x1xi32>
        %gather3A_455 = vector.shape_cast %reshape3A_454 : vector<16x1024x1xi32> to vector<16x1024xi32>
        %gather3A_456 = tpu.dynamic_gather %slice3A_446[%gather3A_455] in [1] : vector<16x128xf32>, vector<16x1024xi32> -> vector<16x1024xf32>
        %convert_element_type3A_457 = arith.extui %and3A_437 : vector<1x1024xi1> to vector<1x1024xi32>
        %convert_element_type3A_458 = arith.sitofp %convert_element_type3A_457 : vector<1x1024xi32> to vector<1x1024xf32>
        %mul3A_459 = vector.broadcast %convert_element_type3A_458 : vector<1x1024xf32> to vector<16x1024xf32>
        %mul3A_460 = arith.mulf %gather3A_456, %mul3A_459 : vector<16x1024xf32>
        %add3A_461 = arith.addf %add3A_427, %mul3A_460 : vector<16x1024xf32>
        %sub3A_462 = arith.constant 896 : i32
        %sub3A_463 = vector.broadcast %sub3A_462 : i32 to vector<1x1024xi32>
        %sub3A_464 = arith.subi %slice3A_215, %sub3A_463 : vector<1x1024xi32>
        %ge3A_465 = arith.constant 0 : i32
        %ge3A_466 = vector.broadcast %ge3A_465 : i32 to vector<1x1024xi32>
        %ge3A_467 = arith.cmpi sge, %sub3A_464, %ge3A_466 : vector<1x1024xi32>
        %lt3A_468 = arith.constant 128 : i32
        %lt3A_469 = vector.broadcast %lt3A_468 : i32 to vector<1x1024xi32>
        %lt3A_470 = arith.cmpi slt, %sub3A_464, %lt3A_469 : vector<1x1024xi32>
        %and3A_471 = arith.andi %ge3A_467, %lt3A_470 : vector<1x1024xi1>
        %jit3A_472 = arith.constant 0 : i32
        %jit3A_473 = arith.constant 127 : i32
        %max3A_474 = vector.broadcast %jit3A_472 : i32 to vector<1x1024xi32>
        %max3A_475 = arith.maxsi %max3A_474, %sub3A_464 : vector<1x1024xi32>
        %min3A_476 = vector.broadcast %jit3A_473 : i32 to vector<1x1024xi32>
        %min3A_477 = arith.minsi %min3A_476, %max3A_475 : vector<1x1024xi32>
        %broadcast_in_dim3A_478 = vector.shape_cast %min3A_477 : vector<1x1024xi32> to vector<1x1024xi32>
        %broadcast_in_dim3A_479 = vector.broadcast %broadcast_in_dim3A_478 : vector<1x1024xi32> to vector<16x1024xi32>
        %slice3A_480 = vector.extract_strided_slice %transpose3A_133 {offsets = [0, 896], sizes = [16, 128], strides = [1, 1]} : vector<16x1024xf32> to vector<16x128xf32>
        %lt3A_481 = arith.constant 0 : i32
        %lt3A_482 = vector.broadcast %lt3A_481 : i32 to vector<16x1024xi32>
        %lt3A_483 = arith.cmpi slt, %broadcast_in_dim3A_479, %lt3A_482 : vector<16x1024xi32>
        %add3A_484 = arith.constant 128 : i32
        %add3A_485 = vector.broadcast %add3A_484 : i32 to vector<16x1024xi32>
        %add3A_486 = arith.addi %broadcast_in_dim3A_479, %add3A_485 : vector<16x1024xi32>
        %select_n3A_487 = arith.select %lt3A_483, %add3A_486, %broadcast_in_dim3A_479 : vector<16x1024xi1>, vector<16x1024xi32>
        %reshape3A_488 = vector.shape_cast %select_n3A_487 : vector<16x1024xi32> to vector<16x1024x1xi32>
        %gather3A_489 = vector.shape_cast %reshape3A_488 : vector<16x1024x1xi32> to vector<16x1024xi32>
        %gather3A_490 = tpu.dynamic_gather %slice3A_480[%gather3A_489] in [1] : vector<16x128xf32>, vector<16x1024xi32> -> vector<16x1024xf32>
        %convert_element_type3A_491 = arith.extui %and3A_471 : vector<1x1024xi1> to vector<1x1024xi32>
        %convert_element_type3A_492 = arith.sitofp %convert_element_type3A_491 : vector<1x1024xi32> to vector<1x1024xf32>
        %mul3A_493 = vector.broadcast %convert_element_type3A_492 : vector<1x1024xf32> to vector<16x1024xf32>
        %mul3A_494 = arith.mulf %gather3A_490, %mul3A_493 : vector<16x1024xf32>
        %add3A_495 = arith.addf %add3A_461, %mul3A_494 : vector<16x1024xf32>
        %mul3A_496 = vector.broadcast %slice3A_219 : vector<1x1024xf32> to vector<16x1024xf32>
        %mul3A_497 = arith.mulf %add3A_495, %mul3A_496 : vector<16x1024xf32>
        %add3A_498 = arith.addf %while3A_210, %while3A_211 : vector<16x1024xf32>
        %broadcast_in_dim3A_499 = vector.shape_cast %gt3A_225 : vector<1x1024xi1> to vector<1x1024xi1>
        %broadcast_in_dim3A_500 = vector.broadcast %broadcast_in_dim3A_499 : vector<1x1024xi1> to vector<16x1024xi1>
        %select_n3A_501 = arith.select %broadcast_in_dim3A_500, %add3A_498, %while3A_210 : vector<16x1024xi1>, vector<16x1024xf32>
        %add3A_502 = arith.addf %while3A_211, %mul3A_497 : vector<16x1024xf32>
        %broadcast_in_dim3A_503 = vector.shape_cast %gt3A_225 : vector<1x1024xi1> to vector<1x1024xi1>
        %broadcast_in_dim3A_504 = vector.broadcast %broadcast_in_dim3A_503 : vector<1x1024xi1> to vector<16x1024xi1>
        %select_n3A_505 = arith.select %broadcast_in_dim3A_504, %mul3A_497, %add3A_502 : vector<16x1024xi1>, vector<16x1024xf32>
        scf.yield %select_n3A_501, %select_n3A_505 : vector<16x1024xf32>, vector<16x1024xf32>
      }
      %slice3A_151 = vector.extract_strided_slice %while3A_150#0 {offsets = [0, 0], sizes = [16, 128], strides = [1, 1]} : vector<16x1024xf32> to vector<16x128xf32>
      %slice3A_152 = vector.extract_strided_slice %while3A_150#1 {offsets = [0, 0], sizes = [16, 128], strides = [1, 1]} : vector<16x1024xf32> to vector<16x128xf32>
      %while3A_153 = arith.subi %get3A_5, %get3A_9 : i32
      %while3A_154 = arith.addi %get3A_9, %while3A_153 : i32
      %while3A_155 = arith.constant 1 : i32
      %while3A_156 = arith.divsi %while3A_153, %while3A_155 : i32
      %while3A_157 = arith.muli %while3A_156, %while3A_155 : i32
      %while3A_158 = arith.addi %get3A_9, %while3A_157 : i32
      %while3A_159 = arith.constant 1 : i32
      %while3A_160:2 = scf.for %while3A_209 = %get3A_9 to %while3A_158 step %while3A_159 iter_args(%while3A_210 = %slice3A_151, %while3A_211 = %slice3A_152) -> (vector<16x128xf32>, vector<16x128xf32>)  : i32 {
        %get3A_212 = arith.index_cast %while3A_209 : i32 to index
        %get3A_213 = arith.constant 0 : index
        %get3A_214 = vector.load %arg2[%get3A_212, %get3A_213] : memref<512x1024xi32, #tpu.memory_space<vmem>>, vector<1x1024xi32>
        %slice3A_215 = vector.extract_strided_slice %get3A_214 {offsets = [0, 0], sizes = [1, 128], strides = [1, 1]} : vector<1x1024xi32> to vector<1x128xi32>
        %get3A_216 = arith.index_cast %while3A_209 : i32 to index
        %get3A_217 = arith.constant 0 : index
        %get3A_218 = vector.load %arg3[%get3A_216, %get3A_217] : memref<512x1024xf32, #tpu.memory_space<vmem>>, vector<1x1024xf32>
        %slice3A_219 = vector.extract_strided_slice %get3A_218 {offsets = [0, 0], sizes = [1, 128], strides = [1, 1]} : vector<1x1024xf32> to vector<1x128xf32>
        %get3A_220 = arith.index_cast %while3A_209 : i32 to index
        %get3A_221 = arith.constant 0 : index
        %get3A_222 = vector.load %arg4[%get3A_220, %get3A_221] : memref<512x1024xf32, #tpu.memory_space<vmem>>, vector<1x1024xf32>
        %slice3A_223 = vector.extract_strided_slice %get3A_222 {offsets = [0, 0], sizes = [1, 128], strides = [1, 1]} : vector<1x1024xf32> to vector<1x128xf32>
        %gt3A = arith.constant 5.000000e-01 : f32
        %gt3A_224 = vector.broadcast %gt3A : f32 to vector<1x128xf32>
        %gt3A_225 = arith.cmpf ogt, %slice3A_223, %gt3A_224 : vector<1x128xf32>
        %mul3A_226 = arith.constant 0.000000e+00 : f32
        %mul3A_227 = vector.broadcast %mul3A_226 : f32 to vector<16x128xf32>
        %mul3A_228 = arith.mulf %while3A_210, %mul3A_227 : vector<16x128xf32>
        %sub3A = arith.constant 0 : i32
        %sub3A_229 = vector.broadcast %sub3A : i32 to vector<1x128xi32>
        %sub3A_230 = arith.subi %slice3A_215, %sub3A_229 : vector<1x128xi32>
        %ge3A_231 = arith.constant 0 : i32
        %ge3A_232 = vector.broadcast %ge3A_231 : i32 to vector<1x128xi32>
        %ge3A_233 = arith.cmpi sge, %sub3A_230, %ge3A_232 : vector<1x128xi32>
        %lt3A = arith.constant 128 : i32
        %lt3A_234 = vector.broadcast %lt3A : i32 to vector<1x128xi32>
        %lt3A_235 = arith.cmpi slt, %sub3A_230, %lt3A_234 : vector<1x128xi32>
        %and3A_236 = arith.andi %ge3A_233, %lt3A_235 : vector<1x128xi1>
        %jit3A_237 = arith.constant 0 : i32
        %jit3A_238 = arith.constant 127 : i32
        %max3A_239 = vector.broadcast %jit3A_237 : i32 to vector<1x128xi32>
        %max3A_240 = arith.maxsi %max3A_239, %sub3A_230 : vector<1x128xi32>
        %min3A_241 = vector.broadcast %jit3A_238 : i32 to vector<1x128xi32>
        %min3A_242 = arith.minsi %min3A_241, %max3A_240 : vector<1x128xi32>
        %broadcast_in_dim3A_243 = vector.shape_cast %min3A_242 : vector<1x128xi32> to vector<1x128xi32>
        %broadcast_in_dim3A_244 = vector.broadcast %broadcast_in_dim3A_243 : vector<1x128xi32> to vector<16x128xi32>
        %slice3A_245 = vector.extract_strided_slice %transpose3A_133 {offsets = [0, 0], sizes = [16, 128], strides = [1, 1]} : vector<16x1024xf32> to vector<16x128xf32>
        %lt3A_246 = arith.constant 0 : i32
        %lt3A_247 = vector.broadcast %lt3A_246 : i32 to vector<16x128xi32>
        %lt3A_248 = arith.cmpi slt, %broadcast_in_dim3A_244, %lt3A_247 : vector<16x128xi32>
        %add3A_249 = arith.constant 128 : i32
        %add3A_250 = vector.broadcast %add3A_249 : i32 to vector<16x128xi32>
        %add3A_251 = arith.addi %broadcast_in_dim3A_244, %add3A_250 : vector<16x128xi32>
        %select_n3A_252 = arith.select %lt3A_248, %add3A_251, %broadcast_in_dim3A_244 : vector<16x128xi1>, vector<16x128xi32>
        %reshape3A = vector.shape_cast %select_n3A_252 : vector<16x128xi32> to vector<16x128x1xi32>
        %gather3A = vector.shape_cast %reshape3A : vector<16x128x1xi32> to vector<16x128xi32>
        %gather3A_253 = tpu.dynamic_gather %slice3A_245[%gather3A] in [1] : vector<16x128xf32>, vector<16x128xi32> -> vector<16x128xf32>
        %convert_element_type3A = arith.extui %and3A_236 : vector<1x128xi1> to vector<1x128xi32>
        %convert_element_type3A_254 = arith.sitofp %convert_element_type3A : vector<1x128xi32> to vector<1x128xf32>
        %mul3A_255 = vector.broadcast %convert_element_type3A_254 : vector<1x128xf32> to vector<16x128xf32>
        %mul3A_256 = arith.mulf %gather3A_253, %mul3A_255 : vector<16x128xf32>
        %add3A_257 = arith.addf %mul3A_228, %mul3A_256 : vector<16x128xf32>
        %sub3A_258 = arith.constant 128 : i32
        %sub3A_259 = vector.broadcast %sub3A_258 : i32 to vector<1x128xi32>
        %sub3A_260 = arith.subi %slice3A_215, %sub3A_259 : vector<1x128xi32>
        %ge3A_261 = arith.constant 0 : i32
        %ge3A_262 = vector.broadcast %ge3A_261 : i32 to vector<1x128xi32>
        %ge3A_263 = arith.cmpi sge, %sub3A_260, %ge3A_262 : vector<1x128xi32>
        %lt3A_264 = arith.constant 128 : i32
        %lt3A_265 = vector.broadcast %lt3A_264 : i32 to vector<1x128xi32>
        %lt3A_266 = arith.cmpi slt, %sub3A_260, %lt3A_265 : vector<1x128xi32>
        %and3A_267 = arith.andi %ge3A_263, %lt3A_266 : vector<1x128xi1>
        %jit3A_268 = arith.constant 0 : i32
        %jit3A_269 = arith.constant 127 : i32
        %max3A_270 = vector.broadcast %jit3A_268 : i32 to vector<1x128xi32>
        %max3A_271 = arith.maxsi %max3A_270, %sub3A_260 : vector<1x128xi32>
        %min3A_272 = vector.broadcast %jit3A_269 : i32 to vector<1x128xi32>
        %min3A_273 = arith.minsi %min3A_272, %max3A_271 : vector<1x128xi32>
        %broadcast_in_dim3A_274 = vector.shape_cast %min3A_273 : vector<1x128xi32> to vector<1x128xi32>
        %broadcast_in_dim3A_275 = vector.broadcast %broadcast_in_dim3A_274 : vector<1x128xi32> to vector<16x128xi32>
        %slice3A_276 = vector.extract_strided_slice %transpose3A_133 {offsets = [0, 128], sizes = [16, 128], strides = [1, 1]} : vector<16x1024xf32> to vector<16x128xf32>
        %lt3A_277 = arith.constant 0 : i32
        %lt3A_278 = vector.broadcast %lt3A_277 : i32 to vector<16x128xi32>
        %lt3A_279 = arith.cmpi slt, %broadcast_in_dim3A_275, %lt3A_278 : vector<16x128xi32>
        %add3A_280 = arith.constant 128 : i32
        %add3A_281 = vector.broadcast %add3A_280 : i32 to vector<16x128xi32>
        %add3A_282 = arith.addi %broadcast_in_dim3A_275, %add3A_281 : vector<16x128xi32>
        %select_n3A_283 = arith.select %lt3A_279, %add3A_282, %broadcast_in_dim3A_275 : vector<16x128xi1>, vector<16x128xi32>
        %reshape3A_284 = vector.shape_cast %select_n3A_283 : vector<16x128xi32> to vector<16x128x1xi32>
        %gather3A_285 = vector.shape_cast %reshape3A_284 : vector<16x128x1xi32> to vector<16x128xi32>
        %gather3A_286 = tpu.dynamic_gather %slice3A_276[%gather3A_285] in [1] : vector<16x128xf32>, vector<16x128xi32> -> vector<16x128xf32>
        %convert_element_type3A_287 = arith.extui %and3A_267 : vector<1x128xi1> to vector<1x128xi32>
        %convert_element_type3A_288 = arith.sitofp %convert_element_type3A_287 : vector<1x128xi32> to vector<1x128xf32>
        %mul3A_289 = vector.broadcast %convert_element_type3A_288 : vector<1x128xf32> to vector<16x128xf32>
        %mul3A_290 = arith.mulf %gather3A_286, %mul3A_289 : vector<16x128xf32>
        %add3A_291 = arith.addf %add3A_257, %mul3A_290 : vector<16x128xf32>
        %sub3A_292 = arith.constant 256 : i32
        %sub3A_293 = vector.broadcast %sub3A_292 : i32 to vector<1x128xi32>
        %sub3A_294 = arith.subi %slice3A_215, %sub3A_293 : vector<1x128xi32>
        %ge3A_295 = arith.constant 0 : i32
        %ge3A_296 = vector.broadcast %ge3A_295 : i32 to vector<1x128xi32>
        %ge3A_297 = arith.cmpi sge, %sub3A_294, %ge3A_296 : vector<1x128xi32>
        %lt3A_298 = arith.constant 128 : i32
        %lt3A_299 = vector.broadcast %lt3A_298 : i32 to vector<1x128xi32>
        %lt3A_300 = arith.cmpi slt, %sub3A_294, %lt3A_299 : vector<1x128xi32>
        %and3A_301 = arith.andi %ge3A_297, %lt3A_300 : vector<1x128xi1>
        %jit3A_302 = arith.constant 0 : i32
        %jit3A_303 = arith.constant 127 : i32
        %max3A_304 = vector.broadcast %jit3A_302 : i32 to vector<1x128xi32>
        %max3A_305 = arith.maxsi %max3A_304, %sub3A_294 : vector<1x128xi32>
        %min3A_306 = vector.broadcast %jit3A_303 : i32 to vector<1x128xi32>
        %min3A_307 = arith.minsi %min3A_306, %max3A_305 : vector<1x128xi32>
        %broadcast_in_dim3A_308 = vector.shape_cast %min3A_307 : vector<1x128xi32> to vector<1x128xi32>
        %broadcast_in_dim3A_309 = vector.broadcast %broadcast_in_dim3A_308 : vector<1x128xi32> to vector<16x128xi32>
        %slice3A_310 = vector.extract_strided_slice %transpose3A_133 {offsets = [0, 256], sizes = [16, 128], strides = [1, 1]} : vector<16x1024xf32> to vector<16x128xf32>
        %lt3A_311 = arith.constant 0 : i32
        %lt3A_312 = vector.broadcast %lt3A_311 : i32 to vector<16x128xi32>
        %lt3A_313 = arith.cmpi slt, %broadcast_in_dim3A_309, %lt3A_312 : vector<16x128xi32>
        %add3A_314 = arith.constant 128 : i32
        %add3A_315 = vector.broadcast %add3A_314 : i32 to vector<16x128xi32>
        %add3A_316 = arith.addi %broadcast_in_dim3A_309, %add3A_315 : vector<16x128xi32>
        %select_n3A_317 = arith.select %lt3A_313, %add3A_316, %broadcast_in_dim3A_309 : vector<16x128xi1>, vector<16x128xi32>
        %reshape3A_318 = vector.shape_cast %select_n3A_317 : vector<16x128xi32> to vector<16x128x1xi32>
        %gather3A_319 = vector.shape_cast %reshape3A_318 : vector<16x128x1xi32> to vector<16x128xi32>
        %gather3A_320 = tpu.dynamic_gather %slice3A_310[%gather3A_319] in [1] : vector<16x128xf32>, vector<16x128xi32> -> vector<16x128xf32>
        %convert_element_type3A_321 = arith.extui %and3A_301 : vector<1x128xi1> to vector<1x128xi32>
        %convert_element_type3A_322 = arith.sitofp %convert_element_type3A_321 : vector<1x128xi32> to vector<1x128xf32>
        %mul3A_323 = vector.broadcast %convert_element_type3A_322 : vector<1x128xf32> to vector<16x128xf32>
        %mul3A_324 = arith.mulf %gather3A_320, %mul3A_323 : vector<16x128xf32>
        %add3A_325 = arith.addf %add3A_291, %mul3A_324 : vector<16x128xf32>
        %sub3A_326 = arith.constant 384 : i32
        %sub3A_327 = vector.broadcast %sub3A_326 : i32 to vector<1x128xi32>
        %sub3A_328 = arith.subi %slice3A_215, %sub3A_327 : vector<1x128xi32>
        %ge3A_329 = arith.constant 0 : i32
        %ge3A_330 = vector.broadcast %ge3A_329 : i32 to vector<1x128xi32>
        %ge3A_331 = arith.cmpi sge, %sub3A_328, %ge3A_330 : vector<1x128xi32>
        %lt3A_332 = arith.constant 128 : i32
        %lt3A_333 = vector.broadcast %lt3A_332 : i32 to vector<1x128xi32>
        %lt3A_334 = arith.cmpi slt, %sub3A_328, %lt3A_333 : vector<1x128xi32>
        %and3A_335 = arith.andi %ge3A_331, %lt3A_334 : vector<1x128xi1>
        %jit3A_336 = arith.constant 0 : i32
        %jit3A_337 = arith.constant 127 : i32
        %max3A_338 = vector.broadcast %jit3A_336 : i32 to vector<1x128xi32>
        %max3A_339 = arith.maxsi %max3A_338, %sub3A_328 : vector<1x128xi32>
        %min3A_340 = vector.broadcast %jit3A_337 : i32 to vector<1x128xi32>
        %min3A_341 = arith.minsi %min3A_340, %max3A_339 : vector<1x128xi32>
        %broadcast_in_dim3A_342 = vector.shape_cast %min3A_341 : vector<1x128xi32> to vector<1x128xi32>
        %broadcast_in_dim3A_343 = vector.broadcast %broadcast_in_dim3A_342 : vector<1x128xi32> to vector<16x128xi32>
        %slice3A_344 = vector.extract_strided_slice %transpose3A_133 {offsets = [0, 384], sizes = [16, 128], strides = [1, 1]} : vector<16x1024xf32> to vector<16x128xf32>
        %lt3A_345 = arith.constant 0 : i32
        %lt3A_346 = vector.broadcast %lt3A_345 : i32 to vector<16x128xi32>
        %lt3A_347 = arith.cmpi slt, %broadcast_in_dim3A_343, %lt3A_346 : vector<16x128xi32>
        %add3A_348 = arith.constant 128 : i32
        %add3A_349 = vector.broadcast %add3A_348 : i32 to vector<16x128xi32>
        %add3A_350 = arith.addi %broadcast_in_dim3A_343, %add3A_349 : vector<16x128xi32>
        %select_n3A_351 = arith.select %lt3A_347, %add3A_350, %broadcast_in_dim3A_343 : vector<16x128xi1>, vector<16x128xi32>
        %reshape3A_352 = vector.shape_cast %select_n3A_351 : vector<16x128xi32> to vector<16x128x1xi32>
        %gather3A_353 = vector.shape_cast %reshape3A_352 : vector<16x128x1xi32> to vector<16x128xi32>
        %gather3A_354 = tpu.dynamic_gather %slice3A_344[%gather3A_353] in [1] : vector<16x128xf32>, vector<16x128xi32> -> vector<16x128xf32>
        %convert_element_type3A_355 = arith.extui %and3A_335 : vector<1x128xi1> to vector<1x128xi32>
        %convert_element_type3A_356 = arith.sitofp %convert_element_type3A_355 : vector<1x128xi32> to vector<1x128xf32>
        %mul3A_357 = vector.broadcast %convert_element_type3A_356 : vector<1x128xf32> to vector<16x128xf32>
        %mul3A_358 = arith.mulf %gather3A_354, %mul3A_357 : vector<16x128xf32>
        %add3A_359 = arith.addf %add3A_325, %mul3A_358 : vector<16x128xf32>
        %sub3A_360 = arith.constant 512 : i32
        %sub3A_361 = vector.broadcast %sub3A_360 : i32 to vector<1x128xi32>
        %sub3A_362 = arith.subi %slice3A_215, %sub3A_361 : vector<1x128xi32>
        %ge3A_363 = arith.constant 0 : i32
        %ge3A_364 = vector.broadcast %ge3A_363 : i32 to vector<1x128xi32>
        %ge3A_365 = arith.cmpi sge, %sub3A_362, %ge3A_364 : vector<1x128xi32>
        %lt3A_366 = arith.constant 128 : i32
        %lt3A_367 = vector.broadcast %lt3A_366 : i32 to vector<1x128xi32>
        %lt3A_368 = arith.cmpi slt, %sub3A_362, %lt3A_367 : vector<1x128xi32>
        %and3A_369 = arith.andi %ge3A_365, %lt3A_368 : vector<1x128xi1>
        %jit3A_370 = arith.constant 0 : i32
        %jit3A_371 = arith.constant 127 : i32
        %max3A_372 = vector.broadcast %jit3A_370 : i32 to vector<1x128xi32>
        %max3A_373 = arith.maxsi %max3A_372, %sub3A_362 : vector<1x128xi32>
        %min3A_374 = vector.broadcast %jit3A_371 : i32 to vector<1x128xi32>
        %min3A_375 = arith.minsi %min3A_374, %max3A_373 : vector<1x128xi32>
        %broadcast_in_dim3A_376 = vector.shape_cast %min3A_375 : vector<1x128xi32> to vector<1x128xi32>
        %broadcast_in_dim3A_377 = vector.broadcast %broadcast_in_dim3A_376 : vector<1x128xi32> to vector<16x128xi32>
        %slice3A_378 = vector.extract_strided_slice %transpose3A_133 {offsets = [0, 512], sizes = [16, 128], strides = [1, 1]} : vector<16x1024xf32> to vector<16x128xf32>
        %lt3A_379 = arith.constant 0 : i32
        %lt3A_380 = vector.broadcast %lt3A_379 : i32 to vector<16x128xi32>
        %lt3A_381 = arith.cmpi slt, %broadcast_in_dim3A_377, %lt3A_380 : vector<16x128xi32>
        %add3A_382 = arith.constant 128 : i32
        %add3A_383 = vector.broadcast %add3A_382 : i32 to vector<16x128xi32>
        %add3A_384 = arith.addi %broadcast_in_dim3A_377, %add3A_383 : vector<16x128xi32>
        %select_n3A_385 = arith.select %lt3A_381, %add3A_384, %broadcast_in_dim3A_377 : vector<16x128xi1>, vector<16x128xi32>
        %reshape3A_386 = vector.shape_cast %select_n3A_385 : vector<16x128xi32> to vector<16x128x1xi32>
        %gather3A_387 = vector.shape_cast %reshape3A_386 : vector<16x128x1xi32> to vector<16x128xi32>
        %gather3A_388 = tpu.dynamic_gather %slice3A_378[%gather3A_387] in [1] : vector<16x128xf32>, vector<16x128xi32> -> vector<16x128xf32>
        %convert_element_type3A_389 = arith.extui %and3A_369 : vector<1x128xi1> to vector<1x128xi32>
        %convert_element_type3A_390 = arith.sitofp %convert_element_type3A_389 : vector<1x128xi32> to vector<1x128xf32>
        %mul3A_391 = vector.broadcast %convert_element_type3A_390 : vector<1x128xf32> to vector<16x128xf32>
        %mul3A_392 = arith.mulf %gather3A_388, %mul3A_391 : vector<16x128xf32>
        %add3A_393 = arith.addf %add3A_359, %mul3A_392 : vector<16x128xf32>
        %sub3A_394 = arith.constant 640 : i32
        %sub3A_395 = vector.broadcast %sub3A_394 : i32 to vector<1x128xi32>
        %sub3A_396 = arith.subi %slice3A_215, %sub3A_395 : vector<1x128xi32>
        %ge3A_397 = arith.constant 0 : i32
        %ge3A_398 = vector.broadcast %ge3A_397 : i32 to vector<1x128xi32>
        %ge3A_399 = arith.cmpi sge, %sub3A_396, %ge3A_398 : vector<1x128xi32>
        %lt3A_400 = arith.constant 128 : i32
        %lt3A_401 = vector.broadcast %lt3A_400 : i32 to vector<1x128xi32>
        %lt3A_402 = arith.cmpi slt, %sub3A_396, %lt3A_401 : vector<1x128xi32>
        %and3A_403 = arith.andi %ge3A_399, %lt3A_402 : vector<1x128xi1>
        %jit3A_404 = arith.constant 0 : i32
        %jit3A_405 = arith.constant 127 : i32
        %max3A_406 = vector.broadcast %jit3A_404 : i32 to vector<1x128xi32>
        %max3A_407 = arith.maxsi %max3A_406, %sub3A_396 : vector<1x128xi32>
        %min3A_408 = vector.broadcast %jit3A_405 : i32 to vector<1x128xi32>
        %min3A_409 = arith.minsi %min3A_408, %max3A_407 : vector<1x128xi32>
        %broadcast_in_dim3A_410 = vector.shape_cast %min3A_409 : vector<1x128xi32> to vector<1x128xi32>
        %broadcast_in_dim3A_411 = vector.broadcast %broadcast_in_dim3A_410 : vector<1x128xi32> to vector<16x128xi32>
        %slice3A_412 = vector.extract_strided_slice %transpose3A_133 {offsets = [0, 640], sizes = [16, 128], strides = [1, 1]} : vector<16x1024xf32> to vector<16x128xf32>
        %lt3A_413 = arith.constant 0 : i32
        %lt3A_414 = vector.broadcast %lt3A_413 : i32 to vector<16x128xi32>
        %lt3A_415 = arith.cmpi slt, %broadcast_in_dim3A_411, %lt3A_414 : vector<16x128xi32>
        %add3A_416 = arith.constant 128 : i32
        %add3A_417 = vector.broadcast %add3A_416 : i32 to vector<16x128xi32>
        %add3A_418 = arith.addi %broadcast_in_dim3A_411, %add3A_417 : vector<16x128xi32>
        %select_n3A_419 = arith.select %lt3A_415, %add3A_418, %broadcast_in_dim3A_411 : vector<16x128xi1>, vector<16x128xi32>
        %reshape3A_420 = vector.shape_cast %select_n3A_419 : vector<16x128xi32> to vector<16x128x1xi32>
        %gather3A_421 = vector.shape_cast %reshape3A_420 : vector<16x128x1xi32> to vector<16x128xi32>
        %gather3A_422 = tpu.dynamic_gather %slice3A_412[%gather3A_421] in [1] : vector<16x128xf32>, vector<16x128xi32> -> vector<16x128xf32>
        %convert_element_type3A_423 = arith.extui %and3A_403 : vector<1x128xi1> to vector<1x128xi32>
        %convert_element_type3A_424 = arith.sitofp %convert_element_type3A_423 : vector<1x128xi32> to vector<1x128xf32>
        %mul3A_425 = vector.broadcast %convert_element_type3A_424 : vector<1x128xf32> to vector<16x128xf32>
        %mul3A_426 = arith.mulf %gather3A_422, %mul3A_425 : vector<16x128xf32>
        %add3A_427 = arith.addf %add3A_393, %mul3A_426 : vector<16x128xf32>
        %sub3A_428 = arith.constant 768 : i32
        %sub3A_429 = vector.broadcast %sub3A_428 : i32 to vector<1x128xi32>
        %sub3A_430 = arith.subi %slice3A_215, %sub3A_429 : vector<1x128xi32>
        %ge3A_431 = arith.constant 0 : i32
        %ge3A_432 = vector.broadcast %ge3A_431 : i32 to vector<1x128xi32>
        %ge3A_433 = arith.cmpi sge, %sub3A_430, %ge3A_432 : vector<1x128xi32>
        %lt3A_434 = arith.constant 128 : i32
        %lt3A_435 = vector.broadcast %lt3A_434 : i32 to vector<1x128xi32>
        %lt3A_436 = arith.cmpi slt, %sub3A_430, %lt3A_435 : vector<1x128xi32>
        %and3A_437 = arith.andi %ge3A_433, %lt3A_436 : vector<1x128xi1>
        %jit3A_438 = arith.constant 0 : i32
        %jit3A_439 = arith.constant 127 : i32
        %max3A_440 = vector.broadcast %jit3A_438 : i32 to vector<1x128xi32>
        %max3A_441 = arith.maxsi %max3A_440, %sub3A_430 : vector<1x128xi32>
        %min3A_442 = vector.broadcast %jit3A_439 : i32 to vector<1x128xi32>
        %min3A_443 = arith.minsi %min3A_442, %max3A_441 : vector<1x128xi32>
        %broadcast_in_dim3A_444 = vector.shape_cast %min3A_443 : vector<1x128xi32> to vector<1x128xi32>
        %broadcast_in_dim3A_445 = vector.broadcast %broadcast_in_dim3A_444 : vector<1x128xi32> to vector<16x128xi32>
        %slice3A_446 = vector.extract_strided_slice %transpose3A_133 {offsets = [0, 768], sizes = [16, 128], strides = [1, 1]} : vector<16x1024xf32> to vector<16x128xf32>
        %lt3A_447 = arith.constant 0 : i32
        %lt3A_448 = vector.broadcast %lt3A_447 : i32 to vector<16x128xi32>
        %lt3A_449 = arith.cmpi slt, %broadcast_in_dim3A_445, %lt3A_448 : vector<16x128xi32>
        %add3A_450 = arith.constant 128 : i32
        %add3A_451 = vector.broadcast %add3A_450 : i32 to vector<16x128xi32>
        %add3A_452 = arith.addi %broadcast_in_dim3A_445, %add3A_451 : vector<16x128xi32>
        %select_n3A_453 = arith.select %lt3A_449, %add3A_452, %broadcast_in_dim3A_445 : vector<16x128xi1>, vector<16x128xi32>
        %reshape3A_454 = vector.shape_cast %select_n3A_453 : vector<16x128xi32> to vector<16x128x1xi32>
        %gather3A_455 = vector.shape_cast %reshape3A_454 : vector<16x128x1xi32> to vector<16x128xi32>
        %gather3A_456 = tpu.dynamic_gather %slice3A_446[%gather3A_455] in [1] : vector<16x128xf32>, vector<16x128xi32> -> vector<16x128xf32>
        %convert_element_type3A_457 = arith.extui %and3A_437 : vector<1x128xi1> to vector<1x128xi32>
        %convert_element_type3A_458 = arith.sitofp %convert_element_type3A_457 : vector<1x128xi32> to vector<1x128xf32>
        %mul3A_459 = vector.broadcast %convert_element_type3A_458 : vector<1x128xf32> to vector<16x128xf32>
        %mul3A_460 = arith.mulf %gather3A_456, %mul3A_459 : vector<16x128xf32>
        %add3A_461 = arith.addf %add3A_427, %mul3A_460 : vector<16x128xf32>
        %sub3A_462 = arith.constant 896 : i32
        %sub3A_463 = vector.broadcast %sub3A_462 : i32 to vector<1x128xi32>
        %sub3A_464 = arith.subi %slice3A_215, %sub3A_463 : vector<1x128xi32>
        %ge3A_465 = arith.constant 0 : i32
        %ge3A_466 = vector.broadcast %ge3A_465 : i32 to vector<1x128xi32>
        %ge3A_467 = arith.cmpi sge, %sub3A_464, %ge3A_466 : vector<1x128xi32>
        %lt3A_468 = arith.constant 128 : i32
        %lt3A_469 = vector.broadcast %lt3A_468 : i32 to vector<1x128xi32>
        %lt3A_470 = arith.cmpi slt, %sub3A_464, %lt3A_469 : vector<1x128xi32>
        %and3A_471 = arith.andi %ge3A_467, %lt3A_470 : vector<1x128xi1>
        %jit3A_472 = arith.constant 0 : i32
        %jit3A_473 = arith.constant 127 : i32
        %max3A_474 = vector.broadcast %jit3A_472 : i32 to vector<1x128xi32>
        %max3A_475 = arith.maxsi %max3A_474, %sub3A_464 : vector<1x128xi32>
        %min3A_476 = vector.broadcast %jit3A_473 : i32 to vector<1x128xi32>
        %min3A_477 = arith.minsi %min3A_476, %max3A_475 : vector<1x128xi32>
        %broadcast_in_dim3A_478 = vector.shape_cast %min3A_477 : vector<1x128xi32> to vector<1x128xi32>
        %broadcast_in_dim3A_479 = vector.broadcast %broadcast_in_dim3A_478 : vector<1x128xi32> to vector<16x128xi32>
        %slice3A_480 = vector.extract_strided_slice %transpose3A_133 {offsets = [0, 896], sizes = [16, 128], strides = [1, 1]} : vector<16x1024xf32> to vector<16x128xf32>
        %lt3A_481 = arith.constant 0 : i32
        %lt3A_482 = vector.broadcast %lt3A_481 : i32 to vector<16x128xi32>
        %lt3A_483 = arith.cmpi slt, %broadcast_in_dim3A_479, %lt3A_482 : vector<16x128xi32>
        %add3A_484 = arith.constant 128 : i32
        %add3A_485 = vector.broadcast %add3A_484 : i32 to vector<16x128xi32>
        %add3A_486 = arith.addi %broadcast_in_dim3A_479, %add3A_485 : vector<16x128xi32>
        %select_n3A_487 = arith.select %lt3A_483, %add3A_486, %broadcast_in_dim3A_479 : vector<16x128xi1>, vector<16x128xi32>
        %reshape3A_488 = vector.shape_cast %select_n3A_487 : vector<16x128xi32> to vector<16x128x1xi32>
        %gather3A_489 = vector.shape_cast %reshape3A_488 : vector<16x128x1xi32> to vector<16x128xi32>
        %gather3A_490 = tpu.dynamic_gather %slice3A_480[%gather3A_489] in [1] : vector<16x128xf32>, vector<16x128xi32> -> vector<16x128xf32>
        %convert_element_type3A_491 = arith.extui %and3A_471 : vector<1x128xi1> to vector<1x128xi32>
        %convert_element_type3A_492 = arith.sitofp %convert_element_type3A_491 : vector<1x128xi32> to vector<1x128xf32>
        %mul3A_493 = vector.broadcast %convert_element_type3A_492 : vector<1x128xf32> to vector<16x128xf32>
        %mul3A_494 = arith.mulf %gather3A_490, %mul3A_493 : vector<16x128xf32>
        %add3A_495 = arith.addf %add3A_461, %mul3A_494 : vector<16x128xf32>
        %mul3A_496 = vector.broadcast %slice3A_219 : vector<1x128xf32> to vector<16x128xf32>
        %mul3A_497 = arith.mulf %add3A_495, %mul3A_496 : vector<16x128xf32>
        %add3A_498 = arith.addf %while3A_210, %while3A_211 : vector<16x128xf32>
        %broadcast_in_dim3A_499 = vector.shape_cast %gt3A_225 : vector<1x128xi1> to vector<1x128xi1>
        %broadcast_in_dim3A_500 = vector.broadcast %broadcast_in_dim3A_499 : vector<1x128xi1> to vector<16x128xi1>
        %select_n3A_501 = arith.select %broadcast_in_dim3A_500, %add3A_498, %while3A_210 : vector<16x128xi1>, vector<16x128xf32>
        %add3A_502 = arith.addf %while3A_211, %mul3A_497 : vector<16x128xf32>
        %broadcast_in_dim3A_503 = vector.shape_cast %gt3A_225 : vector<1x128xi1> to vector<1x128xi1>
        %broadcast_in_dim3A_504 = vector.broadcast %broadcast_in_dim3A_503 : vector<1x128xi1> to vector<16x128xi1>
        %select_n3A_505 = arith.select %broadcast_in_dim3A_504, %mul3A_497, %add3A_502 : vector<16x128xi1>, vector<16x128xf32>
        scf.yield %select_n3A_501, %select_n3A_505 : vector<16x128xf32>, vector<16x128xf32>
      }
      %while3A_161 = arith.constant 1 : i32
      %while3A_162:2 = scf.for %while3A_209 = %while3A_158 to %while3A_154 step %while3A_161 iter_args(%while3A_210 = %while3A_160#0, %while3A_211 = %while3A_160#1) -> (vector<16x128xf32>, vector<16x128xf32>)  : i32 {
        %get3A_212 = arith.index_cast %while3A_209 : i32 to index
        %get3A_213 = arith.constant 0 : index
        %get3A_214 = vector.load %arg2[%get3A_212, %get3A_213] : memref<512x1024xi32, #tpu.memory_space<vmem>>, vector<1x1024xi32>
        %slice3A_215 = vector.extract_strided_slice %get3A_214 {offsets = [0, 0], sizes = [1, 128], strides = [1, 1]} : vector<1x1024xi32> to vector<1x128xi32>
        %get3A_216 = arith.index_cast %while3A_209 : i32 to index
        %get3A_217 = arith.constant 0 : index
        %get3A_218 = vector.load %arg3[%get3A_216, %get3A_217] : memref<512x1024xf32, #tpu.memory_space<vmem>>, vector<1x1024xf32>
        %slice3A_219 = vector.extract_strided_slice %get3A_218 {offsets = [0, 0], sizes = [1, 128], strides = [1, 1]} : vector<1x1024xf32> to vector<1x128xf32>
        %get3A_220 = arith.index_cast %while3A_209 : i32 to index
        %get3A_221 = arith.constant 0 : index
        %get3A_222 = vector.load %arg4[%get3A_220, %get3A_221] : memref<512x1024xf32, #tpu.memory_space<vmem>>, vector<1x1024xf32>
        %slice3A_223 = vector.extract_strided_slice %get3A_222 {offsets = [0, 0], sizes = [1, 128], strides = [1, 1]} : vector<1x1024xf32> to vector<1x128xf32>
        %gt3A = arith.constant 5.000000e-01 : f32
        %gt3A_224 = vector.broadcast %gt3A : f32 to vector<1x128xf32>
        %gt3A_225 = arith.cmpf ogt, %slice3A_223, %gt3A_224 : vector<1x128xf32>
        %mul3A_226 = arith.constant 0.000000e+00 : f32
        %mul3A_227 = vector.broadcast %mul3A_226 : f32 to vector<16x128xf32>
        %mul3A_228 = arith.mulf %while3A_210, %mul3A_227 : vector<16x128xf32>
        %sub3A = arith.constant 0 : i32
        %sub3A_229 = vector.broadcast %sub3A : i32 to vector<1x128xi32>
        %sub3A_230 = arith.subi %slice3A_215, %sub3A_229 : vector<1x128xi32>
        %ge3A_231 = arith.constant 0 : i32
        %ge3A_232 = vector.broadcast %ge3A_231 : i32 to vector<1x128xi32>
        %ge3A_233 = arith.cmpi sge, %sub3A_230, %ge3A_232 : vector<1x128xi32>
        %lt3A = arith.constant 128 : i32
        %lt3A_234 = vector.broadcast %lt3A : i32 to vector<1x128xi32>
        %lt3A_235 = arith.cmpi slt, %sub3A_230, %lt3A_234 : vector<1x128xi32>
        %and3A_236 = arith.andi %ge3A_233, %lt3A_235 : vector<1x128xi1>
        %jit3A_237 = arith.constant 0 : i32
        %jit3A_238 = arith.constant 127 : i32
        %max3A_239 = vector.broadcast %jit3A_237 : i32 to vector<1x128xi32>
        %max3A_240 = arith.maxsi %max3A_239, %sub3A_230 : vector<1x128xi32>
        %min3A_241 = vector.broadcast %jit3A_238 : i32 to vector<1x128xi32>
        %min3A_242 = arith.minsi %min3A_241, %max3A_240 : vector<1x128xi32>
        %broadcast_in_dim3A_243 = vector.shape_cast %min3A_242 : vector<1x128xi32> to vector<1x128xi32>
        %broadcast_in_dim3A_244 = vector.broadcast %broadcast_in_dim3A_243 : vector<1x128xi32> to vector<16x128xi32>
        %slice3A_245 = vector.extract_strided_slice %transpose3A_133 {offsets = [0, 0], sizes = [16, 128], strides = [1, 1]} : vector<16x1024xf32> to vector<16x128xf32>
        %lt3A_246 = arith.constant 0 : i32
        %lt3A_247 = vector.broadcast %lt3A_246 : i32 to vector<16x128xi32>
        %lt3A_248 = arith.cmpi slt, %broadcast_in_dim3A_244, %lt3A_247 : vector<16x128xi32>
        %add3A_249 = arith.constant 128 : i32
        %add3A_250 = vector.broadcast %add3A_249 : i32 to vector<16x128xi32>
        %add3A_251 = arith.addi %broadcast_in_dim3A_244, %add3A_250 : vector<16x128xi32>
        %select_n3A_252 = arith.select %lt3A_248, %add3A_251, %broadcast_in_dim3A_244 : vector<16x128xi1>, vector<16x128xi32>
        %reshape3A = vector.shape_cast %select_n3A_252 : vector<16x128xi32> to vector<16x128x1xi32>
        %gather3A = vector.shape_cast %reshape3A : vector<16x128x1xi32> to vector<16x128xi32>
        %gather3A_253 = tpu.dynamic_gather %slice3A_245[%gather3A] in [1] : vector<16x128xf32>, vector<16x128xi32> -> vector<16x128xf32>
        %convert_element_type3A = arith.extui %and3A_236 : vector<1x128xi1> to vector<1x128xi32>
        %convert_element_type3A_254 = arith.sitofp %convert_element_type3A : vector<1x128xi32> to vector<1x128xf32>
        %mul3A_255 = vector.broadcast %convert_element_type3A_254 : vector<1x128xf32> to vector<16x128xf32>
        %mul3A_256 = arith.mulf %gather3A_253, %mul3A_255 : vector<16x128xf32>
        %add3A_257 = arith.addf %mul3A_228, %mul3A_256 : vector<16x128xf32>
        %sub3A_258 = arith.constant 128 : i32
        %sub3A_259 = vector.broadcast %sub3A_258 : i32 to vector<1x128xi32>
        %sub3A_260 = arith.subi %slice3A_215, %sub3A_259 : vector<1x128xi32>
        %ge3A_261 = arith.constant 0 : i32
        %ge3A_262 = vector.broadcast %ge3A_261 : i32 to vector<1x128xi32>
        %ge3A_263 = arith.cmpi sge, %sub3A_260, %ge3A_262 : vector<1x128xi32>
        %lt3A_264 = arith.constant 128 : i32
        %lt3A_265 = vector.broadcast %lt3A_264 : i32 to vector<1x128xi32>
        %lt3A_266 = arith.cmpi slt, %sub3A_260, %lt3A_265 : vector<1x128xi32>
        %and3A_267 = arith.andi %ge3A_263, %lt3A_266 : vector<1x128xi1>
        %jit3A_268 = arith.constant 0 : i32
        %jit3A_269 = arith.constant 127 : i32
        %max3A_270 = vector.broadcast %jit3A_268 : i32 to vector<1x128xi32>
        %max3A_271 = arith.maxsi %max3A_270, %sub3A_260 : vector<1x128xi32>
        %min3A_272 = vector.broadcast %jit3A_269 : i32 to vector<1x128xi32>
        %min3A_273 = arith.minsi %min3A_272, %max3A_271 : vector<1x128xi32>
        %broadcast_in_dim3A_274 = vector.shape_cast %min3A_273 : vector<1x128xi32> to vector<1x128xi32>
        %broadcast_in_dim3A_275 = vector.broadcast %broadcast_in_dim3A_274 : vector<1x128xi32> to vector<16x128xi32>
        %slice3A_276 = vector.extract_strided_slice %transpose3A_133 {offsets = [0, 128], sizes = [16, 128], strides = [1, 1]} : vector<16x1024xf32> to vector<16x128xf32>
        %lt3A_277 = arith.constant 0 : i32
        %lt3A_278 = vector.broadcast %lt3A_277 : i32 to vector<16x128xi32>
        %lt3A_279 = arith.cmpi slt, %broadcast_in_dim3A_275, %lt3A_278 : vector<16x128xi32>
        %add3A_280 = arith.constant 128 : i32
        %add3A_281 = vector.broadcast %add3A_280 : i32 to vector<16x128xi32>
        %add3A_282 = arith.addi %broadcast_in_dim3A_275, %add3A_281 : vector<16x128xi32>
        %select_n3A_283 = arith.select %lt3A_279, %add3A_282, %broadcast_in_dim3A_275 : vector<16x128xi1>, vector<16x128xi32>
        %reshape3A_284 = vector.shape_cast %select_n3A_283 : vector<16x128xi32> to vector<16x128x1xi32>
        %gather3A_285 = vector.shape_cast %reshape3A_284 : vector<16x128x1xi32> to vector<16x128xi32>
        %gather3A_286 = tpu.dynamic_gather %slice3A_276[%gather3A_285] in [1] : vector<16x128xf32>, vector<16x128xi32> -> vector<16x128xf32>
        %convert_element_type3A_287 = arith.extui %and3A_267 : vector<1x128xi1> to vector<1x128xi32>
        %convert_element_type3A_288 = arith.sitofp %convert_element_type3A_287 : vector<1x128xi32> to vector<1x128xf32>
        %mul3A_289 = vector.broadcast %convert_element_type3A_288 : vector<1x128xf32> to vector<16x128xf32>
        %mul3A_290 = arith.mulf %gather3A_286, %mul3A_289 : vector<16x128xf32>
        %add3A_291 = arith.addf %add3A_257, %mul3A_290 : vector<16x128xf32>
        %sub3A_292 = arith.constant 256 : i32
        %sub3A_293 = vector.broadcast %sub3A_292 : i32 to vector<1x128xi32>
        %sub3A_294 = arith.subi %slice3A_215, %sub3A_293 : vector<1x128xi32>
        %ge3A_295 = arith.constant 0 : i32
        %ge3A_296 = vector.broadcast %ge3A_295 : i32 to vector<1x128xi32>
        %ge3A_297 = arith.cmpi sge, %sub3A_294, %ge3A_296 : vector<1x128xi32>
        %lt3A_298 = arith.constant 128 : i32
        %lt3A_299 = vector.broadcast %lt3A_298 : i32 to vector<1x128xi32>
        %lt3A_300 = arith.cmpi slt, %sub3A_294, %lt3A_299 : vector<1x128xi32>
        %and3A_301 = arith.andi %ge3A_297, %lt3A_300 : vector<1x128xi1>
        %jit3A_302 = arith.constant 0 : i32
        %jit3A_303 = arith.constant 127 : i32
        %max3A_304 = vector.broadcast %jit3A_302 : i32 to vector<1x128xi32>
        %max3A_305 = arith.maxsi %max3A_304, %sub3A_294 : vector<1x128xi32>
        %min3A_306 = vector.broadcast %jit3A_303 : i32 to vector<1x128xi32>
        %min3A_307 = arith.minsi %min3A_306, %max3A_305 : vector<1x128xi32>
        %broadcast_in_dim3A_308 = vector.shape_cast %min3A_307 : vector<1x128xi32> to vector<1x128xi32>
        %broadcast_in_dim3A_309 = vector.broadcast %broadcast_in_dim3A_308 : vector<1x128xi32> to vector<16x128xi32>
        %slice3A_310 = vector.extract_strided_slice %transpose3A_133 {offsets = [0, 256], sizes = [16, 128], strides = [1, 1]} : vector<16x1024xf32> to vector<16x128xf32>
        %lt3A_311 = arith.constant 0 : i32
        %lt3A_312 = vector.broadcast %lt3A_311 : i32 to vector<16x128xi32>
        %lt3A_313 = arith.cmpi slt, %broadcast_in_dim3A_309, %lt3A_312 : vector<16x128xi32>
        %add3A_314 = arith.constant 128 : i32
        %add3A_315 = vector.broadcast %add3A_314 : i32 to vector<16x128xi32>
        %add3A_316 = arith.addi %broadcast_in_dim3A_309, %add3A_315 : vector<16x128xi32>
        %select_n3A_317 = arith.select %lt3A_313, %add3A_316, %broadcast_in_dim3A_309 : vector<16x128xi1>, vector<16x128xi32>
        %reshape3A_318 = vector.shape_cast %select_n3A_317 : vector<16x128xi32> to vector<16x128x1xi32>
        %gather3A_319 = vector.shape_cast %reshape3A_318 : vector<16x128x1xi32> to vector<16x128xi32>
        %gather3A_320 = tpu.dynamic_gather %slice3A_310[%gather3A_319] in [1] : vector<16x128xf32>, vector<16x128xi32> -> vector<16x128xf32>
        %convert_element_type3A_321 = arith.extui %and3A_301 : vector<1x128xi1> to vector<1x128xi32>
        %convert_element_type3A_322 = arith.sitofp %convert_element_type3A_321 : vector<1x128xi32> to vector<1x128xf32>
        %mul3A_323 = vector.broadcast %convert_element_type3A_322 : vector<1x128xf32> to vector<16x128xf32>
        %mul3A_324 = arith.mulf %gather3A_320, %mul3A_323 : vector<16x128xf32>
        %add3A_325 = arith.addf %add3A_291, %mul3A_324 : vector<16x128xf32>
        %sub3A_326 = arith.constant 384 : i32
        %sub3A_327 = vector.broadcast %sub3A_326 : i32 to vector<1x128xi32>
        %sub3A_328 = arith.subi %slice3A_215, %sub3A_327 : vector<1x128xi32>
        %ge3A_329 = arith.constant 0 : i32
        %ge3A_330 = vector.broadcast %ge3A_329 : i32 to vector<1x128xi32>
        %ge3A_331 = arith.cmpi sge, %sub3A_328, %ge3A_330 : vector<1x128xi32>
        %lt3A_332 = arith.constant 128 : i32
        %lt3A_333 = vector.broadcast %lt3A_332 : i32 to vector<1x128xi32>
        %lt3A_334 = arith.cmpi slt, %sub3A_328, %lt3A_333 : vector<1x128xi32>
        %and3A_335 = arith.andi %ge3A_331, %lt3A_334 : vector<1x128xi1>
        %jit3A_336 = arith.constant 0 : i32
        %jit3A_337 = arith.constant 127 : i32
        %max3A_338 = vector.broadcast %jit3A_336 : i32 to vector<1x128xi32>
        %max3A_339 = arith.maxsi %max3A_338, %sub3A_328 : vector<1x128xi32>
        %min3A_340 = vector.broadcast %jit3A_337 : i32 to vector<1x128xi32>
        %min3A_341 = arith.minsi %min3A_340, %max3A_339 : vector<1x128xi32>
        %broadcast_in_dim3A_342 = vector.shape_cast %min3A_341 : vector<1x128xi32> to vector<1x128xi32>
        %broadcast_in_dim3A_343 = vector.broadcast %broadcast_in_dim3A_342 : vector<1x128xi32> to vector<16x128xi32>
        %slice3A_344 = vector.extract_strided_slice %transpose3A_133 {offsets = [0, 384], sizes = [16, 128], strides = [1, 1]} : vector<16x1024xf32> to vector<16x128xf32>
        %lt3A_345 = arith.constant 0 : i32
        %lt3A_346 = vector.broadcast %lt3A_345 : i32 to vector<16x128xi32>
        %lt3A_347 = arith.cmpi slt, %broadcast_in_dim3A_343, %lt3A_346 : vector<16x128xi32>
        %add3A_348 = arith.constant 128 : i32
        %add3A_349 = vector.broadcast %add3A_348 : i32 to vector<16x128xi32>
        %add3A_350 = arith.addi %broadcast_in_dim3A_343, %add3A_349 : vector<16x128xi32>
        %select_n3A_351 = arith.select %lt3A_347, %add3A_350, %broadcast_in_dim3A_343 : vector<16x128xi1>, vector<16x128xi32>
        %reshape3A_352 = vector.shape_cast %select_n3A_351 : vector<16x128xi32> to vector<16x128x1xi32>
        %gather3A_353 = vector.shape_cast %reshape3A_352 : vector<16x128x1xi32> to vector<16x128xi32>
        %gather3A_354 = tpu.dynamic_gather %slice3A_344[%gather3A_353] in [1] : vector<16x128xf32>, vector<16x128xi32> -> vector<16x128xf32>
        %convert_element_type3A_355 = arith.extui %and3A_335 : vector<1x128xi1> to vector<1x128xi32>
        %convert_element_type3A_356 = arith.sitofp %convert_element_type3A_355 : vector<1x128xi32> to vector<1x128xf32>
        %mul3A_357 = vector.broadcast %convert_element_type3A_356 : vector<1x128xf32> to vector<16x128xf32>
        %mul3A_358 = arith.mulf %gather3A_354, %mul3A_357 : vector<16x128xf32>
        %add3A_359 = arith.addf %add3A_325, %mul3A_358 : vector<16x128xf32>
        %sub3A_360 = arith.constant 512 : i32
        %sub3A_361 = vector.broadcast %sub3A_360 : i32 to vector<1x128xi32>
        %sub3A_362 = arith.subi %slice3A_215, %sub3A_361 : vector<1x128xi32>
        %ge3A_363 = arith.constant 0 : i32
        %ge3A_364 = vector.broadcast %ge3A_363 : i32 to vector<1x128xi32>
        %ge3A_365 = arith.cmpi sge, %sub3A_362, %ge3A_364 : vector<1x128xi32>
        %lt3A_366 = arith.constant 128 : i32
        %lt3A_367 = vector.broadcast %lt3A_366 : i32 to vector<1x128xi32>
        %lt3A_368 = arith.cmpi slt, %sub3A_362, %lt3A_367 : vector<1x128xi32>
        %and3A_369 = arith.andi %ge3A_365, %lt3A_368 : vector<1x128xi1>
        %jit3A_370 = arith.constant 0 : i32
        %jit3A_371 = arith.constant 127 : i32
        %max3A_372 = vector.broadcast %jit3A_370 : i32 to vector<1x128xi32>
        %max3A_373 = arith.maxsi %max3A_372, %sub3A_362 : vector<1x128xi32>
        %min3A_374 = vector.broadcast %jit3A_371 : i32 to vector<1x128xi32>
        %min3A_375 = arith.minsi %min3A_374, %max3A_373 : vector<1x128xi32>
        %broadcast_in_dim3A_376 = vector.shape_cast %min3A_375 : vector<1x128xi32> to vector<1x128xi32>
        %broadcast_in_dim3A_377 = vector.broadcast %broadcast_in_dim3A_376 : vector<1x128xi32> to vector<16x128xi32>
        %slice3A_378 = vector.extract_strided_slice %transpose3A_133 {offsets = [0, 512], sizes = [16, 128], strides = [1, 1]} : vector<16x1024xf32> to vector<16x128xf32>
        %lt3A_379 = arith.constant 0 : i32
        %lt3A_380 = vector.broadcast %lt3A_379 : i32 to vector<16x128xi32>
        %lt3A_381 = arith.cmpi slt, %broadcast_in_dim3A_377, %lt3A_380 : vector<16x128xi32>
        %add3A_382 = arith.constant 128 : i32
        %add3A_383 = vector.broadcast %add3A_382 : i32 to vector<16x128xi32>
        %add3A_384 = arith.addi %broadcast_in_dim3A_377, %add3A_383 : vector<16x128xi32>
        %select_n3A_385 = arith.select %lt3A_381, %add3A_384, %broadcast_in_dim3A_377 : vector<16x128xi1>, vector<16x128xi32>
        %reshape3A_386 = vector.shape_cast %select_n3A_385 : vector<16x128xi32> to vector<16x128x1xi32>
        %gather3A_387 = vector.shape_cast %reshape3A_386 : vector<16x128x1xi32> to vector<16x128xi32>
        %gather3A_388 = tpu.dynamic_gather %slice3A_378[%gather3A_387] in [1] : vector<16x128xf32>, vector<16x128xi32> -> vector<16x128xf32>
        %convert_element_type3A_389 = arith.extui %and3A_369 : vector<1x128xi1> to vector<1x128xi32>
        %convert_element_type3A_390 = arith.sitofp %convert_element_type3A_389 : vector<1x128xi32> to vector<1x128xf32>
        %mul3A_391 = vector.broadcast %convert_element_type3A_390 : vector<1x128xf32> to vector<16x128xf32>
        %mul3A_392 = arith.mulf %gather3A_388, %mul3A_391 : vector<16x128xf32>
        %add3A_393 = arith.addf %add3A_359, %mul3A_392 : vector<16x128xf32>
        %sub3A_394 = arith.constant 640 : i32
        %sub3A_395 = vector.broadcast %sub3A_394 : i32 to vector<1x128xi32>
        %sub3A_396 = arith.subi %slice3A_215, %sub3A_395 : vector<1x128xi32>
        %ge3A_397 = arith.constant 0 : i32
        %ge3A_398 = vector.broadcast %ge3A_397 : i32 to vector<1x128xi32>
        %ge3A_399 = arith.cmpi sge, %sub3A_396, %ge3A_398 : vector<1x128xi32>
        %lt3A_400 = arith.constant 128 : i32
        %lt3A_401 = vector.broadcast %lt3A_400 : i32 to vector<1x128xi32>
        %lt3A_402 = arith.cmpi slt, %sub3A_396, %lt3A_401 : vector<1x128xi32>
        %and3A_403 = arith.andi %ge3A_399, %lt3A_402 : vector<1x128xi1>
        %jit3A_404 = arith.constant 0 : i32
        %jit3A_405 = arith.constant 127 : i32
        %max3A_406 = vector.broadcast %jit3A_404 : i32 to vector<1x128xi32>
        %max3A_407 = arith.maxsi %max3A_406, %sub3A_396 : vector<1x128xi32>
        %min3A_408 = vector.broadcast %jit3A_405 : i32 to vector<1x128xi32>
        %min3A_409 = arith.minsi %min3A_408, %max3A_407 : vector<1x128xi32>
        %broadcast_in_dim3A_410 = vector.shape_cast %min3A_409 : vector<1x128xi32> to vector<1x128xi32>
        %broadcast_in_dim3A_411 = vector.broadcast %broadcast_in_dim3A_410 : vector<1x128xi32> to vector<16x128xi32>
        %slice3A_412 = vector.extract_strided_slice %transpose3A_133 {offsets = [0, 640], sizes = [16, 128], strides = [1, 1]} : vector<16x1024xf32> to vector<16x128xf32>
        %lt3A_413 = arith.constant 0 : i32
        %lt3A_414 = vector.broadcast %lt3A_413 : i32 to vector<16x128xi32>
        %lt3A_415 = arith.cmpi slt, %broadcast_in_dim3A_411, %lt3A_414 : vector<16x128xi32>
        %add3A_416 = arith.constant 128 : i32
        %add3A_417 = vector.broadcast %add3A_416 : i32 to vector<16x128xi32>
        %add3A_418 = arith.addi %broadcast_in_dim3A_411, %add3A_417 : vector<16x128xi32>
        %select_n3A_419 = arith.select %lt3A_415, %add3A_418, %broadcast_in_dim3A_411 : vector<16x128xi1>, vector<16x128xi32>
        %reshape3A_420 = vector.shape_cast %select_n3A_419 : vector<16x128xi32> to vector<16x128x1xi32>
        %gather3A_421 = vector.shape_cast %reshape3A_420 : vector<16x128x1xi32> to vector<16x128xi32>
        %gather3A_422 = tpu.dynamic_gather %slice3A_412[%gather3A_421] in [1] : vector<16x128xf32>, vector<16x128xi32> -> vector<16x128xf32>
        %convert_element_type3A_423 = arith.extui %and3A_403 : vector<1x128xi1> to vector<1x128xi32>
        %convert_element_type3A_424 = arith.sitofp %convert_element_type3A_423 : vector<1x128xi32> to vector<1x128xf32>
        %mul3A_425 = vector.broadcast %convert_element_type3A_424 : vector<1x128xf32> to vector<16x128xf32>
        %mul3A_426 = arith.mulf %gather3A_422, %mul3A_425 : vector<16x128xf32>
        %add3A_427 = arith.addf %add3A_393, %mul3A_426 : vector<16x128xf32>
        %sub3A_428 = arith.constant 768 : i32
        %sub3A_429 = vector.broadcast %sub3A_428 : i32 to vector<1x128xi32>
        %sub3A_430 = arith.subi %slice3A_215, %sub3A_429 : vector<1x128xi32>
        %ge3A_431 = arith.constant 0 : i32
        %ge3A_432 = vector.broadcast %ge3A_431 : i32 to vector<1x128xi32>
        %ge3A_433 = arith.cmpi sge, %sub3A_430, %ge3A_432 : vector<1x128xi32>
        %lt3A_434 = arith.constant 128 : i32
        %lt3A_435 = vector.broadcast %lt3A_434 : i32 to vector<1x128xi32>
        %lt3A_436 = arith.cmpi slt, %sub3A_430, %lt3A_435 : vector<1x128xi32>
        %and3A_437 = arith.andi %ge3A_433, %lt3A_436 : vector<1x128xi1>
        %jit3A_438 = arith.constant 0 : i32
        %jit3A_439 = arith.constant 127 : i32
        %max3A_440 = vector.broadcast %jit3A_438 : i32 to vector<1x128xi32>
        %max3A_441 = arith.maxsi %max3A_440, %sub3A_430 : vector<1x128xi32>
        %min3A_442 = vector.broadcast %jit3A_439 : i32 to vector<1x128xi32>
        %min3A_443 = arith.minsi %min3A_442, %max3A_441 : vector<1x128xi32>
        %broadcast_in_dim3A_444 = vector.shape_cast %min3A_443 : vector<1x128xi32> to vector<1x128xi32>
        %broadcast_in_dim3A_445 = vector.broadcast %broadcast_in_dim3A_444 : vector<1x128xi32> to vector<16x128xi32>
        %slice3A_446 = vector.extract_strided_slice %transpose3A_133 {offsets = [0, 768], sizes = [16, 128], strides = [1, 1]} : vector<16x1024xf32> to vector<16x128xf32>
        %lt3A_447 = arith.constant 0 : i32
        %lt3A_448 = vector.broadcast %lt3A_447 : i32 to vector<16x128xi32>
        %lt3A_449 = arith.cmpi slt, %broadcast_in_dim3A_445, %lt3A_448 : vector<16x128xi32>
        %add3A_450 = arith.constant 128 : i32
        %add3A_451 = vector.broadcast %add3A_450 : i32 to vector<16x128xi32>
        %add3A_452 = arith.addi %broadcast_in_dim3A_445, %add3A_451 : vector<16x128xi32>
        %select_n3A_453 = arith.select %lt3A_449, %add3A_452, %broadcast_in_dim3A_445 : vector<16x128xi1>, vector<16x128xi32>
        %reshape3A_454 = vector.shape_cast %select_n3A_453 : vector<16x128xi32> to vector<16x128x1xi32>
        %gather3A_455 = vector.shape_cast %reshape3A_454 : vector<16x128x1xi32> to vector<16x128xi32>
        %gather3A_456 = tpu.dynamic_gather %slice3A_446[%gather3A_455] in [1] : vector<16x128xf32>, vector<16x128xi32> -> vector<16x128xf32>
        %convert_element_type3A_457 = arith.extui %and3A_437 : vector<1x128xi1> to vector<1x128xi32>
        %convert_element_type3A_458 = arith.sitofp %convert_element_type3A_457 : vector<1x128xi32> to vector<1x128xf32>
        %mul3A_459 = vector.broadcast %convert_element_type3A_458 : vector<1x128xf32> to vector<16x128xf32>
        %mul3A_460 = arith.mulf %gather3A_456, %mul3A_459 : vector<16x128xf32>
        %add3A_461 = arith.addf %add3A_427, %mul3A_460 : vector<16x128xf32>
        %sub3A_462 = arith.constant 896 : i32
        %sub3A_463 = vector.broadcast %sub3A_462 : i32 to vector<1x128xi32>
        %sub3A_464 = arith.subi %slice3A_215, %sub3A_463 : vector<1x128xi32>
        %ge3A_465 = arith.constant 0 : i32
        %ge3A_466 = vector.broadcast %ge3A_465 : i32 to vector<1x128xi32>
        %ge3A_467 = arith.cmpi sge, %sub3A_464, %ge3A_466 : vector<1x128xi32>
        %lt3A_468 = arith.constant 128 : i32
        %lt3A_469 = vector.broadcast %lt3A_468 : i32 to vector<1x128xi32>
        %lt3A_470 = arith.cmpi slt, %sub3A_464, %lt3A_469 : vector<1x128xi32>
        %and3A_471 = arith.andi %ge3A_467, %lt3A_470 : vector<1x128xi1>
        %jit3A_472 = arith.constant 0 : i32
        %jit3A_473 = arith.constant 127 : i32
        %max3A_474 = vector.broadcast %jit3A_472 : i32 to vector<1x128xi32>
        %max3A_475 = arith.maxsi %max3A_474, %sub3A_464 : vector<1x128xi32>
        %min3A_476 = vector.broadcast %jit3A_473 : i32 to vector<1x128xi32>
        %min3A_477 = arith.minsi %min3A_476, %max3A_475 : vector<1x128xi32>
        %broadcast_in_dim3A_478 = vector.shape_cast %min3A_477 : vector<1x128xi32> to vector<1x128xi32>
        %broadcast_in_dim3A_479 = vector.broadcast %broadcast_in_dim3A_478 : vector<1x128xi32> to vector<16x128xi32>
        %slice3A_480 = vector.extract_strided_slice %transpose3A_133 {offsets = [0, 896], sizes = [16, 128], strides = [1, 1]} : vector<16x1024xf32> to vector<16x128xf32>
        %lt3A_481 = arith.constant 0 : i32
        %lt3A_482 = vector.broadcast %lt3A_481 : i32 to vector<16x128xi32>
        %lt3A_483 = arith.cmpi slt, %broadcast_in_dim3A_479, %lt3A_482 : vector<16x128xi32>
        %add3A_484 = arith.constant 128 : i32
        %add3A_485 = vector.broadcast %add3A_484 : i32 to vector<16x128xi32>
        %add3A_486 = arith.addi %broadcast_in_dim3A_479, %add3A_485 : vector<16x128xi32>
        %select_n3A_487 = arith.select %lt3A_483, %add3A_486, %broadcast_in_dim3A_479 : vector<16x128xi1>, vector<16x128xi32>
        %reshape3A_488 = vector.shape_cast %select_n3A_487 : vector<16x128xi32> to vector<16x128x1xi32>
        %gather3A_489 = vector.shape_cast %reshape3A_488 : vector<16x128x1xi32> to vector<16x128xi32>
        %gather3A_490 = tpu.dynamic_gather %slice3A_480[%gather3A_489] in [1] : vector<16x128xf32>, vector<16x128xi32> -> vector<16x128xf32>
        %convert_element_type3A_491 = arith.extui %and3A_471 : vector<1x128xi1> to vector<1x128xi32>
        %convert_element_type3A_492 = arith.sitofp %convert_element_type3A_491 : vector<1x128xi32> to vector<1x128xf32>
        %mul3A_493 = vector.broadcast %convert_element_type3A_492 : vector<1x128xf32> to vector<16x128xf32>
        %mul3A_494 = arith.mulf %gather3A_490, %mul3A_493 : vector<16x128xf32>
        %add3A_495 = arith.addf %add3A_461, %mul3A_494 : vector<16x128xf32>
        %mul3A_496 = vector.broadcast %slice3A_219 : vector<1x128xf32> to vector<16x128xf32>
        %mul3A_497 = arith.mulf %add3A_495, %mul3A_496 : vector<16x128xf32>
        %add3A_498 = arith.addf %while3A_210, %while3A_211 : vector<16x128xf32>
        %broadcast_in_dim3A_499 = vector.shape_cast %gt3A_225 : vector<1x128xi1> to vector<1x128xi1>
        %broadcast_in_dim3A_500 = vector.broadcast %broadcast_in_dim3A_499 : vector<1x128xi1> to vector<16x128xi1>
        %select_n3A_501 = arith.select %broadcast_in_dim3A_500, %add3A_498, %while3A_210 : vector<16x128xi1>, vector<16x128xf32>
        %add3A_502 = arith.addf %while3A_211, %mul3A_497 : vector<16x128xf32>
        %broadcast_in_dim3A_503 = vector.shape_cast %gt3A_225 : vector<1x128xi1> to vector<1x128xi1>
        %broadcast_in_dim3A_504 = vector.broadcast %broadcast_in_dim3A_503 : vector<1x128xi1> to vector<16x128xi1>
        %select_n3A_505 = arith.select %broadcast_in_dim3A_504, %mul3A_497, %add3A_502 : vector<16x128xi1>, vector<16x128xf32>
        scf.yield %select_n3A_501, %select_n3A_505 : vector<16x128xf32>, vector<16x128xf32>
      }
      %slice3A_163 = vector.extract_strided_slice %while3A_150#0 {offsets = [0, 128], sizes = [16, 896], strides = [1, 1]} : vector<16x1024xf32> to vector<16x896xf32>
      %concatenate3A_164 = tpu.concatenate %while3A_162#0, %slice3A_163 in 1 : vector<16x128xf32>, vector<16x896xf32> -> vector<16x1024xf32>
      %slice3A_165 = vector.extract_strided_slice %while3A_150#1 {offsets = [0, 128], sizes = [16, 896], strides = [1, 1]} : vector<16x1024xf32> to vector<16x896xf32>
      %concatenate3A_166 = tpu.concatenate %while3A_162#1, %slice3A_165 in 1 : vector<16x128xf32>, vector<16x896xf32> -> vector<16x1024xf32>
      %add3A_167 = arith.addf %concatenate3A_164, %concatenate3A_166 : vector<16x1024xf32>
      %transpose3A_168 = tpu.transpose %add3A_167, [1, 0] : vector<16x1024xf32> -> vector<1024x16xf32>
      %tanh3A_169 = math.tanh %transpose3A_168 : vector<1024x16xf32>
      %swap3A_170 = arith.constant 0 : index
      %swap3A_171 = arith.constant 0 : index
      %swap3A_172 = vector.load %arg18[%swap3A_170, %swap3A_171] : memref<1024x16xf32, #tpu.memory_space<vmem>>, vector<1024x16xf32>
      tpu.vector_store %arg18[%swap3A_170, %swap3A_171], %tanh3A_169 {strides = array<i32>} : memref<1024x16xf32, #tpu.memory_space<vmem>>, vector<1024x16xf32>,
      %dot_general3A_173 = arith.constant dense<0.000000e+00> : vector<1024x16xf32>
      %dot_general3A_174 = tpu.matmul %tanh3A_169, %get3A_38, %dot_general3A_173 {dimension_numbers = #tpu.dot_dimension_numbers<[1], [0], [0], [1], [0, 0, 1, 1], [], []>, transpose_lhs_hint = false} : vector<1024x16xf32>, vector<16x16xf32>, vector<1024x16xf32> -> vector<1024x16xf32>
      %add3A_175 = vector.broadcast %get3A_41 : vector<1x16xf32> to vector<1024x16xf32>
      %add3A_176 = arith.addf %dot_general3A_174, %add3A_175 : vector<1024x16xf32>
      %max3A = arith.constant 0.000000e+00 : f32
      %max3A_177 = vector.broadcast %max3A : f32 to vector<1024x16xf32>
      %max3A_178 = arith.maximumf %add3A_176, %max3A_177 : vector<1024x16xf32>
      %dot_general3A_179 = arith.constant dense<0.000000e+00> : vector<1024x1xf32>
      %dot_general3A_180 = tpu.matmul %max3A_178, %get3A_44, %dot_general3A_179 {dimension_numbers = #tpu.dot_dimension_numbers<[1], [0], [0], [1], [0, 0, 1, 1], [], []>, transpose_lhs_hint = false} : vector<1024x16xf32>, vector<16x1xf32>, vector<1024x1xf32> -> vector<1024x1xf32>
      %add3A_181 = vector.broadcast %get3A_47 : vector<1x1xf32> to vector<1024x1xf32>
      %add3A_182 = arith.addf %dot_general3A_180, %add3A_181 : vector<1024x1xf32>
      %reduce_max3A = vector.shape_cast %add3A_182 : vector<1024x1xf32> to vector<1x1024x1xf32>
      %reduce_max3A_183 = arith.constant dense<0xFF800000> : vector<1xf32>
      %reduce_max3A_184 = vector.multi_reduction <maximumf>, %reduce_max3A, %reduce_max3A_183 [1, 2] : vector<1x1024x1xf32> to vector<1xf32>
      %reduce_max3A_185 = vector.shape_cast %reduce_max3A_184 : vector<1xf32> to vector<1x1x1xf32>
      %reduce_max3A_186 = vector.extract %reduce_max3A_185[0, 0, 0] : f32 from vector<1x1x1xf32>
      %ge3A = vector.broadcast %reduce_max3A_186 : f32 to vector<1024x1xf32>
      %ge3A_187 = arith.cmpf oge, %add3A_182, %ge3A : vector<1024x1xf32>
      %jit3A = arith.constant 1024 : i32
      %broadcast_in_dim3A = vector.broadcast %jit3A : i32 to vector<1024x1xi32>
      %select_n3A = arith.select %ge3A_187, %get3A_12, %broadcast_in_dim3A : vector<1024x1xi1>, vector<1024x1xi32>
      %reduce_min3A = vector.shape_cast %select_n3A : vector<1024x1xi32> to vector<1x1024x1xi32>
      %reduce_min3A_188 = arith.constant dense<2147483647> : vector<1xi32>
      %reduce_min3A_189 = vector.multi_reduction <minsi>, %reduce_min3A, %reduce_min3A_188 [1, 2] : vector<1x1024x1xi32> to vector<1xi32>
      %reduce_min3A_190 = vector.shape_cast %reduce_min3A_189 : vector<1xi32> to vector<1x1x1xi32>
      %reduce_min3A_191 = vector.extract %reduce_min3A_190[0, 0, 0] : i32 from vector<1x1x1xi32>
      %ge3A_192 = vector.broadcast %reduce_max3A_186 : f32 to vector<1024x1xf32>
      %ge3A_193 = arith.cmpf oge, %add3A_182, %ge3A_192 : vector<1024x1xf32>
      %eq3A = vector.broadcast %reduce_min3A_191 : i32 to vector<1024x1xi32>
      %eq3A_194 = arith.cmpi eq, %get3A_12, %eq3A : vector<1024x1xi32>
      %and3A = arith.andi %ge3A_193, %eq3A_194 : vector<1024x1xi1>
      %jit3A_195 = arith.constant 1024 : i32
      %broadcast_in_dim3A_196 = vector.broadcast %jit3A_195 : i32 to vector<1024x1xi32>
      %select_n3A_197 = arith.select %and3A, %iota3A, %broadcast_in_dim3A_196 : vector<1024x1xi1>, vector<1024x1xi32>
      %reduce_min3A_198 = vector.shape_cast %select_n3A_197 : vector<1024x1xi32> to vector<1x1024x1xi32>
      %reduce_min3A_199 = arith.constant dense<2147483647> : vector<1xi32>
      %reduce_min3A_200 = vector.multi_reduction <minsi>, %reduce_min3A_198, %reduce_min3A_199 [1, 2] : vector<1x1024x1xi32> to vector<1xi32>
      %reduce_min3A_201 = vector.shape_cast %reduce_min3A_200 : vector<1xi32> to vector<1x1x1xi32>
      %reduce_min3A_202 = vector.extract %reduce_min3A_201[0, 0, 0] : i32 from vector<1x1x1xi32>
      %get3A_203 = arith.index_cast %reduce_min3A_202 : i32 to index
      %get3A_204 = arith.constant 0 : index
      %get3A_205 = vector.load %arg18[%get3A_203, %get3A_204] : memref<1024x16xf32, #tpu.memory_space<vmem>>, vector<1x16xf32>
      %swap3A_206 = arith.index_cast %scan3A_52 : i32 to index
      %swap3A_207 = arith.constant 0 : index
      %swap3A_208 = vector.load %arg17[%swap3A_206, %swap3A_207] : memref<1024x16xf32, #tpu.memory_space<vmem>>, vector<1x16xf32>
      tpu.vector_store %arg17[%swap3A_206, %swap3A_207], %get3A_205 {strides = array<i32>} : memref<1024x16xf32, #tpu.memory_space<vmem>>, vector<1x16xf32>,
    }
    %scan3A_51 = arith.constant 1024 : i32
    return
  }
}

</mosaic_0001>

<sc_bundles>
// kernel: gather_offload_async_start.1
scs
__scs_entry_jumppad:
0x0: {  	(pc) =	sbr.rel $0x88, $3  }
0x1: {  	(tag) =	ssettag $0x0;
	lr =	simm.s32 $0x1  }
0x2: {  	[smem:$0x3F95] =	sst lr;
	_ =	strace $0xD0000000  }
0x3: {  	_ = 	snop  }
0x4: {  	_ = 	snop  }
0x5: {  	_ = 	snop  }
0x6: {  	_ = 	snop  }
0x7: {  	_ = 	snop  }
__scs_overlays_trampoline_lowered:
0x8: {  	[smem:$0x3FA4] =	sst s0  }
0x9: {  	[smem:$0x3FA5] =	sst s1  }
0xa: {  	[smem:$0x3FA6] =	sst s2  }
0xb: {  	[smem:$0x3FA7] =	sst s3  }
0xc: {  	[smem:$0x3FA8] =	sst s4  }
0xd: {  	[smem:$0x3FA9] =	sst s5  }
0xe: {  	[smem:$0x3FAA] =	sst s6  }
0xf: {  	[smem:$0x3FAB] =	sst s7  }
0x10: {  	[smem:$0x3FAC] =	sst s8  }
0x11: {  	[smem:$0x3FAD] =	sst s9;
	s0 =	simm.s32 @!p0 $0x0  }
0x12: {  	s1 =	sld [smem:$0x3F93];
	s0 =	simm.s32 @p0 $0x1  }
0x13: {  	[smem:$0x3FAE] =	sst s0;
	s0 =	simm.s32 @!p1 $0x0  }
0x14: {  	s2 =	sld [smem:$0x3F92];
	s0 =	simm.s32 @p1 $0x1  }
0x15: {  	[smem:$0x3FAF] =	sst s0;
	s0 =	simm.s32 @!p2 $0x0  }
0x16: {  	s3 =	sld [smem:$0x3FDB];
	s0 =	simm.s32 @p2 $0x1  }
0x17: {  	s4 =	simm.s32 $0x1BF5;
	[smem:$0x3FB1] =	sst s0  }
0x18: {  	s0 =	sld [smem:$0x3F94];
	_ =	swait.ge [sflag:s4], $0x0  }
0x19: {  	s7 =	sld [smem:$0x3F95]  }
0x1a: {  	s8 =	sadd.s32 $0xFFFFE003, lr  }
0x1b: {  	s9 =	sadd.s32 $0xFFFFFEF7, lr;
	s5 =	simm.s32 $0xFFFFFFFF;
	p2 =	slt.u32 s8, $0xFFFFF086  }
0x1c: {  	p1 =	slt.u32 s9, $0xF7A;
	s5 =	simm.s32 @!p2 $0x0  }
0x1d: {  	s5 =	simm.s32 @p1 $0x1;
	p0 =	seq.s32 s7, s2  }
0x1e: {  	s7 =	smul.u32 @!p0 $0xF7A, s2;
	p2 =	seq.s32 @!p0 s5, $0x0  }
0x1f: {  	s9 =	smul.u32 $0xF7A, s1;
	s8 =	simm.s32 @!p0 $0x1BF5;
	p2 =	por !p2, p0  }
0x20: {  	[sflag:s8] =	ssyncset.s32 @!p0 $0xFFFFF086;
	s6 =	sadd.s32 @!p0 s3, s7;
	s7 =	simm.s32 @!p0 $0x108  }
0x21: {  	s3 =	sadd.s32 s3, s9;
	s6 =	sadd.s32 @!p0 $0x88, s6;
	s7 =	simm.s32 @p2 $0x1082  }
0x22: {  	[simem:s7], [sflag:s8] =	dma.local @!p0 [hbm:s6], $0xF7A  }
0x23: {  	s9 =	sor.u32 $0xD0000000, s2;
	s6 =	simm.s32 $0x108;
	_ =	swait.ge @!p0 [sflag:s8], $0x0  }
0x24: {  	s3 =	sadd.s32 $0x88, s3;
	s6 =	simm.s32 @!p1 $0x1082;
	[sflag:s4] =	ssyncset.s32 $0xFFFFF086  }
0x25: {  	[simem:s6], [sflag:s4] =	dma.local [hbm:s3], $0xF7A  }
0x26: {  	[smem:$0x3F95] =	sst s1;
	(tag) =	ssettag s2;
	_ =	strace s9  }
0x27: {  	s1 =	sld [smem:$0x3FA5]  }
0x28: {  	s2 =	sld [smem:$0x3FA6]  }
0x29: {  	s4 =	sld [smem:$0x3FA8]  }
0x2a: {  	p0 =	seq.s32 s5, $0x0;
	s5 =	sld [smem:$0x3FA9]  }
0x2b: {  	s6 =	sld [smem:$0x3FAA]  }
0x2c: {  	s7 =	sld [smem:$0x3FAB]  }
0x2d: {  	s3 =	simm.s32 $0x108;
	s8 =	sld [smem:$0x3FAC]  }
0x2e: {  	s3 =	simm.s32 @!p0 $0x1082;
	s9 =	sld [smem:$0x3FAD]  }
0x2f: {  	lr =	sadd.s32 s0, s3;
	s0 =	sld [smem:$0x3FA4]  }
0x30: {  	s3 =	sld [smem:$0x3FA7]  }
0x31: {  	[smem:$0x3FB0] =	sst s10  }
0x32: {  	s10 =	sld [smem:$0x3FAE];
	_ =	sdelay $0x3  }
0x33: {  	p0 =	seq.s32 s10, $0x1;
	s10 =	sld [smem:$0x3FB0];
	_ =	sdelay $0x3  }
0x34: {  	[smem:$0x3FB0] =	sst s10  }
0x35: {  	s10 =	sld [smem:$0x3FAF];
	_ =	sdelay $0x3  }
0x36: {  	p1 =	seq.s32 s10, $0x1;
	s10 =	sld [smem:$0x3FB0];
	_ =	sdelay $0x3  }
0x37: {  	[smem:$0x3FB0] =	sst s10  }
0x38: {  	s10 =	sld [smem:$0x3FB1]  }
0x39: {  	_ = 	snop;
	(pc) =	sbr.ind lr, $3  }
0x3a: {  	_ = 	snop  }
0x3b: {  	_ = 	snop  }
0x3c: {  	p2 =	seq.s32 s10, $0x1;
	s10 =	sld [smem:$0x3FB0]  }
0x3d: {  	_ =	shalt  }
0x3e: {  	_ =	shalt  }
0x3f: {  	_ =	shalt  }
0x40: {  	_ =	shalt  }
0x41: {  	_ =	shalt  }
0x42: {  	_ =	shalt  }
0x43: {  	_ =	shalt  }
0x44: {  	_ =	shalt  }
0x45: {  	_ =	shalt  }
0x46: {  	_ =	shalt  }
0x47: {  	_ =	shalt  }
0x48: {  	_ =	shalt  }
0x49: {  	_ =	shalt  }
0x4a: {  	_ =	shalt  }
0x4b: {  	_ =	shalt  }
0x4c: {  	_ =	shalt  }
0x4d: {  	_ =	shalt  }
0x4e: {  	_ =	shalt  }
0x4f: {  	_ =	shalt  }
0x50: {  	_ =	shalt  }
0x51: {  	_ =	shalt  }
0x52: {  	_ =	shalt  }
0x53: {  	_ =	shalt  }
0x54: {  	_ =	shalt  }
0x55: {  	_ =	shalt  }
0x56: {  	_ =	shalt  }
0x57: {  	_ =	shalt  }
0x58: {  	_ =	shalt  }
0x59: {  	_ =	shalt  }
0x5a: {  	_ =	shalt  }
0x5b: {  	_ =	shalt  }
0x5c: {  	_ =	shalt  }
0x5d: {  	_ =	shalt  }
0x5e: {  	_ =	shalt  }
0x5f: {  	_ =	shalt  }
0x60: {  	_ =	shalt  }
0x61: {  	_ =	shalt  }
0x62: {  	_ =	shalt  }
0x63: {  	_ =	shalt  }
0x64: {  	_ =	shalt  }
0x65: {  	_ =	shalt  }
0x66: {  	_ =	shalt  }
0x67: {  	_ =	shalt  }
0x68: {  	_ =	shalt  }
0x69: {  	_ =	shalt  }
0x6a: {  	_ =	shalt  }
0x6b: {  	_ =	shalt  }
0x6c: {  	_ =	shalt  }
0x6d: {  	_ =	shalt  }
0x6e: {  	_ =	shalt  }
0x6f: {  	_ =	shalt  }
0x70: {  	_ =	shalt  }
0x71: {  	_ =	shalt  }
0x72: {  	_ =	shalt  }
0x73: {  	_ =	shalt  }
0x74: {  	_ =	shalt  }
0x75: {  	_ =	shalt  }
0x76: {  	_ =	shalt  }
0x77: {  	_ =	shalt  }
0x78: {  	_ =	shalt  }
0x79: {  	_ =	shalt  }
0x7a: {  	_ =	shalt  }
0x7b: {  	_ =	shalt  }
0x7c: {  	_ =	shalt  }
0x7d: {  	_ =	shalt  }
0x7e: {  	_ =	shalt  }
0x7f: {  	_ =	shalt  }
0x80: {  	_ =	shalt  }
0x81: {  	_ =	shalt  }
0x82: {  	_ =	shalt  }
0x83: {  	_ =	shalt  }
0x84: {  	_ =	shalt  }
0x85: {  	_ =	shalt  }
0x86: {  	_ =	shalt  }
0x87: {  	_ =	shalt  }
.Lfunc_end0:
.L_simem_size_0:
called_computation.1_lowered:
.L_overlay_start_0:
0x88: {  	s2 =	sld [smem:$0x3FD9]  }
0x89: {  	s3 =	sld [smem:$0x3FFE];
	_ =	sdelay $0x1  }
0x8a: {  	s1 =	srdreg.scid  }
0x8b: {  	s0 =	sand.u32 $0x1, s1  }
0x8c: {  	s16 =	sshll.u32 s0, $0xA;
	s2 =	sadd.s32 s3, s2  }
0x8d: {  	s2 =	sadd.s32 s2, s16  }
0x8e: {  	[smem:$0x3FBC] =	sst s2  }
0x8f: {  	_ = 	snop  }
0x90: {  	(tm) =	ssettm $0x1  }
0x91: {  	s17 =	sld [smem:$0x3FFB];
	_ =	sdelay $0x3  }
0x92: {  	_ =	strace s17  }
0x93: {  	s2 =	sld [smem:$0x3FFC];
	_ =	sdelay $0x3  }
0x94: {  	_ =	strace s2  }
0x95: {  	s2 =	sld [smem:$0x3FFD];
	_ =	sdelay $0x3  }
0x96: {  	_ =	strace s2  }
0x97: {  	_ =	strace $0x8FFFFFFF  }
0x98: {  	s18 =	sld [smem:$0x3FDB];
	_ =	sdelay $0x1  }
0x99: {  	s19 =	simm.s32 $_scs_section_size  }
0x9a: {  	s4 =	simm.s32 $_size__tile_overlayer_lowered;
	s5 =	simm.s32 $_tile_overlayer_lowered  }
0x9b: {  	s22 =	simm.s32 $0x1BFF;
	s21 =	sshll.u32 s5, $0x1;
	s2 =	sadd.s32 s19, s18  }
0x9c: {  	s6 =	simm.s32 $0x0;
	s20 =	sshll.u32 s4, $0x1;
	s4 =	sadd.s32 s21, s2  }
0x9d: {  	[timem:s6], [sflag:s22] =	dma.local [hbm:s4], s20  }
0x9e: {  	_ =	swait.ge [sflag:s22], s20  }
0x9f: {  	s3 =	ssub.s32 $0x0, s20;
	[sflag:s22] =	ssyncset.done $0x0  }
0xa0: {  	[sflag:s22] =	ssyncadd.s32 s3;
	_ =	sdelay $0x1  }
0xa1: {  	s23 =	simm.s32 $0x1B8B  }
0xa2: {  	_ =	swait.ge [sflag:s23], $0x1  }
0xa3: {  	[sflag:s23] =	ssyncset.done $0x0  }
0xa4: {  	s25 =	simm.s32 $0x1B8E;
	s24 =	sld [smem:$0x3FFE];
	[sflag:s23] =	ssyncadd.s32 $0xFFFFFFFF  }
0xa5: {  	s26 =	simm.s32 $execute0_lowered;
	[smem:$0x3FD2] =	sst s25  }
0xa6: {  	s4 =	sshll.u32 s26, $0x1;
	_ =	strace $0x80000046;
	[dreg:$0x1] =	wrdreg $0xFFFFFFFF  }
0xa7: {  	s28 =	simm.s32 $_size_execute0_lowered;
	s2 =	sadd.s32 s2, s4;
	[dreg:$0x0] =	wrdreg $0x0  }
0xa8: {  	s4 =	sshll.u32 s28, $0x1;
	[dreg:$0x2] =	wrdreg s2  }
0xa9: {  	[dreg:$0x3] =	wrdreg s4  }
0xaa: {  	[dreg:$0x4] =	wrdreg $0xC0  }
0xab: {  	_ =	task [dreg:s6], $0x5FFFF  }
0xac: {  	[dreg:$0x1] =	wrdreg $0xFFFFFFFF  }
0xad: {  	[dreg:$0x0] =	wrdreg $0x60  }
0xae: {  	[dreg:$0x2] =	wrdreg s24  }
0xaf: {  	[dreg:$0x3] =	wrdreg $0xA  }
0xb0: {  	_ =	task.clear_ibuf [dreg:s6], $0x4FFFF;
	_ =	strace $0x90000046  }
0xb1: {  	s29 =	simm.s32 $0xA;
	_ =	strace $0x80000048  }
0xb2: {  	_ =	swait.ge [sflag:s29], $0x1  }
0xb3: {  	[sflag:s29] =	ssyncadd.s32 $0xFFFFFFFF  }
0xb4: {  	_ =	strace $0x90000048  }
0xb5: {  	_ =	sfence  }
0xb6: {  	s30 =	sld [smem:$0x0];
	_ =	sdelay $0x2  }
0xb7: {  	s31 =	sshll.u32 s1, $0xD;
	s1 =	sshrl.u32 s1, $0x2  }
0xb8: {  	s3 =	sand.u32 $0x4000, s31;
	s1 =	sadd.s32 s1, s30  }
0xb9: {  	s0 =	sor.u32 s3, s0;
	s1 =	sshll.u32 s1, $0x11  }
0xba: {  	s0 =	sor.u32 s1, s0  }
0xbb: {  	s0 =	sadd.s32 $0x8F2B, s0  }
0xbc: {  	[sflag:s0] =	ssyncadd.remote.s32 $0x1  }
0xbd: {  	_ =	sfence.sel $0xFFFF  }
0xbe: {  	[dreg:$0x0] =	wrdreg $0xFFFFFFFF;
	(pc) =	sbr.abs _section_cstart, $3  }
0xbf: {  	[dreg:$0x1] =	wrdreg $0xFFFFFFFF  }
0xc0: {  	_ =	task.clear_ibuf [dreg:s6], $0x2FFFF;
	_ =	strace $0x9FFFFFFF  }
0xc1: {  	(tm) =	ssettm $0x7FFFFFFF  }
tec
execute0_lowered:
.L_overlay_start_1:
0x0: {  	(tag) =	ssettag $0x1  }
0x1: {  	s1 =	srdreg.scid  }
0x2: {  	s0 =	stileid.u32;
	s2 =	rddreg [dreg:$0x0];
	s6 =	simm.s32 $0x1  }
0x3: {  	s9 =	simm.s32 $0x1;
	s10 =	simm.s32 $0x3;
	s1 =	sshll.u32 s1, $0x8  }
0x4: {  	s13 =	simm.s32 $0x0;
	s3 =	sshll.u32 s0, $0x9;
	s4 =	sand.u32 $0x100, s1  }
0x5: {  	s12 =	simm.s32 $0x0;
	s5 =	sadd.s32 $0x1000, s2;
	s3 =	sor.u32 s3, s4  }
0x6: {  	s1 =	rddreg [dreg:$0x1];
	_ =	strace $0x80000047;
	s8 =	ssub.s32 $0x4000, s3  }
.Ltmp0:
0x7: {  	s4 =	sadd.s32 $0x800, s2;
	s7 =	sand.u32 $0x1F00, s8;
	(pc) =	sbr.rel .LBB2_1-.Ltmp0, $4  }
0x8: {  	[sflag:s6] =	ssyncpa.u1 $0x0;
	s11 =	smov.u32 s3;
	p0 =	sne.s32 s7, $0x0  }
0x9: {  	s8 =	sshrl.u32 s8, $0xD;
	s7 =	simm.s32 $0x2;
	s9 =	simm.s32 @!p0 $0x0  }
0xa: {  	[sflag:s7] =	ssyncpa.u1 $0x0;
	p0 =	por $0x0, $0x0;
	s8 =	sadd.s32 s9, s8  }
0xb: {  	vm0 =	vmmov $0xffff;
	[sflag:s10] =	ssyncpa.u1 $0x0;
	s10 =	simm.s32 $0x0;
	s9 =	sadd.s32 $0x1, s8  }
.LBB2_4:
0xc: {  	v2 =	vnsel vm1, $0x0, v2  }
0xd: {  	vm1 =	vgt.s32 v0, $0x0;
	v2 =	vmin.u32 v2, $0x3FFF  }
0xe: {  	v0 =	vnsel vm1, $0x0, v0  }
0xf: {  	v0 =	vmin.u32 v0, $0x3FFF  }
0x10: {  	[tilespmem:s15], [sflag:$0x1] =	stream.indirect_vreg.gather [hbm4b:s2+s10], $0x1, v1, vm0, $0x4038;
	[tilespmem:$0x400] =	vst v63  }
0x11: {  	(ifvalue) =	ssetifvalue $0x7FFFFFFF  }
0x12: {  	[tilespmem:s16], [sflag:$0x1] =	stream.indirect_vreg.gather [hbm4b:s2+s10], $0x1, v2, vm0, $0x4038;
	[tilespmem:$0x400] =	vst v63  }
0x13: {  	s29 =	sadd.s32 $0x10, s16;
	(ifvalue) =	ssetifvalue $0x7FFFFFFF  }
0x14: {  	[tilespmem:s29], [sflag:$0x1] =	stream.indirect_vreg.gather [hbm4b:s2+s10], $0x1, v0, vm0, $0x4038;
	[tilespmem:$0x400] =	vst v63  }
0x15: {  	_ =	swait.ge [sflag:s6], $0x100  }
0x16: {  	s30 =	sshrl.u32 s13, $0x3;
	[sflag:s6] =	ssyncset.done $0x0  }
0x17: {  	s31 =	sand.u32 $0x7, s13;
	s15 =	sadd.s32 s5, s30;
	[sflag:s6] =	ssyncadd.s32 $0xFFFFFF00  }
0x18: {  	[hbm4b:s15+s31] =	stream.linear.scatter [tilespmem:s14], [sflag:$0x3], $0x100, $0x38;
	[tilespmem:$0x400] =	vst v63  }
.LBB2_5:
0x19: {  	s15 =	sadd.s32 $0x2000, s11  }
0x1a: {  	p2 =	sgt.s32 s15, $0x3FFF  }
0x1b: {  	s15 =	smov.u32 @p2 s3;
	p2 =	sne.s32 s12, s9  }
.Ltmp1:
0x1c: {  	p1 =	slt.u32 s12, $0x2;
	(pc) =	sbr.rel @!p2 .LBB2_6-.Ltmp1, $4  }
0x1d: {  	s14 =	simm.s32 @!p1 $0x3  }
0x1e: {  	s16 =	sadd.s32 $0x1, s12;
	_ =	swait.ge @!p1 [sflag:s14], $0x100  }
0x1f: {  	s13 =	smov.u32 s11;
	p0 =	por !p0, !p0;
	[sflag:s14] =	ssyncset.done @!p1 $0x0  }
0x20: {  	s12 =	smov.u32 s16;
	s11 =	smov.u32 s15;
	[sflag:s14] =	ssyncadd.s32 @!p1 $0xFFFFFF00  }
.LBB2_1:
0x21: {  	p1 =	sge.u32 s12, s8  }
0x22: {  	s14 =	sxor.u32 @!p1 $0xFFFFFFFF, s12  }
0x23: {  	s31 =	sadd.s32 $0xFFFFFFFF, s12;
	s15 =	sshrl.u32 @!p1 s11, $0x3;
	s14 =	sshll.u32 @!p1 s14, $0x8  }
0x24: {  	s16 =	sand.u32 @!p1 $0x7, s11;
	s15 =	sadd.s32 @!p1 s4, s15;
	s14 =	sand.u32 @!p1 $0x100, s14  }
0x25: {  	[tilespmem:s14], [sflag:$0x2] =	stream.linear.gather @!p1 [hbm4b:s15+s16], $0x100, $0x38;
	[tilespmem:$0x400] =	vst v63  }
0x26: {  	p1 =	sge.u32 s31, s8  }
.Ltmp2:
0x27: {  	_ = 	snop;
	(pc) =	sbr.rel @p1 .LBB2_5-.Ltmp2, $1  }
0x28: {  	_ =	sdelay $0x3  }
0x29: {  	s14 =	simm.s32 $0x1  }
0x2a: {  	_ =	swait.ge [sflag:s7], $0x100;
	s14 =	simm.s32 @!p0 $0x0  }
0x2b: {  	[sflag:s7] =	ssyncset.done $0x0;
	s14 =	sshll.u32 s14, $0x8  }
0x2c: {  	[sflag:s7] =	ssyncadd.s32 $0xFFFFFF00;
	(ifvalue) =	ssetifvalue $0x7FFFFFFF;
	v0 =	vld.msk [tilespmem:s14+$0x0 ss:$0x1], $0xffff;
	_ =	sdelay $0x4  }
0x2d: {  	s15 =	sadd.s32 $0x10, s14;
	vm1 =	vgt.s32 v0, $0x0  }
0x2e: {  	v2 =	vld.msk [tilespmem:s15+$0x0 ss:$0x1], $0xffff;
	v1 =	vnsel vm1, $0x0, v0  }
0x2f: {  	v1 =	vmin.u32 v1, $0x3FFF;
	_ =	sdelay $0x1  }
0x30: {  	s16 =	sshll.u32 s12, $0x8;
	s18 =	simm.s32 $0x20  }
0x31: {  	s16 =	sand.u32 $0x100, s16;
	s17 =	sadd.s32 $0x10, s15;
	s15 =	sor.u32 $0x200, s14  }
0x32: {  	s14 =	sor.u32 $0x200, s16;
	s16 =	sadd.s32 $0x10, s15;
	v0 =	vld.msk [tilespmem:s17+$0x0 ss:$0x1], $0xffff;
	vm1 =	vgt.s32 v2, $0x0;
	(ifvalue) =	ssetifvalue $0x7FFFFFFF  }
.LBB2_3:
0x33: {  	[tilespmem:s15], [sflag:$0x1] =	stream.indirect_vreg.gather [hbm4b:s2+s10], $0x1, v1, vm0, $0x4038;
	[tilespmem:$0x400] =	vst v63  }
0x34: {  	s18 =	sadd.s32 $0x10, s18  }
0x35: {  	v2 =	vnsel vm1, $0x0, v2;
	p1 =	slt.u32 s18, $0xF0  }
.Ltmp3:
0x36: {  	s15 =	smov.u32 s16;
	v1 =	vmin.u32 v2, $0x3FFF;
	(pc) =	sbr.rel @p1 .LBB2_3-.Ltmp3, $3  }
0x37: {  	_ =	sdelay $0x1  }
0x38: {  	s17 =	sadd.s32 $0x10, s17  }
0x39: {  	vm1 =	vgt.s32 v0, $0x0;
	s16 =	sadd.s32 $0x10, s16;
	v2 =	vmov v0;
	(ifvalue) =	ssetifvalue $0x7FFFFFFF;
	v0 =	vld.msk [tilespmem:s17+$0x0 ss:$0x1], $0xffff  }
.Ltmp4:
0x3a: {  	_ = 	snop;
	(pc) =	sbr.rel .LBB2_4-.Ltmp4, $1  }
0x3b: {  	_ =	sdelay $0x3  }
.LBB2_6:
0x3c: {  	_ =	sfence.sel $0x180000  }
0x3d: {  	s2 =	simm.s32 $0x2;
	[bflag:$0x0] =	sbarrier.arrive $0xFFFF  }
0x3e: {  	s30 =	simm.s32 $0x3;
	[sflag:s2] =	ssyncpa.u1 $0x1  }
0x3f: {  	s31 =	simm.s32 $0x1;
	[sflag:s30] =	ssyncpa.u1 $0x1  }
0x40: {  	[sflag:s31] =	ssyncpa.u1 $0x1  }
0x41: {  	p0 =	sne.s32 s0, $0x0;
	_ =	strace $0x90000047  }
0x42: {  	s0 =	sadd.s32 @!p0 $0x100000, s1;
	[bflag:$0x2] =	sbarrier.arrive $0xFFFF  }
0x43: {  	[sflag:s0] =	ssyncadd.tile.s32 @!p0 $0x1;
	_ =	shalt  }
.Lfunc_end2:
_tile_overlayer_lowered:
.L_overlay_start_2:
0x44: {  	(tag) =	ssettag $0x2  }
0x45: {  	s0 =	rddreg [dreg:$0x0];
	s2 =	stileid.u32  }
0x46: {  	s1 =	rddreg [dreg:$0x1];
	p0 =	sne.s32 s2, $0x0  }
0x47: {  	s3 =	rddreg [dreg:$0x2];
	[bflag:$0x3] =	sbarrier.arrive $0xFFFF;
	s2 =	simm.s32 @!p0 $0x1C01  }
0x48: {  	[timem:s3], [sflag:s2] =	dma.local @!p0 [hbm:s0], s1  }
0x49: {  	s0 =	simm.s32 @!p0 $0x1  }
0x4a: {  	_ =	swait.ge @!p0 [sflag:s0], s1  }
0x4b: {  	s1 =	ssub.s32 @!p0 $0x0, s1;
	[sflag:s0] =	ssyncset.done @!p0 $0x0  }
0x4c: {  	[sflag:s0] =	ssyncadd.s32 @!p0 s1  }
0x4d: {  	[bflag:$0x3] =	sbarrier.arrive $0xFFFF  }
0x4e: {  	_ =	shalt  }

// kernel: gather_offload_async_start
scs
__scs_entry_jumppad:
0x0: {  	(pc) =	sbr.rel $0x88, $3  }
0x1: {  	(tag) =	ssettag $0x0;
	lr =	simm.s32 $0x1  }
0x2: {  	[smem:$0x3F95] =	sst lr;
	_ =	strace $0xD0000000  }
0x3: {  	_ = 	snop  }
0x4: {  	_ = 	snop  }
0x5: {  	_ = 	snop  }
0x6: {  	_ = 	snop  }
0x7: {  	_ = 	snop  }
__scs_overlays_trampoline_lowered:
0x8: {  	[smem:$0x3FA4] =	sst s0  }
0x9: {  	[smem:$0x3FA5] =	sst s1  }
0xa: {  	[smem:$0x3FA6] =	sst s2  }
0xb: {  	[smem:$0x3FA7] =	sst s3  }
0xc: {  	[smem:$0x3FA8] =	sst s4  }
0xd: {  	[smem:$0x3FA9] =	sst s5  }
0xe: {  	[smem:$0x3FAA] =	sst s6  }
0xf: {  	[smem:$0x3FAB] =	sst s7  }
0x10: {  	[smem:$0x3FAC] =	sst s8  }
0x11: {  	[smem:$0x3FAD] =	sst s9;
	s0 =	simm.s32 @!p0 $0x0  }
0x12: {  	s1 =	sld [smem:$0x3F93];
	s0 =	simm.s32 @p0 $0x1  }
0x13: {  	[smem:$0x3FAE] =	sst s0;
	s0 =	simm.s32 @!p1 $0x0  }
0x14: {  	s2 =	sld [smem:$0x3F92];
	s0 =	simm.s32 @p1 $0x1  }
0x15: {  	[smem:$0x3FAF] =	sst s0;
	s0 =	simm.s32 @!p2 $0x0  }
0x16: {  	s3 =	sld [smem:$0x3FDB];
	s0 =	simm.s32 @p2 $0x1  }
0x17: {  	s4 =	simm.s32 $0x1BF5;
	[smem:$0x3FB1] =	sst s0  }
0x18: {  	s0 =	sld [smem:$0x3F94];
	_ =	swait.ge [sflag:s4], $0x0  }
0x19: {  	s7 =	sld [smem:$0x3F95]  }
0x1a: {  	s8 =	sadd.s32 $0xFFFFE003, lr  }
0x1b: {  	s9 =	sadd.s32 $0xFFFFFEF7, lr;
	s5 =	simm.s32 $0xFFFFFFFF;
	p2 =	slt.u32 s8, $0xFFFFF086  }
0x1c: {  	p1 =	slt.u32 s9, $0xF7A;
	s5 =	simm.s32 @!p2 $0x0  }
0x1d: {  	s5 =	simm.s32 @p1 $0x1;
	p0 =	seq.s32 s7, s2  }
0x1e: {  	s7 =	smul.u32 @!p0 $0xF7A, s2;
	p2 =	seq.s32 @!p0 s5, $0x0  }
0x1f: {  	s9 =	smul.u32 $0xF7A, s1;
	s8 =	simm.s32 @!p0 $0x1BF5;
	p2 =	por !p2, p0  }
0x20: {  	[sflag:s8] =	ssyncset.s32 @!p0 $0xFFFFF086;
	s6 =	sadd.s32 @!p0 s3, s7;
	s7 =	simm.s32 @!p0 $0x108  }
0x21: {  	s3 =	sadd.s32 s3, s9;
	s6 =	sadd.s32 @!p0 $0x88, s6;
	s7 =	simm.s32 @p2 $0x1082  }
0x22: {  	[simem:s7], [sflag:s8] =	dma.local @!p0 [hbm:s6], $0xF7A  }
0x23: {  	s9 =	sor.u32 $0xD0000000, s2;
	s6 =	simm.s32 $0x108;
	_ =	swait.ge @!p0 [sflag:s8], $0x0  }
0x24: {  	s3 =	sadd.s32 $0x88, s3;
	s6 =	simm.s32 @!p1 $0x1082;
	[sflag:s4] =	ssyncset.s32 $0xFFFFF086  }
0x25: {  	[simem:s6], [sflag:s4] =	dma.local [hbm:s3], $0xF7A  }
0x26: {  	[smem:$0x3F95] =	sst s1;
	(tag) =	ssettag s2;
	_ =	strace s9  }
0x27: {  	s1 =	sld [smem:$0x3FA5]  }
0x28: {  	s2 =	sld [smem:$0x3FA6]  }
0x29: {  	s4 =	sld [smem:$0x3FA8]  }
0x2a: {  	p0 =	seq.s32 s5, $0x0;
	s5 =	sld [smem:$0x3FA9]  }
0x2b: {  	s6 =	sld [smem:$0x3FAA]  }
0x2c: {  	s7 =	sld [smem:$0x3FAB]  }
0x2d: {  	s3 =	simm.s32 $0x108;
	s8 =	sld [smem:$0x3FAC]  }
0x2e: {  	s3 =	simm.s32 @!p0 $0x1082;
	s9 =	sld [smem:$0x3FAD]  }
0x2f: {  	lr =	sadd.s32 s0, s3;
	s0 =	sld [smem:$0x3FA4]  }
0x30: {  	s3 =	sld [smem:$0x3FA7]  }
0x31: {  	[smem:$0x3FB0] =	sst s10  }
0x32: {  	s10 =	sld [smem:$0x3FAE];
	_ =	sdelay $0x3  }
0x33: {  	p0 =	seq.s32 s10, $0x1;
	s10 =	sld [smem:$0x3FB0];
	_ =	sdelay $0x3  }
0x34: {  	[smem:$0x3FB0] =	sst s10  }
0x35: {  	s10 =	sld [smem:$0x3FAF];
	_ =	sdelay $0x3  }
0x36: {  	p1 =	seq.s32 s10, $0x1;
	s10 =	sld [smem:$0x3FB0];
	_ =	sdelay $0x3  }
0x37: {  	[smem:$0x3FB0] =	sst s10  }
0x38: {  	s10 =	sld [smem:$0x3FB1]  }
0x39: {  	_ = 	snop;
	(pc) =	sbr.ind lr, $3  }
0x3a: {  	_ = 	snop  }
0x3b: {  	_ = 	snop  }
0x3c: {  	p2 =	seq.s32 s10, $0x1;
	s10 =	sld [smem:$0x3FB0]  }
0x3d: {  	_ =	shalt  }
0x3e: {  	_ =	shalt  }
0x3f: {  	_ =	shalt  }
0x40: {  	_ =	shalt  }
0x41: {  	_ =	shalt  }
0x42: {  	_ =	shalt  }
0x43: {  	_ =	shalt  }
0x44: {  	_ =	shalt  }
0x45: {  	_ =	shalt  }
0x46: {  	_ =	shalt  }
0x47: {  	_ =	shalt  }
0x48: {  	_ =	shalt  }
0x49: {  	_ =	shalt  }
0x4a: {  	_ =	shalt  }
0x4b: {  	_ =	shalt  }
0x4c: {  	_ =	shalt  }
0x4d: {  	_ =	shalt  }
0x4e: {  	_ =	shalt  }
0x4f: {  	_ =	shalt  }
0x50: {  	_ =	shalt  }
0x51: {  	_ =	shalt  }
0x52: {  	_ =	shalt  }
0x53: {  	_ =	shalt  }
0x54: {  	_ =	shalt  }
0x55: {  	_ =	shalt  }
0x56: {  	_ =	shalt  }
0x57: {  	_ =	shalt  }
0x58: {  	_ =	shalt  }
0x59: {  	_ =	shalt  }
0x5a: {  	_ =	shalt  }
0x5b: {  	_ =	shalt  }
0x5c: {  	_ =	shalt  }
0x5d: {  	_ =	shalt  }
0x5e: {  	_ =	shalt  }
0x5f: {  	_ =	shalt  }
0x60: {  	_ =	shalt  }
0x61: {  	_ =	shalt  }
0x62: {  	_ =	shalt  }
0x63: {  	_ =	shalt  }
0x64: {  	_ =	shalt  }
0x65: {  	_ =	shalt  }
0x66: {  	_ =	shalt  }
0x67: {  	_ =	shalt  }
0x68: {  	_ =	shalt  }
0x69: {  	_ =	shalt  }
0x6a: {  	_ =	shalt  }
0x6b: {  	_ =	shalt  }
0x6c: {  	_ =	shalt  }
0x6d: {  	_ =	shalt  }
0x6e: {  	_ =	shalt  }
0x6f: {  	_ =	shalt  }
0x70: {  	_ =	shalt  }
0x71: {  	_ =	shalt  }
0x72: {  	_ =	shalt  }
0x73: {  	_ =	shalt  }
0x74: {  	_ =	shalt  }
0x75: {  	_ =	shalt  }
0x76: {  	_ =	shalt  }
0x77: {  	_ =	shalt  }
0x78: {  	_ =	shalt  }
0x79: {  	_ =	shalt  }
0x7a: {  	_ =	shalt  }
0x7b: {  	_ =	shalt  }
0x7c: {  	_ =	shalt  }
0x7d: {  	_ =	shalt  }
0x7e: {  	_ =	shalt  }
0x7f: {  	_ =	shalt  }
0x80: {  	_ =	shalt  }
0x81: {  	_ =	shalt  }
0x82: {  	_ =	shalt  }
0x83: {  	_ =	shalt  }
0x84: {  	_ =	shalt  }
0x85: {  	_ =	shalt  }
0x86: {  	_ =	shalt  }
0x87: {  	_ =	shalt  }
.Lfunc_end0:
.L_simem_size_0:
called_computation_lowered:
.L_overlay_start_0:
0x88: {  	s2 =	sld [smem:$0x3FD9]  }
0x89: {  	s3 =	sld [smem:$0x3FFE];
	_ =	sdelay $0x1  }
0x8a: {  	s1 =	srdreg.scid  }
0x8b: {  	s0 =	sand.u32 $0x1, s1  }
0x8c: {  	s17 =	sshll.u32 s0, $0xA;
	s2 =	sadd.s32 s3, s2  }
0x8d: {  	s2 =	sadd.s32 s2, s17  }
0x8e: {  	[smem:$0x3FBC] =	sst s2  }
0x8f: {  	_ = 	snop  }
0x90: {  	s18 =	sld [smem:$0x3FD0];
	(tm) =	ssettm $0x1  }
0x91: {  	s19 =	sld [smem:$0x3FFB];
	_ =	sdelay $0x3  }
0x92: {  	_ =	strace s19  }
0x93: {  	s2 =	sld [smem:$0x3FFC];
	_ =	sdelay $0x3  }
0x94: {  	_ =	strace s2  }
0x95: {  	s2 =	sld [smem:$0x3FFD];
	_ =	sdelay $0x3  }
0x96: {  	_ =	strace s2  }
0x97: {  	_ =	strace $0x8FFFFFFF  }
0x98: {  	s20 =	sld [smem:$0x3FDB];
	_ =	sdelay $0x1  }
0x99: {  	s4 =	simm.s32 $_scs_section_size  }
0x9a: {  	s5 =	simm.s32 $_size__tile_overlayer_lowered;
	s6 =	simm.s32 $_tile_overlayer_lowered  }
0x9b: {  	s7 =	simm.s32 $0x1BFF;
	s21 =	sshll.u32 s6, $0x1;
	s4 =	sadd.s32 s4, s20  }
0x9c: {  	s22 =	simm.s32 $0x0;
	s5 =	sshll.u32 s5, $0x1;
	s6 =	sadd.s32 s21, s4  }
0x9d: {  	[timem:s22], [sflag:s7] =	dma.local [hbm:s6], s5  }
0x9e: {  	_ =	swait.ge [sflag:s7], s5  }
0x9f: {  	s5 =	ssub.s32 $0x0, s5;
	[sflag:s7] =	ssyncset.done $0x0  }
0xa0: {  	[sflag:s7] =	ssyncadd.s32 s5;
	_ =	sdelay $0x1  }
0xa1: {  	s23 =	simm.s32 $0x1B8B  }
0xa2: {  	_ =	swait.ge [sflag:s23], $0x1  }
0xa3: {  	[sflag:s23] =	ssyncset.done $0x0  }
0xa4: {  	[sflag:s23] =	ssyncadd.s32 $0xFFFFFFFF  }
0xa5: {  	s5 =	sld [smem:$0x0]  }
0xa6: {  	s6 =	sand.u32 $0xFFFFFFFE, s1  }
0xa7: {  	p0 =	sne.s32 s1, s6  }
0xa8: {  	s6 =	sshll.u32 @p0 s6, $0xE  }
0xa9: {  	s6 =	sadd.s32 @p0 $0x11B8D, s6;
	s7 =	sshll.u32 @p0 s5, $0x11  }
0xaa: {  	s6 =	sor.u32 @p0 s7, s6  }
0xab: {  	[sflag:s6] =	ssyncadd.remote.s32 @p0 $0x1;
	_ =	sdelay $0x1  }
0xac: {  	s6 =	simm.s32 @p0 $0x1B8D  }
0xad: {  	_ =	swait.eq @p0 [sflag:s6], $0x1  }
0xae: {  	[sflag:s6] =	ssyncadd.s32 @p0 $0xFFFFFFFF  }
0xaf: {  	s7 =	sshll.u32 @!p0 s1, $0xE  }
0xb0: {  	s7 =	sor.u32 @!p0 $0x4000, s7;
	s6 =	simm.s32 @!p0 $0x1B8D  }
0xb1: {  	s5 =	sshll.u32 @!p0 s5, $0x11;
	s7 =	sadd.s32 @!p0 $0x11B8D, s7;
	_ =	swait.eq @!p0 [sflag:s6], $0x1  }
0xb2: {  	s5 =	sor.u32 @!p0 s5, s7;
	[sflag:s6] =	ssyncadd.s32 @!p0 $0xFFFFFFFF  }
0xb3: {  	s25 =	simm.s32 $0x1B8E;
	s24 =	sld [smem:$0x3FFE];
	[sflag:s5] =	ssyncadd.remote.s32 @!p0 $0x1  }
0xb4: {  	s26 =	simm.s32 $execute0_lowered;
	[smem:$0x3FD2] =	sst s25  }
0xb5: {  	s6 =	sshll.u32 s26, $0x1;
	_ =	strace $0x80000049;
	[dreg:$0x1] =	wrdreg $0xFFFFFFFF  }
0xb6: {  	s28 =	simm.s32 $_size_execute0_lowered;
	s4 =	sadd.s32 s4, s6;
	[dreg:$0x0] =	wrdreg $0x0  }
0xb7: {  	s6 =	sshll.u32 s28, $0x1;
	[dreg:$0x2] =	wrdreg s4  }
0xb8: {  	[dreg:$0x3] =	wrdreg s6  }
0xb9: {  	[dreg:$0x4] =	wrdreg $0xC0  }
0xba: {  	_ =	task [dreg:s22], $0x5FFFF  }
0xbb: {  	[dreg:$0x1] =	wrdreg $0xFFFFFFFF  }
0xbc: {  	[dreg:$0x0] =	wrdreg $0x60  }
0xbd: {  	[dreg:$0x2] =	wrdreg s18  }
0xbe: {  	[dreg:$0x3] =	wrdreg s24  }
0xbf: {  	[dreg:$0x4] =	wrdreg $0x9  }
0xc0: {  	_ =	task.clear_ibuf [dreg:s22], $0x5FFFF;
	_ =	strace $0x90000049  }
0xc1: {  	s29 =	simm.s32 $0x9;
	_ =	strace $0x8000004B  }
0xc2: {  	_ =	swait.ge [sflag:s29], $0x1  }
0xc3: {  	[sflag:s29] =	ssyncadd.s32 $0xFFFFFFFF  }
0xc4: {  	_ =	strace $0x9000004B  }
0xc5: {  	_ =	sfence  }
0xc6: {  	s30 =	sld [smem:$0x0];
	_ =	sdelay $0x2  }
0xc7: {  	s31 =	sshll.u32 s1, $0xD;
	s1 =	sshrl.u32 s1, $0x2  }
0xc8: {  	s4 =	sand.u32 $0x4000, s31;
	s1 =	sadd.s32 s1, s30  }
0xc9: {  	s0 =	sor.u32 s4, s0;
	s1 =	sshll.u32 s1, $0x11  }
0xca: {  	s0 =	sor.u32 s1, s0  }
0xcb: {  	s0 =	sadd.s32 $0x8F2B, s0  }
0xcc: {  	[sflag:s0] =	ssyncadd.remote.s32 $0x1  }
0xcd: {  	_ =	sfence.sel $0xFFFF  }
0xce: {  	[dreg:$0x0] =	wrdreg $0xFFFFFFFF;
	(pc) =	sbr.abs _section_cstart, $3  }
0xcf: {  	[dreg:$0x1] =	wrdreg $0xFFFFFFFF  }
0xd0: {  	_ =	task.clear_ibuf [dreg:s22], $0x2FFFF;
	_ =	strace $0x9FFFFFFF  }
0xd1: {  	(tm) =	ssettm $0x7FFFFFFF  }
tec
execute0_lowered:
.L_overlay_start_1:
0x0: {  	(tag) =	ssettag $0x1  }
0x1: {  	s1 =	srdreg.scid;
	s2 =	rddreg [dreg:$0x0]  }
0x2: {  	s0 =	stileid.u32;
	s5 =	rddreg [dreg:$0x1];
	s6 =	simm.s32 $0x1  }
0x3: {  	s9 =	simm.s32 $0x1;
	s10 =	simm.s32 $0x3;
	s1 =	sshll.u32 s1, $0x8  }
0x4: {  	s13 =	simm.s32 $0x0;
	s3 =	sshll.u32 s0, $0x9;
	s4 =	sand.u32 $0x100, s1  }
0x5: {  	s12 =	simm.s32 $0x0;
	s1 =	rddreg [dreg:$0x2];
	s3 =	sor.u32 s3, s4  }
0x6: {  	_ =	strace $0x8000004A;
	s4 =	sadd.s32 $0x800, s5;
	s8 =	ssub.s32 $0x4000, s3  }
.Ltmp0:
0x7: {  	s5 =	sadd.s32 $0x1800, s5;
	s7 =	sand.u32 $0x1F00, s8;
	(pc) =	sbr.rel .LBB2_1-.Ltmp0, $4  }
0x8: {  	[sflag:s6] =	ssyncpa.u1 $0x0;
	s11 =	smov.u32 s3;
	p0 =	sne.s32 s7, $0x0  }
0x9: {  	s8 =	sshrl.u32 s8, $0xD;
	s7 =	simm.s32 $0x2;
	s9 =	simm.s32 @!p0 $0x0  }
0xa: {  	[sflag:s7] =	ssyncpa.u1 $0x0;
	p0 =	por $0x0, $0x0;
	s8 =	sadd.s32 s9, s8  }
0xb: {  	vm0 =	vmmov $0xffff;
	[sflag:s10] =	ssyncpa.u1 $0x0;
	s10 =	simm.s32 $0x0;
	s9 =	sadd.s32 $0x1, s8  }
.LBB2_4:
0xc: {  	v2 =	vnsel vm1, $0x0, v2  }
0xd: {  	vm1 =	vgt.s32 v0, $0x0;
	v2 =	vmin.u32 v2, $0x3FFF  }
0xe: {  	v0 =	vnsel vm1, $0x0, v0  }
0xf: {  	v0 =	vmin.u32 v0, $0x3FFF  }
0x10: {  	[tilespmem:s15], [sflag:$0x1] =	stream.indirect_vreg.gather [hbm4b:s2+s10], $0x1, v1, vm0, $0x4038;
	[tilespmem:$0x400] =	vst v63  }
0x11: {  	(ifvalue) =	ssetifvalue $0x7FFFFFFF  }
0x12: {  	[tilespmem:s16], [sflag:$0x1] =	stream.indirect_vreg.gather [hbm4b:s2+s10], $0x1, v2, vm0, $0x4038;
	[tilespmem:$0x400] =	vst v63  }
0x13: {  	s29 =	sadd.s32 $0x10, s16;
	(ifvalue) =	ssetifvalue $0x7FFFFFFF  }
0x14: {  	[tilespmem:s29], [sflag:$0x1] =	stream.indirect_vreg.gather [hbm4b:s2+s10], $0x1, v0, vm0, $0x4038;
	[tilespmem:$0x400] =	vst v63  }
0x15: {  	_ =	swait.ge [sflag:s6], $0x100  }
0x16: {  	s30 =	sshrl.u32 s13, $0x3;
	[sflag:s6] =	ssyncset.done $0x0  }
0x17: {  	s31 =	sand.u32 $0x7, s13;
	s15 =	sadd.s32 s5, s30;
	[sflag:s6] =	ssyncadd.s32 $0xFFFFFF00  }
0x18: {  	[hbm4b:s15+s31] =	stream.linear.scatter [tilespmem:s14], [sflag:$0x3], $0x100, $0x38;
	[tilespmem:$0x400] =	vst v63  }
.LBB2_5:
0x19: {  	s15 =	sadd.s32 $0x2000, s11  }
0x1a: {  	p2 =	sgt.s32 s15, $0x3FFF  }
0x1b: {  	s15 =	smov.u32 @p2 s3;
	p2 =	sne.s32 s12, s9  }
.Ltmp1:
0x1c: {  	p1 =	slt.u32 s12, $0x2;
	(pc) =	sbr.rel @!p2 .LBB2_6-.Ltmp1, $4  }
0x1d: {  	s14 =	simm.s32 @!p1 $0x3  }
0x1e: {  	s16 =	sadd.s32 $0x1, s12;
	_ =	swait.ge @!p1 [sflag:s14], $0x100  }
0x1f: {  	s13 =	smov.u32 s11;
	p0 =	por !p0, !p0;
	[sflag:s14] =	ssyncset.done @!p1 $0x0  }
0x20: {  	s12 =	smov.u32 s16;
	s11 =	smov.u32 s15;
	[sflag:s14] =	ssyncadd.s32 @!p1 $0xFFFFFF00  }
.LBB2_1:
0x21: {  	p1 =	sge.u32 s12, s8  }
0x22: {  	s14 =	sxor.u32 @!p1 $0xFFFFFFFF, s12  }
0x23: {  	s31 =	sadd.s32 $0xFFFFFFFF, s12;
	s15 =	sshrl.u32 @!p1 s11, $0x3;
	s14 =	sshll.u32 @!p1 s14, $0x8  }
0x24: {  	s16 =	sand.u32 @!p1 $0x7, s11;
	s15 =	sadd.s32 @!p1 s4, s15;
	s14 =	sand.u32 @!p1 $0x100, s14  }
0x25: {  	[tilespmem:s14], [sflag:$0x2] =	stream.linear.gather @!p1 [hbm4b:s15+s16], $0x100, $0x38;
	[tilespmem:$0x400] =	vst v63  }
0x26: {  	p1 =	sge.u32 s31, s8  }
.Ltmp2:
0x27: {  	_ = 	snop;
	(pc) =	sbr.rel @p1 .LBB2_5-.Ltmp2, $1  }
0x28: {  	_ =	sdelay $0x3  }
0x29: {  	s14 =	simm.s32 $0x1  }
0x2a: {  	_ =	swait.ge [sflag:s7], $0x100;
	s14 =	simm.s32 @!p0 $0x0  }
0x2b: {  	[sflag:s7] =	ssyncset.done $0x0;
	s14 =	sshll.u32 s14, $0x8  }
0x2c: {  	[sflag:s7] =	ssyncadd.s32 $0xFFFFFF00;
	(ifvalue) =	ssetifvalue $0x7FFFFFFF;
	v0 =	vld.msk [tilespmem:s14+$0x0 ss:$0x1], $0xffff;
	_ =	sdelay $0x4  }
0x2d: {  	s15 =	sadd.s32 $0x10, s14;
	vm1 =	vgt.s32 v0, $0x0  }
0x2e: {  	v2 =	vld.msk [tilespmem:s15+$0x0 ss:$0x1], $0xffff;
	v1 =	vnsel vm1, $0x0, v0  }
0x2f: {  	v1 =	vmin.u32 v1, $0x3FFF;
	_ =	sdelay $0x1  }
0x30: {  	s16 =	sshll.u32 s12, $0x8;
	s18 =	simm.s32 $0x20  }
0x31: {  	s16 =	sand.u32 $0x100, s16;
	s17 =	sadd.s32 $0x10, s15;
	s15 =	sor.u32 $0x200, s14  }
0x32: {  	s14 =	sor.u32 $0x200, s16;
	s16 =	sadd.s32 $0x10, s15;
	v0 =	vld.msk [tilespmem:s17+$0x0 ss:$0x1], $0xffff;
	vm1 =	vgt.s32 v2, $0x0;
	(ifvalue) =	ssetifvalue $0x7FFFFFFF  }
.LBB2_3:
0x33: {  	[tilespmem:s15], [sflag:$0x1] =	stream.indirect_vreg.gather [hbm4b:s2+s10], $0x1, v1, vm0, $0x4038;
	[tilespmem:$0x400] =	vst v63  }
0x34: {  	s18 =	sadd.s32 $0x10, s18  }
0x35: {  	v2 =	vnsel vm1, $0x0, v2;
	p1 =	slt.u32 s18, $0xF0  }
.Ltmp3:
0x36: {  	s15 =	smov.u32 s16;
	v1 =	vmin.u32 v2, $0x3FFF;
	(pc) =	sbr.rel @p1 .LBB2_3-.Ltmp3, $3  }
0x37: {  	_ =	sdelay $0x1  }
0x38: {  	s17 =	sadd.s32 $0x10, s17  }
0x39: {  	vm1 =	vgt.s32 v0, $0x0;
	s16 =	sadd.s32 $0x10, s16;
	v2 =	vmov v0;
	(ifvalue) =	ssetifvalue $0x7FFFFFFF;
	v0 =	vld.msk [tilespmem:s17+$0x0 ss:$0x1], $0xffff  }
.Ltmp4:
0x3a: {  	_ = 	snop;
	(pc) =	sbr.rel .LBB2_4-.Ltmp4, $1  }
0x3b: {  	_ =	sdelay $0x3  }
.LBB2_6:
0x3c: {  	_ =	sfence.sel $0x180000  }
0x3d: {  	s2 =	simm.s32 $0x2;
	[bflag:$0x0] =	sbarrier.arrive $0xFFFF  }
0x3e: {  	s30 =	simm.s32 $0x3;
	[sflag:s2] =	ssyncpa.u1 $0x1  }
0x3f: {  	s31 =	simm.s32 $0x1;
	[sflag:s30] =	ssyncpa.u1 $0x1  }
0x40: {  	[sflag:s31] =	ssyncpa.u1 $0x1  }
0x41: {  	p0 =	sne.s32 s0, $0x0;
	_ =	strace $0x9000004A  }
0x42: {  	s0 =	sadd.s32 @!p0 $0x100000, s1;
	[bflag:$0x2] =	sbarrier.arrive $0xFFFF  }
0x43: {  	[sflag:s0] =	ssyncadd.tile.s32 @!p0 $0x1;
	_ =	shalt  }
.Lfunc_end2:
_tile_overlayer_lowered:
.L_overlay_start_2:
0x44: {  	(tag) =	ssettag $0x2  }
0x45: {  	s0 =	rddreg [dreg:$0x0];
	s2 =	stileid.u32  }
0x46: {  	s1 =	rddreg [dreg:$0x1];
	p0 =	sne.s32 s2, $0x0  }
0x47: {  	s3 =	rddreg [dreg:$0x2];
	[bflag:$0x3] =	sbarrier.arrive $0xFFFF;
	s2 =	simm.s32 @!p0 $0x1C01  }
0x48: {  	[timem:s3], [sflag:s2] =	dma.local @!p0 [hbm:s0], s1  }
0x49: {  	s0 =	simm.s32 @!p0 $0x1  }
0x4a: {  	_ =	swait.ge @!p0 [sflag:s0], s1  }
0x4b: {  	s1 =	ssub.s32 @!p0 $0x0, s1;
	[sflag:s0] =	ssyncset.done @!p0 $0x0  }
0x4c: {  	[sflag:s0] =	ssyncadd.s32 @!p0 s1  }
0x4d: {  	[bflag:$0x3] =	sbarrier.arrive $0xFFFF  }
0x4e: {  	_ =	shalt  }

// kernel: kernel.4.cloned.1.call-start
scs
__scs_entry_jumppad:
0x0: {  	(pc) =	sbr.rel $0x88, $3  }
0x1: {  	(tag) =	ssettag $0x0;
	lr =	simm.s32 $0x1  }
0x2: {  	[smem:$0x3F95] =	sst lr;
	_ =	strace $0xD0000000  }
0x3: {  	_ = 	snop  }
0x4: {  	_ = 	snop  }
0x5: {  	_ = 	snop  }
0x6: {  	_ = 	snop  }
0x7: {  	_ = 	snop  }
__scs_overlays_trampoline_lowered:
0x8: {  	[smem:$0x3FA4] =	sst s0  }
0x9: {  	[smem:$0x3FA5] =	sst s1  }
0xa: {  	[smem:$0x3FA6] =	sst s2  }
0xb: {  	[smem:$0x3FA7] =	sst s3  }
0xc: {  	[smem:$0x3FA8] =	sst s4  }
0xd: {  	[smem:$0x3FA9] =	sst s5  }
0xe: {  	[smem:$0x3FAA] =	sst s6  }
0xf: {  	[smem:$0x3FAB] =	sst s7  }
0x10: {  	[smem:$0x3FAC] =	sst s8  }
0x11: {  	[smem:$0x3FAD] =	sst s9;
	s0 =	simm.s32 @!p0 $0x0  }
0x12: {  	s1 =	sld [smem:$0x3F93];
	s0 =	simm.s32 @p0 $0x1  }
0x13: {  	[smem:$0x3FAE] =	sst s0;
	s0 =	simm.s32 @!p1 $0x0  }
0x14: {  	s2 =	sld [smem:$0x3F92];
	s0 =	simm.s32 @p1 $0x1  }
0x15: {  	[smem:$0x3FAF] =	sst s0;
	s0 =	simm.s32 @!p2 $0x0  }
0x16: {  	s3 =	sld [smem:$0x3FDB];
	s0 =	simm.s32 @p2 $0x1  }
0x17: {  	s4 =	simm.s32 $0x1BF5;
	[smem:$0x3FB1] =	sst s0  }
0x18: {  	s0 =	sld [smem:$0x3F94];
	_ =	swait.ge [sflag:s4], $0x0  }
0x19: {  	s7 =	sld [smem:$0x3F95]  }
0x1a: {  	s8 =	sadd.s32 $0xFFFFE003, lr  }
0x1b: {  	s9 =	sadd.s32 $0xFFFFFEF7, lr;
	s5 =	simm.s32 $0xFFFFFFFF;
	p2 =	slt.u32 s8, $0xFFFFF086  }
0x1c: {  	p1 =	slt.u32 s9, $0xF7A;
	s5 =	simm.s32 @!p2 $0x0  }
0x1d: {  	s5 =	simm.s32 @p1 $0x1;
	p0 =	seq.s32 s7, s2  }
0x1e: {  	s7 =	smul.u32 @!p0 $0xF7A, s2;
	p2 =	seq.s32 @!p0 s5, $0x0  }
0x1f: {  	s9 =	smul.u32 $0xF7A, s1;
	s8 =	simm.s32 @!p0 $0x1BF5;
	p2 =	por !p2, p0  }
0x20: {  	[sflag:s8] =	ssyncset.s32 @!p0 $0xFFFFF086;
	s6 =	sadd.s32 @!p0 s3, s7;
	s7 =	simm.s32 @!p0 $0x108  }
0x21: {  	s3 =	sadd.s32 s3, s9;
	s6 =	sadd.s32 @!p0 $0x88, s6;
	s7 =	simm.s32 @p2 $0x1082  }
0x22: {  	[simem:s7], [sflag:s8] =	dma.local @!p0 [hbm:s6], $0xF7A  }
0x23: {  	s9 =	sor.u32 $0xD0000000, s2;
	s6 =	simm.s32 $0x108;
	_ =	swait.ge @!p0 [sflag:s8], $0x0  }
0x24: {  	s3 =	sadd.s32 $0x88, s3;
	s6 =	simm.s32 @!p1 $0x1082;
	[sflag:s4] =	ssyncset.s32 $0xFFFFF086  }
0x25: {  	[simem:s6], [sflag:s4] =	dma.local [hbm:s3], $0xF7A  }
0x26: {  	[smem:$0x3F95] =	sst s1;
	(tag) =	ssettag s2;
	_ =	strace s9  }
0x27: {  	s1 =	sld [smem:$0x3FA5]  }
0x28: {  	s2 =	sld [smem:$0x3FA6]  }
0x29: {  	s4 =	sld [smem:$0x3FA8]  }
0x2a: {  	p0 =	seq.s32 s5, $0x0;
	s5 =	sld [smem:$0x3FA9]  }
0x2b: {  	s6 =	sld [smem:$0x3FAA]  }
0x2c: {  	s7 =	sld [smem:$0x3FAB]  }
0x2d: {  	s3 =	simm.s32 $0x108;
	s8 =	sld [smem:$0x3FAC]  }
0x2e: {  	s3 =	simm.s32 @!p0 $0x1082;
	s9 =	sld [smem:$0x3FAD]  }
0x2f: {  	lr =	sadd.s32 s0, s3;
	s0 =	sld [smem:$0x3FA4]  }
0x30: {  	s3 =	sld [smem:$0x3FA7]  }
0x31: {  	[smem:$0x3FB0] =	sst s10  }
0x32: {  	s10 =	sld [smem:$0x3FAE];
	_ =	sdelay $0x3  }
0x33: {  	p0 =	seq.s32 s10, $0x1;
	s10 =	sld [smem:$0x3FB0];
	_ =	sdelay $0x3  }
0x34: {  	[smem:$0x3FB0] =	sst s10  }
0x35: {  	s10 =	sld [smem:$0x3FAF];
	_ =	sdelay $0x3  }
0x36: {  	p1 =	seq.s32 s10, $0x1;
	s10 =	sld [smem:$0x3FB0];
	_ =	sdelay $0x3  }
0x37: {  	[smem:$0x3FB0] =	sst s10  }
0x38: {  	s10 =	sld [smem:$0x3FB1]  }
0x39: {  	_ = 	snop;
	(pc) =	sbr.ind lr, $3  }
0x3a: {  	_ = 	snop  }
0x3b: {  	_ = 	snop  }
0x3c: {  	p2 =	seq.s32 s10, $0x1;
	s10 =	sld [smem:$0x3FB0]  }
0x3d: {  	_ =	shalt  }
0x3e: {  	_ =	shalt  }
0x3f: {  	_ =	shalt  }
0x40: {  	_ =	shalt  }
0x41: {  	_ =	shalt  }
0x42: {  	_ =	shalt  }
0x43: {  	_ =	shalt  }
0x44: {  	_ =	shalt  }
0x45: {  	_ =	shalt  }
0x46: {  	_ =	shalt  }
0x47: {  	_ =	shalt  }
0x48: {  	_ =	shalt  }
0x49: {  	_ =	shalt  }
0x4a: {  	_ =	shalt  }
0x4b: {  	_ =	shalt  }
0x4c: {  	_ =	shalt  }
0x4d: {  	_ =	shalt  }
0x4e: {  	_ =	shalt  }
0x4f: {  	_ =	shalt  }
0x50: {  	_ =	shalt  }
0x51: {  	_ =	shalt  }
0x52: {  	_ =	shalt  }
0x53: {  	_ =	shalt  }
0x54: {  	_ =	shalt  }
0x55: {  	_ =	shalt  }
0x56: {  	_ =	shalt  }
0x57: {  	_ =	shalt  }
0x58: {  	_ =	shalt  }
0x59: {  	_ =	shalt  }
0x5a: {  	_ =	shalt  }
0x5b: {  	_ =	shalt  }
0x5c: {  	_ =	shalt  }
0x5d: {  	_ =	shalt  }
0x5e: {  	_ =	shalt  }
0x5f: {  	_ =	shalt  }
0x60: {  	_ =	shalt  }
0x61: {  	_ =	shalt  }
0x62: {  	_ =	shalt  }
0x63: {  	_ =	shalt  }
0x64: {  	_ =	shalt  }
0x65: {  	_ =	shalt  }
0x66: {  	_ =	shalt  }
0x67: {  	_ =	shalt  }
0x68: {  	_ =	shalt  }
0x69: {  	_ =	shalt  }
0x6a: {  	_ =	shalt  }
0x6b: {  	_ =	shalt  }
0x6c: {  	_ =	shalt  }
0x6d: {  	_ =	shalt  }
0x6e: {  	_ =	shalt  }
0x6f: {  	_ =	shalt  }
0x70: {  	_ =	shalt  }
0x71: {  	_ =	shalt  }
0x72: {  	_ =	shalt  }
0x73: {  	_ =	shalt  }
0x74: {  	_ =	shalt  }
0x75: {  	_ =	shalt  }
0x76: {  	_ =	shalt  }
0x77: {  	_ =	shalt  }
0x78: {  	_ =	shalt  }
0x79: {  	_ =	shalt  }
0x7a: {  	_ =	shalt  }
0x7b: {  	_ =	shalt  }
0x7c: {  	_ =	shalt  }
0x7d: {  	_ =	shalt  }
0x7e: {  	_ =	shalt  }
0x7f: {  	_ =	shalt  }
0x80: {  	_ =	shalt  }
0x81: {  	_ =	shalt  }
0x82: {  	_ =	shalt  }
0x83: {  	_ =	shalt  }
0x84: {  	_ =	shalt  }
0x85: {  	_ =	shalt  }
0x86: {  	_ =	shalt  }
0x87: {  	_ =	shalt  }
.Lfunc_end0:
.L_simem_size_0:
called_computation.2_lowered:
.L_overlay_start_0:
0x88: {  	s2 =	sld [smem:$0x3FD9]  }
0x89: {  	s3 =	sld [smem:$0x3FFE];
	_ =	sdelay $0x1  }
0x8a: {  	s1 =	srdreg.scid  }
0x8b: {  	s0 =	sand.u32 $0x1, s1  }
0x8c: {  	s17 =	sshll.u32 s0, $0xA;
	s2 =	sadd.s32 s3, s2  }
0x8d: {  	s2 =	sadd.s32 s2, s17  }
0x8e: {  	[smem:$0x3FBC] =	sst s2  }
0x8f: {  	_ = 	snop  }
0x90: {  	s18 =	sld [smem:$0x3FC8];
	(tm) =	ssettm $0x1  }
0x91: {  	s19 =	sld [smem:$0x3FFB];
	_ =	sdelay $0x3  }
0x92: {  	_ =	strace s19  }
0x93: {  	s2 =	sld [smem:$0x3FFC];
	_ =	sdelay $0x3  }
0x94: {  	_ =	strace s2  }
0x95: {  	s2 =	sld [smem:$0x3FFD];
	_ =	sdelay $0x3  }
0x96: {  	_ =	strace s2  }
0x97: {  	_ =	strace $0x8FFFFFFF  }
0x98: {  	s20 =	sld [smem:$0x3FDB];
	_ =	sdelay $0x1  }
0x99: {  	s4 =	simm.s32 $_scs_section_size  }
0x9a: {  	s5 =	simm.s32 $_size__tile_overlayer_lowered;
	s6 =	simm.s32 $_tile_overlayer_lowered  }
0x9b: {  	s7 =	simm.s32 $0x1BFF;
	s21 =	sshll.u32 s6, $0x1;
	s4 =	sadd.s32 s4, s20  }
0x9c: {  	s22 =	simm.s32 $0x0;
	s5 =	sshll.u32 s5, $0x1;
	s6 =	sadd.s32 s21, s4  }
0x9d: {  	[timem:s22], [sflag:s7] =	dma.local [hbm:s6], s5  }
0x9e: {  	_ =	swait.ge [sflag:s7], s5  }
0x9f: {  	s5 =	ssub.s32 $0x0, s5;
	[sflag:s7] =	ssyncset.done $0x0  }
0xa0: {  	[sflag:s7] =	ssyncadd.s32 s5;
	_ =	sdelay $0x1  }
0xa1: {  	s23 =	simm.s32 $0x1B8B  }
0xa2: {  	_ =	swait.ge [sflag:s23], $0x1  }
0xa3: {  	[sflag:s23] =	ssyncset.done $0x0  }
0xa4: {  	[sflag:s23] =	ssyncadd.s32 $0xFFFFFFFF  }
0xa5: {  	s5 =	sld [smem:$0x0]  }
0xa6: {  	s6 =	sand.u32 $0xFFFFFFFE, s1  }
0xa7: {  	p0 =	sne.s32 s1, s6  }
0xa8: {  	s6 =	sshll.u32 @p0 s6, $0xE  }
0xa9: {  	s6 =	sadd.s32 @p0 $0x11B8D, s6;
	s7 =	sshll.u32 @p0 s5, $0x11  }
0xaa: {  	s6 =	sor.u32 @p0 s7, s6  }
0xab: {  	[sflag:s6] =	ssyncadd.remote.s32 @p0 $0x1;
	_ =	sdelay $0x1  }
0xac: {  	s6 =	simm.s32 @p0 $0x1B8D  }
0xad: {  	_ =	swait.eq @p0 [sflag:s6], $0x1  }
0xae: {  	[sflag:s6] =	ssyncadd.s32 @p0 $0xFFFFFFFF  }
0xaf: {  	s7 =	sshll.u32 @!p0 s1, $0xE  }
0xb0: {  	s7 =	sor.u32 @!p0 $0x4000, s7;
	s6 =	simm.s32 @!p0 $0x1B8D  }
0xb1: {  	s5 =	sshll.u32 @!p0 s5, $0x11;
	s7 =	sadd.s32 @!p0 $0x11B8D, s7;
	_ =	swait.eq @!p0 [sflag:s6], $0x1  }
0xb2: {  	s5 =	sor.u32 @!p0 s5, s7;
	[sflag:s6] =	ssyncadd.s32 @!p0 $0xFFFFFFFF  }
0xb3: {  	s25 =	simm.s32 $0x1B8E;
	s24 =	sld [smem:$0x3FFE];
	[sflag:s5] =	ssyncadd.remote.s32 @!p0 $0x1  }
0xb4: {  	s26 =	simm.s32 $execute0_lowered;
	[smem:$0x3FD2] =	sst s25  }
0xb5: {  	s6 =	sshll.u32 s26, $0x1;
	_ =	strace $0x8000004C;
	[dreg:$0x1] =	wrdreg $0xFFFFFFFF  }
0xb6: {  	s28 =	simm.s32 $_size_execute0_lowered;
	s4 =	sadd.s32 s4, s6;
	[dreg:$0x0] =	wrdreg $0x0  }
0xb7: {  	s6 =	sshll.u32 s28, $0x1;
	[dreg:$0x2] =	wrdreg s4  }
0xb8: {  	[dreg:$0x3] =	wrdreg s6  }
0xb9: {  	[dreg:$0x4] =	wrdreg $0xC0  }
0xba: {  	_ =	task [dreg:s22], $0x5FFFF  }
0xbb: {  	[dreg:$0x1] =	wrdreg $0xFFFFFFFF  }
0xbc: {  	[dreg:$0x0] =	wrdreg $0x60  }
0xbd: {  	[dreg:$0x2] =	wrdreg s18  }
0xbe: {  	[dreg:$0x3] =	wrdreg s24  }
0xbf: {  	[dreg:$0x4] =	wrdreg $0xB  }
0xc0: {  	_ =	task.clear_ibuf [dreg:s22], $0x5FFFF;
	_ =	strace $0x9000004C  }
0xc1: {  	s29 =	simm.s32 $0xB;
	_ =	strace $0x8000004E  }
0xc2: {  	_ =	swait.ge [sflag:s29], $0x1  }
0xc3: {  	[sflag:s29] =	ssyncadd.s32 $0xFFFFFFFF  }
0xc4: {  	_ =	strace $0x9000004E  }
0xc5: {  	_ =	sfence  }
0xc6: {  	s30 =	sld [smem:$0x0];
	_ =	sdelay $0x2  }
0xc7: {  	s31 =	sshll.u32 s1, $0xD;
	s1 =	sshrl.u32 s1, $0x2  }
0xc8: {  	s4 =	sand.u32 $0x4000, s31;
	s1 =	sadd.s32 s1, s30  }
0xc9: {  	s0 =	sor.u32 s4, s0;
	s1 =	sshll.u32 s1, $0x11  }
0xca: {  	s0 =	sor.u32 s1, s0  }
0xcb: {  	s0 =	sadd.s32 $0x8F2B, s0  }
0xcc: {  	[sflag:s0] =	ssyncadd.remote.s32 $0x1  }
0xcd: {  	_ =	sfence.sel $0xFFFF  }
0xce: {  	[dreg:$0x0] =	wrdreg $0xFFFFFFFF;
	(pc) =	sbr.abs _section_cstart, $3  }
0xcf: {  	[dreg:$0x1] =	wrdreg $0xFFFFFFFF  }
0xd0: {  	_ =	task.clear_ibuf [dreg:s22], $0x2FFFF;
	_ =	strace $0x9FFFFFFF  }
0xd1: {  	(tm) =	ssettm $0x7FFFFFFF  }
tec
execute0_lowered:
.L_overlay_start_1:
0x0: {  	(tag) =	ssettag $0x1  }
0x1: {  	s1 =	rddreg [dreg:$0x0]  }
0x2: {  	s4 =	rddreg [dreg:$0x1]  }
0x3: {  	s2 =	srdreg.scid;
	s0 =	rddreg [dreg:$0x2];
	s3 =	simm.s32 $0x0  }
0x4: {  	s9 =	simm.s32 $0x1;
	s11 =	simm.s32 $0x8000;
	s5 =	sand.u32 $0x1, s2  }
0x5: {  	s12 =	simm.s32 $0x0;
	s2 =	stileid.u32;
	s6 =	sshll.u32 s5, $0x4  }
0x6: {  	[smem:$0x7FF] =	sst s3;
	s5 =	ssub.s32 $0x2, s5;
	s6 =	sor.u32 s2, s6  }
0x7: {  	_ =	strace $0x8000004D;
	s8 =	sshrl.u32 s5, $0x1;
	s7 =	sshll.u32 s6, $0xC  }
0x8: {  	s8 =	ssub.s32 s5, s8;
	s10 =	sshll.u32 s6, $0x5;
	s7 =	sadd.s32 s7, s4  }
0x9: {  	s4 =	sadd.s32 $0x10, s1;
	s6 =	smax.u32 s8, $0x1;
	s8 =	simm.s32 $0x100  }
0xa: {  	v1 =	vimm.f32 $0.0e+00;
	v2 =	vimm.f32 $1.000000000e+00;
	v0 =	vmov s10;
	s10 =	simm.s32 $0x4000;
	s5 =	sadd.s32 $0x2000, s7;
	s7 =	simm.s32 $0x80  }
.LBB2_1:
0xb: {  	s13 =	simm.s32 $0x40;
	s14 =	simm.s32 $0x0  }
.LBB2_2:
0xc: {  	p0 =	sne.s32 s13, $0x1FFC0;
	[tilespmem:s14+$0x8000] =	vst v1;
	s14 =	smov.u32 s13;
	s13 =	sadd.s32 $0x40, s13  }
.Ltmp0:
0xd: {  	(pc) =	sbr.rel @p0 .LBB2_2-.Ltmp0, $2  }
0xe: {  	_ =	sdelay $0x2  }
0xf: {  	s14 =	sshra.s32 s14, $0x2  }
0x10: {  	[tilespmem:s14+$0x8000] =	vst v1;
	s13 =	simm.s32 $0x0  }
0x11: {  	[tilespmem:s13], [sflag:$0x1] =	stream.strided.gather [hbm4b:s1+s7], $0x4000, s8, s7, $0x38;
	[tilespmem:$0x10000] =	vst v63  }
0x12: {  	_ =	swait.ge [sflag:s9], $0x4000  }
0x13: {  	[sflag:s9] =	ssyncset.done $0x0  }
0x14: {  	[sflag:s9] =	ssyncadd.s32 $0xFFFFC000  }
0x15: {  	[tilespmem:s10], [sflag:$0x1] =	stream.strided.gather [hbm4b:s4+s7], $0x4000, s8, s7, $0x38;
	[tilespmem:$0x10000] =	vst v63  }
0x16: {  	_ =	swait.ge [sflag:s9], $0x4000  }
0x17: {  	[sflag:s9] =	ssyncset.done $0x0  }
0x18: {  	s14 =	simm.s32 $0x0;
	s13 =	simm.s32 $0x40;
	[sflag:s9] =	ssyncadd.s32 $0xFFFFC000  }
.LBB2_4:
0x19: {  	p0 =	sne.s32 s13, $0xFFC0;
	v3 =	vld [tilespmem:s14+$0x4000];
	_ =	sdelay $0x1  }
0x1a: {  	v4 =	vld [tilespmem:s14+$0x0];
	_ =	sdelay $0x2  }
0x1b: {  	v3 =	vsub.s32 v3, v0  }
0x1c: {  	v5 =	vshll.u32 v3, $0xA  }
0x1d: {  	vm0 =	vlt.u32 v3, $0x20;
	v3 =	vadd.s32 v4, v5  }
0x1e: {  	v3 =	vnsel vm0, $0x0, v3  }
.Ltmp1:
0x1f: {  	(pc) =	sbr.rel @p0 .LBB2_4-.Ltmp1, $2  }
0x20: {  	_ =	sdelay $0x2  }
0x21: {  	s14 =	sshra.s32 s13, $0x2;
	s13 =	sadd.s32 $0x40, s13;
	[tilespmem:v3+s11+$0x0] =	vst.idx.add.f32.msk vm0, v2  }
0x22: {  	v3 =	vld [tilespmem:s14+$0x4000];
	_ =	sdelay $0x1  }
0x23: {  	v4 =	vld [tilespmem:s14+$0x0];
	_ =	sdelay $0x2  }
0x24: {  	v3 =	vsub.s32 v3, v0  }
0x25: {  	v5 =	vshll.u32 v3, $0xA  }
0x26: {  	vm0 =	vlt.u32 v3, $0x20;
	v3 =	vadd.s32 v4, v5  }
0x27: {  	v3 =	vnsel vm0, $0x0, v3;
	_ =	sdelay $0x2  }
0x28: {  	s12 =	sadd.s32 $0x1, s12  }
0x29: {  	p0 =	sne.s32 s12, s6  }
.Ltmp2:
0x2a: {  	[tilespmem:v3+s11+$0x0] =	vst.idx.add.f32.msk vm0, v2;
	(pc) =	sbr.rel @p0 .LBB2_1-.Ltmp2, $4  }
0x2b: {  	[hbm4b:s5+s3] =	stream.linear.scatter [tilespmem:s11], [sflag:$0x1], $0x8000, $0x38;
	[tilespmem:$0x10000] =	vst v63  }
0x2c: {  	_ =	swait.ge [sflag:s9], $0x8000  }
0x2d: {  	[sflag:s9] =	ssyncset.done $0x0  }
0x2e: {  	[sflag:s9] =	ssyncadd.s32 $0xFFFF8000  }
0x2f: {  	_ =	sfence.sel $0x180000  }
0x30: {  	[bflag:$0x0] =	sbarrier.arrive $0xFFFF  }
0x31: {  	p0 =	sne.s32 s2, $0x0;
	_ =	strace $0x9000004D  }
0x32: {  	s0 =	sadd.s32 @!p0 $0x100000, s0;
	[bflag:$0x2] =	sbarrier.arrive $0xFFFF  }
0x33: {  	[sflag:s0] =	ssyncadd.tile.s32 @!p0 $0x1;
	_ =	shalt  }
.Lfunc_end2:
_tile_overlayer_lowered:
.L_overlay_start_2:
0x34: {  	(tag) =	ssettag $0x2  }
0x35: {  	s0 =	rddreg [dreg:$0x0];
	s2 =	stileid.u32  }
0x36: {  	s1 =	rddreg [dreg:$0x1];
	p0 =	sne.s32 s2, $0x0  }
0x37: {  	s3 =	rddreg [dreg:$0x2];
	[bflag:$0x3] =	sbarrier.arrive $0xFFFF;
	s2 =	simm.s32 @!p0 $0x1C01  }
0x38: {  	[timem:s3], [sflag:s2] =	dma.local @!p0 [hbm:s0], s1  }
0x39: {  	s0 =	simm.s32 @!p0 $0x1  }
0x3a: {  	_ =	swait.ge @!p0 [sflag:s0], s1  }
0x3b: {  	s1 =	ssub.s32 @!p0 $0x0, s1;
	[sflag:s0] =	ssyncset.done @!p0 $0x0  }
0x3c: {  	[sflag:s0] =	ssyncadd.s32 @!p0 s1  }
0x3d: {  	[bflag:$0x3] =	sbarrier.arrive $0xFFFF  }
0x3e: {  	_ =	shalt  }

</sc_bundles>
